<compile_context>
chip_gen: v7x
topology: tpu7x:2x2x1
jax: 0.10.2.dev20260603
libtpu: 0.0.44.dev20260713+nightly
codegen_flags: <defaults>
</compile_context>

<pallas_src>
import functools

import jax
import jax.numpy as jnp
from jax import lax
from jax.experimental import pallas as pl
from jax.experimental.pallas import tpu as pltpu
from jax.experimental.pallas import tpu_sc as plsc

BATCH = 16384
NF = 100
NBND = 99
BPAD = 112
NROWS = NF * 101
EMB = 128

NC, NS, L = 2, 16, 16
NW = NC * NS
SPAN = BATCH // NW
BSUB = 16
MID = SPAN // BSUB
ESUB = BSUB * NF
NVEC = ESUB // L
G = 32
NG = ESUB // G
NBUF = 5
NRND = NG // NBUF
SL = NVEC // NRND


def _sc_body(xf, bnd, tbl, out, x_v, b_v, idx0, idx1, rows, tbl_sh, gsems, wsems):
    wid = lax.axis_index("s") * NC + lax.axis_index("c")
    e0w = wid * (SPAN * NF)

    @pl.when(lax.axis_index("s") == 0)
    def _():
        pltpu.sync_copy(tbl, tbl_sh)

    pltpu.sync_copy(bnd, b_v)
    plsc.subcore_barrier()

    iota = lax.iota(jnp.int32, L)

    def compute(v, x_v, idx_v):
        base = v * L
        xv = x_v[pl.ds(base, L)]
        f = lax.rem(base + iota, NF)
        fb = f * BPAD
        lo = jnp.zeros((L,), jnp.int32)
        for p in (64, 32, 16, 8, 4, 2, 1):
            cand = lo + p
            probe = plsc.load_gather(b_v, [fb + cand - 1])
            lo = jnp.where(probe < xv, cand, lo)
        idx_v[v // (G // L), pl.ds(lax.rem(v, G // L) * L, L)] = f * 101 + lo

    pltpu.sync_copy(xf.at[pl.ds(e0w, ESUB)], x_v)

    def compute0(v):
        compute(v, x_v, idx0)

    plsc.parallel_loop(0, NVEC, unroll=4)(compute0)

    def one_mid(m, idxa, idxb):
        e0 = e0w + m * ESUB

        for b in range(NBUF):
            pltpu.async_copy(tbl_sh.at[idxa.at[b]], rows.at[b], gsems.at[b])

        @pl.when(m < MID - 1)
        def _():
            pltpu.sync_copy(xf.at[pl.ds(e0 + ESUB, ESUB)], x_v)

        def move(jj, carry):
            j0 = jj * NBUF
            for b in range(NBUF):
                pltpu.make_async_copy(
                    tbl_sh.at[idxa.at[j0 + b]], rows.at[b], gsems.at[b]
                ).wait()
                pltpu.async_copy(
                    rows.at[b], out.at[pl.ds(e0 + (j0 + b) * G, G)], wsems.at[b]
                )
            for b in range(NBUF):
                pltpu.make_async_copy(
                    rows.at[b], out.at[pl.ds(e0 + (j0 + b) * G, G)], wsems.at[b]
                ).wait()

                @pl.when(jj < NRND - 1)
                def _(b=b):
                    pltpu.async_copy(
                        tbl_sh.at[idxa.at[j0 + NBUF + b]], rows.at[b], gsems.at[b]
                    )

            @pl.when(m < MID - 1)
            def _():
                def compute_n(v):
                    compute(v, x_v, idxb)

                plsc.parallel_loop(jj * SL, (jj + 1) * SL, unroll=2)(compute_n)

            return carry

        lax.fori_loop(0, NRND, move, 0)

    def mid_pair(mm, carry_m):
        one_mid(2 * mm, idx0, idx1)
        one_mid(2 * mm + 1, idx1, idx0)
        return carry_m

    lax.fori_loop(0, MID // 2, mid_pair, 0)


def kernel(x, boundaries, tables):
    xf = x.reshape(BATCH * NF)
    bnd = jnp.concatenate(
        [boundaries, jnp.full((NF, BPAD - NBND), jnp.inf, jnp.float32)], axis=1
    ).reshape(NF * BPAD)
    tbl = tables.reshape(NROWS, EMB)

    mesh = plsc.VectorSubcoreMesh(core_axis_name="c", subcore_axis_name="s")
    run = functools.partial(
        pl.kernel,
        mesh=mesh,
        out_type=jax.ShapeDtypeStruct((BATCH * NF, EMB), jnp.float32),
        scratch_types=[
            pltpu.VMEM((ESUB,), jnp.float32),
            pltpu.VMEM((NF * BPAD,), jnp.float32),
            pltpu.VMEM((NG, G), jnp.int32),
            pltpu.VMEM((NG, G), jnp.int32),
            pltpu.VMEM((NBUF, G, EMB), jnp.float32),
            pltpu.VMEM_SHARED((NROWS, EMB), jnp.float32),
            pltpu.SemaphoreType.DMA((NBUF,)),
            pltpu.SemaphoreType.DMA((NBUF,)),
        ],
        compiler_params=pltpu.CompilerParams(needs_layout_passes=False),
    )(_sc_body)
    out = run(xf, bnd, tbl)
    return out.reshape(BATCH, NF * EMB)

# --- scband reference (transcript-rebuilt; emitter-appended) ---
"""Pipeline reference for scband-bucket-encoder-24979529793637 (READ-ONLY COPY).

The authoritative reference and input builder live on the scoring server;
editing this copy changes nothing except your own understanding.
"""

import jax, jax.numpy as jnp
import numpy as np

BATCH = 16384
N_CONT = 100
N_BUCKETS = 100
EMB = 128


def setup_inputs(seed: int = 0) -> dict:
    key = jax.random.key(seed)
    k1, k2, k3 = jax.random.split(key, 3)
    x = jax.random.normal(k1, (BATCH, N_CONT), dtype=jnp.float32)
    # boundaries buffer: [n_continuous, n_buckets-1]; sorted per feature (as after fit())
    boundaries = jnp.sort(jax.random.normal(k2, (N_CONT, N_BUCKETS - 1), dtype=jnp.float32), axis=1)
    # stacked embedding tables: [n_continuous, n_buckets+1, embedding_dim]
    tables = jax.random.normal(k3, (N_CONT, N_BUCKETS + 1, EMB), dtype=jnp.float32)
    return {"x": x, "boundaries": boundaries, "tables": tables}


def reference(x, boundaries, tables):
    # torch.bucketize(v, b, right=False)  ==  searchsorted(b, v, side='left')
    # bucket_ids: [n_continuous, batch]
    bucket_ids = jax.vmap(lambda b, col: jnp.searchsorted(b, col, side='left'))(boundaries, x.T)
    # per-feature embedding lookup: [n_continuous, batch, emb]
    embs = jax.vmap(lambda table, ids: jnp.take(table, ids, axis=0))(tables, bucket_ids)
    # concat along last dim == transpose to [batch, n_continuous, emb] then flatten
    out = jnp.transpose(embs, (1, 0, 2)).reshape(x.shape[0], N_CONT * EMB)
    return out

if __name__ == "__main__":
    import jax
    _d = setup_inputs()
    print(jax.jit(kernel)(*tuple(_d.values())))

</pallas_src>

<mosaic_0001>
#map = affine_map<(d0, d1) -> (0)>
#map1 = affine_map<(d0, d1) -> (0, 0)>
module attributes {stable_mosaic.version = 14 : i64} {
  func.func @_sc_body(%arg0: i32, %arg1: i32, %arg2: memref<1638400xf32, #tpu.memory_space<hbm>>, %arg3: memref<11200xf32, #tpu.memory_space<hbm>>, %arg4: memref<10100x128xf32, #tpu.memory_space<hbm>>, %arg5: memref<1638400x128xf32, #tpu.memory_space<hbm>>, %arg6: memref<1600xf32, #tpu.memory_space<vmem>>, %arg7: memref<11200xf32, #tpu.memory_space<vmem>>, %arg8: memref<50x32xi32, #tpu.memory_space<vmem>>, %arg9: memref<50x32xi32, #tpu.memory_space<vmem>>, %arg10: memref<5x32x128xf32, #tpu.memory_space<vmem>>, %arg11: memref<10100x128xf32, #tpu.memory_space<vmem_shared>>, %arg12: memref<5x!tpu.dma_semaphore, #tpu.memory_space<semaphore_mem>>, %arg13: memref<5x!tpu.dma_semaphore, #tpu.memory_space<semaphore_mem>>) attributes {dimension_semantics = [#tpu.dimension_semantics<core_parallel>, #tpu.dimension_semantics<subcore_parallel>], iteration_bounds = array<i64: 2, 16>, scalar_prefetch = 0 : i64, scratch_operands = 8 : i64, tpu.core_type = #tpu.core_type<sc_vector_subcore>, window_params = [{transform_indices = #map}, {transform_indices = #map}, {transform_indices = #map1}, {transform_indices = #map1}]} {
    %mul3A = arith.constant 2 : i32
    %mul3A_0 = arith.muli %arg1, %mul3A : i32
    %add3A = arith.addi %mul3A_0, %arg0 : i32
    %mul3A_1 = arith.constant 51200 : i32
    %mul3A_2 = arith.muli %add3A, %mul3A_1 : i32
    %eq3A = arith.constant 0 : i32
    %eq3A_3 = arith.cmpi eq, %arg1, %eq3A : i32
    %convert_element_type3A = arith.extui %eq3A_3 : i1 to i32
    %cond3A = arith.constant 0 : i32
    %cond3A_4 = arith.cmpi ne, %convert_element_type3A, %cond3A : i32
    scf.if %cond3A_4 {
      "tpu.region"() ({
        %run_scoped3A = tpu.sem_alloc : memref<!tpu.dma_semaphore, #tpu.memory_space<semaphore_mem>>
        tpu.enqueue_dma source(%arg4 : memref<10100x128xf32, #tpu.memory_space<hbm>>) target(%arg11 : memref<10100x128xf32, #tpu.memory_space<vmem_shared>>) target_semaphore(%run_scoped3A : memref<!tpu.dma_semaphore, #tpu.memory_space<semaphore_mem>>)
        tpu.wait_dma2 semaphore(%run_scoped3A : memref<!tpu.dma_semaphore, #tpu.memory_space<semaphore_mem>>) src(%arg4 : memref<10100x128xf32, #tpu.memory_space<hbm>>) dst(%arg11 : memref<10100x128xf32, #tpu.memory_space<vmem_shared>>)
        tpu.yield
      }) : () -> ()
    } else {
    }
    "tpu.region"() ({
      %run_scoped3A = tpu.sem_alloc : memref<!tpu.dma_semaphore, #tpu.memory_space<semaphore_mem>>
      tpu.enqueue_dma source(%arg3 : memref<11200xf32, #tpu.memory_space<hbm>>) target(%arg7 : memref<11200xf32, #tpu.memory_space<vmem>>) target_semaphore(%run_scoped3A : memref<!tpu.dma_semaphore, #tpu.memory_space<semaphore_mem>>)
      tpu.wait_dma2 semaphore(%run_scoped3A : memref<!tpu.dma_semaphore, #tpu.memory_space<semaphore_mem>>) src(%arg3 : memref<11200xf32, #tpu.memory_space<hbm>>) dst(%arg7 : memref<11200xf32, #tpu.memory_space<vmem>>)
      tpu.yield
    }) : () -> ()
    %barrier3A = arith.constant 0 : index
    tpu.barrier barrier_id(%barrier3A)
    %iota3A = tpu.iota {dimensions = array<i32: 0>} : vector<16xi32>
    "tpu.region"() ({
      %run_scoped3A = tpu.sem_alloc : memref<!tpu.dma_semaphore, #tpu.memory_space<semaphore_mem>>
      %dma_start3A = tpu.memref_slice %arg2[%mul3A_2] : memref<1638400xf32, #tpu.memory_space<hbm>> -> memref<1600xf32, #tpu.memory_space<hbm>>
      %dma_start3A_12 = tpu.memref_slice %arg2[%mul3A_2] : memref<1638400xf32, #tpu.memory_space<hbm>> -> memref<1600xf32, #tpu.memory_space<hbm>>
      tpu.enqueue_dma source(%dma_start3A_12 : memref<1600xf32, #tpu.memory_space<hbm>>) target(%arg6 : memref<1600xf32, #tpu.memory_space<vmem>>) target_semaphore(%run_scoped3A : memref<!tpu.dma_semaphore, #tpu.memory_space<semaphore_mem>>)
      %dma_wait3A = tpu.memref_slice %arg2[%mul3A_2] : memref<1638400xf32, #tpu.memory_space<hbm>> -> memref<1600xf32, #tpu.memory_space<hbm>>
      %dma_wait3A_13 = tpu.memref_slice %arg2[%mul3A_2] : memref<1638400xf32, #tpu.memory_space<hbm>> -> memref<1600xf32, #tpu.memory_space<hbm>>
      tpu.wait_dma2 semaphore(%run_scoped3A : memref<!tpu.dma_semaphore, #tpu.memory_space<semaphore_mem>>) src(%dma_wait3A_13 : memref<1600xf32, #tpu.memory_space<hbm>>) dst(%arg6 : memref<1600xf32, #tpu.memory_space<vmem>>)
      tpu.yield
    }) : () -> ()
    %parallel_loop3A = arith.constant 0 : i32
    %parallel_loop3A_5 = arith.constant 100 : i32
    %parallel_loop3A_6 = arith.constant 1 : i32
    scf.for %parallel_loop3A_12 = %parallel_loop3A to %parallel_loop3A_5 step %parallel_loop3A_6  : i32 {
      %parallel_loop3A_13 = arith.constant 16 : i32
      %parallel_loop3A_14 = arith.muli %parallel_loop3A_12, %parallel_loop3A_13 : i32
      %parallel_loop3A_15 = arith.index_cast %parallel_loop3A_14 : i32 to index
      %parallel_loop3A_16 = tpu.vector_load %arg6[%parallel_loop3A_15] {strides = array<i32>} : memref<1600xf32, #tpu.memory_space<vmem>>, vector<16xf32>,
      %parallel_loop3A_17 = vector.broadcast %parallel_loop3A_14 : i32 to vector<16xi32>
      %parallel_loop3A_18 = arith.addi %parallel_loop3A_17, %iota3A : vector<16xi32>
      %parallel_loop3A_19 = arith.constant 100 : i32
      %parallel_loop3A_20 = vector.broadcast %parallel_loop3A_19 : i32 to vector<16xi32>
      %parallel_loop3A_21 = arith.remsi %parallel_loop3A_18, %parallel_loop3A_20 : vector<16xi32>
      %parallel_loop3A_22 = arith.constant 112 : i32
      %parallel_loop3A_23 = vector.broadcast %parallel_loop3A_22 : i32 to vector<16xi32>
      %parallel_loop3A_24 = arith.muli %parallel_loop3A_21, %parallel_loop3A_23 : vector<16xi32>
      %parallel_loop3A_25 = arith.constant 0 : i32
      %parallel_loop3A_26 = vector.broadcast %parallel_loop3A_25 : i32 to vector<16xi32>
      %parallel_loop3A_27 = arith.constant 64 : i32
      %parallel_loop3A_28 = vector.broadcast %parallel_loop3A_27 : i32 to vector<16xi32>
      %parallel_loop3A_29 = arith.addi %parallel_loop3A_26, %parallel_loop3A_28 : vector<16xi32>
      %parallel_loop3A_30 = arith.addi %parallel_loop3A_24, %parallel_loop3A_29 : vector<16xi32>
      %parallel_loop3A_31 = arith.constant 1 : i32
      %parallel_loop3A_32 = vector.broadcast %parallel_loop3A_31 : i32 to vector<16xi32>
      %parallel_loop3A_33 = arith.subi %parallel_loop3A_30, %parallel_loop3A_32 : vector<16xi32>
      %parallel_loop3A_34 = tpu.vector_load_idx %arg7[%parallel_loop3A_33] : memref<11200xf32, #tpu.memory_space<vmem>>[vector<16xi32>], vector<16xf32>,
      %parallel_loop3A_35 = arith.cmpf olt, %parallel_loop3A_34, %parallel_loop3A_16 : vector<16xf32>
      %parallel_loop3A_36 = arith.select %parallel_loop3A_35, %parallel_loop3A_29, %parallel_loop3A_26 : vector<16xi1>, vector<16xi32>
      %parallel_loop3A_37 = arith.constant 32 : i32
      %parallel_loop3A_38 = vector.broadcast %parallel_loop3A_37 : i32 to vector<16xi32>
      %parallel_loop3A_39 = arith.addi %parallel_loop3A_36, %parallel_loop3A_38 : vector<16xi32>
      %parallel_loop3A_40 = arith.addi %parallel_loop3A_24, %parallel_loop3A_39 : vector<16xi32>
      %parallel_loop3A_41 = arith.constant 1 : i32
      %parallel_loop3A_42 = vector.broadcast %parallel_loop3A_41 : i32 to vector<16xi32>
      %parallel_loop3A_43 = arith.subi %parallel_loop3A_40, %parallel_loop3A_42 : vector<16xi32>
      %parallel_loop3A_44 = tpu.vector_load_idx %arg7[%parallel_loop3A_43] : memref<11200xf32, #tpu.memory_space<vmem>>[vector<16xi32>], vector<16xf32>,
      %parallel_loop3A_45 = arith.cmpf olt, %parallel_loop3A_44, %parallel_loop3A_16 : vector<16xf32>
      %parallel_loop3A_46 = arith.select %parallel_loop3A_45, %parallel_loop3A_39, %parallel_loop3A_36 : vector<16xi1>, vector<16xi32>
      %parallel_loop3A_47 = arith.constant 16 : i32
      %parallel_loop3A_48 = vector.broadcast %parallel_loop3A_47 : i32 to vector<16xi32>
      %parallel_loop3A_49 = arith.addi %parallel_loop3A_46, %parallel_loop3A_48 : vector<16xi32>
      %parallel_loop3A_50 = arith.addi %parallel_loop3A_24, %parallel_loop3A_49 : vector<16xi32>
      %parallel_loop3A_51 = arith.constant 1 : i32
      %parallel_loop3A_52 = vector.broadcast %parallel_loop3A_51 : i32 to vector<16xi32>
      %parallel_loop3A_53 = arith.subi %parallel_loop3A_50, %parallel_loop3A_52 : vector<16xi32>
      %parallel_loop3A_54 = tpu.vector_load_idx %arg7[%parallel_loop3A_53] : memref<11200xf32, #tpu.memory_space<vmem>>[vector<16xi32>], vector<16xf32>,
      %parallel_loop3A_55 = arith.cmpf olt, %parallel_loop3A_54, %parallel_loop3A_16 : vector<16xf32>
      %parallel_loop3A_56 = arith.select %parallel_loop3A_55, %parallel_loop3A_49, %parallel_loop3A_46 : vector<16xi1>, vector<16xi32>
      %parallel_loop3A_57 = arith.constant 8 : i32
      %parallel_loop3A_58 = vector.broadcast %parallel_loop3A_57 : i32 to vector<16xi32>
      %parallel_loop3A_59 = arith.addi %parallel_loop3A_56, %parallel_loop3A_58 : vector<16xi32>
      %parallel_loop3A_60 = arith.addi %parallel_loop3A_24, %parallel_loop3A_59 : vector<16xi32>
      %parallel_loop3A_61 = arith.constant 1 : i32
      %parallel_loop3A_62 = vector.broadcast %parallel_loop3A_61 : i32 to vector<16xi32>
      %parallel_loop3A_63 = arith.subi %parallel_loop3A_60, %parallel_loop3A_62 : vector<16xi32>
      %parallel_loop3A_64 = tpu.vector_load_idx %arg7[%parallel_loop3A_63] : memref<11200xf32, #tpu.memory_space<vmem>>[vector<16xi32>], vector<16xf32>,
      %parallel_loop3A_65 = arith.cmpf olt, %parallel_loop3A_64, %parallel_loop3A_16 : vector<16xf32>
      %parallel_loop3A_66 = arith.select %parallel_loop3A_65, %parallel_loop3A_59, %parallel_loop3A_56 : vector<16xi1>, vector<16xi32>
      %parallel_loop3A_67 = arith.constant 4 : i32
      %parallel_loop3A_68 = vector.broadcast %parallel_loop3A_67 : i32 to vector<16xi32>
      %parallel_loop3A_69 = arith.addi %parallel_loop3A_66, %parallel_loop3A_68 : vector<16xi32>
      %parallel_loop3A_70 = arith.addi %parallel_loop3A_24, %parallel_loop3A_69 : vector<16xi32>
      %parallel_loop3A_71 = arith.constant 1 : i32
      %parallel_loop3A_72 = vector.broadcast %parallel_loop3A_71 : i32 to vector<16xi32>
      %parallel_loop3A_73 = arith.subi %parallel_loop3A_70, %parallel_loop3A_72 : vector<16xi32>
      %parallel_loop3A_74 = tpu.vector_load_idx %arg7[%parallel_loop3A_73] : memref<11200xf32, #tpu.memory_space<vmem>>[vector<16xi32>], vector<16xf32>,
      %parallel_loop3A_75 = arith.cmpf olt, %parallel_loop3A_74, %parallel_loop3A_16 : vector<16xf32>
      %parallel_loop3A_76 = arith.select %parallel_loop3A_75, %parallel_loop3A_69, %parallel_loop3A_66 : vector<16xi1>, vector<16xi32>
      %parallel_loop3A_77 = arith.constant 2 : i32
      %parallel_loop3A_78 = vector.broadcast %parallel_loop3A_77 : i32 to vector<16xi32>
      %parallel_loop3A_79 = arith.addi %parallel_loop3A_76, %parallel_loop3A_78 : vector<16xi32>
      %parallel_loop3A_80 = arith.addi %parallel_loop3A_24, %parallel_loop3A_79 : vector<16xi32>
      %parallel_loop3A_81 = arith.constant 1 : i32
      %parallel_loop3A_82 = vector.broadcast %parallel_loop3A_81 : i32 to vector<16xi32>
      %parallel_loop3A_83 = arith.subi %parallel_loop3A_80, %parallel_loop3A_82 : vector<16xi32>
      %parallel_loop3A_84 = tpu.vector_load_idx %arg7[%parallel_loop3A_83] : memref<11200xf32, #tpu.memory_space<vmem>>[vector<16xi32>], vector<16xf32>,
      %parallel_loop3A_85 = arith.cmpf olt, %parallel_loop3A_84, %parallel_loop3A_16 : vector<16xf32>
      %parallel_loop3A_86 = arith.select %parallel_loop3A_85, %parallel_loop3A_79, %parallel_loop3A_76 : vector<16xi1>, vector<16xi32>
      %parallel_loop3A_87 = arith.constant 1 : i32
      %parallel_loop3A_88 = vector.broadcast %parallel_loop3A_87 : i32 to vector<16xi32>
      %parallel_loop3A_89 = arith.addi %parallel_loop3A_86, %parallel_loop3A_88 : vector<16xi32>
      %parallel_loop3A_90 = arith.addi %parallel_loop3A_24, %parallel_loop3A_89 : vector<16xi32>
      %parallel_loop3A_91 = arith.constant 1 : i32
      %parallel_loop3A_92 = vector.broadcast %parallel_loop3A_91 : i32 to vector<16xi32>
      %parallel_loop3A_93 = arith.subi %parallel_loop3A_90, %parallel_loop3A_92 : vector<16xi32>
      %parallel_loop3A_94 = tpu.vector_load_idx %arg7[%parallel_loop3A_93] : memref<11200xf32, #tpu.memory_space<vmem>>[vector<16xi32>], vector<16xf32>,
      %parallel_loop3A_95 = arith.cmpf olt, %parallel_loop3A_94, %parallel_loop3A_16 : vector<16xf32>
      %parallel_loop3A_96 = arith.select %parallel_loop3A_95, %parallel_loop3A_89, %parallel_loop3A_86 : vector<16xi1>, vector<16xi32>
      %parallel_loop3A_97 = arith.constant 101 : i32
      %parallel_loop3A_98 = vector.broadcast %parallel_loop3A_97 : i32 to vector<16xi32>
      %parallel_loop3A_99 = arith.muli %parallel_loop3A_21, %parallel_loop3A_98 : vector<16xi32>
      %parallel_loop3A_100 = arith.addi %parallel_loop3A_99, %parallel_loop3A_96 : vector<16xi32>
      %parallel_loop3A_101 = arith.constant 2 : i32
      %parallel_loop3A_102 = arith.divsi %parallel_loop3A_12, %parallel_loop3A_101 : i32
      %parallel_loop3A_103 = arith.constant 0 : i32
      %parallel_loop3A_104 = arith.cmpi sgt, %parallel_loop3A_12, %parallel_loop3A_103 : i32
      %parallel_loop3A_105 = arith.extui %parallel_loop3A_104 : i1 to i32
      %parallel_loop3A_106 = arith.constant 0 : i32
      %parallel_loop3A_107 = arith.cmpi slt, %parallel_loop3A_12, %parallel_loop3A_106 : i32
      %parallel_loop3A_108 = arith.extui %parallel_loop3A_107 : i1 to i32
      %parallel_loop3A_109 = arith.subi %parallel_loop3A_105, %parallel_loop3A_108 : i32
      %parallel_loop3A_110 = arith.constant 0 : i32
      %parallel_loop3A_111 = arith.cmpi sgt, %parallel_loop3A_101, %parallel_loop3A_110 : i32
      %parallel_loop3A_112 = arith.extui %parallel_loop3A_111 : i1 to i32
      %parallel_loop3A_113 = arith.constant 0 : i32
      %parallel_loop3A_114 = arith.cmpi slt, %parallel_loop3A_101, %parallel_loop3A_113 : i32
      %parallel_loop3A_115 = arith.extui %parallel_loop3A_114 : i1 to i32
      %parallel_loop3A_116 = arith.subi %parallel_loop3A_112, %parallel_loop3A_115 : i32
      %parallel_loop3A_117 = arith.cmpi ne, %parallel_loop3A_109, %parallel_loop3A_116 : i32
      %parallel_loop3A_118 = arith.remsi %parallel_loop3A_12, %parallel_loop3A_101 : i32
      %parallel_loop3A_119 = arith.constant 0 : i32
      %parallel_loop3A_120 = arith.cmpi ne, %parallel_loop3A_118, %parallel_loop3A_119 : i32
      %parallel_loop3A_121 = arith.andi %parallel_loop3A_117, %parallel_loop3A_120 : i1
      %parallel_loop3A_122 = arith.constant 1 : i32
      %parallel_loop3A_123 = arith.subi %parallel_loop3A_102, %parallel_loop3A_122 : i32
      %parallel_loop3A_124 = arith.select %parallel_loop3A_121, %parallel_loop3A_123, %parallel_loop3A_102 : i32
      %parallel_loop3A_125 = arith.constant 2 : i32
      %parallel_loop3A_126 = arith.remsi %parallel_loop3A_12, %parallel_loop3A_125 : i32
      %parallel_loop3A_127 = arith.constant 16 : i32
      %parallel_loop3A_128 = arith.muli %parallel_loop3A_126, %parallel_loop3A_127 : i32
      %parallel_loop3A_129 = arith.index_cast %parallel_loop3A_124 : i32 to index
      %parallel_loop3A_130 = arith.index_cast %parallel_loop3A_128 : i32 to index
      %parallel_loop3A_131 = tpu.vector_load %arg8[%parallel_loop3A_129, %parallel_loop3A_130] {strides = array<i32>} : memref<50x32xi32, #tpu.memory_space<vmem>>, vector<16xi32>,
      tpu.vector_store %arg8[%parallel_loop3A_129, %parallel_loop3A_130], %parallel_loop3A_100 {strides = array<i32>} : memref<50x32xi32, #tpu.memory_space<vmem>>, vector<16xi32>,
    } {sc.loop_unroll_factor = 4 : i64, sc.parallel_access}
    %scan3A = arith.constant 0 : i32
    %scan3A_7 = arith.constant 0 : i32
    %scan3A_8 = arith.constant 16 : i32
    %scan3A_9 = arith.addi %scan3A_7, %scan3A_8 : i32
    %scan3A_10 = arith.constant 1 : i32
    scf.for %scan3A_12 = %scan3A_7 to %scan3A_9 step %scan3A_10  : i32 {
      %mul3A_13 = arith.constant 2 : i32
      %mul3A_14 = arith.muli %mul3A_13, %scan3A_12 : i32
      %mul3A_15 = arith.constant 1600 : i32
      %mul3A_16 = arith.muli %mul3A_14, %mul3A_15 : i32
      %add3A_17 = arith.addi %mul3A_2, %mul3A_16 : i32
      %dma_start3A = arith.constant 0 : i32
      %dma_start3A_18 = arith.constant 0 : i32
      %dma_start3A_19 = arith.constant 0 : i32
      %dma_start3A_20 = arith.constant 0 : i32
      %dma_start3A_21 = arith.constant 0 : i32
      %dma_start3A_22 = tpu.memref_slice %arg10[%dma_start3A_18, %dma_start3A_20, %dma_start3A_21] : memref<5x32x128xf32, #tpu.memory_space<vmem>> -> memref<1x32x128xf32, #tpu.memory_space<vmem>>
      %dma_start3A_23 = tpu.memref_squeeze %dma_start3A_22 : memref<1x32x128xf32, #tpu.memory_space<vmem>> -> memref<32x128xf32, #tpu.memory_space<vmem>>
      %dma_start3A_24 = arith.constant 0 : i32
      %dma_start3A_25 = tpu.memref_slice %arg8[%dma_start3A, %dma_start3A_24] : memref<50x32xi32, #tpu.memory_space<vmem>> -> memref<1x32xi32, #tpu.memory_space<vmem>>
      %dma_start3A_26 = tpu.memref_squeeze %dma_start3A_25 : memref<1x32xi32, #tpu.memory_space<vmem>> -> memref<32xi32, #tpu.memory_space<vmem>>
      %dma_start3A_27 = arith.constant 0 : i32
      %dma_start3A_28 = arith.constant 0 : i32
      %dma_start3A_29 = tpu.memref_slice %arg11[%dma_start3A_27, %dma_start3A_28] : memref<10100x128xf32, #tpu.memory_space<vmem_shared>> -> memref<10100x128xf32, #tpu.memory_space<vmem_shared>>
      %dma_start3A_30 = tpu.memref_slice %arg12[%dma_start3A_19] : memref<5x!tpu.dma_semaphore, #tpu.memory_space<semaphore_mem>> -> memref<1x!tpu.dma_semaphore, #tpu.memory_space<semaphore_mem>>
      %dma_start3A_31 = tpu.memref_squeeze %dma_start3A_30 : memref<1x!tpu.dma_semaphore, #tpu.memory_space<semaphore_mem>> -> memref<!tpu.dma_semaphore, #tpu.memory_space<semaphore_mem>>
      tpu.enqueue_indirect_dma source(%dma_start3A_29 : memref<10100x128xf32, #tpu.memory_space<vmem_shared>>) target(%dma_start3A_23 : memref<32x128xf32, #tpu.memory_space<vmem>>) offsets(%dma_start3A_26 : memref<32xi32, #tpu.memory_space<vmem>>) semaphore(%dma_start3A_31 : memref<!tpu.dma_semaphore, #tpu.memory_space<semaphore_mem>>)
      %dma_start3A_32 = arith.constant 1 : i32
      %dma_start3A_33 = arith.constant 1 : i32
      %dma_start3A_34 = arith.constant 1 : i32
      %dma_start3A_35 = arith.constant 0 : i32
      %dma_start3A_36 = arith.constant 0 : i32
      %dma_start3A_37 = tpu.memref_slice %arg10[%dma_start3A_33, %dma_start3A_35, %dma_start3A_36] : memref<5x32x128xf32, #tpu.memory_space<vmem>> -> memref<1x32x128xf32, #tpu.memory_space<vmem>>
      %dma_start3A_38 = tpu.memref_squeeze %dma_start3A_37 : memref<1x32x128xf32, #tpu.memory_space<vmem>> -> memref<32x128xf32, #tpu.memory_space<vmem>>
      %dma_start3A_39 = arith.constant 0 : i32
      %dma_start3A_40 = tpu.memref_slice %arg8[%dma_start3A_32, %dma_start3A_39] : memref<50x32xi32, #tpu.memory_space<vmem>> -> memref<1x32xi32, #tpu.memory_space<vmem>>
      %dma_start3A_41 = tpu.memref_squeeze %dma_start3A_40 : memref<1x32xi32, #tpu.memory_space<vmem>> -> memref<32xi32, #tpu.memory_space<vmem>>
      %dma_start3A_42 = arith.constant 0 : i32
      %dma_start3A_43 = arith.constant 0 : i32
      %dma_start3A_44 = tpu.memref_slice %arg11[%dma_start3A_42, %dma_start3A_43] : memref<10100x128xf32, #tpu.memory_space<vmem_shared>> -> memref<10100x128xf32, #tpu.memory_space<vmem_shared>>
      %dma_start3A_45 = tpu.memref_slice %arg12[%dma_start3A_34] : memref<5x!tpu.dma_semaphore, #tpu.memory_space<semaphore_mem>> -> memref<1x!tpu.dma_semaphore, #tpu.memory_space<semaphore_mem>>
      %dma_start3A_46 = tpu.memref_squeeze %dma_start3A_45 : memref<1x!tpu.dma_semaphore, #tpu.memory_space<semaphore_mem>> -> memref<!tpu.dma_semaphore, #tpu.memory_space<semaphore_mem>>
      tpu.enqueue_indirect_dma source(%dma_start3A_44 : memref<10100x128xf32, #tpu.memory_space<vmem_shared>>) target(%dma_start3A_38 : memref<32x128xf32, #tpu.memory_space<vmem>>) offsets(%dma_start3A_41 : memref<32xi32, #tpu.memory_space<vmem>>) semaphore(%dma_start3A_46 : memref<!tpu.dma_semaphore, #tpu.memory_space<semaphore_mem>>)
      %dma_start3A_47 = arith.constant 2 : i32
      %dma_start3A_48 = arith.constant 2 : i32
      %dma_start3A_49 = arith.constant 2 : i32
      %dma_start3A_50 = arith.constant 0 : i32
      %dma_start3A_51 = arith.constant 0 : i32
      %dma_start3A_52 = tpu.memref_slice %arg10[%dma_start3A_48, %dma_start3A_50, %dma_start3A_51] : memref<5x32x128xf32, #tpu.memory_space<vmem>> -> memref<1x32x128xf32, #tpu.memory_space<vmem>>
      %dma_start3A_53 = tpu.memref_squeeze %dma_start3A_52 : memref<1x32x128xf32, #tpu.memory_space<vmem>> -> memref<32x128xf32, #tpu.memory_space<vmem>>
      %dma_start3A_54 = arith.constant 0 : i32
      %dma_start3A_55 = tpu.memref_slice %arg8[%dma_start3A_47, %dma_start3A_54] : memref<50x32xi32, #tpu.memory_space<vmem>> -> memref<1x32xi32, #tpu.memory_space<vmem>>
      %dma_start3A_56 = tpu.memref_squeeze %dma_start3A_55 : memref<1x32xi32, #tpu.memory_space<vmem>> -> memref<32xi32, #tpu.memory_space<vmem>>
      %dma_start3A_57 = arith.constant 0 : i32
      %dma_start3A_58 = arith.constant 0 : i32
      %dma_start3A_59 = tpu.memref_slice %arg11[%dma_start3A_57, %dma_start3A_58] : memref<10100x128xf32, #tpu.memory_space<vmem_shared>> -> memref<10100x128xf32, #tpu.memory_space<vmem_shared>>
      %dma_start3A_60 = tpu.memref_slice %arg12[%dma_start3A_49] : memref<5x!tpu.dma_semaphore, #tpu.memory_space<semaphore_mem>> -> memref<1x!tpu.dma_semaphore, #tpu.memory_space<semaphore_mem>>
      %dma_start3A_61 = tpu.memref_squeeze %dma_start3A_60 : memref<1x!tpu.dma_semaphore, #tpu.memory_space<semaphore_mem>> -> memref<!tpu.dma_semaphore, #tpu.memory_space<semaphore_mem>>
      tpu.enqueue_indirect_dma source(%dma_start3A_59 : memref<10100x128xf32, #tpu.memory_space<vmem_shared>>) target(%dma_start3A_53 : memref<32x128xf32, #tpu.memory_space<vmem>>) offsets(%dma_start3A_56 : memref<32xi32, #tpu.memory_space<vmem>>) semaphore(%dma_start3A_61 : memref<!tpu.dma_semaphore, #tpu.memory_space<semaphore_mem>>)
      %dma_start3A_62 = arith.constant 3 : i32
      %dma_start3A_63 = arith.constant 3 : i32
      %dma_start3A_64 = arith.constant 3 : i32
      %dma_start3A_65 = arith.constant 0 : i32
      %dma_start3A_66 = arith.constant 0 : i32
      %dma_start3A_67 = tpu.memref_slice %arg10[%dma_start3A_63, %dma_start3A_65, %dma_start3A_66] : memref<5x32x128xf32, #tpu.memory_space<vmem>> -> memref<1x32x128xf32, #tpu.memory_space<vmem>>
      %dma_start3A_68 = tpu.memref_squeeze %dma_start3A_67 : memref<1x32x128xf32, #tpu.memory_space<vmem>> -> memref<32x128xf32, #tpu.memory_space<vmem>>
      %dma_start3A_69 = arith.constant 0 : i32
      %dma_start3A_70 = tpu.memref_slice %arg8[%dma_start3A_62, %dma_start3A_69] : memref<50x32xi32, #tpu.memory_space<vmem>> -> memref<1x32xi32, #tpu.memory_space<vmem>>
      %dma_start3A_71 = tpu.memref_squeeze %dma_start3A_70 : memref<1x32xi32, #tpu.memory_space<vmem>> -> memref<32xi32, #tpu.memory_space<vmem>>
      %dma_start3A_72 = arith.constant 0 : i32
      %dma_start3A_73 = arith.constant 0 : i32
      %dma_start3A_74 = tpu.memref_slice %arg11[%dma_start3A_72, %dma_start3A_73] : memref<10100x128xf32, #tpu.memory_space<vmem_shared>> -> memref<10100x128xf32, #tpu.memory_space<vmem_shared>>
      %dma_start3A_75 = tpu.memref_slice %arg12[%dma_start3A_64] : memref<5x!tpu.dma_semaphore, #tpu.memory_space<semaphore_mem>> -> memref<1x!tpu.dma_semaphore, #tpu.memory_space<semaphore_mem>>
      %dma_start3A_76 = tpu.memref_squeeze %dma_start3A_75 : memref<1x!tpu.dma_semaphore, #tpu.memory_space<semaphore_mem>> -> memref<!tpu.dma_semaphore, #tpu.memory_space<semaphore_mem>>
      tpu.enqueue_indirect_dma source(%dma_start3A_74 : memref<10100x128xf32, #tpu.memory_space<vmem_shared>>) target(%dma_start3A_68 : memref<32x128xf32, #tpu.memory_space<vmem>>) offsets(%dma_start3A_71 : memref<32xi32, #tpu.memory_space<vmem>>) semaphore(%dma_start3A_76 : memref<!tpu.dma_semaphore, #tpu.memory_space<semaphore_mem>>)
      %dma_start3A_77 = arith.constant 4 : i32
      %dma_start3A_78 = arith.constant 4 : i32
      %dma_start3A_79 = arith.constant 4 : i32
      %dma_start3A_80 = arith.constant 0 : i32
      %dma_start3A_81 = arith.constant 0 : i32
      %dma_start3A_82 = tpu.memref_slice %arg10[%dma_start3A_78, %dma_start3A_80, %dma_start3A_81] : memref<5x32x128xf32, #tpu.memory_space<vmem>> -> memref<1x32x128xf32, #tpu.memory_space<vmem>>
      %dma_start3A_83 = tpu.memref_squeeze %dma_start3A_82 : memref<1x32x128xf32, #tpu.memory_space<vmem>> -> memref<32x128xf32, #tpu.memory_space<vmem>>
      %dma_start3A_84 = arith.constant 0 : i32
      %dma_start3A_85 = tpu.memref_slice %arg8[%dma_start3A_77, %dma_start3A_84] : memref<50x32xi32, #tpu.memory_space<vmem>> -> memref<1x32xi32, #tpu.memory_space<vmem>>
      %dma_start3A_86 = tpu.memref_squeeze %dma_start3A_85 : memref<1x32xi32, #tpu.memory_space<vmem>> -> memref<32xi32, #tpu.memory_space<vmem>>
      %dma_start3A_87 = arith.constant 0 : i32
      %dma_start3A_88 = arith.constant 0 : i32
      %dma_start3A_89 = tpu.memref_slice %arg11[%dma_start3A_87, %dma_start3A_88] : memref<10100x128xf32, #tpu.memory_space<vmem_shared>> -> memref<10100x128xf32, #tpu.memory_space<vmem_shared>>
      %dma_start3A_90 = tpu.memref_slice %arg12[%dma_start3A_79] : memref<5x!tpu.dma_semaphore, #tpu.memory_space<semaphore_mem>> -> memref<1x!tpu.dma_semaphore, #tpu.memory_space<semaphore_mem>>
      %dma_start3A_91 = tpu.memref_squeeze %dma_start3A_90 : memref<1x!tpu.dma_semaphore, #tpu.memory_space<semaphore_mem>> -> memref<!tpu.dma_semaphore, #tpu.memory_space<semaphore_mem>>
      tpu.enqueue_indirect_dma source(%dma_start3A_89 : memref<10100x128xf32, #tpu.memory_space<vmem_shared>>) target(%dma_start3A_83 : memref<32x128xf32, #tpu.memory_space<vmem>>) offsets(%dma_start3A_86 : memref<32xi32, #tpu.memory_space<vmem>>) semaphore(%dma_start3A_91 : memref<!tpu.dma_semaphore, #tpu.memory_space<semaphore_mem>>)
      %lt3A = arith.constant 31 : i32
      %lt3A_92 = arith.cmpi slt, %mul3A_14, %lt3A : i32
      %convert_element_type3A_93 = arith.extui %lt3A_92 : i1 to i32
      %cond3A_94 = arith.constant 0 : i32
      %cond3A_95 = arith.cmpi ne, %convert_element_type3A_93, %cond3A_94 : i32
      scf.if %cond3A_95 {
        %add3A_195 = arith.constant 1600 : i32
        %add3A_196 = arith.addi %add3A_17, %add3A_195 : i32
        "tpu.region"() ({
          %run_scoped3A = tpu.sem_alloc : memref<!tpu.dma_semaphore, #tpu.memory_space<semaphore_mem>>
          %dma_start3A_197 = tpu.memref_slice %arg2[%add3A_196] : memref<1638400xf32, #tpu.memory_space<hbm>> -> memref<1600xf32, #tpu.memory_space<hbm>>
          %dma_start3A_198 = tpu.memref_slice %arg2[%add3A_196] : memref<1638400xf32, #tpu.memory_space<hbm>> -> memref<1600xf32, #tpu.memory_space<hbm>>
          tpu.enqueue_dma source(%dma_start3A_198 : memref<1600xf32, #tpu.memory_space<hbm>>) target(%arg6 : memref<1600xf32, #tpu.memory_space<vmem>>) target_semaphore(%run_scoped3A : memref<!tpu.dma_semaphore, #tpu.memory_space<semaphore_mem>>)
          %dma_wait3A = tpu.memref_slice %arg2[%add3A_196] : memref<1638400xf32, #tpu.memory_space<hbm>> -> memref<1600xf32, #tpu.memory_space<hbm>>
          %dma_wait3A_199 = tpu.memref_slice %arg2[%add3A_196] : memref<1638400xf32, #tpu.memory_space<hbm>> -> memref<1600xf32, #tpu.memory_space<hbm>>
          tpu.wait_dma2 semaphore(%run_scoped3A : memref<!tpu.dma_semaphore, #tpu.memory_space<semaphore_mem>>) src(%dma_wait3A_199 : memref<1600xf32, #tpu.memory_space<hbm>>) dst(%arg6 : memref<1600xf32, #tpu.memory_space<vmem>>)
          tpu.yield
        }) : () -> ()
      } else {
      }
      %scan3A_96 = arith.constant 0 : i32
      %scan3A_97 = arith.constant 0 : i32
      %scan3A_98 = arith.constant 10 : i32
      %scan3A_99 = arith.addi %scan3A_97, %scan3A_98 : i32
      %scan3A_100 = arith.constant 1 : i32
      scf.for %scan3A_195 = %scan3A_97 to %scan3A_99 step %scan3A_100  : i32 {
        %mul3A_196 = arith.constant 5 : i32
        %mul3A_197 = arith.muli %scan3A_195, %mul3A_196 : i32
        %add3A_198 = arith.constant 0 : i32
        %add3A_199 = arith.addi %mul3A_197, %add3A_198 : i32
        %dma_wait3A = arith.constant 0 : i32
        %dma_wait3A_200 = arith.constant 0 : i32
        %dma_wait3A_201 = arith.constant 0 : i32
        %dma_wait3A_202 = arith.constant 0 : i32
        %dma_wait3A_203 = tpu.memref_slice %arg10[%dma_wait3A, %dma_wait3A_201, %dma_wait3A_202] : memref<5x32x128xf32, #tpu.memory_space<vmem>> -> memref<1x32x128xf32, #tpu.memory_space<vmem>>
        %dma_wait3A_204 = tpu.memref_squeeze %dma_wait3A_203 : memref<1x32x128xf32, #tpu.memory_space<vmem>> -> memref<32x128xf32, #tpu.memory_space<vmem>>
        %dma_wait3A_205 = arith.constant 0 : i32
        %dma_wait3A_206 = tpu.memref_slice %arg8[%add3A_199, %dma_wait3A_205] : memref<50x32xi32, #tpu.memory_space<vmem>> -> memref<1x32xi32, #tpu.memory_space<vmem>>
        %dma_wait3A_207 = tpu.memref_squeeze %dma_wait3A_206 : memref<1x32xi32, #tpu.memory_space<vmem>> -> memref<32xi32, #tpu.memory_space<vmem>>
        %dma_wait3A_208 = arith.constant 0 : i32
        %dma_wait3A_209 = arith.constant 0 : i32
        %dma_wait3A_210 = tpu.memref_slice %arg11[%dma_wait3A_208, %dma_wait3A_209] : memref<10100x128xf32, #tpu.memory_space<vmem_shared>> -> memref<10100x128xf32, #tpu.memory_space<vmem_shared>>
        %dma_wait3A_211 = tpu.memref_slice %arg12[%dma_wait3A_200] : memref<5x!tpu.dma_semaphore, #tpu.memory_space<semaphore_mem>> -> memref<1x!tpu.dma_semaphore, #tpu.memory_space<semaphore_mem>>
        %dma_wait3A_212 = tpu.memref_squeeze %dma_wait3A_211 : memref<1x!tpu.dma_semaphore, #tpu.memory_space<semaphore_mem>> -> memref<!tpu.dma_semaphore, #tpu.memory_space<semaphore_mem>>
        tpu.wait_indirect_dma semaphore(%dma_wait3A_212 : memref<!tpu.dma_semaphore, #tpu.memory_space<semaphore_mem>>) src(%dma_wait3A_210 : memref<10100x128xf32, #tpu.memory_space<vmem_shared>>) dst(%dma_wait3A_204 : memref<32x128xf32, #tpu.memory_space<vmem>>)
        %add3A_213 = arith.constant 0 : i32
        %add3A_214 = arith.addi %mul3A_197, %add3A_213 : i32
        %mul3A_215 = arith.constant 32 : i32
        %mul3A_216 = arith.muli %add3A_214, %mul3A_215 : i32
        %add3A_217 = arith.addi %add3A_17, %mul3A_216 : i32
        %dma_start3A_218 = arith.constant 0 : i32
        %dma_start3A_219 = arith.constant 0 : i32
        %dma_start3A_220 = arith.constant 0 : i32
        %dma_start3A_221 = arith.constant 0 : i32
        %dma_start3A_222 = tpu.memref_slice %arg10[%dma_start3A_218, %dma_start3A_220, %dma_start3A_221] : memref<5x32x128xf32, #tpu.memory_space<vmem>> -> memref<1x32x128xf32, #tpu.memory_space<vmem>>
        %dma_start3A_223 = tpu.memref_squeeze %dma_start3A_222 : memref<1x32x128xf32, #tpu.memory_space<vmem>> -> memref<32x128xf32, #tpu.memory_space<vmem>>
        %dma_start3A_224 = arith.constant 0 : i32
        %dma_start3A_225 = tpu.memref_slice %arg5[%add3A_217, %dma_start3A_224] : memref<1638400x128xf32, #tpu.memory_space<hbm>> -> memref<32x128xf32, #tpu.memory_space<hbm>>
        %dma_start3A_226 = tpu.memref_slice %arg13[%dma_start3A_219] : memref<5x!tpu.dma_semaphore, #tpu.memory_space<semaphore_mem>> -> memref<1x!tpu.dma_semaphore, #tpu.memory_space<semaphore_mem>>
        %dma_start3A_227 = tpu.memref_squeeze %dma_start3A_226 : memref<1x!tpu.dma_semaphore, #tpu.memory_space<semaphore_mem>> -> memref<!tpu.dma_semaphore, #tpu.memory_space<semaphore_mem>>
        %dma_start3A_228 = arith.constant 0 : i32
        %dma_start3A_229 = tpu.memref_slice %arg5[%add3A_217, %dma_start3A_228] : memref<1638400x128xf32, #tpu.memory_space<hbm>> -> memref<32x128xf32, #tpu.memory_space<hbm>>
        %dma_start3A_230 = arith.constant 0 : i32
        %dma_start3A_231 = arith.constant 0 : i32
        %dma_start3A_232 = tpu.memref_slice %arg10[%dma_start3A_218, %dma_start3A_230, %dma_start3A_231] : memref<5x32x128xf32, #tpu.memory_space<vmem>> -> memref<1x32x128xf32, #tpu.memory_space<vmem>>
        %dma_start3A_233 = tpu.memref_squeeze %dma_start3A_232 : memref<1x32x128xf32, #tpu.memory_space<vmem>> -> memref<32x128xf32, #tpu.memory_space<vmem>>
        tpu.enqueue_dma source(%dma_start3A_233 : memref<32x128xf32, #tpu.memory_space<vmem>>) target(%dma_start3A_229 : memref<32x128xf32, #tpu.memory_space<hbm>>) target_semaphore(%dma_start3A_227 : memref<!tpu.dma_semaphore, #tpu.memory_space<semaphore_mem>>)
        %add3A_234 = arith.constant 1 : i32
        %add3A_235 = arith.addi %mul3A_197, %add3A_234 : i32
        %dma_wait3A_236 = arith.constant 1 : i32
        %dma_wait3A_237 = arith.constant 1 : i32
        %dma_wait3A_238 = arith.constant 0 : i32
        %dma_wait3A_239 = arith.constant 0 : i32
        %dma_wait3A_240 = tpu.memref_slice %arg10[%dma_wait3A_236, %dma_wait3A_238, %dma_wait3A_239] : memref<5x32x128xf32, #tpu.memory_space<vmem>> -> memref<1x32x128xf32, #tpu.memory_space<vmem>>
        %dma_wait3A_241 = tpu.memref_squeeze %dma_wait3A_240 : memref<1x32x128xf32, #tpu.memory_space<vmem>> -> memref<32x128xf32, #tpu.memory_space<vmem>>
        %dma_wait3A_242 = arith.constant 0 : i32
        %dma_wait3A_243 = tpu.memref_slice %arg8[%add3A_235, %dma_wait3A_242] : memref<50x32xi32, #tpu.memory_space<vmem>> -> memref<1x32xi32, #tpu.memory_space<vmem>>
        %dma_wait3A_244 = tpu.memref_squeeze %dma_wait3A_243 : memref<1x32xi32, #tpu.memory_space<vmem>> -> memref<32xi32, #tpu.memory_space<vmem>>
        %dma_wait3A_245 = arith.constant 0 : i32
        %dma_wait3A_246 = arith.constant 0 : i32
        %dma_wait3A_247 = tpu.memref_slice %arg11[%dma_wait3A_245, %dma_wait3A_246] : memref<10100x128xf32, #tpu.memory_space<vmem_shared>> -> memref<10100x128xf32, #tpu.memory_space<vmem_shared>>
        %dma_wait3A_248 = tpu.memref_slice %arg12[%dma_wait3A_237] : memref<5x!tpu.dma_semaphore, #tpu.memory_space<semaphore_mem>> -> memref<1x!tpu.dma_semaphore, #tpu.memory_space<semaphore_mem>>
        %dma_wait3A_249 = tpu.memref_squeeze %dma_wait3A_248 : memref<1x!tpu.dma_semaphore, #tpu.memory_space<semaphore_mem>> -> memref<!tpu.dma_semaphore, #tpu.memory_space<semaphore_mem>>
        tpu.wait_indirect_dma semaphore(%dma_wait3A_249 : memref<!tpu.dma_semaphore, #tpu.memory_space<semaphore_mem>>) src(%dma_wait3A_247 : memref<10100x128xf32, #tpu.memory_space<vmem_shared>>) dst(%dma_wait3A_241 : memref<32x128xf32, #tpu.memory_space<vmem>>)
        %add3A_250 = arith.constant 1 : i32
        %add3A_251 = arith.addi %mul3A_197, %add3A_250 : i32
        %mul3A_252 = arith.constant 32 : i32
        %mul3A_253 = arith.muli %add3A_251, %mul3A_252 : i32
        %add3A_254 = arith.addi %add3A_17, %mul3A_253 : i32
        %dma_start3A_255 = arith.constant 1 : i32
        %dma_start3A_256 = arith.constant 1 : i32
        %dma_start3A_257 = arith.constant 0 : i32
        %dma_start3A_258 = arith.constant 0 : i32
        %dma_start3A_259 = tpu.memref_slice %arg10[%dma_start3A_255, %dma_start3A_257, %dma_start3A_258] : memref<5x32x128xf32, #tpu.memory_space<vmem>> -> memref<1x32x128xf32, #tpu.memory_space<vmem>>
        %dma_start3A_260 = tpu.memref_squeeze %dma_start3A_259 : memref<1x32x128xf32, #tpu.memory_space<vmem>> -> memref<32x128xf32, #tpu.memory_space<vmem>>
        %dma_start3A_261 = arith.constant 0 : i32
        %dma_start3A_262 = tpu.memref_slice %arg5[%add3A_254, %dma_start3A_261] : memref<1638400x128xf32, #tpu.memory_space<hbm>> -> memref<32x128xf32, #tpu.memory_space<hbm>>
        %dma_start3A_263 = tpu.memref_slice %arg13[%dma_start3A_256] : memref<5x!tpu.dma_semaphore, #tpu.memory_space<semaphore_mem>> -> memref<1x!tpu.dma_semaphore, #tpu.memory_space<semaphore_mem>>
        %dma_start3A_264 = tpu.memref_squeeze %dma_start3A_263 : memref<1x!tpu.dma_semaphore, #tpu.memory_space<semaphore_mem>> -> memref<!tpu.dma_semaphore, #tpu.memory_space<semaphore_mem>>
        %dma_start3A_265 = arith.constant 0 : i32
        %dma_start3A_266 = tpu.memref_slice %arg5[%add3A_254, %dma_start3A_265] : memref<1638400x128xf32, #tpu.memory_space<hbm>> -> memref<32x128xf32, #tpu.memory_space<hbm>>
        %dma_start3A_267 = arith.constant 0 : i32
        %dma_start3A_268 = arith.constant 0 : i32
        %dma_start3A_269 = tpu.memref_slice %arg10[%dma_start3A_255, %dma_start3A_267, %dma_start3A_268] : memref<5x32x128xf32, #tpu.memory_space<vmem>> -> memref<1x32x128xf32, #tpu.memory_space<vmem>>
        %dma_start3A_270 = tpu.memref_squeeze %dma_start3A_269 : memref<1x32x128xf32, #tpu.memory_space<vmem>> -> memref<32x128xf32, #tpu.memory_space<vmem>>
        tpu.enqueue_dma source(%dma_start3A_270 : memref<32x128xf32, #tpu.memory_space<vmem>>) target(%dma_start3A_266 : memref<32x128xf32, #tpu.memory_space<hbm>>) target_semaphore(%dma_start3A_264 : memref<!tpu.dma_semaphore, #tpu.memory_space<semaphore_mem>>)
        %add3A_271 = arith.constant 2 : i32
        %add3A_272 = arith.addi %mul3A_197, %add3A_271 : i32
        %dma_wait3A_273 = arith.constant 2 : i32
        %dma_wait3A_274 = arith.constant 2 : i32
        %dma_wait3A_275 = arith.constant 0 : i32
        %dma_wait3A_276 = arith.constant 0 : i32
        %dma_wait3A_277 = tpu.memref_slice %arg10[%dma_wait3A_273, %dma_wait3A_275, %dma_wait3A_276] : memref<5x32x128xf32, #tpu.memory_space<vmem>> -> memref<1x32x128xf32, #tpu.memory_space<vmem>>
        %dma_wait3A_278 = tpu.memref_squeeze %dma_wait3A_277 : memref<1x32x128xf32, #tpu.memory_space<vmem>> -> memref<32x128xf32, #tpu.memory_space<vmem>>
        %dma_wait3A_279 = arith.constant 0 : i32
        %dma_wait3A_280 = tpu.memref_slice %arg8[%add3A_272, %dma_wait3A_279] : memref<50x32xi32, #tpu.memory_space<vmem>> -> memref<1x32xi32, #tpu.memory_space<vmem>>
        %dma_wait3A_281 = tpu.memref_squeeze %dma_wait3A_280 : memref<1x32xi32, #tpu.memory_space<vmem>> -> memref<32xi32, #tpu.memory_space<vmem>>
        %dma_wait3A_282 = arith.constant 0 : i32
        %dma_wait3A_283 = arith.constant 0 : i32
        %dma_wait3A_284 = tpu.memref_slice %arg11[%dma_wait3A_282, %dma_wait3A_283] : memref<10100x128xf32, #tpu.memory_space<vmem_shared>> -> memref<10100x128xf32, #tpu.memory_space<vmem_shared>>
        %dma_wait3A_285 = tpu.memref_slice %arg12[%dma_wait3A_274] : memref<5x!tpu.dma_semaphore, #tpu.memory_space<semaphore_mem>> -> memref<1x!tpu.dma_semaphore, #tpu.memory_space<semaphore_mem>>
        %dma_wait3A_286 = tpu.memref_squeeze %dma_wait3A_285 : memref<1x!tpu.dma_semaphore, #tpu.memory_space<semaphore_mem>> -> memref<!tpu.dma_semaphore, #tpu.memory_space<semaphore_mem>>
        tpu.wait_indirect_dma semaphore(%dma_wait3A_286 : memref<!tpu.dma_semaphore, #tpu.memory_space<semaphore_mem>>) src(%dma_wait3A_284 : memref<10100x128xf32, #tpu.memory_space<vmem_shared>>) dst(%dma_wait3A_278 : memref<32x128xf32, #tpu.memory_space<vmem>>)
        %add3A_287 = arith.constant 2 : i32
        %add3A_288 = arith.addi %mul3A_197, %add3A_287 : i32
        %mul3A_289 = arith.constant 32 : i32
        %mul3A_290 = arith.muli %add3A_288, %mul3A_289 : i32
        %add3A_291 = arith.addi %add3A_17, %mul3A_290 : i32
        %dma_start3A_292 = arith.constant 2 : i32
        %dma_start3A_293 = arith.constant 2 : i32
        %dma_start3A_294 = arith.constant 0 : i32
        %dma_start3A_295 = arith.constant 0 : i32
        %dma_start3A_296 = tpu.memref_slice %arg10[%dma_start3A_292, %dma_start3A_294, %dma_start3A_295] : memref<5x32x128xf32, #tpu.memory_space<vmem>> -> memref<1x32x128xf32, #tpu.memory_space<vmem>>
        %dma_start3A_297 = tpu.memref_squeeze %dma_start3A_296 : memref<1x32x128xf32, #tpu.memory_space<vmem>> -> memref<32x128xf32, #tpu.memory_space<vmem>>
        %dma_start3A_298 = arith.constant 0 : i32
        %dma_start3A_299 = tpu.memref_slice %arg5[%add3A_291, %dma_start3A_298] : memref<1638400x128xf32, #tpu.memory_space<hbm>> -> memref<32x128xf32, #tpu.memory_space<hbm>>
        %dma_start3A_300 = tpu.memref_slice %arg13[%dma_start3A_293] : memref<5x!tpu.dma_semaphore, #tpu.memory_space<semaphore_mem>> -> memref<1x!tpu.dma_semaphore, #tpu.memory_space<semaphore_mem>>
        %dma_start3A_301 = tpu.memref_squeeze %dma_start3A_300 : memref<1x!tpu.dma_semaphore, #tpu.memory_space<semaphore_mem>> -> memref<!tpu.dma_semaphore, #tpu.memory_space<semaphore_mem>>
        %dma_start3A_302 = arith.constant 0 : i32
        %dma_start3A_303 = tpu.memref_slice %arg5[%add3A_291, %dma_start3A_302] : memref<1638400x128xf32, #tpu.memory_space<hbm>> -> memref<32x128xf32, #tpu.memory_space<hbm>>
        %dma_start3A_304 = arith.constant 0 : i32
        %dma_start3A_305 = arith.constant 0 : i32
        %dma_start3A_306 = tpu.memref_slice %arg10[%dma_start3A_292, %dma_start3A_304, %dma_start3A_305] : memref<5x32x128xf32, #tpu.memory_space<vmem>> -> memref<1x32x128xf32, #tpu.memory_space<vmem>>
        %dma_start3A_307 = tpu.memref_squeeze %dma_start3A_306 : memref<1x32x128xf32, #tpu.memory_space<vmem>> -> memref<32x128xf32, #tpu.memory_space<vmem>>
        tpu.enqueue_dma source(%dma_start3A_307 : memref<32x128xf32, #tpu.memory_space<vmem>>) target(%dma_start3A_303 : memref<32x128xf32, #tpu.memory_space<hbm>>) target_semaphore(%dma_start3A_301 : memref<!tpu.dma_semaphore, #tpu.memory_space<semaphore_mem>>)
        %add3A_308 = arith.constant 3 : i32
        %add3A_309 = arith.addi %mul3A_197, %add3A_308 : i32
        %dma_wait3A_310 = arith.constant 3 : i32
        %dma_wait3A_311 = arith.constant 3 : i32
        %dma_wait3A_312 = arith.constant 0 : i32
        %dma_wait3A_313 = arith.constant 0 : i32
        %dma_wait3A_314 = tpu.memref_slice %arg10[%dma_wait3A_310, %dma_wait3A_312, %dma_wait3A_313] : memref<5x32x128xf32, #tpu.memory_space<vmem>> -> memref<1x32x128xf32, #tpu.memory_space<vmem>>
        %dma_wait3A_315 = tpu.memref_squeeze %dma_wait3A_314 : memref<1x32x128xf32, #tpu.memory_space<vmem>> -> memref<32x128xf32, #tpu.memory_space<vmem>>
        %dma_wait3A_316 = arith.constant 0 : i32
        %dma_wait3A_317 = tpu.memref_slice %arg8[%add3A_309, %dma_wait3A_316] : memref<50x32xi32, #tpu.memory_space<vmem>> -> memref<1x32xi32, #tpu.memory_space<vmem>>
        %dma_wait3A_318 = tpu.memref_squeeze %dma_wait3A_317 : memref<1x32xi32, #tpu.memory_space<vmem>> -> memref<32xi32, #tpu.memory_space<vmem>>
        %dma_wait3A_319 = arith.constant 0 : i32
        %dma_wait3A_320 = arith.constant 0 : i32
        %dma_wait3A_321 = tpu.memref_slice %arg11[%dma_wait3A_319, %dma_wait3A_320] : memref<10100x128xf32, #tpu.memory_space<vmem_shared>> -> memref<10100x128xf32, #tpu.memory_space<vmem_shared>>
        %dma_wait3A_322 = tpu.memref_slice %arg12[%dma_wait3A_311] : memref<5x!tpu.dma_semaphore, #tpu.memory_space<semaphore_mem>> -> memref<1x!tpu.dma_semaphore, #tpu.memory_space<semaphore_mem>>
        %dma_wait3A_323 = tpu.memref_squeeze %dma_wait3A_322 : memref<1x!tpu.dma_semaphore, #tpu.memory_space<semaphore_mem>> -> memref<!tpu.dma_semaphore, #tpu.memory_space<semaphore_mem>>
        tpu.wait_indirect_dma semaphore(%dma_wait3A_323 : memref<!tpu.dma_semaphore, #tpu.memory_space<semaphore_mem>>) src(%dma_wait3A_321 : memref<10100x128xf32, #tpu.memory_space<vmem_shared>>) dst(%dma_wait3A_315 : memref<32x128xf32, #tpu.memory_space<vmem>>)
        %add3A_324 = arith.constant 3 : i32
        %add3A_325 = arith.addi %mul3A_197, %add3A_324 : i32
        %mul3A_326 = arith.constant 32 : i32
        %mul3A_327 = arith.muli %add3A_325, %mul3A_326 : i32
        %add3A_328 = arith.addi %add3A_17, %mul3A_327 : i32
        %dma_start3A_329 = arith.constant 3 : i32
        %dma_start3A_330 = arith.constant 3 : i32
        %dma_start3A_331 = arith.constant 0 : i32
        %dma_start3A_332 = arith.constant 0 : i32
        %dma_start3A_333 = tpu.memref_slice %arg10[%dma_start3A_329, %dma_start3A_331, %dma_start3A_332] : memref<5x32x128xf32, #tpu.memory_space<vmem>> -> memref<1x32x128xf32, #tpu.memory_space<vmem>>
        %dma_start3A_334 = tpu.memref_squeeze %dma_start3A_333 : memref<1x32x128xf32, #tpu.memory_space<vmem>> -> memref<32x128xf32, #tpu.memory_space<vmem>>
        %dma_start3A_335 = arith.constant 0 : i32
        %dma_start3A_336 = tpu.memref_slice %arg5[%add3A_328, %dma_start3A_335] : memref<1638400x128xf32, #tpu.memory_space<hbm>> -> memref<32x128xf32, #tpu.memory_space<hbm>>
        %dma_start3A_337 = tpu.memref_slice %arg13[%dma_start3A_330] : memref<5x!tpu.dma_semaphore, #tpu.memory_space<semaphore_mem>> -> memref<1x!tpu.dma_semaphore, #tpu.memory_space<semaphore_mem>>
        %dma_start3A_338 = tpu.memref_squeeze %dma_start3A_337 : memref<1x!tpu.dma_semaphore, #tpu.memory_space<semaphore_mem>> -> memref<!tpu.dma_semaphore, #tpu.memory_space<semaphore_mem>>
        %dma_start3A_339 = arith.constant 0 : i32
        %dma_start3A_340 = tpu.memref_slice %arg5[%add3A_328, %dma_start3A_339] : memref<1638400x128xf32, #tpu.memory_space<hbm>> -> memref<32x128xf32, #tpu.memory_space<hbm>>
        %dma_start3A_341 = arith.constant 0 : i32
        %dma_start3A_342 = arith.constant 0 : i32
        %dma_start3A_343 = tpu.memref_slice %arg10[%dma_start3A_329, %dma_start3A_341, %dma_start3A_342] : memref<5x32x128xf32, #tpu.memory_space<vmem>> -> memref<1x32x128xf32, #tpu.memory_space<vmem>>
        %dma_start3A_344 = tpu.memref_squeeze %dma_start3A_343 : memref<1x32x128xf32, #tpu.memory_space<vmem>> -> memref<32x128xf32, #tpu.memory_space<vmem>>
        tpu.enqueue_dma source(%dma_start3A_344 : memref<32x128xf32, #tpu.memory_space<vmem>>) target(%dma_start3A_340 : memref<32x128xf32, #tpu.memory_space<hbm>>) target_semaphore(%dma_start3A_338 : memref<!tpu.dma_semaphore, #tpu.memory_space<semaphore_mem>>)
        %add3A_345 = arith.constant 4 : i32
        %add3A_346 = arith.addi %mul3A_197, %add3A_345 : i32
        %dma_wait3A_347 = arith.constant 4 : i32
        %dma_wait3A_348 = arith.constant 4 : i32
        %dma_wait3A_349 = arith.constant 0 : i32
        %dma_wait3A_350 = arith.constant 0 : i32
        %dma_wait3A_351 = tpu.memref_slice %arg10[%dma_wait3A_347, %dma_wait3A_349, %dma_wait3A_350] : memref<5x32x128xf32, #tpu.memory_space<vmem>> -> memref<1x32x128xf32, #tpu.memory_space<vmem>>
        %dma_wait3A_352 = tpu.memref_squeeze %dma_wait3A_351 : memref<1x32x128xf32, #tpu.memory_space<vmem>> -> memref<32x128xf32, #tpu.memory_space<vmem>>
        %dma_wait3A_353 = arith.constant 0 : i32
        %dma_wait3A_354 = tpu.memref_slice %arg8[%add3A_346, %dma_wait3A_353] : memref<50x32xi32, #tpu.memory_space<vmem>> -> memref<1x32xi32, #tpu.memory_space<vmem>>
        %dma_wait3A_355 = tpu.memref_squeeze %dma_wait3A_354 : memref<1x32xi32, #tpu.memory_space<vmem>> -> memref<32xi32, #tpu.memory_space<vmem>>
        %dma_wait3A_356 = arith.constant 0 : i32
        %dma_wait3A_357 = arith.constant 0 : i32
        %dma_wait3A_358 = tpu.memref_slice %arg11[%dma_wait3A_356, %dma_wait3A_357] : memref<10100x128xf32, #tpu.memory_space<vmem_shared>> -> memref<10100x128xf32, #tpu.memory_space<vmem_shared>>
        %dma_wait3A_359 = tpu.memref_slice %arg12[%dma_wait3A_348] : memref<5x!tpu.dma_semaphore, #tpu.memory_space<semaphore_mem>> -> memref<1x!tpu.dma_semaphore, #tpu.memory_space<semaphore_mem>>
        %dma_wait3A_360 = tpu.memref_squeeze %dma_wait3A_359 : memref<1x!tpu.dma_semaphore, #tpu.memory_space<semaphore_mem>> -> memref<!tpu.dma_semaphore, #tpu.memory_space<semaphore_mem>>
        tpu.wait_indirect_dma semaphore(%dma_wait3A_360 : memref<!tpu.dma_semaphore, #tpu.memory_space<semaphore_mem>>) src(%dma_wait3A_358 : memref<10100x128xf32, #tpu.memory_space<vmem_shared>>) dst(%dma_wait3A_352 : memref<32x128xf32, #tpu.memory_space<vmem>>)
        %add3A_361 = arith.constant 4 : i32
        %add3A_362 = arith.addi %mul3A_197, %add3A_361 : i32
        %mul3A_363 = arith.constant 32 : i32
        %mul3A_364 = arith.muli %add3A_362, %mul3A_363 : i32
        %add3A_365 = arith.addi %add3A_17, %mul3A_364 : i32
        %dma_start3A_366 = arith.constant 4 : i32
        %dma_start3A_367 = arith.constant 4 : i32
        %dma_start3A_368 = arith.constant 0 : i32
        %dma_start3A_369 = arith.constant 0 : i32
        %dma_start3A_370 = tpu.memref_slice %arg10[%dma_start3A_366, %dma_start3A_368, %dma_start3A_369] : memref<5x32x128xf32, #tpu.memory_space<vmem>> -> memref<1x32x128xf32, #tpu.memory_space<vmem>>
        %dma_start3A_371 = tpu.memref_squeeze %dma_start3A_370 : memref<1x32x128xf32, #tpu.memory_space<vmem>> -> memref<32x128xf32, #tpu.memory_space<vmem>>
        %dma_start3A_372 = arith.constant 0 : i32
        %dma_start3A_373 = tpu.memref_slice %arg5[%add3A_365, %dma_start3A_372] : memref<1638400x128xf32, #tpu.memory_space<hbm>> -> memref<32x128xf32, #tpu.memory_space<hbm>>
        %dma_start3A_374 = tpu.memref_slice %arg13[%dma_start3A_367] : memref<5x!tpu.dma_semaphore, #tpu.memory_space<semaphore_mem>> -> memref<1x!tpu.dma_semaphore, #tpu.memory_space<semaphore_mem>>
        %dma_start3A_375 = tpu.memref_squeeze %dma_start3A_374 : memref<1x!tpu.dma_semaphore, #tpu.memory_space<semaphore_mem>> -> memref<!tpu.dma_semaphore, #tpu.memory_space<semaphore_mem>>
        %dma_start3A_376 = arith.constant 0 : i32
        %dma_start3A_377 = tpu.memref_slice %arg5[%add3A_365, %dma_start3A_376] : memref<1638400x128xf32, #tpu.memory_space<hbm>> -> memref<32x128xf32, #tpu.memory_space<hbm>>
        %dma_start3A_378 = arith.constant 0 : i32
        %dma_start3A_379 = arith.constant 0 : i32
        %dma_start3A_380 = tpu.memref_slice %arg10[%dma_start3A_366, %dma_start3A_378, %dma_start3A_379] : memref<5x32x128xf32, #tpu.memory_space<vmem>> -> memref<1x32x128xf32, #tpu.memory_space<vmem>>
        %dma_start3A_381 = tpu.memref_squeeze %dma_start3A_380 : memref<1x32x128xf32, #tpu.memory_space<vmem>> -> memref<32x128xf32, #tpu.memory_space<vmem>>
        tpu.enqueue_dma source(%dma_start3A_381 : memref<32x128xf32, #tpu.memory_space<vmem>>) target(%dma_start3A_377 : memref<32x128xf32, #tpu.memory_space<hbm>>) target_semaphore(%dma_start3A_375 : memref<!tpu.dma_semaphore, #tpu.memory_space<semaphore_mem>>)
        %add3A_382 = arith.constant 0 : i32
        %add3A_383 = arith.addi %mul3A_197, %add3A_382 : i32
        %mul3A_384 = arith.constant 32 : i32
        %mul3A_385 = arith.muli %add3A_383, %mul3A_384 : i32
        %add3A_386 = arith.addi %add3A_17, %mul3A_385 : i32
        %dma_wait3A_387 = arith.constant 0 : i32
        %dma_wait3A_388 = arith.constant 0 : i32
        %dma_wait3A_389 = arith.constant 0 : i32
        %dma_wait3A_390 = arith.constant 0 : i32
        %dma_wait3A_391 = tpu.memref_slice %arg10[%dma_wait3A_387, %dma_wait3A_389, %dma_wait3A_390] : memref<5x32x128xf32, #tpu.memory_space<vmem>> -> memref<1x32x128xf32, #tpu.memory_space<vmem>>
        %dma_wait3A_392 = tpu.memref_squeeze %dma_wait3A_391 : memref<1x32x128xf32, #tpu.memory_space<vmem>> -> memref<32x128xf32, #tpu.memory_space<vmem>>
        %dma_wait3A_393 = arith.constant 0 : i32
        %dma_wait3A_394 = tpu.memref_slice %arg5[%add3A_386, %dma_wait3A_393] : memref<1638400x128xf32, #tpu.memory_space<hbm>> -> memref<32x128xf32, #tpu.memory_space<hbm>>
        %dma_wait3A_395 = tpu.memref_slice %arg13[%dma_wait3A_388] : memref<5x!tpu.dma_semaphore, #tpu.memory_space<semaphore_mem>> -> memref<1x!tpu.dma_semaphore, #tpu.memory_space<semaphore_mem>>
        %dma_wait3A_396 = tpu.memref_squeeze %dma_wait3A_395 : memref<1x!tpu.dma_semaphore, #tpu.memory_space<semaphore_mem>> -> memref<!tpu.dma_semaphore, #tpu.memory_space<semaphore_mem>>
        %dma_wait3A_397 = arith.constant 0 : i32
        %dma_wait3A_398 = tpu.memref_slice %arg5[%add3A_386, %dma_wait3A_397] : memref<1638400x128xf32, #tpu.memory_space<hbm>> -> memref<32x128xf32, #tpu.memory_space<hbm>>
        %dma_wait3A_399 = arith.constant 0 : i32
        %dma_wait3A_400 = arith.constant 0 : i32
        %dma_wait3A_401 = tpu.memref_slice %arg10[%dma_wait3A_387, %dma_wait3A_399, %dma_wait3A_400] : memref<5x32x128xf32, #tpu.memory_space<vmem>> -> memref<1x32x128xf32, #tpu.memory_space<vmem>>
        %dma_wait3A_402 = tpu.memref_squeeze %dma_wait3A_401 : memref<1x32x128xf32, #tpu.memory_space<vmem>> -> memref<32x128xf32, #tpu.memory_space<vmem>>
        tpu.wait_dma2 semaphore(%dma_wait3A_396 : memref<!tpu.dma_semaphore, #tpu.memory_space<semaphore_mem>>) src(%dma_wait3A_402 : memref<32x128xf32, #tpu.memory_space<vmem>>) dst(%dma_wait3A_398 : memref<32x128xf32, #tpu.memory_space<hbm>>)
        %lt3A_403 = arith.constant 9 : i32
        %lt3A_404 = arith.cmpi slt, %scan3A_195, %lt3A_403 : i32
        %convert_element_type3A_405 = arith.extui %lt3A_404 : i1 to i32
        %cond3A_406 = arith.constant 0 : i32
        %cond3A_407 = arith.cmpi ne, %convert_element_type3A_405, %cond3A_406 : i32
        scf.if %cond3A_407 {
          %add3A_517 = arith.constant 5 : i32
          %add3A_518 = arith.addi %mul3A_197, %add3A_517 : i32
          %add3A_519 = arith.constant 0 : i32
          %add3A_520 = arith.addi %add3A_518, %add3A_519 : i32
          %dma_start3A_521 = arith.constant 0 : i32
          %dma_start3A_522 = arith.constant 0 : i32
          %dma_start3A_523 = arith.constant 0 : i32
          %dma_start3A_524 = arith.constant 0 : i32
          %dma_start3A_525 = tpu.memref_slice %arg10[%dma_start3A_521, %dma_start3A_523, %dma_start3A_524] : memref<5x32x128xf32, #tpu.memory_space<vmem>> -> memref<1x32x128xf32, #tpu.memory_space<vmem>>
          %dma_start3A_526 = tpu.memref_squeeze %dma_start3A_525 : memref<1x32x128xf32, #tpu.memory_space<vmem>> -> memref<32x128xf32, #tpu.memory_space<vmem>>
          %dma_start3A_527 = arith.constant 0 : i32
          %dma_start3A_528 = tpu.memref_slice %arg8[%add3A_520, %dma_start3A_527] : memref<50x32xi32, #tpu.memory_space<vmem>> -> memref<1x32xi32, #tpu.memory_space<vmem>>
          %dma_start3A_529 = tpu.memref_squeeze %dma_start3A_528 : memref<1x32xi32, #tpu.memory_space<vmem>> -> memref<32xi32, #tpu.memory_space<vmem>>
          %dma_start3A_530 = arith.constant 0 : i32
          %dma_start3A_531 = arith.constant 0 : i32
          %dma_start3A_532 = tpu.memref_slice %arg11[%dma_start3A_530, %dma_start3A_531] : memref<10100x128xf32, #tpu.memory_space<vmem_shared>> -> memref<10100x128xf32, #tpu.memory_space<vmem_shared>>
          %dma_start3A_533 = tpu.memref_slice %arg12[%dma_start3A_522] : memref<5x!tpu.dma_semaphore, #tpu.memory_space<semaphore_mem>> -> memref<1x!tpu.dma_semaphore, #tpu.memory_space<semaphore_mem>>
          %dma_start3A_534 = tpu.memref_squeeze %dma_start3A_533 : memref<1x!tpu.dma_semaphore, #tpu.memory_space<semaphore_mem>> -> memref<!tpu.dma_semaphore, #tpu.memory_space<semaphore_mem>>
          tpu.enqueue_indirect_dma source(%dma_start3A_532 : memref<10100x128xf32, #tpu.memory_space<vmem_shared>>) target(%dma_start3A_526 : memref<32x128xf32, #tpu.memory_space<vmem>>) offsets(%dma_start3A_529 : memref<32xi32, #tpu.memory_space<vmem>>) semaphore(%dma_start3A_534 : memref<!tpu.dma_semaphore, #tpu.memory_space<semaphore_mem>>)
        } else {
        }
        %add3A_408 = arith.constant 1 : i32
        %add3A_409 = arith.addi %mul3A_197, %add3A_408 : i32
        %mul3A_410 = arith.constant 32 : i32
        %mul3A_411 = arith.muli %add3A_409, %mul3A_410 : i32
        %add3A_412 = arith.addi %add3A_17, %mul3A_411 : i32
        %dma_wait3A_413 = arith.constant 1 : i32
        %dma_wait3A_414 = arith.constant 1 : i32
        %dma_wait3A_415 = arith.constant 0 : i32
        %dma_wait3A_416 = arith.constant 0 : i32
        %dma_wait3A_417 = tpu.memref_slice %arg10[%dma_wait3A_413, %dma_wait3A_415, %dma_wait3A_416] : memref<5x32x128xf32, #tpu.memory_space<vmem>> -> memref<1x32x128xf32, #tpu.memory_space<vmem>>
        %dma_wait3A_418 = tpu.memref_squeeze %dma_wait3A_417 : memref<1x32x128xf32, #tpu.memory_space<vmem>> -> memref<32x128xf32, #tpu.memory_space<vmem>>
        %dma_wait3A_419 = arith.constant 0 : i32
        %dma_wait3A_420 = tpu.memref_slice %arg5[%add3A_412, %dma_wait3A_419] : memref<1638400x128xf32, #tpu.memory_space<hbm>> -> memref<32x128xf32, #tpu.memory_space<hbm>>
        %dma_wait3A_421 = tpu.memref_slice %arg13[%dma_wait3A_414] : memref<5x!tpu.dma_semaphore, #tpu.memory_space<semaphore_mem>> -> memref<1x!tpu.dma_semaphore, #tpu.memory_space<semaphore_mem>>
        %dma_wait3A_422 = tpu.memref_squeeze %dma_wait3A_421 : memref<1x!tpu.dma_semaphore, #tpu.memory_space<semaphore_mem>> -> memref<!tpu.dma_semaphore, #tpu.memory_space<semaphore_mem>>
        %dma_wait3A_423 = arith.constant 0 : i32
        %dma_wait3A_424 = tpu.memref_slice %arg5[%add3A_412, %dma_wait3A_423] : memref<1638400x128xf32, #tpu.memory_space<hbm>> -> memref<32x128xf32, #tpu.memory_space<hbm>>
        %dma_wait3A_425 = arith.constant 0 : i32
        %dma_wait3A_426 = arith.constant 0 : i32
        %dma_wait3A_427 = tpu.memref_slice %arg10[%dma_wait3A_413, %dma_wait3A_425, %dma_wait3A_426] : memref<5x32x128xf32, #tpu.memory_space<vmem>> -> memref<1x32x128xf32, #tpu.memory_space<vmem>>
        %dma_wait3A_428 = tpu.memref_squeeze %dma_wait3A_427 : memref<1x32x128xf32, #tpu.memory_space<vmem>> -> memref<32x128xf32, #tpu.memory_space<vmem>>
        tpu.wait_dma2 semaphore(%dma_wait3A_422 : memref<!tpu.dma_semaphore, #tpu.memory_space<semaphore_mem>>) src(%dma_wait3A_428 : memref<32x128xf32, #tpu.memory_space<vmem>>) dst(%dma_wait3A_424 : memref<32x128xf32, #tpu.memory_space<hbm>>)
        %lt3A_429 = arith.constant 9 : i32
        %lt3A_430 = arith.cmpi slt, %scan3A_195, %lt3A_429 : i32
        %convert_element_type3A_431 = arith.extui %lt3A_430 : i1 to i32
        %cond3A_432 = arith.constant 0 : i32
        %cond3A_433 = arith.cmpi ne, %convert_element_type3A_431, %cond3A_432 : i32
        scf.if %cond3A_433 {
          %add3A_517 = arith.constant 5 : i32
          %add3A_518 = arith.addi %mul3A_197, %add3A_517 : i32
          %add3A_519 = arith.constant 1 : i32
          %add3A_520 = arith.addi %add3A_518, %add3A_519 : i32
          %dma_start3A_521 = arith.constant 1 : i32
          %dma_start3A_522 = arith.constant 1 : i32
          %dma_start3A_523 = arith.constant 0 : i32
          %dma_start3A_524 = arith.constant 0 : i32
          %dma_start3A_525 = tpu.memref_slice %arg10[%dma_start3A_521, %dma_start3A_523, %dma_start3A_524] : memref<5x32x128xf32, #tpu.memory_space<vmem>> -> memref<1x32x128xf32, #tpu.memory_space<vmem>>
          %dma_start3A_526 = tpu.memref_squeeze %dma_start3A_525 : memref<1x32x128xf32, #tpu.memory_space<vmem>> -> memref<32x128xf32, #tpu.memory_space<vmem>>
          %dma_start3A_527 = arith.constant 0 : i32
          %dma_start3A_528 = tpu.memref_slice %arg8[%add3A_520, %dma_start3A_527] : memref<50x32xi32, #tpu.memory_space<vmem>> -> memref<1x32xi32, #tpu.memory_space<vmem>>
          %dma_start3A_529 = tpu.memref_squeeze %dma_start3A_528 : memref<1x32xi32, #tpu.memory_space<vmem>> -> memref<32xi32, #tpu.memory_space<vmem>>
          %dma_start3A_530 = arith.constant 0 : i32
          %dma_start3A_531 = arith.constant 0 : i32
          %dma_start3A_532 = tpu.memref_slice %arg11[%dma_start3A_530, %dma_start3A_531] : memref<10100x128xf32, #tpu.memory_space<vmem_shared>> -> memref<10100x128xf32, #tpu.memory_space<vmem_shared>>
          %dma_start3A_533 = tpu.memref_slice %arg12[%dma_start3A_522] : memref<5x!tpu.dma_semaphore, #tpu.memory_space<semaphore_mem>> -> memref<1x!tpu.dma_semaphore, #tpu.memory_space<semaphore_mem>>
          %dma_start3A_534 = tpu.memref_squeeze %dma_start3A_533 : memref<1x!tpu.dma_semaphore, #tpu.memory_space<semaphore_mem>> -> memref<!tpu.dma_semaphore, #tpu.memory_space<semaphore_mem>>
          tpu.enqueue_indirect_dma source(%dma_start3A_532 : memref<10100x128xf32, #tpu.memory_space<vmem_shared>>) target(%dma_start3A_526 : memref<32x128xf32, #tpu.memory_space<vmem>>) offsets(%dma_start3A_529 : memref<32xi32, #tpu.memory_space<vmem>>) semaphore(%dma_start3A_534 : memref<!tpu.dma_semaphore, #tpu.memory_space<semaphore_mem>>)
        } else {
        }
        %add3A_434 = arith.constant 2 : i32
        %add3A_435 = arith.addi %mul3A_197, %add3A_434 : i32
        %mul3A_436 = arith.constant 32 : i32
        %mul3A_437 = arith.muli %add3A_435, %mul3A_436 : i32
        %add3A_438 = arith.addi %add3A_17, %mul3A_437 : i32
        %dma_wait3A_439 = arith.constant 2 : i32
        %dma_wait3A_440 = arith.constant 2 : i32
        %dma_wait3A_441 = arith.constant 0 : i32
        %dma_wait3A_442 = arith.constant 0 : i32
        %dma_wait3A_443 = tpu.memref_slice %arg10[%dma_wait3A_439, %dma_wait3A_441, %dma_wait3A_442] : memref<5x32x128xf32, #tpu.memory_space<vmem>> -> memref<1x32x128xf32, #tpu.memory_space<vmem>>
        %dma_wait3A_444 = tpu.memref_squeeze %dma_wait3A_443 : memref<1x32x128xf32, #tpu.memory_space<vmem>> -> memref<32x128xf32, #tpu.memory_space<vmem>>
        %dma_wait3A_445 = arith.constant 0 : i32
        %dma_wait3A_446 = tpu.memref_slice %arg5[%add3A_438, %dma_wait3A_445] : memref<1638400x128xf32, #tpu.memory_space<hbm>> -> memref<32x128xf32, #tpu.memory_space<hbm>>
        %dma_wait3A_447 = tpu.memref_slice %arg13[%dma_wait3A_440] : memref<5x!tpu.dma_semaphore, #tpu.memory_space<semaphore_mem>> -> memref<1x!tpu.dma_semaphore, #tpu.memory_space<semaphore_mem>>
        %dma_wait3A_448 = tpu.memref_squeeze %dma_wait3A_447 : memref<1x!tpu.dma_semaphore, #tpu.memory_space<semaphore_mem>> -> memref<!tpu.dma_semaphore, #tpu.memory_space<semaphore_mem>>
        %dma_wait3A_449 = arith.constant 0 : i32
        %dma_wait3A_450 = tpu.memref_slice %arg5[%add3A_438, %dma_wait3A_449] : memref<1638400x128xf32, #tpu.memory_space<hbm>> -> memref<32x128xf32, #tpu.memory_space<hbm>>
        %dma_wait3A_451 = arith.constant 0 : i32
        %dma_wait3A_452 = arith.constant 0 : i32
        %dma_wait3A_453 = tpu.memref_slice %arg10[%dma_wait3A_439, %dma_wait3A_451, %dma_wait3A_452] : memref<5x32x128xf32, #tpu.memory_space<vmem>> -> memref<1x32x128xf32, #tpu.memory_space<vmem>>
        %dma_wait3A_454 = tpu.memref_squeeze %dma_wait3A_453 : memref<1x32x128xf32, #tpu.memory_space<vmem>> -> memref<32x128xf32, #tpu.memory_space<vmem>>
        tpu.wait_dma2 semaphore(%dma_wait3A_448 : memref<!tpu.dma_semaphore, #tpu.memory_space<semaphore_mem>>) src(%dma_wait3A_454 : memref<32x128xf32, #tpu.memory_space<vmem>>) dst(%dma_wait3A_450 : memref<32x128xf32, #tpu.memory_space<hbm>>)
        %lt3A_455 = arith.constant 9 : i32
        %lt3A_456 = arith.cmpi slt, %scan3A_195, %lt3A_455 : i32
        %convert_element_type3A_457 = arith.extui %lt3A_456 : i1 to i32
        %cond3A_458 = arith.constant 0 : i32
        %cond3A_459 = arith.cmpi ne, %convert_element_type3A_457, %cond3A_458 : i32
        scf.if %cond3A_459 {
          %add3A_517 = arith.constant 5 : i32
          %add3A_518 = arith.addi %mul3A_197, %add3A_517 : i32
          %add3A_519 = arith.constant 2 : i32
          %add3A_520 = arith.addi %add3A_518, %add3A_519 : i32
          %dma_start3A_521 = arith.constant 2 : i32
          %dma_start3A_522 = arith.constant 2 : i32
          %dma_start3A_523 = arith.constant 0 : i32
          %dma_start3A_524 = arith.constant 0 : i32
          %dma_start3A_525 = tpu.memref_slice %arg10[%dma_start3A_521, %dma_start3A_523, %dma_start3A_524] : memref<5x32x128xf32, #tpu.memory_space<vmem>> -> memref<1x32x128xf32, #tpu.memory_space<vmem>>
          %dma_start3A_526 = tpu.memref_squeeze %dma_start3A_525 : memref<1x32x128xf32, #tpu.memory_space<vmem>> -> memref<32x128xf32, #tpu.memory_space<vmem>>
          %dma_start3A_527 = arith.constant 0 : i32
          %dma_start3A_528 = tpu.memref_slice %arg8[%add3A_520, %dma_start3A_527] : memref<50x32xi32, #tpu.memory_space<vmem>> -> memref<1x32xi32, #tpu.memory_space<vmem>>
          %dma_start3A_529 = tpu.memref_squeeze %dma_start3A_528 : memref<1x32xi32, #tpu.memory_space<vmem>> -> memref<32xi32, #tpu.memory_space<vmem>>
          %dma_start3A_530 = arith.constant 0 : i32
          %dma_start3A_531 = arith.constant 0 : i32
          %dma_start3A_532 = tpu.memref_slice %arg11[%dma_start3A_530, %dma_start3A_531] : memref<10100x128xf32, #tpu.memory_space<vmem_shared>> -> memref<10100x128xf32, #tpu.memory_space<vmem_shared>>
          %dma_start3A_533 = tpu.memref_slice %arg12[%dma_start3A_522] : memref<5x!tpu.dma_semaphore, #tpu.memory_space<semaphore_mem>> -> memref<1x!tpu.dma_semaphore, #tpu.memory_space<semaphore_mem>>
          %dma_start3A_534 = tpu.memref_squeeze %dma_start3A_533 : memref<1x!tpu.dma_semaphore, #tpu.memory_space<semaphore_mem>> -> memref<!tpu.dma_semaphore, #tpu.memory_space<semaphore_mem>>
          tpu.enqueue_indirect_dma source(%dma_start3A_532 : memref<10100x128xf32, #tpu.memory_space<vmem_shared>>) target(%dma_start3A_526 : memref<32x128xf32, #tpu.memory_space<vmem>>) offsets(%dma_start3A_529 : memref<32xi32, #tpu.memory_space<vmem>>) semaphore(%dma_start3A_534 : memref<!tpu.dma_semaphore, #tpu.memory_space<semaphore_mem>>)
        } else {
        }
        %add3A_460 = arith.constant 3 : i32
        %add3A_461 = arith.addi %mul3A_197, %add3A_460 : i32
        %mul3A_462 = arith.constant 32 : i32
        %mul3A_463 = arith.muli %add3A_461, %mul3A_462 : i32
        %add3A_464 = arith.addi %add3A_17, %mul3A_463 : i32
        %dma_wait3A_465 = arith.constant 3 : i32
        %dma_wait3A_466 = arith.constant 3 : i32
        %dma_wait3A_467 = arith.constant 0 : i32
        %dma_wait3A_468 = arith.constant 0 : i32
        %dma_wait3A_469 = tpu.memref_slice %arg10[%dma_wait3A_465, %dma_wait3A_467, %dma_wait3A_468] : memref<5x32x128xf32, #tpu.memory_space<vmem>> -> memref<1x32x128xf32, #tpu.memory_space<vmem>>
        %dma_wait3A_470 = tpu.memref_squeeze %dma_wait3A_469 : memref<1x32x128xf32, #tpu.memory_space<vmem>> -> memref<32x128xf32, #tpu.memory_space<vmem>>
        %dma_wait3A_471 = arith.constant 0 : i32
        %dma_wait3A_472 = tpu.memref_slice %arg5[%add3A_464, %dma_wait3A_471] : memref<1638400x128xf32, #tpu.memory_space<hbm>> -> memref<32x128xf32, #tpu.memory_space<hbm>>
        %dma_wait3A_473 = tpu.memref_slice %arg13[%dma_wait3A_466] : memref<5x!tpu.dma_semaphore, #tpu.memory_space<semaphore_mem>> -> memref<1x!tpu.dma_semaphore, #tpu.memory_space<semaphore_mem>>
        %dma_wait3A_474 = tpu.memref_squeeze %dma_wait3A_473 : memref<1x!tpu.dma_semaphore, #tpu.memory_space<semaphore_mem>> -> memref<!tpu.dma_semaphore, #tpu.memory_space<semaphore_mem>>
        %dma_wait3A_475 = arith.constant 0 : i32
        %dma_wait3A_476 = tpu.memref_slice %arg5[%add3A_464, %dma_wait3A_475] : memref<1638400x128xf32, #tpu.memory_space<hbm>> -> memref<32x128xf32, #tpu.memory_space<hbm>>
        %dma_wait3A_477 = arith.constant 0 : i32
        %dma_wait3A_478 = arith.constant 0 : i32
        %dma_wait3A_479 = tpu.memref_slice %arg10[%dma_wait3A_465, %dma_wait3A_477, %dma_wait3A_478] : memref<5x32x128xf32, #tpu.memory_space<vmem>> -> memref<1x32x128xf32, #tpu.memory_space<vmem>>
        %dma_wait3A_480 = tpu.memref_squeeze %dma_wait3A_479 : memref<1x32x128xf32, #tpu.memory_space<vmem>> -> memref<32x128xf32, #tpu.memory_space<vmem>>
        tpu.wait_dma2 semaphore(%dma_wait3A_474 : memref<!tpu.dma_semaphore, #tpu.memory_space<semaphore_mem>>) src(%dma_wait3A_480 : memref<32x128xf32, #tpu.memory_space<vmem>>) dst(%dma_wait3A_476 : memref<32x128xf32, #tpu.memory_space<hbm>>)
        %lt3A_481 = arith.constant 9 : i32
        %lt3A_482 = arith.cmpi slt, %scan3A_195, %lt3A_481 : i32
        %convert_element_type3A_483 = arith.extui %lt3A_482 : i1 to i32
        %cond3A_484 = arith.constant 0 : i32
        %cond3A_485 = arith.cmpi ne, %convert_element_type3A_483, %cond3A_484 : i32
        scf.if %cond3A_485 {
          %add3A_517 = arith.constant 5 : i32
          %add3A_518 = arith.addi %mul3A_197, %add3A_517 : i32
          %add3A_519 = arith.constant 3 : i32
          %add3A_520 = arith.addi %add3A_518, %add3A_519 : i32
          %dma_start3A_521 = arith.constant 3 : i32
          %dma_start3A_522 = arith.constant 3 : i32
          %dma_start3A_523 = arith.constant 0 : i32
          %dma_start3A_524 = arith.constant 0 : i32
          %dma_start3A_525 = tpu.memref_slice %arg10[%dma_start3A_521, %dma_start3A_523, %dma_start3A_524] : memref<5x32x128xf32, #tpu.memory_space<vmem>> -> memref<1x32x128xf32, #tpu.memory_space<vmem>>
          %dma_start3A_526 = tpu.memref_squeeze %dma_start3A_525 : memref<1x32x128xf32, #tpu.memory_space<vmem>> -> memref<32x128xf32, #tpu.memory_space<vmem>>
          %dma_start3A_527 = arith.constant 0 : i32
          %dma_start3A_528 = tpu.memref_slice %arg8[%add3A_520, %dma_start3A_527] : memref<50x32xi32, #tpu.memory_space<vmem>> -> memref<1x32xi32, #tpu.memory_space<vmem>>
          %dma_start3A_529 = tpu.memref_squeeze %dma_start3A_528 : memref<1x32xi32, #tpu.memory_space<vmem>> -> memref<32xi32, #tpu.memory_space<vmem>>
          %dma_start3A_530 = arith.constant 0 : i32
          %dma_start3A_531 = arith.constant 0 : i32
          %dma_start3A_532 = tpu.memref_slice %arg11[%dma_start3A_530, %dma_start3A_531] : memref<10100x128xf32, #tpu.memory_space<vmem_shared>> -> memref<10100x128xf32, #tpu.memory_space<vmem_shared>>
          %dma_start3A_533 = tpu.memref_slice %arg12[%dma_start3A_522] : memref<5x!tpu.dma_semaphore, #tpu.memory_space<semaphore_mem>> -> memref<1x!tpu.dma_semaphore, #tpu.memory_space<semaphore_mem>>
          %dma_start3A_534 = tpu.memref_squeeze %dma_start3A_533 : memref<1x!tpu.dma_semaphore, #tpu.memory_space<semaphore_mem>> -> memref<!tpu.dma_semaphore, #tpu.memory_space<semaphore_mem>>
          tpu.enqueue_indirect_dma source(%dma_start3A_532 : memref<10100x128xf32, #tpu.memory_space<vmem_shared>>) target(%dma_start3A_526 : memref<32x128xf32, #tpu.memory_space<vmem>>) offsets(%dma_start3A_529 : memref<32xi32, #tpu.memory_space<vmem>>) semaphore(%dma_start3A_534 : memref<!tpu.dma_semaphore, #tpu.memory_space<semaphore_mem>>)
        } else {
        }
        %add3A_486 = arith.constant 4 : i32
        %add3A_487 = arith.addi %mul3A_197, %add3A_486 : i32
        %mul3A_488 = arith.constant 32 : i32
        %mul3A_489 = arith.muli %add3A_487, %mul3A_488 : i32
        %add3A_490 = arith.addi %add3A_17, %mul3A_489 : i32
        %dma_wait3A_491 = arith.constant 4 : i32
        %dma_wait3A_492 = arith.constant 4 : i32
        %dma_wait3A_493 = arith.constant 0 : i32
        %dma_wait3A_494 = arith.constant 0 : i32
        %dma_wait3A_495 = tpu.memref_slice %arg10[%dma_wait3A_491, %dma_wait3A_493, %dma_wait3A_494] : memref<5x32x128xf32, #tpu.memory_space<vmem>> -> memref<1x32x128xf32, #tpu.memory_space<vmem>>
        %dma_wait3A_496 = tpu.memref_squeeze %dma_wait3A_495 : memref<1x32x128xf32, #tpu.memory_space<vmem>> -> memref<32x128xf32, #tpu.memory_space<vmem>>
        %dma_wait3A_497 = arith.constant 0 : i32
        %dma_wait3A_498 = tpu.memref_slice %arg5[%add3A_490, %dma_wait3A_497] : memref<1638400x128xf32, #tpu.memory_space<hbm>> -> memref<32x128xf32, #tpu.memory_space<hbm>>
        %dma_wait3A_499 = tpu.memref_slice %arg13[%dma_wait3A_492] : memref<5x!tpu.dma_semaphore, #tpu.memory_space<semaphore_mem>> -> memref<1x!tpu.dma_semaphore, #tpu.memory_space<semaphore_mem>>
        %dma_wait3A_500 = tpu.memref_squeeze %dma_wait3A_499 : memref<1x!tpu.dma_semaphore, #tpu.memory_space<semaphore_mem>> -> memref<!tpu.dma_semaphore, #tpu.memory_space<semaphore_mem>>
        %dma_wait3A_501 = arith.constant 0 : i32
        %dma_wait3A_502 = tpu.memref_slice %arg5[%add3A_490, %dma_wait3A_501] : memref<1638400x128xf32, #tpu.memory_space<hbm>> -> memref<32x128xf32, #tpu.memory_space<hbm>>
        %dma_wait3A_503 = arith.constant 0 : i32
        %dma_wait3A_504 = arith.constant 0 : i32
        %dma_wait3A_505 = tpu.memref_slice %arg10[%dma_wait3A_491, %dma_wait3A_503, %dma_wait3A_504] : memref<5x32x128xf32, #tpu.memory_space<vmem>> -> memref<1x32x128xf32, #tpu.memory_space<vmem>>
        %dma_wait3A_506 = tpu.memref_squeeze %dma_wait3A_505 : memref<1x32x128xf32, #tpu.memory_space<vmem>> -> memref<32x128xf32, #tpu.memory_space<vmem>>
        tpu.wait_dma2 semaphore(%dma_wait3A_500 : memref<!tpu.dma_semaphore, #tpu.memory_space<semaphore_mem>>) src(%dma_wait3A_506 : memref<32x128xf32, #tpu.memory_space<vmem>>) dst(%dma_wait3A_502 : memref<32x128xf32, #tpu.memory_space<hbm>>)
        %lt3A_507 = arith.constant 9 : i32
        %lt3A_508 = arith.cmpi slt, %scan3A_195, %lt3A_507 : i32
        %convert_element_type3A_509 = arith.extui %lt3A_508 : i1 to i32
        %cond3A_510 = arith.constant 0 : i32
        %cond3A_511 = arith.cmpi ne, %convert_element_type3A_509, %cond3A_510 : i32
        scf.if %cond3A_511 {
          %add3A_517 = arith.constant 5 : i32
          %add3A_518 = arith.addi %mul3A_197, %add3A_517 : i32
          %add3A_519 = arith.constant 4 : i32
          %add3A_520 = arith.addi %add3A_518, %add3A_519 : i32
          %dma_start3A_521 = arith.constant 4 : i32
          %dma_start3A_522 = arith.constant 4 : i32
          %dma_start3A_523 = arith.constant 0 : i32
          %dma_start3A_524 = arith.constant 0 : i32
          %dma_start3A_525 = tpu.memref_slice %arg10[%dma_start3A_521, %dma_start3A_523, %dma_start3A_524] : memref<5x32x128xf32, #tpu.memory_space<vmem>> -> memref<1x32x128xf32, #tpu.memory_space<vmem>>
          %dma_start3A_526 = tpu.memref_squeeze %dma_start3A_525 : memref<1x32x128xf32, #tpu.memory_space<vmem>> -> memref<32x128xf32, #tpu.memory_space<vmem>>
          %dma_start3A_527 = arith.constant 0 : i32
          %dma_start3A_528 = tpu.memref_slice %arg8[%add3A_520, %dma_start3A_527] : memref<50x32xi32, #tpu.memory_space<vmem>> -> memref<1x32xi32, #tpu.memory_space<vmem>>
          %dma_start3A_529 = tpu.memref_squeeze %dma_start3A_528 : memref<1x32xi32, #tpu.memory_space<vmem>> -> memref<32xi32, #tpu.memory_space<vmem>>
          %dma_start3A_530 = arith.constant 0 : i32
          %dma_start3A_531 = arith.constant 0 : i32
          %dma_start3A_532 = tpu.memref_slice %arg11[%dma_start3A_530, %dma_start3A_531] : memref<10100x128xf32, #tpu.memory_space<vmem_shared>> -> memref<10100x128xf32, #tpu.memory_space<vmem_shared>>
          %dma_start3A_533 = tpu.memref_slice %arg12[%dma_start3A_522] : memref<5x!tpu.dma_semaphore, #tpu.memory_space<semaphore_mem>> -> memref<1x!tpu.dma_semaphore, #tpu.memory_space<semaphore_mem>>
          %dma_start3A_534 = tpu.memref_squeeze %dma_start3A_533 : memref<1x!tpu.dma_semaphore, #tpu.memory_space<semaphore_mem>> -> memref<!tpu.dma_semaphore, #tpu.memory_space<semaphore_mem>>
          tpu.enqueue_indirect_dma source(%dma_start3A_532 : memref<10100x128xf32, #tpu.memory_space<vmem_shared>>) target(%dma_start3A_526 : memref<32x128xf32, #tpu.memory_space<vmem>>) offsets(%dma_start3A_529 : memref<32xi32, #tpu.memory_space<vmem>>) semaphore(%dma_start3A_534 : memref<!tpu.dma_semaphore, #tpu.memory_space<semaphore_mem>>)
        } else {
        }
        %lt3A_512 = arith.constant 31 : i32
        %lt3A_513 = arith.cmpi slt, %mul3A_14, %lt3A_512 : i32
        %convert_element_type3A_514 = arith.extui %lt3A_513 : i1 to i32
        %cond3A_515 = arith.constant 0 : i32
        %cond3A_516 = arith.cmpi ne, %convert_element_type3A_514, %cond3A_515 : i32
        scf.if %cond3A_516 {
          %mul3A_517 = arith.constant 10 : i32
          %mul3A_518 = arith.muli %scan3A_195, %mul3A_517 : i32
          %add3A_519 = arith.constant 1 : i32
          %add3A_520 = arith.addi %scan3A_195, %add3A_519 : i32
          %mul3A_521 = arith.constant 10 : i32
          %mul3A_522 = arith.muli %add3A_520, %mul3A_521 : i32
          %parallel_loop3A_523 = arith.constant 1 : i32
          scf.for %parallel_loop3A_524 = %mul3A_518 to %mul3A_522 step %parallel_loop3A_523  : i32 {
            %parallel_loop3A_525 = arith.constant 16 : i32
            %parallel_loop3A_526 = arith.muli %parallel_loop3A_524, %parallel_loop3A_525 : i32
            %parallel_loop3A_527 = arith.index_cast %parallel_loop3A_526 : i32 to index
            %parallel_loop3A_528 = tpu.vector_load %arg6[%parallel_loop3A_527] {strides = array<i32>} : memref<1600xf32, #tpu.memory_space<vmem>>, vector<16xf32>,
            %parallel_loop3A_529 = vector.broadcast %parallel_loop3A_526 : i32 to vector<16xi32>
            %parallel_loop3A_530 = arith.addi %parallel_loop3A_529, %iota3A : vector<16xi32>
            %parallel_loop3A_531 = arith.constant 100 : i32
            %parallel_loop3A_532 = vector.broadcast %parallel_loop3A_531 : i32 to vector<16xi32>
            %parallel_loop3A_533 = arith.remsi %parallel_loop3A_530, %parallel_loop3A_532 : vector<16xi32>
            %parallel_loop3A_534 = arith.constant 112 : i32
            %parallel_loop3A_535 = vector.broadcast %parallel_loop3A_534 : i32 to vector<16xi32>
            %parallel_loop3A_536 = arith.muli %parallel_loop3A_533, %parallel_loop3A_535 : vector<16xi32>
            %parallel_loop3A_537 = arith.constant 0 : i32
            %parallel_loop3A_538 = vector.broadcast %parallel_loop3A_537 : i32 to vector<16xi32>
            %parallel_loop3A_539 = arith.constant 64 : i32
            %parallel_loop3A_540 = vector.broadcast %parallel_loop3A_539 : i32 to vector<16xi32>
            %parallel_loop3A_541 = arith.addi %parallel_loop3A_538, %parallel_loop3A_540 : vector<16xi32>
            %parallel_loop3A_542 = arith.addi %parallel_loop3A_536, %parallel_loop3A_541 : vector<16xi32>
            %parallel_loop3A_543 = arith.constant 1 : i32
            %parallel_loop3A_544 = vector.broadcast %parallel_loop3A_543 : i32 to vector<16xi32>
            %parallel_loop3A_545 = arith.subi %parallel_loop3A_542, %parallel_loop3A_544 : vector<16xi32>
            %parallel_loop3A_546 = tpu.vector_load_idx %arg7[%parallel_loop3A_545] : memref<11200xf32, #tpu.memory_space<vmem>>[vector<16xi32>], vector<16xf32>,
            %parallel_loop3A_547 = arith.cmpf olt, %parallel_loop3A_546, %parallel_loop3A_528 : vector<16xf32>
            %parallel_loop3A_548 = arith.select %parallel_loop3A_547, %parallel_loop3A_541, %parallel_loop3A_538 : vector<16xi1>, vector<16xi32>
            %parallel_loop3A_549 = arith.constant 32 : i32
            %parallel_loop3A_550 = vector.broadcast %parallel_loop3A_549 : i32 to vector<16xi32>
            %parallel_loop3A_551 = arith.addi %parallel_loop3A_548, %parallel_loop3A_550 : vector<16xi32>
            %parallel_loop3A_552 = arith.addi %parallel_loop3A_536, %parallel_loop3A_551 : vector<16xi32>
            %parallel_loop3A_553 = arith.constant 1 : i32
            %parallel_loop3A_554 = vector.broadcast %parallel_loop3A_553 : i32 to vector<16xi32>
            %parallel_loop3A_555 = arith.subi %parallel_loop3A_552, %parallel_loop3A_554 : vector<16xi32>
            %parallel_loop3A_556 = tpu.vector_load_idx %arg7[%parallel_loop3A_555] : memref<11200xf32, #tpu.memory_space<vmem>>[vector<16xi32>], vector<16xf32>,
            %parallel_loop3A_557 = arith.cmpf olt, %parallel_loop3A_556, %parallel_loop3A_528 : vector<16xf32>
            %parallel_loop3A_558 = arith.select %parallel_loop3A_557, %parallel_loop3A_551, %parallel_loop3A_548 : vector<16xi1>, vector<16xi32>
            %parallel_loop3A_559 = arith.constant 16 : i32
            %parallel_loop3A_560 = vector.broadcast %parallel_loop3A_559 : i32 to vector<16xi32>
            %parallel_loop3A_561 = arith.addi %parallel_loop3A_558, %parallel_loop3A_560 : vector<16xi32>
            %parallel_loop3A_562 = arith.addi %parallel_loop3A_536, %parallel_loop3A_561 : vector<16xi32>
            %parallel_loop3A_563 = arith.constant 1 : i32
            %parallel_loop3A_564 = vector.broadcast %parallel_loop3A_563 : i32 to vector<16xi32>
            %parallel_loop3A_565 = arith.subi %parallel_loop3A_562, %parallel_loop3A_564 : vector<16xi32>
            %parallel_loop3A_566 = tpu.vector_load_idx %arg7[%parallel_loop3A_565] : memref<11200xf32, #tpu.memory_space<vmem>>[vector<16xi32>], vector<16xf32>,
            %parallel_loop3A_567 = arith.cmpf olt, %parallel_loop3A_566, %parallel_loop3A_528 : vector<16xf32>
            %parallel_loop3A_568 = arith.select %parallel_loop3A_567, %parallel_loop3A_561, %parallel_loop3A_558 : vector<16xi1>, vector<16xi32>
            %parallel_loop3A_569 = arith.constant 8 : i32
            %parallel_loop3A_570 = vector.broadcast %parallel_loop3A_569 : i32 to vector<16xi32>
            %parallel_loop3A_571 = arith.addi %parallel_loop3A_568, %parallel_loop3A_570 : vector<16xi32>
            %parallel_loop3A_572 = arith.addi %parallel_loop3A_536, %parallel_loop3A_571 : vector<16xi32>
            %parallel_loop3A_573 = arith.constant 1 : i32
            %parallel_loop3A_574 = vector.broadcast %parallel_loop3A_573 : i32 to vector<16xi32>
            %parallel_loop3A_575 = arith.subi %parallel_loop3A_572, %parallel_loop3A_574 : vector<16xi32>
            %parallel_loop3A_576 = tpu.vector_load_idx %arg7[%parallel_loop3A_575] : memref<11200xf32, #tpu.memory_space<vmem>>[vector<16xi32>], vector<16xf32>,
            %parallel_loop3A_577 = arith.cmpf olt, %parallel_loop3A_576, %parallel_loop3A_528 : vector<16xf32>
            %parallel_loop3A_578 = arith.select %parallel_loop3A_577, %parallel_loop3A_571, %parallel_loop3A_568 : vector<16xi1>, vector<16xi32>
            %parallel_loop3A_579 = arith.constant 4 : i32
            %parallel_loop3A_580 = vector.broadcast %parallel_loop3A_579 : i32 to vector<16xi32>
            %parallel_loop3A_581 = arith.addi %parallel_loop3A_578, %parallel_loop3A_580 : vector<16xi32>
            %parallel_loop3A_582 = arith.addi %parallel_loop3A_536, %parallel_loop3A_581 : vector<16xi32>
            %parallel_loop3A_583 = arith.constant 1 : i32
            %parallel_loop3A_584 = vector.broadcast %parallel_loop3A_583 : i32 to vector<16xi32>
            %parallel_loop3A_585 = arith.subi %parallel_loop3A_582, %parallel_loop3A_584 : vector<16xi32>
            %parallel_loop3A_586 = tpu.vector_load_idx %arg7[%parallel_loop3A_585] : memref<11200xf32, #tpu.memory_space<vmem>>[vector<16xi32>], vector<16xf32>,
            %parallel_loop3A_587 = arith.cmpf olt, %parallel_loop3A_586, %parallel_loop3A_528 : vector<16xf32>
            %parallel_loop3A_588 = arith.select %parallel_loop3A_587, %parallel_loop3A_581, %parallel_loop3A_578 : vector<16xi1>, vector<16xi32>
            %parallel_loop3A_589 = arith.constant 2 : i32
            %parallel_loop3A_590 = vector.broadcast %parallel_loop3A_589 : i32 to vector<16xi32>
            %parallel_loop3A_591 = arith.addi %parallel_loop3A_588, %parallel_loop3A_590 : vector<16xi32>
            %parallel_loop3A_592 = arith.addi %parallel_loop3A_536, %parallel_loop3A_591 : vector<16xi32>
            %parallel_loop3A_593 = arith.constant 1 : i32
            %parallel_loop3A_594 = vector.broadcast %parallel_loop3A_593 : i32 to vector<16xi32>
            %parallel_loop3A_595 = arith.subi %parallel_loop3A_592, %parallel_loop3A_594 : vector<16xi32>
            %parallel_loop3A_596 = tpu.vector_load_idx %arg7[%parallel_loop3A_595] : memref<11200xf32, #tpu.memory_space<vmem>>[vector<16xi32>], vector<16xf32>,
            %parallel_loop3A_597 = arith.cmpf olt, %parallel_loop3A_596, %parallel_loop3A_528 : vector<16xf32>
            %parallel_loop3A_598 = arith.select %parallel_loop3A_597, %parallel_loop3A_591, %parallel_loop3A_588 : vector<16xi1>, vector<16xi32>
            %parallel_loop3A_599 = arith.constant 1 : i32
            %parallel_loop3A_600 = vector.broadcast %parallel_loop3A_599 : i32 to vector<16xi32>
            %parallel_loop3A_601 = arith.addi %parallel_loop3A_598, %parallel_loop3A_600 : vector<16xi32>
            %parallel_loop3A_602 = arith.addi %parallel_loop3A_536, %parallel_loop3A_601 : vector<16xi32>
            %parallel_loop3A_603 = arith.constant 1 : i32
            %parallel_loop3A_604 = vector.broadcast %parallel_loop3A_603 : i32 to vector<16xi32>
            %parallel_loop3A_605 = arith.subi %parallel_loop3A_602, %parallel_loop3A_604 : vector<16xi32>
            %parallel_loop3A_606 = tpu.vector_load_idx %arg7[%parallel_loop3A_605] : memref<11200xf32, #tpu.memory_space<vmem>>[vector<16xi32>], vector<16xf32>,
            %parallel_loop3A_607 = arith.cmpf olt, %parallel_loop3A_606, %parallel_loop3A_528 : vector<16xf32>
            %parallel_loop3A_608 = arith.select %parallel_loop3A_607, %parallel_loop3A_601, %parallel_loop3A_598 : vector<16xi1>, vector<16xi32>
            %parallel_loop3A_609 = arith.constant 101 : i32
            %parallel_loop3A_610 = vector.broadcast %parallel_loop3A_609 : i32 to vector<16xi32>
            %parallel_loop3A_611 = arith.muli %parallel_loop3A_533, %parallel_loop3A_610 : vector<16xi32>
            %parallel_loop3A_612 = arith.addi %parallel_loop3A_611, %parallel_loop3A_608 : vector<16xi32>
            %parallel_loop3A_613 = arith.constant 2 : i32
            %parallel_loop3A_614 = arith.divsi %parallel_loop3A_524, %parallel_loop3A_613 : i32
            %parallel_loop3A_615 = arith.constant 0 : i32
            %parallel_loop3A_616 = arith.cmpi sgt, %parallel_loop3A_524, %parallel_loop3A_615 : i32
            %parallel_loop3A_617 = arith.extui %parallel_loop3A_616 : i1 to i32
            %parallel_loop3A_618 = arith.constant 0 : i32
            %parallel_loop3A_619 = arith.cmpi slt, %parallel_loop3A_524, %parallel_loop3A_618 : i32
            %parallel_loop3A_620 = arith.extui %parallel_loop3A_619 : i1 to i32
            %parallel_loop3A_621 = arith.subi %parallel_loop3A_617, %parallel_loop3A_620 : i32
            %parallel_loop3A_622 = arith.constant 0 : i32
            %parallel_loop3A_623 = arith.cmpi sgt, %parallel_loop3A_613, %parallel_loop3A_622 : i32
            %parallel_loop3A_624 = arith.extui %parallel_loop3A_623 : i1 to i32
            %parallel_loop3A_625 = arith.constant 0 : i32
            %parallel_loop3A_626 = arith.cmpi slt, %parallel_loop3A_613, %parallel_loop3A_625 : i32
            %parallel_loop3A_627 = arith.extui %parallel_loop3A_626 : i1 to i32
            %parallel_loop3A_628 = arith.subi %parallel_loop3A_624, %parallel_loop3A_627 : i32
            %parallel_loop3A_629 = arith.cmpi ne, %parallel_loop3A_621, %parallel_loop3A_628 : i32
            %parallel_loop3A_630 = arith.remsi %parallel_loop3A_524, %parallel_loop3A_613 : i32
            %parallel_loop3A_631 = arith.constant 0 : i32
            %parallel_loop3A_632 = arith.cmpi ne, %parallel_loop3A_630, %parallel_loop3A_631 : i32
            %parallel_loop3A_633 = arith.andi %parallel_loop3A_629, %parallel_loop3A_632 : i1
            %parallel_loop3A_634 = arith.constant 1 : i32
            %parallel_loop3A_635 = arith.subi %parallel_loop3A_614, %parallel_loop3A_634 : i32
            %parallel_loop3A_636 = arith.select %parallel_loop3A_633, %parallel_loop3A_635, %parallel_loop3A_614 : i32
            %parallel_loop3A_637 = arith.constant 2 : i32
            %parallel_loop3A_638 = arith.remsi %parallel_loop3A_524, %parallel_loop3A_637 : i32
            %parallel_loop3A_639 = arith.constant 16 : i32
            %parallel_loop3A_640 = arith.muli %parallel_loop3A_638, %parallel_loop3A_639 : i32
            %parallel_loop3A_641 = arith.index_cast %parallel_loop3A_636 : i32 to index
            %parallel_loop3A_642 = arith.index_cast %parallel_loop3A_640 : i32 to index
            %parallel_loop3A_643 = tpu.vector_load %arg9[%parallel_loop3A_641, %parallel_loop3A_642] {strides = array<i32>} : memref<50x32xi32, #tpu.memory_space<vmem>>, vector<16xi32>,
            tpu.vector_store %arg9[%parallel_loop3A_641, %parallel_loop3A_642], %parallel_loop3A_612 {strides = array<i32>} : memref<50x32xi32, #tpu.memory_space<vmem>>, vector<16xi32>,
          } {sc.loop_unroll_factor = 2 : i64, sc.parallel_access}
        } else {
        }
      }
      %scan3A_101 = arith.constant 10 : i32
      %mul3A_102 = arith.constant 2 : i32
      %mul3A_103 = arith.muli %mul3A_102, %scan3A_12 : i32
      %add3A_104 = arith.constant 1 : i32
      %add3A_105 = arith.addi %mul3A_103, %add3A_104 : i32
      %mul3A_106 = arith.constant 1600 : i32
      %mul3A_107 = arith.muli %add3A_105, %mul3A_106 : i32
      %add3A_108 = arith.addi %mul3A_2, %mul3A_107 : i32
      %dma_start3A_109 = arith.constant 0 : i32
      %dma_start3A_110 = arith.constant 0 : i32
      %dma_start3A_111 = arith.constant 0 : i32
      %dma_start3A_112 = arith.constant 0 : i32
      %dma_start3A_113 = arith.constant 0 : i32
      %dma_start3A_114 = tpu.memref_slice %arg10[%dma_start3A_110, %dma_start3A_112, %dma_start3A_113] : memref<5x32x128xf32, #tpu.memory_space<vmem>> -> memref<1x32x128xf32, #tpu.memory_space<vmem>>
      %dma_start3A_115 = tpu.memref_squeeze %dma_start3A_114 : memref<1x32x128xf32, #tpu.memory_space<vmem>> -> memref<32x128xf32, #tpu.memory_space<vmem>>
      %dma_start3A_116 = arith.constant 0 : i32
      %dma_start3A_117 = tpu.memref_slice %arg9[%dma_start3A_109, %dma_start3A_116] : memref<50x32xi32, #tpu.memory_space<vmem>> -> memref<1x32xi32, #tpu.memory_space<vmem>>
      %dma_start3A_118 = tpu.memref_squeeze %dma_start3A_117 : memref<1x32xi32, #tpu.memory_space<vmem>> -> memref<32xi32, #tpu.memory_space<vmem>>
      %dma_start3A_119 = arith.constant 0 : i32
      %dma_start3A_120 = arith.constant 0 : i32
      %dma_start3A_121 = tpu.memref_slice %arg11[%dma_start3A_119, %dma_start3A_120] : memref<10100x128xf32, #tpu.memory_space<vmem_shared>> -> memref<10100x128xf32, #tpu.memory_space<vmem_shared>>
      %dma_start3A_122 = tpu.memref_slice %arg12[%dma_start3A_111] : memref<5x!tpu.dma_semaphore, #tpu.memory_space<semaphore_mem>> -> memref<1x!tpu.dma_semaphore, #tpu.memory_space<semaphore_mem>>
      %dma_start3A_123 = tpu.memref_squeeze %dma_start3A_122 : memref<1x!tpu.dma_semaphore, #tpu.memory_space<semaphore_mem>> -> memref<!tpu.dma_semaphore, #tpu.memory_space<semaphore_mem>>
      tpu.enqueue_indirect_dma source(%dma_start3A_121 : memref<10100x128xf32, #tpu.memory_space<vmem_shared>>) target(%dma_start3A_115 : memref<32x128xf32, #tpu.memory_space<vmem>>) offsets(%dma_start3A_118 : memref<32xi32, #tpu.memory_space<vmem>>) semaphore(%dma_start3A_123 : memref<!tpu.dma_semaphore, #tpu.memory_space<semaphore_mem>>)
      %dma_start3A_124 = arith.constant 1 : i32
      %dma_start3A_125 = arith.constant 1 : i32
      %dma_start3A_126 = arith.constant 1 : i32
      %dma_start3A_127 = arith.constant 0 : i32
      %dma_start3A_128 = arith.constant 0 : i32
      %dma_start3A_129 = tpu.memref_slice %arg10[%dma_start3A_125, %dma_start3A_127, %dma_start3A_128] : memref<5x32x128xf32, #tpu.memory_space<vmem>> -> memref<1x32x128xf32, #tpu.memory_space<vmem>>
      %dma_start3A_130 = tpu.memref_squeeze %dma_start3A_129 : memref<1x32x128xf32, #tpu.memory_space<vmem>> -> memref<32x128xf32, #tpu.memory_space<vmem>>
      %dma_start3A_131 = arith.constant 0 : i32
      %dma_start3A_132 = tpu.memref_slice %arg9[%dma_start3A_124, %dma_start3A_131] : memref<50x32xi32, #tpu.memory_space<vmem>> -> memref<1x32xi32, #tpu.memory_space<vmem>>
      %dma_start3A_133 = tpu.memref_squeeze %dma_start3A_132 : memref<1x32xi32, #tpu.memory_space<vmem>> -> memref<32xi32, #tpu.memory_space<vmem>>
      %dma_start3A_134 = arith.constant 0 : i32
      %dma_start3A_135 = arith.constant 0 : i32
      %dma_start3A_136 = tpu.memref_slice %arg11[%dma_start3A_134, %dma_start3A_135] : memref<10100x128xf32, #tpu.memory_space<vmem_shared>> -> memref<10100x128xf32, #tpu.memory_space<vmem_shared>>
      %dma_start3A_137 = tpu.memref_slice %arg12[%dma_start3A_126] : memref<5x!tpu.dma_semaphore, #tpu.memory_space<semaphore_mem>> -> memref<1x!tpu.dma_semaphore, #tpu.memory_space<semaphore_mem>>
      %dma_start3A_138 = tpu.memref_squeeze %dma_start3A_137 : memref<1x!tpu.dma_semaphore, #tpu.memory_space<semaphore_mem>> -> memref<!tpu.dma_semaphore, #tpu.memory_space<semaphore_mem>>
      tpu.enqueue_indirect_dma source(%dma_start3A_136 : memref<10100x128xf32, #tpu.memory_space<vmem_shared>>) target(%dma_start3A_130 : memref<32x128xf32, #tpu.memory_space<vmem>>) offsets(%dma_start3A_133 : memref<32xi32, #tpu.memory_space<vmem>>) semaphore(%dma_start3A_138 : memref<!tpu.dma_semaphore, #tpu.memory_space<semaphore_mem>>)
      %dma_start3A_139 = arith.constant 2 : i32
      %dma_start3A_140 = arith.constant 2 : i32
      %dma_start3A_141 = arith.constant 2 : i32
      %dma_start3A_142 = arith.constant 0 : i32
      %dma_start3A_143 = arith.constant 0 : i32
      %dma_start3A_144 = tpu.memref_slice %arg10[%dma_start3A_140, %dma_start3A_142, %dma_start3A_143] : memref<5x32x128xf32, #tpu.memory_space<vmem>> -> memref<1x32x128xf32, #tpu.memory_space<vmem>>
      %dma_start3A_145 = tpu.memref_squeeze %dma_start3A_144 : memref<1x32x128xf32, #tpu.memory_space<vmem>> -> memref<32x128xf32, #tpu.memory_space<vmem>>
      %dma_start3A_146 = arith.constant 0 : i32
      %dma_start3A_147 = tpu.memref_slice %arg9[%dma_start3A_139, %dma_start3A_146] : memref<50x32xi32, #tpu.memory_space<vmem>> -> memref<1x32xi32, #tpu.memory_space<vmem>>
      %dma_start3A_148 = tpu.memref_squeeze %dma_start3A_147 : memref<1x32xi32, #tpu.memory_space<vmem>> -> memref<32xi32, #tpu.memory_space<vmem>>
      %dma_start3A_149 = arith.constant 0 : i32
      %dma_start3A_150 = arith.constant 0 : i32
      %dma_start3A_151 = tpu.memref_slice %arg11[%dma_start3A_149, %dma_start3A_150] : memref<10100x128xf32, #tpu.memory_space<vmem_shared>> -> memref<10100x128xf32, #tpu.memory_space<vmem_shared>>
      %dma_start3A_152 = tpu.memref_slice %arg12[%dma_start3A_141] : memref<5x!tpu.dma_semaphore, #tpu.memory_space<semaphore_mem>> -> memref<1x!tpu.dma_semaphore, #tpu.memory_space<semaphore_mem>>
      %dma_start3A_153 = tpu.memref_squeeze %dma_start3A_152 : memref<1x!tpu.dma_semaphore, #tpu.memory_space<semaphore_mem>> -> memref<!tpu.dma_semaphore, #tpu.memory_space<semaphore_mem>>
      tpu.enqueue_indirect_dma source(%dma_start3A_151 : memref<10100x128xf32, #tpu.memory_space<vmem_shared>>) target(%dma_start3A_145 : memref<32x128xf32, #tpu.memory_space<vmem>>) offsets(%dma_start3A_148 : memref<32xi32, #tpu.memory_space<vmem>>) semaphore(%dma_start3A_153 : memref<!tpu.dma_semaphore, #tpu.memory_space<semaphore_mem>>)
      %dma_start3A_154 = arith.constant 3 : i32
      %dma_start3A_155 = arith.constant 3 : i32
      %dma_start3A_156 = arith.constant 3 : i32
      %dma_start3A_157 = arith.constant 0 : i32
      %dma_start3A_158 = arith.constant 0 : i32
      %dma_start3A_159 = tpu.memref_slice %arg10[%dma_start3A_155, %dma_start3A_157, %dma_start3A_158] : memref<5x32x128xf32, #tpu.memory_space<vmem>> -> memref<1x32x128xf32, #tpu.memory_space<vmem>>
      %dma_start3A_160 = tpu.memref_squeeze %dma_start3A_159 : memref<1x32x128xf32, #tpu.memory_space<vmem>> -> memref<32x128xf32, #tpu.memory_space<vmem>>
      %dma_start3A_161 = arith.constant 0 : i32
      %dma_start3A_162 = tpu.memref_slice %arg9[%dma_start3A_154, %dma_start3A_161] : memref<50x32xi32, #tpu.memory_space<vmem>> -> memref<1x32xi32, #tpu.memory_space<vmem>>
      %dma_start3A_163 = tpu.memref_squeeze %dma_start3A_162 : memref<1x32xi32, #tpu.memory_space<vmem>> -> memref<32xi32, #tpu.memory_space<vmem>>
      %dma_start3A_164 = arith.constant 0 : i32
      %dma_start3A_165 = arith.constant 0 : i32
      %dma_start3A_166 = tpu.memref_slice %arg11[%dma_start3A_164, %dma_start3A_165] : memref<10100x128xf32, #tpu.memory_space<vmem_shared>> -> memref<10100x128xf32, #tpu.memory_space<vmem_shared>>
      %dma_start3A_167 = tpu.memref_slice %arg12[%dma_start3A_156] : memref<5x!tpu.dma_semaphore, #tpu.memory_space<semaphore_mem>> -> memref<1x!tpu.dma_semaphore, #tpu.memory_space<semaphore_mem>>
      %dma_start3A_168 = tpu.memref_squeeze %dma_start3A_167 : memref<1x!tpu.dma_semaphore, #tpu.memory_space<semaphore_mem>> -> memref<!tpu.dma_semaphore, #tpu.memory_space<semaphore_mem>>
      tpu.enqueue_indirect_dma source(%dma_start3A_166 : memref<10100x128xf32, #tpu.memory_space<vmem_shared>>) target(%dma_start3A_160 : memref<32x128xf32, #tpu.memory_space<vmem>>) offsets(%dma_start3A_163 : memref<32xi32, #tpu.memory_space<vmem>>) semaphore(%dma_start3A_168 : memref<!tpu.dma_semaphore, #tpu.memory_space<semaphore_mem>>)
      %dma_start3A_169 = arith.constant 4 : i32
      %dma_start3A_170 = arith.constant 4 : i32
      %dma_start3A_171 = arith.constant 4 : i32
      %dma_start3A_172 = arith.constant 0 : i32
      %dma_start3A_173 = arith.constant 0 : i32
      %dma_start3A_174 = tpu.memref_slice %arg10[%dma_start3A_170, %dma_start3A_172, %dma_start3A_173] : memref<5x32x128xf32, #tpu.memory_space<vmem>> -> memref<1x32x128xf32, #tpu.memory_space<vmem>>
      %dma_start3A_175 = tpu.memref_squeeze %dma_start3A_174 : memref<1x32x128xf32, #tpu.memory_space<vmem>> -> memref<32x128xf32, #tpu.memory_space<vmem>>
      %dma_start3A_176 = arith.constant 0 : i32
      %dma_start3A_177 = tpu.memref_slice %arg9[%dma_start3A_169, %dma_start3A_176] : memref<50x32xi32, #tpu.memory_space<vmem>> -> memref<1x32xi32, #tpu.memory_space<vmem>>
      %dma_start3A_178 = tpu.memref_squeeze %dma_start3A_177 : memref<1x32xi32, #tpu.memory_space<vmem>> -> memref<32xi32, #tpu.memory_space<vmem>>
      %dma_start3A_179 = arith.constant 0 : i32
      %dma_start3A_180 = arith.constant 0 : i32
      %dma_start3A_181 = tpu.memref_slice %arg11[%dma_start3A_179, %dma_start3A_180] : memref<10100x128xf32, #tpu.memory_space<vmem_shared>> -> memref<10100x128xf32, #tpu.memory_space<vmem_shared>>
      %dma_start3A_182 = tpu.memref_slice %arg12[%dma_start3A_171] : memref<5x!tpu.dma_semaphore, #tpu.memory_space<semaphore_mem>> -> memref<1x!tpu.dma_semaphore, #tpu.memory_space<semaphore_mem>>
      %dma_start3A_183 = tpu.memref_squeeze %dma_start3A_182 : memref<1x!tpu.dma_semaphore, #tpu.memory_space<semaphore_mem>> -> memref<!tpu.dma_semaphore, #tpu.memory_space<semaphore_mem>>
      tpu.enqueue_indirect_dma source(%dma_start3A_181 : memref<10100x128xf32, #tpu.memory_space<vmem_shared>>) target(%dma_start3A_175 : memref<32x128xf32, #tpu.memory_space<vmem>>) offsets(%dma_start3A_178 : memref<32xi32, #tpu.memory_space<vmem>>) semaphore(%dma_start3A_183 : memref<!tpu.dma_semaphore, #tpu.memory_space<semaphore_mem>>)
      %lt3A_184 = arith.constant 31 : i32
      %lt3A_185 = arith.cmpi slt, %add3A_105, %lt3A_184 : i32
      %convert_element_type3A_186 = arith.extui %lt3A_185 : i1 to i32
      %cond3A_187 = arith.constant 0 : i32
      %cond3A_188 = arith.cmpi ne, %convert_element_type3A_186, %cond3A_187 : i32
      scf.if %cond3A_188 {
        %add3A_195 = arith.constant 1600 : i32
        %add3A_196 = arith.addi %add3A_108, %add3A_195 : i32
        "tpu.region"() ({
          %run_scoped3A = tpu.sem_alloc : memref<!tpu.dma_semaphore, #tpu.memory_space<semaphore_mem>>
          %dma_start3A_197 = tpu.memref_slice %arg2[%add3A_196] : memref<1638400xf32, #tpu.memory_space<hbm>> -> memref<1600xf32, #tpu.memory_space<hbm>>
          %dma_start3A_198 = tpu.memref_slice %arg2[%add3A_196] : memref<1638400xf32, #tpu.memory_space<hbm>> -> memref<1600xf32, #tpu.memory_space<hbm>>
          tpu.enqueue_dma source(%dma_start3A_198 : memref<1600xf32, #tpu.memory_space<hbm>>) target(%arg6 : memref<1600xf32, #tpu.memory_space<vmem>>) target_semaphore(%run_scoped3A : memref<!tpu.dma_semaphore, #tpu.memory_space<semaphore_mem>>)
          %dma_wait3A = tpu.memref_slice %arg2[%add3A_196] : memref<1638400xf32, #tpu.memory_space<hbm>> -> memref<1600xf32, #tpu.memory_space<hbm>>
          %dma_wait3A_199 = tpu.memref_slice %arg2[%add3A_196] : memref<1638400xf32, #tpu.memory_space<hbm>> -> memref<1600xf32, #tpu.memory_space<hbm>>
          tpu.wait_dma2 semaphore(%run_scoped3A : memref<!tpu.dma_semaphore, #tpu.memory_space<semaphore_mem>>) src(%dma_wait3A_199 : memref<1600xf32, #tpu.memory_space<hbm>>) dst(%arg6 : memref<1600xf32, #tpu.memory_space<vmem>>)
          tpu.yield
        }) : () -> ()
      } else {
      }
      %scan3A_189 = arith.constant 0 : i32
      %scan3A_190 = arith.constant 0 : i32
      %scan3A_191 = arith.constant 10 : i32
      %scan3A_192 = arith.addi %scan3A_190, %scan3A_191 : i32
      %scan3A_193 = arith.constant 1 : i32
      scf.for %scan3A_195 = %scan3A_190 to %scan3A_192 step %scan3A_193  : i32 {
        %mul3A_196 = arith.constant 5 : i32
        %mul3A_197 = arith.muli %scan3A_195, %mul3A_196 : i32
        %add3A_198 = arith.constant 0 : i32
        %add3A_199 = arith.addi %mul3A_197, %add3A_198 : i32
        %dma_wait3A = arith.constant 0 : i32
        %dma_wait3A_200 = arith.constant 0 : i32
        %dma_wait3A_201 = arith.constant 0 : i32
        %dma_wait3A_202 = arith.constant 0 : i32
        %dma_wait3A_203 = tpu.memref_slice %arg10[%dma_wait3A, %dma_wait3A_201, %dma_wait3A_202] : memref<5x32x128xf32, #tpu.memory_space<vmem>> -> memref<1x32x128xf32, #tpu.memory_space<vmem>>
        %dma_wait3A_204 = tpu.memref_squeeze %dma_wait3A_203 : memref<1x32x128xf32, #tpu.memory_space<vmem>> -> memref<32x128xf32, #tpu.memory_space<vmem>>
        %dma_wait3A_205 = arith.constant 0 : i32
        %dma_wait3A_206 = tpu.memref_slice %arg9[%add3A_199, %dma_wait3A_205] : memref<50x32xi32, #tpu.memory_space<vmem>> -> memref<1x32xi32, #tpu.memory_space<vmem>>
        %dma_wait3A_207 = tpu.memref_squeeze %dma_wait3A_206 : memref<1x32xi32, #tpu.memory_space<vmem>> -> memref<32xi32, #tpu.memory_space<vmem>>
        %dma_wait3A_208 = arith.constant 0 : i32
        %dma_wait3A_209 = arith.constant 0 : i32
        %dma_wait3A_210 = tpu.memref_slice %arg11[%dma_wait3A_208, %dma_wait3A_209] : memref<10100x128xf32, #tpu.memory_space<vmem_shared>> -> memref<10100x128xf32, #tpu.memory_space<vmem_shared>>
        %dma_wait3A_211 = tpu.memref_slice %arg12[%dma_wait3A_200] : memref<5x!tpu.dma_semaphore, #tpu.memory_space<semaphore_mem>> -> memref<1x!tpu.dma_semaphore, #tpu.memory_space<semaphore_mem>>
        %dma_wait3A_212 = tpu.memref_squeeze %dma_wait3A_211 : memref<1x!tpu.dma_semaphore, #tpu.memory_space<semaphore_mem>> -> memref<!tpu.dma_semaphore, #tpu.memory_space<semaphore_mem>>
        tpu.wait_indirect_dma semaphore(%dma_wait3A_212 : memref<!tpu.dma_semaphore, #tpu.memory_space<semaphore_mem>>) src(%dma_wait3A_210 : memref<10100x128xf32, #tpu.memory_space<vmem_shared>>) dst(%dma_wait3A_204 : memref<32x128xf32, #tpu.memory_space<vmem>>)
        %add3A_213 = arith.constant 0 : i32
        %add3A_214 = arith.addi %mul3A_197, %add3A_213 : i32
        %mul3A_215 = arith.constant 32 : i32
        %mul3A_216 = arith.muli %add3A_214, %mul3A_215 : i32
        %add3A_217 = arith.addi %add3A_108, %mul3A_216 : i32
        %dma_start3A_218 = arith.constant 0 : i32
        %dma_start3A_219 = arith.constant 0 : i32
        %dma_start3A_220 = arith.constant 0 : i32
        %dma_start3A_221 = arith.constant 0 : i32
        %dma_start3A_222 = tpu.memref_slice %arg10[%dma_start3A_218, %dma_start3A_220, %dma_start3A_221] : memref<5x32x128xf32, #tpu.memory_space<vmem>> -> memref<1x32x128xf32, #tpu.memory_space<vmem>>
        %dma_start3A_223 = tpu.memref_squeeze %dma_start3A_222 : memref<1x32x128xf32, #tpu.memory_space<vmem>> -> memref<32x128xf32, #tpu.memory_space<vmem>>
        %dma_start3A_224 = arith.constant 0 : i32
        %dma_start3A_225 = tpu.memref_slice %arg5[%add3A_217, %dma_start3A_224] : memref<1638400x128xf32, #tpu.memory_space<hbm>> -> memref<32x128xf32, #tpu.memory_space<hbm>>
        %dma_start3A_226 = tpu.memref_slice %arg13[%dma_start3A_219] : memref<5x!tpu.dma_semaphore, #tpu.memory_space<semaphore_mem>> -> memref<1x!tpu.dma_semaphore, #tpu.memory_space<semaphore_mem>>
        %dma_start3A_227 = tpu.memref_squeeze %dma_start3A_226 : memref<1x!tpu.dma_semaphore, #tpu.memory_space<semaphore_mem>> -> memref<!tpu.dma_semaphore, #tpu.memory_space<semaphore_mem>>
        %dma_start3A_228 = arith.constant 0 : i32
        %dma_start3A_229 = tpu.memref_slice %arg5[%add3A_217, %dma_start3A_228] : memref<1638400x128xf32, #tpu.memory_space<hbm>> -> memref<32x128xf32, #tpu.memory_space<hbm>>
        %dma_start3A_230 = arith.constant 0 : i32
        %dma_start3A_231 = arith.constant 0 : i32
        %dma_start3A_232 = tpu.memref_slice %arg10[%dma_start3A_218, %dma_start3A_230, %dma_start3A_231] : memref<5x32x128xf32, #tpu.memory_space<vmem>> -> memref<1x32x128xf32, #tpu.memory_space<vmem>>
        %dma_start3A_233 = tpu.memref_squeeze %dma_start3A_232 : memref<1x32x128xf32, #tpu.memory_space<vmem>> -> memref<32x128xf32, #tpu.memory_space<vmem>>
        tpu.enqueue_dma source(%dma_start3A_233 : memref<32x128xf32, #tpu.memory_space<vmem>>) target(%dma_start3A_229 : memref<32x128xf32, #tpu.memory_space<hbm>>) target_semaphore(%dma_start3A_227 : memref<!tpu.dma_semaphore, #tpu.memory_space<semaphore_mem>>)
        %add3A_234 = arith.constant 1 : i32
        %add3A_235 = arith.addi %mul3A_197, %add3A_234 : i32
        %dma_wait3A_236 = arith.constant 1 : i32
        %dma_wait3A_237 = arith.constant 1 : i32
        %dma_wait3A_238 = arith.constant 0 : i32
        %dma_wait3A_239 = arith.constant 0 : i32
        %dma_wait3A_240 = tpu.memref_slice %arg10[%dma_wait3A_236, %dma_wait3A_238, %dma_wait3A_239] : memref<5x32x128xf32, #tpu.memory_space<vmem>> -> memref<1x32x128xf32, #tpu.memory_space<vmem>>
        %dma_wait3A_241 = tpu.memref_squeeze %dma_wait3A_240 : memref<1x32x128xf32, #tpu.memory_space<vmem>> -> memref<32x128xf32, #tpu.memory_space<vmem>>
        %dma_wait3A_242 = arith.constant 0 : i32
        %dma_wait3A_243 = tpu.memref_slice %arg9[%add3A_235, %dma_wait3A_242] : memref<50x32xi32, #tpu.memory_space<vmem>> -> memref<1x32xi32, #tpu.memory_space<vmem>>
        %dma_wait3A_244 = tpu.memref_squeeze %dma_wait3A_243 : memref<1x32xi32, #tpu.memory_space<vmem>> -> memref<32xi32, #tpu.memory_space<vmem>>
        %dma_wait3A_245 = arith.constant 0 : i32
        %dma_wait3A_246 = arith.constant 0 : i32
        %dma_wait3A_247 = tpu.memref_slice %arg11[%dma_wait3A_245, %dma_wait3A_246] : memref<10100x128xf32, #tpu.memory_space<vmem_shared>> -> memref<10100x128xf32, #tpu.memory_space<vmem_shared>>
        %dma_wait3A_248 = tpu.memref_slice %arg12[%dma_wait3A_237] : memref<5x!tpu.dma_semaphore, #tpu.memory_space<semaphore_mem>> -> memref<1x!tpu.dma_semaphore, #tpu.memory_space<semaphore_mem>>
        %dma_wait3A_249 = tpu.memref_squeeze %dma_wait3A_248 : memref<1x!tpu.dma_semaphore, #tpu.memory_space<semaphore_mem>> -> memref<!tpu.dma_semaphore, #tpu.memory_space<semaphore_mem>>
        tpu.wait_indirect_dma semaphore(%dma_wait3A_249 : memref<!tpu.dma_semaphore, #tpu.memory_space<semaphore_mem>>) src(%dma_wait3A_247 : memref<10100x128xf32, #tpu.memory_space<vmem_shared>>) dst(%dma_wait3A_241 : memref<32x128xf32, #tpu.memory_space<vmem>>)
        %add3A_250 = arith.constant 1 : i32
        %add3A_251 = arith.addi %mul3A_197, %add3A_250 : i32
        %mul3A_252 = arith.constant 32 : i32
        %mul3A_253 = arith.muli %add3A_251, %mul3A_252 : i32
        %add3A_254 = arith.addi %add3A_108, %mul3A_253 : i32
        %dma_start3A_255 = arith.constant 1 : i32
        %dma_start3A_256 = arith.constant 1 : i32
        %dma_start3A_257 = arith.constant 0 : i32
        %dma_start3A_258 = arith.constant 0 : i32
        %dma_start3A_259 = tpu.memref_slice %arg10[%dma_start3A_255, %dma_start3A_257, %dma_start3A_258] : memref<5x32x128xf32, #tpu.memory_space<vmem>> -> memref<1x32x128xf32, #tpu.memory_space<vmem>>
        %dma_start3A_260 = tpu.memref_squeeze %dma_start3A_259 : memref<1x32x128xf32, #tpu.memory_space<vmem>> -> memref<32x128xf32, #tpu.memory_space<vmem>>
        %dma_start3A_261 = arith.constant 0 : i32
        %dma_start3A_262 = tpu.memref_slice %arg5[%add3A_254, %dma_start3A_261] : memref<1638400x128xf32, #tpu.memory_space<hbm>> -> memref<32x128xf32, #tpu.memory_space<hbm>>
        %dma_start3A_263 = tpu.memref_slice %arg13[%dma_start3A_256] : memref<5x!tpu.dma_semaphore, #tpu.memory_space<semaphore_mem>> -> memref<1x!tpu.dma_semaphore, #tpu.memory_space<semaphore_mem>>
        %dma_start3A_264 = tpu.memref_squeeze %dma_start3A_263 : memref<1x!tpu.dma_semaphore, #tpu.memory_space<semaphore_mem>> -> memref<!tpu.dma_semaphore, #tpu.memory_space<semaphore_mem>>
        %dma_start3A_265 = arith.constant 0 : i32
        %dma_start3A_266 = tpu.memref_slice %arg5[%add3A_254, %dma_start3A_265] : memref<1638400x128xf32, #tpu.memory_space<hbm>> -> memref<32x128xf32, #tpu.memory_space<hbm>>
        %dma_start3A_267 = arith.constant 0 : i32
        %dma_start3A_268 = arith.constant 0 : i32
        %dma_start3A_269 = tpu.memref_slice %arg10[%dma_start3A_255, %dma_start3A_267, %dma_start3A_268] : memref<5x32x128xf32, #tpu.memory_space<vmem>> -> memref<1x32x128xf32, #tpu.memory_space<vmem>>
        %dma_start3A_270 = tpu.memref_squeeze %dma_start3A_269 : memref<1x32x128xf32, #tpu.memory_space<vmem>> -> memref<32x128xf32, #tpu.memory_space<vmem>>
        tpu.enqueue_dma source(%dma_start3A_270 : memref<32x128xf32, #tpu.memory_space<vmem>>) target(%dma_start3A_266 : memref<32x128xf32, #tpu.memory_space<hbm>>) target_semaphore(%dma_start3A_264 : memref<!tpu.dma_semaphore, #tpu.memory_space<semaphore_mem>>)
        %add3A_271 = arith.constant 2 : i32
        %add3A_272 = arith.addi %mul3A_197, %add3A_271 : i32
        %dma_wait3A_273 = arith.constant 2 : i32
        %dma_wait3A_274 = arith.constant 2 : i32
        %dma_wait3A_275 = arith.constant 0 : i32
        %dma_wait3A_276 = arith.constant 0 : i32
        %dma_wait3A_277 = tpu.memref_slice %arg10[%dma_wait3A_273, %dma_wait3A_275, %dma_wait3A_276] : memref<5x32x128xf32, #tpu.memory_space<vmem>> -> memref<1x32x128xf32, #tpu.memory_space<vmem>>
        %dma_wait3A_278 = tpu.memref_squeeze %dma_wait3A_277 : memref<1x32x128xf32, #tpu.memory_space<vmem>> -> memref<32x128xf32, #tpu.memory_space<vmem>>
        %dma_wait3A_279 = arith.constant 0 : i32
        %dma_wait3A_280 = tpu.memref_slice %arg9[%add3A_272, %dma_wait3A_279] : memref<50x32xi32, #tpu.memory_space<vmem>> -> memref<1x32xi32, #tpu.memory_space<vmem>>
        %dma_wait3A_281 = tpu.memref_squeeze %dma_wait3A_280 : memref<1x32xi32, #tpu.memory_space<vmem>> -> memref<32xi32, #tpu.memory_space<vmem>>
        %dma_wait3A_282 = arith.constant 0 : i32
        %dma_wait3A_283 = arith.constant 0 : i32
        %dma_wait3A_284 = tpu.memref_slice %arg11[%dma_wait3A_282, %dma_wait3A_283] : memref<10100x128xf32, #tpu.memory_space<vmem_shared>> -> memref<10100x128xf32, #tpu.memory_space<vmem_shared>>
        %dma_wait3A_285 = tpu.memref_slice %arg12[%dma_wait3A_274] : memref<5x!tpu.dma_semaphore, #tpu.memory_space<semaphore_mem>> -> memref<1x!tpu.dma_semaphore, #tpu.memory_space<semaphore_mem>>
        %dma_wait3A_286 = tpu.memref_squeeze %dma_wait3A_285 : memref<1x!tpu.dma_semaphore, #tpu.memory_space<semaphore_mem>> -> memref<!tpu.dma_semaphore, #tpu.memory_space<semaphore_mem>>
        tpu.wait_indirect_dma semaphore(%dma_wait3A_286 : memref<!tpu.dma_semaphore, #tpu.memory_space<semaphore_mem>>) src(%dma_wait3A_284 : memref<10100x128xf32, #tpu.memory_space<vmem_shared>>) dst(%dma_wait3A_278 : memref<32x128xf32, #tpu.memory_space<vmem>>)
        %add3A_287 = arith.constant 2 : i32
        %add3A_288 = arith.addi %mul3A_197, %add3A_287 : i32
        %mul3A_289 = arith.constant 32 : i32
        %mul3A_290 = arith.muli %add3A_288, %mul3A_289 : i32
        %add3A_291 = arith.addi %add3A_108, %mul3A_290 : i32
        %dma_start3A_292 = arith.constant 2 : i32
        %dma_start3A_293 = arith.constant 2 : i32
        %dma_start3A_294 = arith.constant 0 : i32
        %dma_start3A_295 = arith.constant 0 : i32
        %dma_start3A_296 = tpu.memref_slice %arg10[%dma_start3A_292, %dma_start3A_294, %dma_start3A_295] : memref<5x32x128xf32, #tpu.memory_space<vmem>> -> memref<1x32x128xf32, #tpu.memory_space<vmem>>
        %dma_start3A_297 = tpu.memref_squeeze %dma_start3A_296 : memref<1x32x128xf32, #tpu.memory_space<vmem>> -> memref<32x128xf32, #tpu.memory_space<vmem>>
        %dma_start3A_298 = arith.constant 0 : i32
        %dma_start3A_299 = tpu.memref_slice %arg5[%add3A_291, %dma_start3A_298] : memref<1638400x128xf32, #tpu.memory_space<hbm>> -> memref<32x128xf32, #tpu.memory_space<hbm>>
        %dma_start3A_300 = tpu.memref_slice %arg13[%dma_start3A_293] : memref<5x!tpu.dma_semaphore, #tpu.memory_space<semaphore_mem>> -> memref<1x!tpu.dma_semaphore, #tpu.memory_space<semaphore_mem>>
        %dma_start3A_301 = tpu.memref_squeeze %dma_start3A_300 : memref<1x!tpu.dma_semaphore, #tpu.memory_space<semaphore_mem>> -> memref<!tpu.dma_semaphore, #tpu.memory_space<semaphore_mem>>
        %dma_start3A_302 = arith.constant 0 : i32
        %dma_start3A_303 = tpu.memref_slice %arg5[%add3A_291, %dma_start3A_302] : memref<1638400x128xf32, #tpu.memory_space<hbm>> -> memref<32x128xf32, #tpu.memory_space<hbm>>
        %dma_start3A_304 = arith.constant 0 : i32
        %dma_start3A_305 = arith.constant 0 : i32
        %dma_start3A_306 = tpu.memref_slice %arg10[%dma_start3A_292, %dma_start3A_304, %dma_start3A_305] : memref<5x32x128xf32, #tpu.memory_space<vmem>> -> memref<1x32x128xf32, #tpu.memory_space<vmem>>
        %dma_start3A_307 = tpu.memref_squeeze %dma_start3A_306 : memref<1x32x128xf32, #tpu.memory_space<vmem>> -> memref<32x128xf32, #tpu.memory_space<vmem>>
        tpu.enqueue_dma source(%dma_start3A_307 : memref<32x128xf32, #tpu.memory_space<vmem>>) target(%dma_start3A_303 : memref<32x128xf32, #tpu.memory_space<hbm>>) target_semaphore(%dma_start3A_301 : memref<!tpu.dma_semaphore, #tpu.memory_space<semaphore_mem>>)
        %add3A_308 = arith.constant 3 : i32
        %add3A_309 = arith.addi %mul3A_197, %add3A_308 : i32
        %dma_wait3A_310 = arith.constant 3 : i32
        %dma_wait3A_311 = arith.constant 3 : i32
        %dma_wait3A_312 = arith.constant 0 : i32
        %dma_wait3A_313 = arith.constant 0 : i32
        %dma_wait3A_314 = tpu.memref_slice %arg10[%dma_wait3A_310, %dma_wait3A_312, %dma_wait3A_313] : memref<5x32x128xf32, #tpu.memory_space<vmem>> -> memref<1x32x128xf32, #tpu.memory_space<vmem>>
        %dma_wait3A_315 = tpu.memref_squeeze %dma_wait3A_314 : memref<1x32x128xf32, #tpu.memory_space<vmem>> -> memref<32x128xf32, #tpu.memory_space<vmem>>
        %dma_wait3A_316 = arith.constant 0 : i32
        %dma_wait3A_317 = tpu.memref_slice %arg9[%add3A_309, %dma_wait3A_316] : memref<50x32xi32, #tpu.memory_space<vmem>> -> memref<1x32xi32, #tpu.memory_space<vmem>>
        %dma_wait3A_318 = tpu.memref_squeeze %dma_wait3A_317 : memref<1x32xi32, #tpu.memory_space<vmem>> -> memref<32xi32, #tpu.memory_space<vmem>>
        %dma_wait3A_319 = arith.constant 0 : i32
        %dma_wait3A_320 = arith.constant 0 : i32
        %dma_wait3A_321 = tpu.memref_slice %arg11[%dma_wait3A_319, %dma_wait3A_320] : memref<10100x128xf32, #tpu.memory_space<vmem_shared>> -> memref<10100x128xf32, #tpu.memory_space<vmem_shared>>
        %dma_wait3A_322 = tpu.memref_slice %arg12[%dma_wait3A_311] : memref<5x!tpu.dma_semaphore, #tpu.memory_space<semaphore_mem>> -> memref<1x!tpu.dma_semaphore, #tpu.memory_space<semaphore_mem>>
        %dma_wait3A_323 = tpu.memref_squeeze %dma_wait3A_322 : memref<1x!tpu.dma_semaphore, #tpu.memory_space<semaphore_mem>> -> memref<!tpu.dma_semaphore, #tpu.memory_space<semaphore_mem>>
        tpu.wait_indirect_dma semaphore(%dma_wait3A_323 : memref<!tpu.dma_semaphore, #tpu.memory_space<semaphore_mem>>) src(%dma_wait3A_321 : memref<10100x128xf32, #tpu.memory_space<vmem_shared>>) dst(%dma_wait3A_315 : memref<32x128xf32, #tpu.memory_space<vmem>>)
        %add3A_324 = arith.constant 3 : i32
        %add3A_325 = arith.addi %mul3A_197, %add3A_324 : i32
        %mul3A_326 = arith.constant 32 : i32
        %mul3A_327 = arith.muli %add3A_325, %mul3A_326 : i32
        %add3A_328 = arith.addi %add3A_108, %mul3A_327 : i32
        %dma_start3A_329 = arith.constant 3 : i32
        %dma_start3A_330 = arith.constant 3 : i32
        %dma_start3A_331 = arith.constant 0 : i32
        %dma_start3A_332 = arith.constant 0 : i32
        %dma_start3A_333 = tpu.memref_slice %arg10[%dma_start3A_329, %dma_start3A_331, %dma_start3A_332] : memref<5x32x128xf32, #tpu.memory_space<vmem>> -> memref<1x32x128xf32, #tpu.memory_space<vmem>>
        %dma_start3A_334 = tpu.memref_squeeze %dma_start3A_333 : memref<1x32x128xf32, #tpu.memory_space<vmem>> -> memref<32x128xf32, #tpu.memory_space<vmem>>
        %dma_start3A_335 = arith.constant 0 : i32
        %dma_start3A_336 = tpu.memref_slice %arg5[%add3A_328, %dma_start3A_335] : memref<1638400x128xf32, #tpu.memory_space<hbm>> -> memref<32x128xf32, #tpu.memory_space<hbm>>
        %dma_start3A_337 = tpu.memref_slice %arg13[%dma_start3A_330] : memref<5x!tpu.dma_semaphore, #tpu.memory_space<semaphore_mem>> -> memref<1x!tpu.dma_semaphore, #tpu.memory_space<semaphore_mem>>
        %dma_start3A_338 = tpu.memref_squeeze %dma_start3A_337 : memref<1x!tpu.dma_semaphore, #tpu.memory_space<semaphore_mem>> -> memref<!tpu.dma_semaphore, #tpu.memory_space<semaphore_mem>>
        %dma_start3A_339 = arith.constant 0 : i32
        %dma_start3A_340 = tpu.memref_slice %arg5[%add3A_328, %dma_start3A_339] : memref<1638400x128xf32, #tpu.memory_space<hbm>> -> memref<32x128xf32, #tpu.memory_space<hbm>>
        %dma_start3A_341 = arith.constant 0 : i32
        %dma_start3A_342 = arith.constant 0 : i32
        %dma_start3A_343 = tpu.memref_slice %arg10[%dma_start3A_329, %dma_start3A_341, %dma_start3A_342] : memref<5x32x128xf32, #tpu.memory_space<vmem>> -> memref<1x32x128xf32, #tpu.memory_space<vmem>>
        %dma_start3A_344 = tpu.memref_squeeze %dma_start3A_343 : memref<1x32x128xf32, #tpu.memory_space<vmem>> -> memref<32x128xf32, #tpu.memory_space<vmem>>
        tpu.enqueue_dma source(%dma_start3A_344 : memref<32x128xf32, #tpu.memory_space<vmem>>) target(%dma_start3A_340 : memref<32x128xf32, #tpu.memory_space<hbm>>) target_semaphore(%dma_start3A_338 : memref<!tpu.dma_semaphore, #tpu.memory_space<semaphore_mem>>)
        %add3A_345 = arith.constant 4 : i32
        %add3A_346 = arith.addi %mul3A_197, %add3A_345 : i32
        %dma_wait3A_347 = arith.constant 4 : i32
        %dma_wait3A_348 = arith.constant 4 : i32
        %dma_wait3A_349 = arith.constant 0 : i32
        %dma_wait3A_350 = arith.constant 0 : i32
        %dma_wait3A_351 = tpu.memref_slice %arg10[%dma_wait3A_347, %dma_wait3A_349, %dma_wait3A_350] : memref<5x32x128xf32, #tpu.memory_space<vmem>> -> memref<1x32x128xf32, #tpu.memory_space<vmem>>
        %dma_wait3A_352 = tpu.memref_squeeze %dma_wait3A_351 : memref<1x32x128xf32, #tpu.memory_space<vmem>> -> memref<32x128xf32, #tpu.memory_space<vmem>>
        %dma_wait3A_353 = arith.constant 0 : i32
        %dma_wait3A_354 = tpu.memref_slice %arg9[%add3A_346, %dma_wait3A_353] : memref<50x32xi32, #tpu.memory_space<vmem>> -> memref<1x32xi32, #tpu.memory_space<vmem>>
        %dma_wait3A_355 = tpu.memref_squeeze %dma_wait3A_354 : memref<1x32xi32, #tpu.memory_space<vmem>> -> memref<32xi32, #tpu.memory_space<vmem>>
        %dma_wait3A_356 = arith.constant 0 : i32
        %dma_wait3A_357 = arith.constant 0 : i32
        %dma_wait3A_358 = tpu.memref_slice %arg11[%dma_wait3A_356, %dma_wait3A_357] : memref<10100x128xf32, #tpu.memory_space<vmem_shared>> -> memref<10100x128xf32, #tpu.memory_space<vmem_shared>>
        %dma_wait3A_359 = tpu.memref_slice %arg12[%dma_wait3A_348] : memref<5x!tpu.dma_semaphore, #tpu.memory_space<semaphore_mem>> -> memref<1x!tpu.dma_semaphore, #tpu.memory_space<semaphore_mem>>
        %dma_wait3A_360 = tpu.memref_squeeze %dma_wait3A_359 : memref<1x!tpu.dma_semaphore, #tpu.memory_space<semaphore_mem>> -> memref<!tpu.dma_semaphore, #tpu.memory_space<semaphore_mem>>
        tpu.wait_indirect_dma semaphore(%dma_wait3A_360 : memref<!tpu.dma_semaphore, #tpu.memory_space<semaphore_mem>>) src(%dma_wait3A_358 : memref<10100x128xf32, #tpu.memory_space<vmem_shared>>) dst(%dma_wait3A_352 : memref<32x128xf32, #tpu.memory_space<vmem>>)
        %add3A_361 = arith.constant 4 : i32
        %add3A_362 = arith.addi %mul3A_197, %add3A_361 : i32
        %mul3A_363 = arith.constant 32 : i32
        %mul3A_364 = arith.muli %add3A_362, %mul3A_363 : i32
        %add3A_365 = arith.addi %add3A_108, %mul3A_364 : i32
        %dma_start3A_366 = arith.constant 4 : i32
        %dma_start3A_367 = arith.constant 4 : i32
        %dma_start3A_368 = arith.constant 0 : i32
        %dma_start3A_369 = arith.constant 0 : i32
        %dma_start3A_370 = tpu.memref_slice %arg10[%dma_start3A_366, %dma_start3A_368, %dma_start3A_369] : memref<5x32x128xf32, #tpu.memory_space<vmem>> -> memref<1x32x128xf32, #tpu.memory_space<vmem>>
        %dma_start3A_371 = tpu.memref_squeeze %dma_start3A_370 : memref<1x32x128xf32, #tpu.memory_space<vmem>> -> memref<32x128xf32, #tpu.memory_space<vmem>>
        %dma_start3A_372 = arith.constant 0 : i32
        %dma_start3A_373 = tpu.memref_slice %arg5[%add3A_365, %dma_start3A_372] : memref<1638400x128xf32, #tpu.memory_space<hbm>> -> memref<32x128xf32, #tpu.memory_space<hbm>>
        %dma_start3A_374 = tpu.memref_slice %arg13[%dma_start3A_367] : memref<5x!tpu.dma_semaphore, #tpu.memory_space<semaphore_mem>> -> memref<1x!tpu.dma_semaphore, #tpu.memory_space<semaphore_mem>>
        %dma_start3A_375 = tpu.memref_squeeze %dma_start3A_374 : memref<1x!tpu.dma_semaphore, #tpu.memory_space<semaphore_mem>> -> memref<!tpu.dma_semaphore, #tpu.memory_space<semaphore_mem>>
        %dma_start3A_376 = arith.constant 0 : i32
        %dma_start3A_377 = tpu.memref_slice %arg5[%add3A_365, %dma_start3A_376] : memref<1638400x128xf32, #tpu.memory_space<hbm>> -> memref<32x128xf32, #tpu.memory_space<hbm>>
        %dma_start3A_378 = arith.constant 0 : i32
        %dma_start3A_379 = arith.constant 0 : i32
        %dma_start3A_380 = tpu.memref_slice %arg10[%dma_start3A_366, %dma_start3A_378, %dma_start3A_379] : memref<5x32x128xf32, #tpu.memory_space<vmem>> -> memref<1x32x128xf32, #tpu.memory_space<vmem>>
        %dma_start3A_381 = tpu.memref_squeeze %dma_start3A_380 : memref<1x32x128xf32, #tpu.memory_space<vmem>> -> memref<32x128xf32, #tpu.memory_space<vmem>>
        tpu.enqueue_dma source(%dma_start3A_381 : memref<32x128xf32, #tpu.memory_space<vmem>>) target(%dma_start3A_377 : memref<32x128xf32, #tpu.memory_space<hbm>>) target_semaphore(%dma_start3A_375 : memref<!tpu.dma_semaphore, #tpu.memory_space<semaphore_mem>>)
        %add3A_382 = arith.constant 0 : i32
        %add3A_383 = arith.addi %mul3A_197, %add3A_382 : i32
        %mul3A_384 = arith.constant 32 : i32
        %mul3A_385 = arith.muli %add3A_383, %mul3A_384 : i32
        %add3A_386 = arith.addi %add3A_108, %mul3A_385 : i32
        %dma_wait3A_387 = arith.constant 0 : i32
        %dma_wait3A_388 = arith.constant 0 : i32
        %dma_wait3A_389 = arith.constant 0 : i32
        %dma_wait3A_390 = arith.constant 0 : i32
        %dma_wait3A_391 = tpu.memref_slice %arg10[%dma_wait3A_387, %dma_wait3A_389, %dma_wait3A_390] : memref<5x32x128xf32, #tpu.memory_space<vmem>> -> memref<1x32x128xf32, #tpu.memory_space<vmem>>
        %dma_wait3A_392 = tpu.memref_squeeze %dma_wait3A_391 : memref<1x32x128xf32, #tpu.memory_space<vmem>> -> memref<32x128xf32, #tpu.memory_space<vmem>>
        %dma_wait3A_393 = arith.constant 0 : i32
        %dma_wait3A_394 = tpu.memref_slice %arg5[%add3A_386, %dma_wait3A_393] : memref<1638400x128xf32, #tpu.memory_space<hbm>> -> memref<32x128xf32, #tpu.memory_space<hbm>>
        %dma_wait3A_395 = tpu.memref_slice %arg13[%dma_wait3A_388] : memref<5x!tpu.dma_semaphore, #tpu.memory_space<semaphore_mem>> -> memref<1x!tpu.dma_semaphore, #tpu.memory_space<semaphore_mem>>
        %dma_wait3A_396 = tpu.memref_squeeze %dma_wait3A_395 : memref<1x!tpu.dma_semaphore, #tpu.memory_space<semaphore_mem>> -> memref<!tpu.dma_semaphore, #tpu.memory_space<semaphore_mem>>
        %dma_wait3A_397 = arith.constant 0 : i32
        %dma_wait3A_398 = tpu.memref_slice %arg5[%add3A_386, %dma_wait3A_397] : memref<1638400x128xf32, #tpu.memory_space<hbm>> -> memref<32x128xf32, #tpu.memory_space<hbm>>
        %dma_wait3A_399 = arith.constant 0 : i32
        %dma_wait3A_400 = arith.constant 0 : i32
        %dma_wait3A_401 = tpu.memref_slice %arg10[%dma_wait3A_387, %dma_wait3A_399, %dma_wait3A_400] : memref<5x32x128xf32, #tpu.memory_space<vmem>> -> memref<1x32x128xf32, #tpu.memory_space<vmem>>
        %dma_wait3A_402 = tpu.memref_squeeze %dma_wait3A_401 : memref<1x32x128xf32, #tpu.memory_space<vmem>> -> memref<32x128xf32, #tpu.memory_space<vmem>>
        tpu.wait_dma2 semaphore(%dma_wait3A_396 : memref<!tpu.dma_semaphore, #tpu.memory_space<semaphore_mem>>) src(%dma_wait3A_402 : memref<32x128xf32, #tpu.memory_space<vmem>>) dst(%dma_wait3A_398 : memref<32x128xf32, #tpu.memory_space<hbm>>)
        %lt3A_403 = arith.constant 9 : i32
        %lt3A_404 = arith.cmpi slt, %scan3A_195, %lt3A_403 : i32
        %convert_element_type3A_405 = arith.extui %lt3A_404 : i1 to i32
        %cond3A_406 = arith.constant 0 : i32
        %cond3A_407 = arith.cmpi ne, %convert_element_type3A_405, %cond3A_406 : i32
        scf.if %cond3A_407 {
          %add3A_517 = arith.constant 5 : i32
          %add3A_518 = arith.addi %mul3A_197, %add3A_517 : i32
          %add3A_519 = arith.constant 0 : i32
          %add3A_520 = arith.addi %add3A_518, %add3A_519 : i32
          %dma_start3A_521 = arith.constant 0 : i32
          %dma_start3A_522 = arith.constant 0 : i32
          %dma_start3A_523 = arith.constant 0 : i32
          %dma_start3A_524 = arith.constant 0 : i32
          %dma_start3A_525 = tpu.memref_slice %arg10[%dma_start3A_521, %dma_start3A_523, %dma_start3A_524] : memref<5x32x128xf32, #tpu.memory_space<vmem>> -> memref<1x32x128xf32, #tpu.memory_space<vmem>>
          %dma_start3A_526 = tpu.memref_squeeze %dma_start3A_525 : memref<1x32x128xf32, #tpu.memory_space<vmem>> -> memref<32x128xf32, #tpu.memory_space<vmem>>
          %dma_start3A_527 = arith.constant 0 : i32
          %dma_start3A_528 = tpu.memref_slice %arg9[%add3A_520, %dma_start3A_527] : memref<50x32xi32, #tpu.memory_space<vmem>> -> memref<1x32xi32, #tpu.memory_space<vmem>>
          %dma_start3A_529 = tpu.memref_squeeze %dma_start3A_528 : memref<1x32xi32, #tpu.memory_space<vmem>> -> memref<32xi32, #tpu.memory_space<vmem>>
          %dma_start3A_530 = arith.constant 0 : i32
          %dma_start3A_531 = arith.constant 0 : i32
          %dma_start3A_532 = tpu.memref_slice %arg11[%dma_start3A_530, %dma_start3A_531] : memref<10100x128xf32, #tpu.memory_space<vmem_shared>> -> memref<10100x128xf32, #tpu.memory_space<vmem_shared>>
          %dma_start3A_533 = tpu.memref_slice %arg12[%dma_start3A_522] : memref<5x!tpu.dma_semaphore, #tpu.memory_space<semaphore_mem>> -> memref<1x!tpu.dma_semaphore, #tpu.memory_space<semaphore_mem>>
          %dma_start3A_534 = tpu.memref_squeeze %dma_start3A_533 : memref<1x!tpu.dma_semaphore, #tpu.memory_space<semaphore_mem>> -> memref<!tpu.dma_semaphore, #tpu.memory_space<semaphore_mem>>
          tpu.enqueue_indirect_dma source(%dma_start3A_532 : memref<10100x128xf32, #tpu.memory_space<vmem_shared>>) target(%dma_start3A_526 : memref<32x128xf32, #tpu.memory_space<vmem>>) offsets(%dma_start3A_529 : memref<32xi32, #tpu.memory_space<vmem>>) semaphore(%dma_start3A_534 : memref<!tpu.dma_semaphore, #tpu.memory_space<semaphore_mem>>)
        } else {
        }
        %add3A_408 = arith.constant 1 : i32
        %add3A_409 = arith.addi %mul3A_197, %add3A_408 : i32
        %mul3A_410 = arith.constant 32 : i32
        %mul3A_411 = arith.muli %add3A_409, %mul3A_410 : i32
        %add3A_412 = arith.addi %add3A_108, %mul3A_411 : i32
        %dma_wait3A_413 = arith.constant 1 : i32
        %dma_wait3A_414 = arith.constant 1 : i32
        %dma_wait3A_415 = arith.constant 0 : i32
        %dma_wait3A_416 = arith.constant 0 : i32
        %dma_wait3A_417 = tpu.memref_slice %arg10[%dma_wait3A_413, %dma_wait3A_415, %dma_wait3A_416] : memref<5x32x128xf32, #tpu.memory_space<vmem>> -> memref<1x32x128xf32, #tpu.memory_space<vmem>>
        %dma_wait3A_418 = tpu.memref_squeeze %dma_wait3A_417 : memref<1x32x128xf32, #tpu.memory_space<vmem>> -> memref<32x128xf32, #tpu.memory_space<vmem>>
        %dma_wait3A_419 = arith.constant 0 : i32
        %dma_wait3A_420 = tpu.memref_slice %arg5[%add3A_412, %dma_wait3A_419] : memref<1638400x128xf32, #tpu.memory_space<hbm>> -> memref<32x128xf32, #tpu.memory_space<hbm>>
        %dma_wait3A_421 = tpu.memref_slice %arg13[%dma_wait3A_414] : memref<5x!tpu.dma_semaphore, #tpu.memory_space<semaphore_mem>> -> memref<1x!tpu.dma_semaphore, #tpu.memory_space<semaphore_mem>>
        %dma_wait3A_422 = tpu.memref_squeeze %dma_wait3A_421 : memref<1x!tpu.dma_semaphore, #tpu.memory_space<semaphore_mem>> -> memref<!tpu.dma_semaphore, #tpu.memory_space<semaphore_mem>>
        %dma_wait3A_423 = arith.constant 0 : i32
        %dma_wait3A_424 = tpu.memref_slice %arg5[%add3A_412, %dma_wait3A_423] : memref<1638400x128xf32, #tpu.memory_space<hbm>> -> memref<32x128xf32, #tpu.memory_space<hbm>>
        %dma_wait3A_425 = arith.constant 0 : i32
        %dma_wait3A_426 = arith.constant 0 : i32
        %dma_wait3A_427 = tpu.memref_slice %arg10[%dma_wait3A_413, %dma_wait3A_425, %dma_wait3A_426] : memref<5x32x128xf32, #tpu.memory_space<vmem>> -> memref<1x32x128xf32, #tpu.memory_space<vmem>>
        %dma_wait3A_428 = tpu.memref_squeeze %dma_wait3A_427 : memref<1x32x128xf32, #tpu.memory_space<vmem>> -> memref<32x128xf32, #tpu.memory_space<vmem>>
        tpu.wait_dma2 semaphore(%dma_wait3A_422 : memref<!tpu.dma_semaphore, #tpu.memory_space<semaphore_mem>>) src(%dma_wait3A_428 : memref<32x128xf32, #tpu.memory_space<vmem>>) dst(%dma_wait3A_424 : memref<32x128xf32, #tpu.memory_space<hbm>>)
        %lt3A_429 = arith.constant 9 : i32
        %lt3A_430 = arith.cmpi slt, %scan3A_195, %lt3A_429 : i32
        %convert_element_type3A_431 = arith.extui %lt3A_430 : i1 to i32
        %cond3A_432 = arith.constant 0 : i32
        %cond3A_433 = arith.cmpi ne, %convert_element_type3A_431, %cond3A_432 : i32
        scf.if %cond3A_433 {
          %add3A_517 = arith.constant 5 : i32
          %add3A_518 = arith.addi %mul3A_197, %add3A_517 : i32
          %add3A_519 = arith.constant 1 : i32
          %add3A_520 = arith.addi %add3A_518, %add3A_519 : i32
          %dma_start3A_521 = arith.constant 1 : i32
          %dma_start3A_522 = arith.constant 1 : i32
          %dma_start3A_523 = arith.constant 0 : i32
          %dma_start3A_524 = arith.constant 0 : i32
          %dma_start3A_525 = tpu.memref_slice %arg10[%dma_start3A_521, %dma_start3A_523, %dma_start3A_524] : memref<5x32x128xf32, #tpu.memory_space<vmem>> -> memref<1x32x128xf32, #tpu.memory_space<vmem>>
          %dma_start3A_526 = tpu.memref_squeeze %dma_start3A_525 : memref<1x32x128xf32, #tpu.memory_space<vmem>> -> memref<32x128xf32, #tpu.memory_space<vmem>>
          %dma_start3A_527 = arith.constant 0 : i32
          %dma_start3A_528 = tpu.memref_slice %arg9[%add3A_520, %dma_start3A_527] : memref<50x32xi32, #tpu.memory_space<vmem>> -> memref<1x32xi32, #tpu.memory_space<vmem>>
          %dma_start3A_529 = tpu.memref_squeeze %dma_start3A_528 : memref<1x32xi32, #tpu.memory_space<vmem>> -> memref<32xi32, #tpu.memory_space<vmem>>
          %dma_start3A_530 = arith.constant 0 : i32
          %dma_start3A_531 = arith.constant 0 : i32
          %dma_start3A_532 = tpu.memref_slice %arg11[%dma_start3A_530, %dma_start3A_531] : memref<10100x128xf32, #tpu.memory_space<vmem_shared>> -> memref<10100x128xf32, #tpu.memory_space<vmem_shared>>
          %dma_start3A_533 = tpu.memref_slice %arg12[%dma_start3A_522] : memref<5x!tpu.dma_semaphore, #tpu.memory_space<semaphore_mem>> -> memref<1x!tpu.dma_semaphore, #tpu.memory_space<semaphore_mem>>
          %dma_start3A_534 = tpu.memref_squeeze %dma_start3A_533 : memref<1x!tpu.dma_semaphore, #tpu.memory_space<semaphore_mem>> -> memref<!tpu.dma_semaphore, #tpu.memory_space<semaphore_mem>>
          tpu.enqueue_indirect_dma source(%dma_start3A_532 : memref<10100x128xf32, #tpu.memory_space<vmem_shared>>) target(%dma_start3A_526 : memref<32x128xf32, #tpu.memory_space<vmem>>) offsets(%dma_start3A_529 : memref<32xi32, #tpu.memory_space<vmem>>) semaphore(%dma_start3A_534 : memref<!tpu.dma_semaphore, #tpu.memory_space<semaphore_mem>>)
        } else {
        }
        %add3A_434 = arith.constant 2 : i32
        %add3A_435 = arith.addi %mul3A_197, %add3A_434 : i32
        %mul3A_436 = arith.constant 32 : i32
        %mul3A_437 = arith.muli %add3A_435, %mul3A_436 : i32
        %add3A_438 = arith.addi %add3A_108, %mul3A_437 : i32
        %dma_wait3A_439 = arith.constant 2 : i32
        %dma_wait3A_440 = arith.constant 2 : i32
        %dma_wait3A_441 = arith.constant 0 : i32
        %dma_wait3A_442 = arith.constant 0 : i32
        %dma_wait3A_443 = tpu.memref_slice %arg10[%dma_wait3A_439, %dma_wait3A_441, %dma_wait3A_442] : memref<5x32x128xf32, #tpu.memory_space<vmem>> -> memref<1x32x128xf32, #tpu.memory_space<vmem>>
        %dma_wait3A_444 = tpu.memref_squeeze %dma_wait3A_443 : memref<1x32x128xf32, #tpu.memory_space<vmem>> -> memref<32x128xf32, #tpu.memory_space<vmem>>
        %dma_wait3A_445 = arith.constant 0 : i32
        %dma_wait3A_446 = tpu.memref_slice %arg5[%add3A_438, %dma_wait3A_445] : memref<1638400x128xf32, #tpu.memory_space<hbm>> -> memref<32x128xf32, #tpu.memory_space<hbm>>
        %dma_wait3A_447 = tpu.memref_slice %arg13[%dma_wait3A_440] : memref<5x!tpu.dma_semaphore, #tpu.memory_space<semaphore_mem>> -> memref<1x!tpu.dma_semaphore, #tpu.memory_space<semaphore_mem>>
        %dma_wait3A_448 = tpu.memref_squeeze %dma_wait3A_447 : memref<1x!tpu.dma_semaphore, #tpu.memory_space<semaphore_mem>> -> memref<!tpu.dma_semaphore, #tpu.memory_space<semaphore_mem>>
        %dma_wait3A_449 = arith.constant 0 : i32
        %dma_wait3A_450 = tpu.memref_slice %arg5[%add3A_438, %dma_wait3A_449] : memref<1638400x128xf32, #tpu.memory_space<hbm>> -> memref<32x128xf32, #tpu.memory_space<hbm>>
        %dma_wait3A_451 = arith.constant 0 : i32
        %dma_wait3A_452 = arith.constant 0 : i32
        %dma_wait3A_453 = tpu.memref_slice %arg10[%dma_wait3A_439, %dma_wait3A_451, %dma_wait3A_452] : memref<5x32x128xf32, #tpu.memory_space<vmem>> -> memref<1x32x128xf32, #tpu.memory_space<vmem>>
        %dma_wait3A_454 = tpu.memref_squeeze %dma_wait3A_453 : memref<1x32x128xf32, #tpu.memory_space<vmem>> -> memref<32x128xf32, #tpu.memory_space<vmem>>
        tpu.wait_dma2 semaphore(%dma_wait3A_448 : memref<!tpu.dma_semaphore, #tpu.memory_space<semaphore_mem>>) src(%dma_wait3A_454 : memref<32x128xf32, #tpu.memory_space<vmem>>) dst(%dma_wait3A_450 : memref<32x128xf32, #tpu.memory_space<hbm>>)
        %lt3A_455 = arith.constant 9 : i32
        %lt3A_456 = arith.cmpi slt, %scan3A_195, %lt3A_455 : i32
        %convert_element_type3A_457 = arith.extui %lt3A_456 : i1 to i32
        %cond3A_458 = arith.constant 0 : i32
        %cond3A_459 = arith.cmpi ne, %convert_element_type3A_457, %cond3A_458 : i32
        scf.if %cond3A_459 {
          %add3A_517 = arith.constant 5 : i32
          %add3A_518 = arith.addi %mul3A_197, %add3A_517 : i32
          %add3A_519 = arith.constant 2 : i32
          %add3A_520 = arith.addi %add3A_518, %add3A_519 : i32
          %dma_start3A_521 = arith.constant 2 : i32
          %dma_start3A_522 = arith.constant 2 : i32
          %dma_start3A_523 = arith.constant 0 : i32
          %dma_start3A_524 = arith.constant 0 : i32
          %dma_start3A_525 = tpu.memref_slice %arg10[%dma_start3A_521, %dma_start3A_523, %dma_start3A_524] : memref<5x32x128xf32, #tpu.memory_space<vmem>> -> memref<1x32x128xf32, #tpu.memory_space<vmem>>
          %dma_start3A_526 = tpu.memref_squeeze %dma_start3A_525 : memref<1x32x128xf32, #tpu.memory_space<vmem>> -> memref<32x128xf32, #tpu.memory_space<vmem>>
          %dma_start3A_527 = arith.constant 0 : i32
          %dma_start3A_528 = tpu.memref_slice %arg9[%add3A_520, %dma_start3A_527] : memref<50x32xi32, #tpu.memory_space<vmem>> -> memref<1x32xi32, #tpu.memory_space<vmem>>
          %dma_start3A_529 = tpu.memref_squeeze %dma_start3A_528 : memref<1x32xi32, #tpu.memory_space<vmem>> -> memref<32xi32, #tpu.memory_space<vmem>>
          %dma_start3A_530 = arith.constant 0 : i32
          %dma_start3A_531 = arith.constant 0 : i32
          %dma_start3A_532 = tpu.memref_slice %arg11[%dma_start3A_530, %dma_start3A_531] : memref<10100x128xf32, #tpu.memory_space<vmem_shared>> -> memref<10100x128xf32, #tpu.memory_space<vmem_shared>>
          %dma_start3A_533 = tpu.memref_slice %arg12[%dma_start3A_522] : memref<5x!tpu.dma_semaphore, #tpu.memory_space<semaphore_mem>> -> memref<1x!tpu.dma_semaphore, #tpu.memory_space<semaphore_mem>>
          %dma_start3A_534 = tpu.memref_squeeze %dma_start3A_533 : memref<1x!tpu.dma_semaphore, #tpu.memory_space<semaphore_mem>> -> memref<!tpu.dma_semaphore, #tpu.memory_space<semaphore_mem>>
          tpu.enqueue_indirect_dma source(%dma_start3A_532 : memref<10100x128xf32, #tpu.memory_space<vmem_shared>>) target(%dma_start3A_526 : memref<32x128xf32, #tpu.memory_space<vmem>>) offsets(%dma_start3A_529 : memref<32xi32, #tpu.memory_space<vmem>>) semaphore(%dma_start3A_534 : memref<!tpu.dma_semaphore, #tpu.memory_space<semaphore_mem>>)
        } else {
        }
        %add3A_460 = arith.constant 3 : i32
        %add3A_461 = arith.addi %mul3A_197, %add3A_460 : i32
        %mul3A_462 = arith.constant 32 : i32
        %mul3A_463 = arith.muli %add3A_461, %mul3A_462 : i32
        %add3A_464 = arith.addi %add3A_108, %mul3A_463 : i32
        %dma_wait3A_465 = arith.constant 3 : i32
        %dma_wait3A_466 = arith.constant 3 : i32
        %dma_wait3A_467 = arith.constant 0 : i32
        %dma_wait3A_468 = arith.constant 0 : i32
        %dma_wait3A_469 = tpu.memref_slice %arg10[%dma_wait3A_465, %dma_wait3A_467, %dma_wait3A_468] : memref<5x32x128xf32, #tpu.memory_space<vmem>> -> memref<1x32x128xf32, #tpu.memory_space<vmem>>
        %dma_wait3A_470 = tpu.memref_squeeze %dma_wait3A_469 : memref<1x32x128xf32, #tpu.memory_space<vmem>> -> memref<32x128xf32, #tpu.memory_space<vmem>>
        %dma_wait3A_471 = arith.constant 0 : i32
        %dma_wait3A_472 = tpu.memref_slice %arg5[%add3A_464, %dma_wait3A_471] : memref<1638400x128xf32, #tpu.memory_space<hbm>> -> memref<32x128xf32, #tpu.memory_space<hbm>>
        %dma_wait3A_473 = tpu.memref_slice %arg13[%dma_wait3A_466] : memref<5x!tpu.dma_semaphore, #tpu.memory_space<semaphore_mem>> -> memref<1x!tpu.dma_semaphore, #tpu.memory_space<semaphore_mem>>
        %dma_wait3A_474 = tpu.memref_squeeze %dma_wait3A_473 : memref<1x!tpu.dma_semaphore, #tpu.memory_space<semaphore_mem>> -> memref<!tpu.dma_semaphore, #tpu.memory_space<semaphore_mem>>
        %dma_wait3A_475 = arith.constant 0 : i32
        %dma_wait3A_476 = tpu.memref_slice %arg5[%add3A_464, %dma_wait3A_475] : memref<1638400x128xf32, #tpu.memory_space<hbm>> -> memref<32x128xf32, #tpu.memory_space<hbm>>
        %dma_wait3A_477 = arith.constant 0 : i32
        %dma_wait3A_478 = arith.constant 0 : i32
        %dma_wait3A_479 = tpu.memref_slice %arg10[%dma_wait3A_465, %dma_wait3A_477, %dma_wait3A_478] : memref<5x32x128xf32, #tpu.memory_space<vmem>> -> memref<1x32x128xf32, #tpu.memory_space<vmem>>
        %dma_wait3A_480 = tpu.memref_squeeze %dma_wait3A_479 : memref<1x32x128xf32, #tpu.memory_space<vmem>> -> memref<32x128xf32, #tpu.memory_space<vmem>>
        tpu.wait_dma2 semaphore(%dma_wait3A_474 : memref<!tpu.dma_semaphore, #tpu.memory_space<semaphore_mem>>) src(%dma_wait3A_480 : memref<32x128xf32, #tpu.memory_space<vmem>>) dst(%dma_wait3A_476 : memref<32x128xf32, #tpu.memory_space<hbm>>)
        %lt3A_481 = arith.constant 9 : i32
        %lt3A_482 = arith.cmpi slt, %scan3A_195, %lt3A_481 : i32
        %convert_element_type3A_483 = arith.extui %lt3A_482 : i1 to i32
        %cond3A_484 = arith.constant 0 : i32
        %cond3A_485 = arith.cmpi ne, %convert_element_type3A_483, %cond3A_484 : i32
        scf.if %cond3A_485 {
          %add3A_517 = arith.constant 5 : i32
          %add3A_518 = arith.addi %mul3A_197, %add3A_517 : i32
          %add3A_519 = arith.constant 3 : i32
          %add3A_520 = arith.addi %add3A_518, %add3A_519 : i32
          %dma_start3A_521 = arith.constant 3 : i32
          %dma_start3A_522 = arith.constant 3 : i32
          %dma_start3A_523 = arith.constant 0 : i32
          %dma_start3A_524 = arith.constant 0 : i32
          %dma_start3A_525 = tpu.memref_slice %arg10[%dma_start3A_521, %dma_start3A_523, %dma_start3A_524] : memref<5x32x128xf32, #tpu.memory_space<vmem>> -> memref<1x32x128xf32, #tpu.memory_space<vmem>>
          %dma_start3A_526 = tpu.memref_squeeze %dma_start3A_525 : memref<1x32x128xf32, #tpu.memory_space<vmem>> -> memref<32x128xf32, #tpu.memory_space<vmem>>
          %dma_start3A_527 = arith.constant 0 : i32
          %dma_start3A_528 = tpu.memref_slice %arg9[%add3A_520, %dma_start3A_527] : memref<50x32xi32, #tpu.memory_space<vmem>> -> memref<1x32xi32, #tpu.memory_space<vmem>>
          %dma_start3A_529 = tpu.memref_squeeze %dma_start3A_528 : memref<1x32xi32, #tpu.memory_space<vmem>> -> memref<32xi32, #tpu.memory_space<vmem>>
          %dma_start3A_530 = arith.constant 0 : i32
          %dma_start3A_531 = arith.constant 0 : i32
          %dma_start3A_532 = tpu.memref_slice %arg11[%dma_start3A_530, %dma_start3A_531] : memref<10100x128xf32, #tpu.memory_space<vmem_shared>> -> memref<10100x128xf32, #tpu.memory_space<vmem_shared>>
          %dma_start3A_533 = tpu.memref_slice %arg12[%dma_start3A_522] : memref<5x!tpu.dma_semaphore, #tpu.memory_space<semaphore_mem>> -> memref<1x!tpu.dma_semaphore, #tpu.memory_space<semaphore_mem>>
          %dma_start3A_534 = tpu.memref_squeeze %dma_start3A_533 : memref<1x!tpu.dma_semaphore, #tpu.memory_space<semaphore_mem>> -> memref<!tpu.dma_semaphore, #tpu.memory_space<semaphore_mem>>
          tpu.enqueue_indirect_dma source(%dma_start3A_532 : memref<10100x128xf32, #tpu.memory_space<vmem_shared>>) target(%dma_start3A_526 : memref<32x128xf32, #tpu.memory_space<vmem>>) offsets(%dma_start3A_529 : memref<32xi32, #tpu.memory_space<vmem>>) semaphore(%dma_start3A_534 : memref<!tpu.dma_semaphore, #tpu.memory_space<semaphore_mem>>)
        } else {
        }
        %add3A_486 = arith.constant 4 : i32
        %add3A_487 = arith.addi %mul3A_197, %add3A_486 : i32
        %mul3A_488 = arith.constant 32 : i32
        %mul3A_489 = arith.muli %add3A_487, %mul3A_488 : i32
        %add3A_490 = arith.addi %add3A_108, %mul3A_489 : i32
        %dma_wait3A_491 = arith.constant 4 : i32
        %dma_wait3A_492 = arith.constant 4 : i32
        %dma_wait3A_493 = arith.constant 0 : i32
        %dma_wait3A_494 = arith.constant 0 : i32
        %dma_wait3A_495 = tpu.memref_slice %arg10[%dma_wait3A_491, %dma_wait3A_493, %dma_wait3A_494] : memref<5x32x128xf32, #tpu.memory_space<vmem>> -> memref<1x32x128xf32, #tpu.memory_space<vmem>>
        %dma_wait3A_496 = tpu.memref_squeeze %dma_wait3A_495 : memref<1x32x128xf32, #tpu.memory_space<vmem>> -> memref<32x128xf32, #tpu.memory_space<vmem>>
        %dma_wait3A_497 = arith.constant 0 : i32
        %dma_wait3A_498 = tpu.memref_slice %arg5[%add3A_490, %dma_wait3A_497] : memref<1638400x128xf32, #tpu.memory_space<hbm>> -> memref<32x128xf32, #tpu.memory_space<hbm>>
        %dma_wait3A_499 = tpu.memref_slice %arg13[%dma_wait3A_492] : memref<5x!tpu.dma_semaphore, #tpu.memory_space<semaphore_mem>> -> memref<1x!tpu.dma_semaphore, #tpu.memory_space<semaphore_mem>>
        %dma_wait3A_500 = tpu.memref_squeeze %dma_wait3A_499 : memref<1x!tpu.dma_semaphore, #tpu.memory_space<semaphore_mem>> -> memref<!tpu.dma_semaphore, #tpu.memory_space<semaphore_mem>>
        %dma_wait3A_501 = arith.constant 0 : i32
        %dma_wait3A_502 = tpu.memref_slice %arg5[%add3A_490, %dma_wait3A_501] : memref<1638400x128xf32, #tpu.memory_space<hbm>> -> memref<32x128xf32, #tpu.memory_space<hbm>>
        %dma_wait3A_503 = arith.constant 0 : i32
        %dma_wait3A_504 = arith.constant 0 : i32
        %dma_wait3A_505 = tpu.memref_slice %arg10[%dma_wait3A_491, %dma_wait3A_503, %dma_wait3A_504] : memref<5x32x128xf32, #tpu.memory_space<vmem>> -> memref<1x32x128xf32, #tpu.memory_space<vmem>>
        %dma_wait3A_506 = tpu.memref_squeeze %dma_wait3A_505 : memref<1x32x128xf32, #tpu.memory_space<vmem>> -> memref<32x128xf32, #tpu.memory_space<vmem>>
        tpu.wait_dma2 semaphore(%dma_wait3A_500 : memref<!tpu.dma_semaphore, #tpu.memory_space<semaphore_mem>>) src(%dma_wait3A_506 : memref<32x128xf32, #tpu.memory_space<vmem>>) dst(%dma_wait3A_502 : memref<32x128xf32, #tpu.memory_space<hbm>>)
        %lt3A_507 = arith.constant 9 : i32
        %lt3A_508 = arith.cmpi slt, %scan3A_195, %lt3A_507 : i32
        %convert_element_type3A_509 = arith.extui %lt3A_508 : i1 to i32
        %cond3A_510 = arith.constant 0 : i32
        %cond3A_511 = arith.cmpi ne, %convert_element_type3A_509, %cond3A_510 : i32
        scf.if %cond3A_511 {
          %add3A_517 = arith.constant 5 : i32
          %add3A_518 = arith.addi %mul3A_197, %add3A_517 : i32
          %add3A_519 = arith.constant 4 : i32
          %add3A_520 = arith.addi %add3A_518, %add3A_519 : i32
          %dma_start3A_521 = arith.constant 4 : i32
          %dma_start3A_522 = arith.constant 4 : i32
          %dma_start3A_523 = arith.constant 0 : i32
          %dma_start3A_524 = arith.constant 0 : i32
          %dma_start3A_525 = tpu.memref_slice %arg10[%dma_start3A_521, %dma_start3A_523, %dma_start3A_524] : memref<5x32x128xf32, #tpu.memory_space<vmem>> -> memref<1x32x128xf32, #tpu.memory_space<vmem>>
          %dma_start3A_526 = tpu.memref_squeeze %dma_start3A_525 : memref<1x32x128xf32, #tpu.memory_space<vmem>> -> memref<32x128xf32, #tpu.memory_space<vmem>>
          %dma_start3A_527 = arith.constant 0 : i32
          %dma_start3A_528 = tpu.memref_slice %arg9[%add3A_520, %dma_start3A_527] : memref<50x32xi32, #tpu.memory_space<vmem>> -> memref<1x32xi32, #tpu.memory_space<vmem>>
          %dma_start3A_529 = tpu.memref_squeeze %dma_start3A_528 : memref<1x32xi32, #tpu.memory_space<vmem>> -> memref<32xi32, #tpu.memory_space<vmem>>
          %dma_start3A_530 = arith.constant 0 : i32
          %dma_start3A_531 = arith.constant 0 : i32
          %dma_start3A_532 = tpu.memref_slice %arg11[%dma_start3A_530, %dma_start3A_531] : memref<10100x128xf32, #tpu.memory_space<vmem_shared>> -> memref<10100x128xf32, #tpu.memory_space<vmem_shared>>
          %dma_start3A_533 = tpu.memref_slice %arg12[%dma_start3A_522] : memref<5x!tpu.dma_semaphore, #tpu.memory_space<semaphore_mem>> -> memref<1x!tpu.dma_semaphore, #tpu.memory_space<semaphore_mem>>
          %dma_start3A_534 = tpu.memref_squeeze %dma_start3A_533 : memref<1x!tpu.dma_semaphore, #tpu.memory_space<semaphore_mem>> -> memref<!tpu.dma_semaphore, #tpu.memory_space<semaphore_mem>>
          tpu.enqueue_indirect_dma source(%dma_start3A_532 : memref<10100x128xf32, #tpu.memory_space<vmem_shared>>) target(%dma_start3A_526 : memref<32x128xf32, #tpu.memory_space<vmem>>) offsets(%dma_start3A_529 : memref<32xi32, #tpu.memory_space<vmem>>) semaphore(%dma_start3A_534 : memref<!tpu.dma_semaphore, #tpu.memory_space<semaphore_mem>>)
        } else {
        }
        %lt3A_512 = arith.constant 31 : i32
        %lt3A_513 = arith.cmpi slt, %add3A_105, %lt3A_512 : i32
        %convert_element_type3A_514 = arith.extui %lt3A_513 : i1 to i32
        %cond3A_515 = arith.constant 0 : i32
        %cond3A_516 = arith.cmpi ne, %convert_element_type3A_514, %cond3A_515 : i32
        scf.if %cond3A_516 {
          %mul3A_517 = arith.constant 10 : i32
          %mul3A_518 = arith.muli %scan3A_195, %mul3A_517 : i32
          %add3A_519 = arith.constant 1 : i32
          %add3A_520 = arith.addi %scan3A_195, %add3A_519 : i32
          %mul3A_521 = arith.constant 10 : i32
          %mul3A_522 = arith.muli %add3A_520, %mul3A_521 : i32
          %parallel_loop3A_523 = arith.constant 1 : i32
          scf.for %parallel_loop3A_524 = %mul3A_518 to %mul3A_522 step %parallel_loop3A_523  : i32 {
            %parallel_loop3A_525 = arith.constant 16 : i32
            %parallel_loop3A_526 = arith.muli %parallel_loop3A_524, %parallel_loop3A_525 : i32
            %parallel_loop3A_527 = arith.index_cast %parallel_loop3A_526 : i32 to index
            %parallel_loop3A_528 = tpu.vector_load %arg6[%parallel_loop3A_527] {strides = array<i32>} : memref<1600xf32, #tpu.memory_space<vmem>>, vector<16xf32>,
            %parallel_loop3A_529 = vector.broadcast %parallel_loop3A_526 : i32 to vector<16xi32>
            %parallel_loop3A_530 = arith.addi %parallel_loop3A_529, %iota3A : vector<16xi32>
            %parallel_loop3A_531 = arith.constant 100 : i32
            %parallel_loop3A_532 = vector.broadcast %parallel_loop3A_531 : i32 to vector<16xi32>
            %parallel_loop3A_533 = arith.remsi %parallel_loop3A_530, %parallel_loop3A_532 : vector<16xi32>
            %parallel_loop3A_534 = arith.constant 112 : i32
            %parallel_loop3A_535 = vector.broadcast %parallel_loop3A_534 : i32 to vector<16xi32>
            %parallel_loop3A_536 = arith.muli %parallel_loop3A_533, %parallel_loop3A_535 : vector<16xi32>
            %parallel_loop3A_537 = arith.constant 0 : i32
            %parallel_loop3A_538 = vector.broadcast %parallel_loop3A_537 : i32 to vector<16xi32>
            %parallel_loop3A_539 = arith.constant 64 : i32
            %parallel_loop3A_540 = vector.broadcast %parallel_loop3A_539 : i32 to vector<16xi32>
            %parallel_loop3A_541 = arith.addi %parallel_loop3A_538, %parallel_loop3A_540 : vector<16xi32>
            %parallel_loop3A_542 = arith.addi %parallel_loop3A_536, %parallel_loop3A_541 : vector<16xi32>
            %parallel_loop3A_543 = arith.constant 1 : i32
            %parallel_loop3A_544 = vector.broadcast %parallel_loop3A_543 : i32 to vector<16xi32>
            %parallel_loop3A_545 = arith.subi %parallel_loop3A_542, %parallel_loop3A_544 : vector<16xi32>
            %parallel_loop3A_546 = tpu.vector_load_idx %arg7[%parallel_loop3A_545] : memref<11200xf32, #tpu.memory_space<vmem>>[vector<16xi32>], vector<16xf32>,
            %parallel_loop3A_547 = arith.cmpf olt, %parallel_loop3A_546, %parallel_loop3A_528 : vector<16xf32>
            %parallel_loop3A_548 = arith.select %parallel_loop3A_547, %parallel_loop3A_541, %parallel_loop3A_538 : vector<16xi1>, vector<16xi32>
            %parallel_loop3A_549 = arith.constant 32 : i32
            %parallel_loop3A_550 = vector.broadcast %parallel_loop3A_549 : i32 to vector<16xi32>
            %parallel_loop3A_551 = arith.addi %parallel_loop3A_548, %parallel_loop3A_550 : vector<16xi32>
            %parallel_loop3A_552 = arith.addi %parallel_loop3A_536, %parallel_loop3A_551 : vector<16xi32>
            %parallel_loop3A_553 = arith.constant 1 : i32
            %parallel_loop3A_554 = vector.broadcast %parallel_loop3A_553 : i32 to vector<16xi32>
            %parallel_loop3A_555 = arith.subi %parallel_loop3A_552, %parallel_loop3A_554 : vector<16xi32>
            %parallel_loop3A_556 = tpu.vector_load_idx %arg7[%parallel_loop3A_555] : memref<11200xf32, #tpu.memory_space<vmem>>[vector<16xi32>], vector<16xf32>,
            %parallel_loop3A_557 = arith.cmpf olt, %parallel_loop3A_556, %parallel_loop3A_528 : vector<16xf32>
            %parallel_loop3A_558 = arith.select %parallel_loop3A_557, %parallel_loop3A_551, %parallel_loop3A_548 : vector<16xi1>, vector<16xi32>
            %parallel_loop3A_559 = arith.constant 16 : i32
            %parallel_loop3A_560 = vector.broadcast %parallel_loop3A_559 : i32 to vector<16xi32>
            %parallel_loop3A_561 = arith.addi %parallel_loop3A_558, %parallel_loop3A_560 : vector<16xi32>
            %parallel_loop3A_562 = arith.addi %parallel_loop3A_536, %parallel_loop3A_561 : vector<16xi32>
            %parallel_loop3A_563 = arith.constant 1 : i32
            %parallel_loop3A_564 = vector.broadcast %parallel_loop3A_563 : i32 to vector<16xi32>
            %parallel_loop3A_565 = arith.subi %parallel_loop3A_562, %parallel_loop3A_564 : vector<16xi32>
            %parallel_loop3A_566 = tpu.vector_load_idx %arg7[%parallel_loop3A_565] : memref<11200xf32, #tpu.memory_space<vmem>>[vector<16xi32>], vector<16xf32>,
            %parallel_loop3A_567 = arith.cmpf olt, %parallel_loop3A_566, %parallel_loop3A_528 : vector<16xf32>
            %parallel_loop3A_568 = arith.select %parallel_loop3A_567, %parallel_loop3A_561, %parallel_loop3A_558 : vector<16xi1>, vector<16xi32>
            %parallel_loop3A_569 = arith.constant 8 : i32
            %parallel_loop3A_570 = vector.broadcast %parallel_loop3A_569 : i32 to vector<16xi32>
            %parallel_loop3A_571 = arith.addi %parallel_loop3A_568, %parallel_loop3A_570 : vector<16xi32>
            %parallel_loop3A_572 = arith.addi %parallel_loop3A_536, %parallel_loop3A_571 : vector<16xi32>
            %parallel_loop3A_573 = arith.constant 1 : i32
            %parallel_loop3A_574 = vector.broadcast %parallel_loop3A_573 : i32 to vector<16xi32>
            %parallel_loop3A_575 = arith.subi %parallel_loop3A_572, %parallel_loop3A_574 : vector<16xi32>
            %parallel_loop3A_576 = tpu.vector_load_idx %arg7[%parallel_loop3A_575] : memref<11200xf32, #tpu.memory_space<vmem>>[vector<16xi32>], vector<16xf32>,
            %parallel_loop3A_577 = arith.cmpf olt, %parallel_loop3A_576, %parallel_loop3A_528 : vector<16xf32>
            %parallel_loop3A_578 = arith.select %parallel_loop3A_577, %parallel_loop3A_571, %parallel_loop3A_568 : vector<16xi1>, vector<16xi32>
            %parallel_loop3A_579 = arith.constant 4 : i32
            %parallel_loop3A_580 = vector.broadcast %parallel_loop3A_579 : i32 to vector<16xi32>
            %parallel_loop3A_581 = arith.addi %parallel_loop3A_578, %parallel_loop3A_580 : vector<16xi32>
            %parallel_loop3A_582 = arith.addi %parallel_loop3A_536, %parallel_loop3A_581 : vector<16xi32>
            %parallel_loop3A_583 = arith.constant 1 : i32
            %parallel_loop3A_584 = vector.broadcast %parallel_loop3A_583 : i32 to vector<16xi32>
            %parallel_loop3A_585 = arith.subi %parallel_loop3A_582, %parallel_loop3A_584 : vector<16xi32>
            %parallel_loop3A_586 = tpu.vector_load_idx %arg7[%parallel_loop3A_585] : memref<11200xf32, #tpu.memory_space<vmem>>[vector<16xi32>], vector<16xf32>,
            %parallel_loop3A_587 = arith.cmpf olt, %parallel_loop3A_586, %parallel_loop3A_528 : vector<16xf32>
            %parallel_loop3A_588 = arith.select %parallel_loop3A_587, %parallel_loop3A_581, %parallel_loop3A_578 : vector<16xi1>, vector<16xi32>
            %parallel_loop3A_589 = arith.constant 2 : i32
            %parallel_loop3A_590 = vector.broadcast %parallel_loop3A_589 : i32 to vector<16xi32>
            %parallel_loop3A_591 = arith.addi %parallel_loop3A_588, %parallel_loop3A_590 : vector<16xi32>
            %parallel_loop3A_592 = arith.addi %parallel_loop3A_536, %parallel_loop3A_591 : vector<16xi32>
            %parallel_loop3A_593 = arith.constant 1 : i32
            %parallel_loop3A_594 = vector.broadcast %parallel_loop3A_593 : i32 to vector<16xi32>
            %parallel_loop3A_595 = arith.subi %parallel_loop3A_592, %parallel_loop3A_594 : vector<16xi32>
            %parallel_loop3A_596 = tpu.vector_load_idx %arg7[%parallel_loop3A_595] : memref<11200xf32, #tpu.memory_space<vmem>>[vector<16xi32>], vector<16xf32>,
            %parallel_loop3A_597 = arith.cmpf olt, %parallel_loop3A_596, %parallel_loop3A_528 : vector<16xf32>
            %parallel_loop3A_598 = arith.select %parallel_loop3A_597, %parallel_loop3A_591, %parallel_loop3A_588 : vector<16xi1>, vector<16xi32>
            %parallel_loop3A_599 = arith.constant 1 : i32
            %parallel_loop3A_600 = vector.broadcast %parallel_loop3A_599 : i32 to vector<16xi32>
            %parallel_loop3A_601 = arith.addi %parallel_loop3A_598, %parallel_loop3A_600 : vector<16xi32>
            %parallel_loop3A_602 = arith.addi %parallel_loop3A_536, %parallel_loop3A_601 : vector<16xi32>
            %parallel_loop3A_603 = arith.constant 1 : i32
            %parallel_loop3A_604 = vector.broadcast %parallel_loop3A_603 : i32 to vector<16xi32>
            %parallel_loop3A_605 = arith.subi %parallel_loop3A_602, %parallel_loop3A_604 : vector<16xi32>
            %parallel_loop3A_606 = tpu.vector_load_idx %arg7[%parallel_loop3A_605] : memref<11200xf32, #tpu.memory_space<vmem>>[vector<16xi32>], vector<16xf32>,
            %parallel_loop3A_607 = arith.cmpf olt, %parallel_loop3A_606, %parallel_loop3A_528 : vector<16xf32>
            %parallel_loop3A_608 = arith.select %parallel_loop3A_607, %parallel_loop3A_601, %parallel_loop3A_598 : vector<16xi1>, vector<16xi32>
            %parallel_loop3A_609 = arith.constant 101 : i32
            %parallel_loop3A_610 = vector.broadcast %parallel_loop3A_609 : i32 to vector<16xi32>
            %parallel_loop3A_611 = arith.muli %parallel_loop3A_533, %parallel_loop3A_610 : vector<16xi32>
            %parallel_loop3A_612 = arith.addi %parallel_loop3A_611, %parallel_loop3A_608 : vector<16xi32>
            %parallel_loop3A_613 = arith.constant 2 : i32
            %parallel_loop3A_614 = arith.divsi %parallel_loop3A_524, %parallel_loop3A_613 : i32
            %parallel_loop3A_615 = arith.constant 0 : i32
            %parallel_loop3A_616 = arith.cmpi sgt, %parallel_loop3A_524, %parallel_loop3A_615 : i32
            %parallel_loop3A_617 = arith.extui %parallel_loop3A_616 : i1 to i32
            %parallel_loop3A_618 = arith.constant 0 : i32
            %parallel_loop3A_619 = arith.cmpi slt, %parallel_loop3A_524, %parallel_loop3A_618 : i32
            %parallel_loop3A_620 = arith.extui %parallel_loop3A_619 : i1 to i32
            %parallel_loop3A_621 = arith.subi %parallel_loop3A_617, %parallel_loop3A_620 : i32
            %parallel_loop3A_622 = arith.constant 0 : i32
            %parallel_loop3A_623 = arith.cmpi sgt, %parallel_loop3A_613, %parallel_loop3A_622 : i32
            %parallel_loop3A_624 = arith.extui %parallel_loop3A_623 : i1 to i32
            %parallel_loop3A_625 = arith.constant 0 : i32
            %parallel_loop3A_626 = arith.cmpi slt, %parallel_loop3A_613, %parallel_loop3A_625 : i32
            %parallel_loop3A_627 = arith.extui %parallel_loop3A_626 : i1 to i32
            %parallel_loop3A_628 = arith.subi %parallel_loop3A_624, %parallel_loop3A_627 : i32
            %parallel_loop3A_629 = arith.cmpi ne, %parallel_loop3A_621, %parallel_loop3A_628 : i32
            %parallel_loop3A_630 = arith.remsi %parallel_loop3A_524, %parallel_loop3A_613 : i32
            %parallel_loop3A_631 = arith.constant 0 : i32
            %parallel_loop3A_632 = arith.cmpi ne, %parallel_loop3A_630, %parallel_loop3A_631 : i32
            %parallel_loop3A_633 = arith.andi %parallel_loop3A_629, %parallel_loop3A_632 : i1
            %parallel_loop3A_634 = arith.constant 1 : i32
            %parallel_loop3A_635 = arith.subi %parallel_loop3A_614, %parallel_loop3A_634 : i32
            %parallel_loop3A_636 = arith.select %parallel_loop3A_633, %parallel_loop3A_635, %parallel_loop3A_614 : i32
            %parallel_loop3A_637 = arith.constant 2 : i32
            %parallel_loop3A_638 = arith.remsi %parallel_loop3A_524, %parallel_loop3A_637 : i32
            %parallel_loop3A_639 = arith.constant 16 : i32
            %parallel_loop3A_640 = arith.muli %parallel_loop3A_638, %parallel_loop3A_639 : i32
            %parallel_loop3A_641 = arith.index_cast %parallel_loop3A_636 : i32 to index
            %parallel_loop3A_642 = arith.index_cast %parallel_loop3A_640 : i32 to index
            %parallel_loop3A_643 = tpu.vector_load %arg8[%parallel_loop3A_641, %parallel_loop3A_642] {strides = array<i32>} : memref<50x32xi32, #tpu.memory_space<vmem>>, vector<16xi32>,
            tpu.vector_store %arg8[%parallel_loop3A_641, %parallel_loop3A_642], %parallel_loop3A_612 {strides = array<i32>} : memref<50x32xi32, #tpu.memory_space<vmem>>, vector<16xi32>,
          } {sc.loop_unroll_factor = 2 : i64, sc.parallel_access}
        } else {
        }
      }
      %scan3A_194 = arith.constant 10 : i32
    }
    %scan3A_11 = arith.constant 16 : i32
    return
  }
}

</mosaic_0001>

<sc_bundles>
// kernel: kernel.3.cloned.1.call-start
scs
__scs_entry_jumppad:
0x0: {  	(pc) =	sbr.rel $0x88, $3  }
0x1: {  	(tag) =	ssettag $0x0;
	lr =	simm.s32 $0x1  }
0x2: {  	[smem:$0x3F9E] =	sst lr;
	_ =	strace $0xD0000000  }
0x3: {  	_ = 	snop  }
0x4: {  	_ = 	snop  }
0x5: {  	_ = 	snop  }
0x6: {  	_ = 	snop  }
0x7: {  	_ = 	snop  }
__scs_overlays_trampoline_lowered:
0x8: {  	[smem:$0x3FAD] =	sst s0  }
0x9: {  	[smem:$0x3FAE] =	sst s1  }
0xa: {  	[smem:$0x3FAF] =	sst s2  }
0xb: {  	[smem:$0x3FB0] =	sst s3  }
0xc: {  	[smem:$0x3FB1] =	sst s4  }
0xd: {  	[smem:$0x3FB2] =	sst s5  }
0xe: {  	[smem:$0x3FB3] =	sst s6  }
0xf: {  	[smem:$0x3FB4] =	sst s7  }
0x10: {  	[smem:$0x3FB5] =	sst s8  }
0x11: {  	[smem:$0x3FB6] =	sst s9;
	s0 =	simm.s32 @!p0 $0x0  }
0x12: {  	s1 =	sld [smem:$0x3F9C];
	s0 =	simm.s32 @p0 $0x1  }
0x13: {  	[smem:$0x3FB7] =	sst s0;
	s0 =	simm.s32 @!p1 $0x0  }
0x14: {  	s2 =	sld [smem:$0x3F9B];
	s0 =	simm.s32 @p1 $0x1  }
0x15: {  	[smem:$0x3FB8] =	sst s0;
	s0 =	simm.s32 @!p2 $0x0  }
0x16: {  	s3 =	sld [smem:$0x3FDB];
	s0 =	simm.s32 @p2 $0x1  }
0x17: {  	s4 =	simm.s32 $0x1BF5;
	[smem:$0x3FBA] =	sst s0  }
0x18: {  	s0 =	sld [smem:$0x3F9D];
	_ =	swait.ge [sflag:s4], $0x0  }
0x19: {  	s7 =	sld [smem:$0x3F9E]  }
0x1a: {  	s8 =	sadd.s32 $0xFFFFE003, lr  }
0x1b: {  	s9 =	sadd.s32 $0xFFFFFEF7, lr;
	s5 =	simm.s32 $0xFFFFFFFF;
	p2 =	slt.u32 s8, $0xFFFFF086  }
0x1c: {  	p1 =	slt.u32 s9, $0xF7A;
	s5 =	simm.s32 @!p2 $0x0  }
0x1d: {  	s5 =	simm.s32 @p1 $0x1;
	p0 =	seq.s32 s7, s2  }
0x1e: {  	s7 =	smul.u32 @!p0 $0xF7A, s2;
	p2 =	seq.s32 @!p0 s5, $0x0  }
0x1f: {  	s9 =	smul.u32 $0xF7A, s1;
	s8 =	simm.s32 @!p0 $0x1BF5;
	p2 =	por !p2, p0  }
0x20: {  	[sflag:s8] =	ssyncset.s32 @!p0 $0xFFFFF086;
	s6 =	sadd.s32 @!p0 s3, s7;
	s7 =	simm.s32 @!p0 $0x108  }
0x21: {  	s3 =	sadd.s32 s3, s9;
	s6 =	sadd.s32 @!p0 $0x88, s6;
	s7 =	simm.s32 @p2 $0x1082  }
0x22: {  	[simem:s7], [sflag:s8] =	dma.local @!p0 [hbm:s6], $0xF7A  }
0x23: {  	s9 =	sor.u32 $0xD0000000, s2;
	s6 =	simm.s32 $0x108;
	_ =	swait.ge @!p0 [sflag:s8], $0x0  }
0x24: {  	s3 =	sadd.s32 $0x88, s3;
	s6 =	simm.s32 @!p1 $0x1082;
	[sflag:s4] =	ssyncset.s32 $0xFFFFF086  }
0x25: {  	[simem:s6], [sflag:s4] =	dma.local [hbm:s3], $0xF7A  }
0x26: {  	[smem:$0x3F9E] =	sst s1;
	(tag) =	ssettag s2;
	_ =	strace s9  }
0x27: {  	s1 =	sld [smem:$0x3FAE]  }
0x28: {  	s2 =	sld [smem:$0x3FAF]  }
0x29: {  	s4 =	sld [smem:$0x3FB1]  }
0x2a: {  	p0 =	seq.s32 s5, $0x0;
	s5 =	sld [smem:$0x3FB2]  }
0x2b: {  	s6 =	sld [smem:$0x3FB3]  }
0x2c: {  	s7 =	sld [smem:$0x3FB4]  }
0x2d: {  	s3 =	simm.s32 $0x108;
	s8 =	sld [smem:$0x3FB5]  }
0x2e: {  	s3 =	simm.s32 @!p0 $0x1082;
	s9 =	sld [smem:$0x3FB6]  }
0x2f: {  	lr =	sadd.s32 s0, s3;
	s0 =	sld [smem:$0x3FAD]  }
0x30: {  	s3 =	sld [smem:$0x3FB0]  }
0x31: {  	[smem:$0x3FB9] =	sst s10  }
0x32: {  	s10 =	sld [smem:$0x3FB7];
	_ =	sdelay $0x3  }
0x33: {  	p0 =	seq.s32 s10, $0x1;
	s10 =	sld [smem:$0x3FB9];
	_ =	sdelay $0x3  }
0x34: {  	[smem:$0x3FB9] =	sst s10  }
0x35: {  	s10 =	sld [smem:$0x3FB8];
	_ =	sdelay $0x3  }
0x36: {  	p1 =	seq.s32 s10, $0x1;
	s10 =	sld [smem:$0x3FB9];
	_ =	sdelay $0x3  }
0x37: {  	[smem:$0x3FB9] =	sst s10  }
0x38: {  	s10 =	sld [smem:$0x3FBA]  }
0x39: {  	_ = 	snop;
	(pc) =	sbr.ind lr, $3  }
0x3a: {  	_ = 	snop  }
0x3b: {  	_ = 	snop  }
0x3c: {  	p2 =	seq.s32 s10, $0x1;
	s10 =	sld [smem:$0x3FB9]  }
0x3d: {  	_ =	shalt  }
0x3e: {  	_ =	shalt  }
0x3f: {  	_ =	shalt  }
0x40: {  	_ =	shalt  }
0x41: {  	_ =	shalt  }
0x42: {  	_ =	shalt  }
0x43: {  	_ =	shalt  }
0x44: {  	_ =	shalt  }
0x45: {  	_ =	shalt  }
0x46: {  	_ =	shalt  }
0x47: {  	_ =	shalt  }
0x48: {  	_ =	shalt  }
0x49: {  	_ =	shalt  }
0x4a: {  	_ =	shalt  }
0x4b: {  	_ =	shalt  }
0x4c: {  	_ =	shalt  }
0x4d: {  	_ =	shalt  }
0x4e: {  	_ =	shalt  }
0x4f: {  	_ =	shalt  }
0x50: {  	_ =	shalt  }
0x51: {  	_ =	shalt  }
0x52: {  	_ =	shalt  }
0x53: {  	_ =	shalt  }
0x54: {  	_ =	shalt  }
0x55: {  	_ =	shalt  }
0x56: {  	_ =	shalt  }
0x57: {  	_ =	shalt  }
0x58: {  	_ =	shalt  }
0x59: {  	_ =	shalt  }
0x5a: {  	_ =	shalt  }
0x5b: {  	_ =	shalt  }
0x5c: {  	_ =	shalt  }
0x5d: {  	_ =	shalt  }
0x5e: {  	_ =	shalt  }
0x5f: {  	_ =	shalt  }
0x60: {  	_ =	shalt  }
0x61: {  	_ =	shalt  }
0x62: {  	_ =	shalt  }
0x63: {  	_ =	shalt  }
0x64: {  	_ =	shalt  }
0x65: {  	_ =	shalt  }
0x66: {  	_ =	shalt  }
0x67: {  	_ =	shalt  }
0x68: {  	_ =	shalt  }
0x69: {  	_ =	shalt  }
0x6a: {  	_ =	shalt  }
0x6b: {  	_ =	shalt  }
0x6c: {  	_ =	shalt  }
0x6d: {  	_ =	shalt  }
0x6e: {  	_ =	shalt  }
0x6f: {  	_ =	shalt  }
0x70: {  	_ =	shalt  }
0x71: {  	_ =	shalt  }
0x72: {  	_ =	shalt  }
0x73: {  	_ =	shalt  }
0x74: {  	_ =	shalt  }
0x75: {  	_ =	shalt  }
0x76: {  	_ =	shalt  }
0x77: {  	_ =	shalt  }
0x78: {  	_ =	shalt  }
0x79: {  	_ =	shalt  }
0x7a: {  	_ =	shalt  }
0x7b: {  	_ =	shalt  }
0x7c: {  	_ =	shalt  }
0x7d: {  	_ =	shalt  }
0x7e: {  	_ =	shalt  }
0x7f: {  	_ =	shalt  }
0x80: {  	_ =	shalt  }
0x81: {  	_ =	shalt  }
0x82: {  	_ =	shalt  }
0x83: {  	_ =	shalt  }
0x84: {  	_ =	shalt  }
0x85: {  	_ =	shalt  }
0x86: {  	_ =	shalt  }
0x87: {  	_ =	shalt  }
.Lfunc_end0:
.L_simem_size_0:
called_computation_lowered:
.L_overlay_start_0:
0x88: {  	s2 =	sld [smem:$0x3FD9]  }
0x89: {  	s3 =	sld [smem:$0x3FFE];
	_ =	sdelay $0x1  }
0x8a: {  	s1 =	srdreg.scid  }
0x8b: {  	s0 =	sand.u32 $0x1, s1  }
0x8c: {  	s17 =	sshll.u32 s0, $0xA;
	s2 =	sadd.s32 s3, s2  }
0x8d: {  	s2 =	sadd.s32 s2, s17  }
0x8e: {  	[smem:$0x3FC5] =	sst s2  }
0x8f: {  	_ = 	snop  }
0x90: {  	s2 =	sld [smem:$0x3FD0];
	(tm) =	ssettm $0x1  }
0x91: {  	s18 =	sld [smem:$0x3FFB];
	_ =	sdelay $0x3  }
0x92: {  	_ =	strace s18  }
0x93: {  	s3 =	sld [smem:$0x3FFC];
	_ =	sdelay $0x3  }
0x94: {  	_ =	strace s3  }
0x95: {  	s3 =	sld [smem:$0x3FFD];
	_ =	sdelay $0x3  }
0x96: {  	_ =	strace s3  }
0x97: {  	_ =	strace $0x8FFFFFFF  }
0x98: {  	s19 =	sld [smem:$0x3FDB];
	_ =	sdelay $0x1  }
0x99: {  	s4 =	simm.s32 $_scs_section_size  }
0x9a: {  	s5 =	simm.s32 $_size__tile_overlayer_lowered;
	s6 =	simm.s32 $_tile_overlayer_lowered  }
0x9b: {  	s22 =	simm.s32 $0x1BFF;
	s21 =	sshll.u32 s6, $0x1;
	s3 =	sadd.s32 s4, s19  }
0x9c: {  	s7 =	simm.s32 $0x0;
	s20 =	sshll.u32 s5, $0x1;
	s5 =	sadd.s32 s21, s3  }
0x9d: {  	[timem:s7], [sflag:s22] =	dma.local [hbm:s5], s20  }
0x9e: {  	_ =	swait.ge [sflag:s22], s20  }
0x9f: {  	s4 =	ssub.s32 $0x0, s20;
	[sflag:s22] =	ssyncset.done $0x0  }
0xa0: {  	[sflag:s22] =	ssyncadd.s32 s4;
	_ =	sdelay $0x1  }
0xa1: {  	s23 =	simm.s32 $0x1B8B  }
0xa2: {  	_ =	swait.ge [sflag:s23], $0x1  }
0xa3: {  	[sflag:s23] =	ssyncset.done $0x0  }
0xa4: {  	s25 =	simm.s32 $0x1B8E;
	s24 =	sld [smem:$0x3FFE];
	[sflag:s23] =	ssyncadd.s32 $0xFFFFFFFF  }
0xa5: {  	s26 =	simm.s32 $execute0_lowered;
	[smem:$0x3FD2] =	sst s25  }
0xa6: {  	s5 =	sshll.u32 s26, $0x1;
	_ =	strace $0x80000046;
	[dreg:$0x1] =	wrdreg $0xFFFFFFFF  }
0xa7: {  	s28 =	simm.s32 $_size_execute0_lowered;
	s3 =	sadd.s32 s3, s5;
	[dreg:$0x0] =	wrdreg $0x0  }
0xa8: {  	s5 =	sshll.u32 s28, $0x1;
	[dreg:$0x2] =	wrdreg s3  }
0xa9: {  	[dreg:$0x3] =	wrdreg s5  }
0xaa: {  	[dreg:$0x4] =	wrdreg $0xC0  }
0xab: {  	_ =	task [dreg:s7], $0x5FFFF  }
0xac: {  	[dreg:$0x1] =	wrdreg $0xFFFFFFFF  }
0xad: {  	[dreg:$0x0] =	wrdreg $0x60  }
0xae: {  	[dreg:$0x2] =	wrdreg s2  }
0xaf: {  	[dreg:$0x3] =	wrdreg s24  }
0xb0: {  	[dreg:$0x4] =	wrdreg $0xBA800  }
0xb1: {  	[dreg:$0x5] =	wrdreg $0x9  }
0xb2: {  	_ =	task.clear_ibuf [dreg:s7], $0x6FFFF;
	_ =	strace $0x90000046  }
0xb3: {  	s29 =	simm.s32 $0x9;
	_ =	strace $0x80000048  }
0xb4: {  	_ =	swait.ge [sflag:s29], $0x1  }
0xb5: {  	[sflag:s29] =	ssyncadd.s32 $0xFFFFFFFF  }
0xb6: {  	_ =	strace $0x90000048  }
0xb7: {  	_ =	sfence  }
0xb8: {  	s30 =	sld [smem:$0x0];
	_ =	sdelay $0x2  }
0xb9: {  	s31 =	sshll.u32 s1, $0xD;
	s1 =	sshrl.u32 s1, $0x2  }
0xba: {  	s3 =	sand.u32 $0x4000, s31;
	s1 =	sadd.s32 s1, s30  }
0xbb: {  	s0 =	sor.u32 s3, s0;
	s1 =	sshll.u32 s1, $0x11  }
0xbc: {  	s0 =	sor.u32 s1, s0  }
0xbd: {  	s0 =	sadd.s32 $0x8F2B, s0  }
0xbe: {  	[sflag:s0] =	ssyncadd.remote.s32 $0x1  }
0xbf: {  	_ =	sfence.sel $0xFFFF  }
0xc0: {  	[dreg:$0x0] =	wrdreg $0xFFFFFFFF;
	(pc) =	sbr.abs _section_cstart, $3  }
0xc1: {  	[dreg:$0x1] =	wrdreg $0xFFFFFFFF  }
0xc2: {  	_ =	task.clear_ibuf [dreg:s7], $0x2FFFF;
	_ =	strace $0x9FFFFFFF  }
0xc3: {  	(tm) =	ssettm $0x7FFFFFFF  }
tec
execute0_lowered:
.L_overlay_start_1:
0x0: {  	(tag) =	ssettag $0x1  }
0x1: {  	s4 =	rddreg [dreg:$0x0]  }
0x2: {  	s0 =	rddreg [dreg:$0x1]  }
0x3: {  	s5 =	rddreg [dreg:$0x2];
	s1 =	srdreg.scid  }
0x4: {  	s2 =	stileid.u32;
	s6 =	simm.s32 $0x0;
	s1 =	sand.u32 $0x1, s1  }
0x5: {  	s3 =	sshll.u32 s2, $0x1;
	[smem:$0x7FF] =	sst s6;
	s28 =	sadd.s32 $0x600, s0  }
0x6: {  	s29 =	sadd.s32 $0xC00, s0;
	s0 =	sadd.s32 $0x28400, s0;
	s3 =	sor.u32 s1, s3  }
0x7: {  	_ =	strace $0x80000047;
	[smem:$0x7F7] =	sst s28;
	s1 =	ssub.s32 $0x2, s1  }
0x8: {  	v1 =	vimm.s32 $0xECA86420;
	v0 =	vlaneseq.u32;
	vm0 =	vcmask $0xB08;
	[smem:$0x7F8] =	sst s29;
	s3 =	smul.u32 $0xC800, s3;
	s30 =	sshrl.u32 s1, $0x1  }
.Ltmp0:
0x9: {  	vm1 =	vcmask $0x1310;
	vm2 =	vcmask $0x1B18;
	vm3 =	vcmask $0x300;
	[smem:$0x7F9] =	sst s0;
	s0 =	ssub.s32 s1, s30;
	(pc) =	sbr.rel .LBB2_1-.Ltmp0, $4  }
0xa: {  	vm5 =	vcmask $0x2B28;
	vm6 =	vcmask $0x3330;
	vm7 =	vcmask $0x3B38;
	[smem:$0x7FA] =	sst s3;
	s3 =	sshrl.u32 s3, $0x3;
	s0 =	smax.u32 s0, $0x1  }
0xb: {  	vm12 =	vmmov $0xff;
	v3 =	vimm.s32 $0x0;
	p0 =	sne.s32 s2, $0x0;
	v2 =	vunpack.c.l.s4.s8 v1;
	s31 =	sadd.s32 s4, s3;
	[smem:$0x7FC] =	sst s0  }
0xc: {  	vm13 =	vcmask $0x1714;
	vm4 =	vcmask $0x1F1C;
	v3 =	vsel vm12, $0xFFFFFFFF, v3;
	s0 =	sshrl.u32 @!p0 s5, $0x3;
	[smem:$0x7FB] =	sst s31  }
0xd: {  	s7 =	simm.s32 $0x680;
	vm15 =	vcmask $0x2724;
	v1 =	vimm.s32 $0x0;
	[tilespmem:$0x1FFF0] =	vst v3;
	v2 =	vunpack.c.0.s8.s32 v2;
	s1 =	simm.s32 $0x0;
	[smem:$0x7FD] =	sst s0  }
.LBB2_31:
0xe: {  	s1 =	sld [smem:$0x7F6]  }
0xf: {  	s0 =	sld [smem:$0x7FC];
	_ =	sdelay $0x1  }
0x10: {  	s1 =	sadd.s32 $0x1, s1  }
0x11: {  	p1 =	sne.s32 s1, s0  }
.Ltmp1:
0x12: {  	_ = 	snop;
	(pc) =	sbr.rel @!p1 .LBB2_32-.Ltmp1, $1  }
0x13: {  	_ =	sdelay $0x3  }
.LBB2_1:
0x14: {  	s2 =	sld [smem:$0x7F8]  }
0x15: {  	s3 =	sld [smem:$0x7FD];
	_ =	sdelay $0x1  }
0x16: {  	[smem:$0x7F6] =	sst s1;
	s0 =	simm.s32 @!p0 $0x1C0B  }
0x17: {  	[spmem:s3], [sflag:s0] =	dma.local @!p0 [hbm:s2], $0x27740  }
0x18: {  	s9 =	simm.s32 $0x30;
	s0 =	simm.s32 @!p0 $0xB  }
0x19: {  	v3 =	vor.u32 s9, v0;
	_ =	swait.ge @!p0 [sflag:s0], $0x27740  }
0x1a: {  	s10 =	simm.s32 $0x10;
	v4 =	vmulhi.u32 $0x51EB851F, v3;
	s13 =	sld [smem:$0x7F7]  }
0x1b: {  	s11 =	simm.s32 $0x20;
	v5 =	vor.u32 s10, v0;
	[sflag:s0] =	ssyncset.done @!p0 $0x0  }
0x1c: {  	s12 =	simm.s32 $0x0;
	s14 =	simm.s32 $0xB;
	v7 =	vmulhi.u32 $0x51EB851F, v5;
	v4 =	vshrl.u32 v4, $0x5;
	[sflag:s0] =	ssyncadd.s32 @!p0 $0xFFFD88C0  }
0x1d: {  	v6 =	vor.u32 s11, v0;
	v4 =	vmul.u32 $0x64, v4;
	[tilespmem:s7], [sflag:$0xB] =	stream.linear.gather [hbm4b:s13+s12], $0x2C00, $0x38;
	[tilespmem:$0x1F620] =	vst v63  }
0x1e: {  	v9 =	vmulhi.u32 $0x51EB851F, v6;
	_ =	swait.ge [sflag:s14], $0x2C00  }
0x1f: {  	v7 =	vshrl.u32 v7, $0x5;
	v11 =	vsub.s32 v3, v4;
	[sflag:s14] =	ssyncset.done $0x0  }
0x20: {  	v8 =	vor.u32 s12, v0;
	v3 =	vmul.u32 $0x64, v7;
	v4 =	vshrl.u32 v9, $0x5;
	[tilespmem:$0x1FD50] =	vst v11;
	[sflag:s14] =	ssyncadd.s32 $0xFFFFD400  }
0x21: {  	v10 =	vmulhi.u32 $0x51EB851F, v8;
	v4 =	vmul.u32 $0x64, v4;
	[bflag:$0x0] =	sbarrier.arrive $0xFFFF  }
0x22: {  	v5 =	vsub.s32 v5, v3;
	s15 =	sld [smem:$0x7FB]  }
0x23: {  	v7 =	vshrl.u32 v10, $0x5;
	v6 =	vsub.s32 v6, v4;
	[tilespmem:$0x1FE10] =	vst v5  }
0x24: {  	v37 =	vmul.u32 $0x70, v11;
	v7 =	vmul.u32 $0x64, v7;
	[tilespmem:$0x1FE20] =	vst v6  }
0x25: {  	[tilespmem:s12], [sflag:$0xB] =	stream.linear.gather [hbm4b:s15+s12], $0x640, $0x38;
	[tilespmem:$0x1F620] =	vst v63  }
0x26: {  	v3 =	vadd.s32 $0x3F, v37;
	v4 =	vsub.s32 v8, v7;
	v5 =	vmul.u32 $0x70, v5;
	_ =	swait.ge [sflag:s14], $0x640  }
0x27: {  	v11 =	vmul.u32 $0x70, v6;
	v13 =	vmul.u32 $0x70, v4;
	[tilespmem:$0x1FE30] =	vst v4  }
0x28: {  	[tilespmem:$0x1FD10] =	vst v5  }
0x29: {  	v6 =	vadd.s32 $0x3F, v13;
	[sflag:s14] =	ssyncset.done $0x0;
	[tilespmem:$0x1FD20] =	vst v11  }
0x2a: {  	[tilespmem:$0x1FD30] =	vst v13;
	[sflag:s14] =	ssyncadd.s32 $0xFFFFF9C0  }
0x2b: {  	s16 =	simm.s32 $0x20;
	v4 =	vadd.s32 $0x3F, v5;
	v3 =	vld.idx.msk [tilespmem:v3+s7+$0x0], $0xffff  }
0x2c: {  	v34 =	vld [tilespmem:s16+$0x10]  }
0x2d: {  	v8 =	vmov v5;
	v5 =	vadd.s32 $0x3F, v11;
	v21 =	vld [tilespmem:s16+$0xFFFFFFF0]  }
0x2e: {  	v6 =	vld.idx.msk [tilespmem:v6+s7+$0x0], $0xffff  }
0x2f: {  	v22 =	vld [tilespmem:s16+$0x0]  }
0x30: {  	v4 =	vld.idx.msk [tilespmem:v4+s7+$0x0], $0xffff  }
0x31: {  	v35 =	vld [tilespmem:s16+$0xFFFFFFE0]  }
0x32: {  	v5 =	vld.idx.msk [tilespmem:v5+s7+$0x0], $0xffff  }
0x33: {  	v15 =	vadd.s32 $0xFFFFFFFF, v37;
	vm9 =	vlt.f32 v3, v34  }
0x34: {  	v19 =	vadd.s32 $0xFFFFFFFF, v11;
	v17 =	vadd.s32 $0xFFFFFFFF, v13;
	v3 =	vsel vm9, $0x40, v1  }
0x35: {  	v18 =	vadd.s32 $0xFFFFFFFF, v8;
	vm9 =	vlt.f32 v4, v21;
	v4 =	vor.u32 $0x20, v3  }
0x36: {  	vm8 =	vlt.f32 v6, v35;
	v7 =	vsel vm9, $0x40, v1;
	v8 =	vadd.s32 v4, v15  }
0x37: {  	v11 =	vsel vm8, $0x40, v1;
	vm9 =	vlt.f32 v5, v22;
	v10 =	vor.u32 $0x20, v7  }
0x38: {  	v13 =	vor.u32 $0x20, v11;
	v6 =	vsel vm9, $0x40, v1;
	v5 =	vadd.s32 v10, v18  }
0x39: {  	v29 =	vadd.s32 v13, v17;
	v12 =	vor.u32 $0x20, v6  }
0x3a: {  	v26 =	vadd.s32 v12, v19  }
0x3b: {  	v8 =	vld.idx.msk [tilespmem:v8+s7+$0x0], $0xffff;
	_ =	sdelay $0x1  }
0x3c: {  	s17 =	simm.s32 $0x70;
	v5 =	vld.idx.msk [tilespmem:v5+s7+$0x0], $0xffff  }
0x3d: {  	v30 =	vor.u32 s17, v0;
	v29 =	vld.idx.msk [tilespmem:v29+s7+$0x0], $0xffff  }
0x3e: {  	v31 =	vmulhi.u32 $0x51EB851F, v30;
	v26 =	vld.idx.msk [tilespmem:v26+s7+$0x0], $0xffff  }
0x3f: {  	vm9 =	vlt.f32 v8, v34  }
0x40: {  	v3 =	vsel vm9, v4, v3;
	v4 =	vshrl.u32 v31, $0x5  }
0x41: {  	vm9 =	vlt.f32 v5, v21;
	v4 =	vmul.u32 $0x64, v4  }
0x42: {  	s18 =	simm.s32 $0x50;
	vm8 =	vlt.f32 v29, v35;
	v7 =	vsel vm9, v10, v7  }
0x43: {  	s19 =	simm.s32 $0x60;
	vm9 =	vlt.f32 v26, v22;
	v26 =	vor.u32 s18, v0;
	v9 =	vsub.s32 v30, v4  }
0x44: {  	s20 =	simm.s32 $0x40;
	v6 =	vsel vm9, v12, v6;
	v12 =	vor.u32 s19, v0;
	v29 =	vmulhi.u32 $0x51EB851F, v26  }
0x45: {  	v31 =	vor.u32 s20, v0;
	v44 =	vmul.u32 $0x70, v9;
	v30 =	vmulhi.u32 $0x51EB851F, v12  }
0x46: {  	v11 =	vsel vm8, v13, v11;
	v13 =	vmulhi.u32 $0x51EB851F, v31;
	v29 =	vshrl.u32 v29, $0x5  }
0x47: {  	v32 =	vadd.s32 $0x3F, v44;
	v29 =	vmul.u32 $0x64, v29;
	v30 =	vshrl.u32 v30, $0x5  }
0x48: {  	v13 =	vshrl.u32 v13, $0x5;
	v33 =	vmul.u32 $0x64, v30  }
0x49: {  	[tilespmem:$0x1FD80] =	vst v9;
	v13 =	vmul.u32 $0x64, v13;
	v14 =	vsub.s32 v26, v29  }
0x4a: {  	v5 =	vor.u32 $0x10, v3;
	[tilespmem:$0x1FEA0] =	vst v14;
	v9 =	vsub.s32 v12, v33  }
0x4b: {  	v8 =	vadd.s32 v5, v15;
	v10 =	vor.u32 $0x10, v7;
	v13 =	vsub.s32 v31, v13;
	[tilespmem:$0x1FEC0] =	vst v9  }
0x4c: {  	s21 =	simm.s32 $0x60;
	v4 =	vadd.s32 v10, v18;
	v36 =	vor.u32 $0x10, v6;
	v12 =	vld.idx.msk [tilespmem:v32+s7+$0x0], $0xffff;
	[tilespmem:$0x1FEE0] =	vst v13  }
0x4d: {  	v38 =	vor.u32 $0x10, v11;
	v40 =	vadd.s32 v36, v19;
	v31 =	vld [tilespmem:s21+$0x10]  }
0x4e: {  	v26 =	vadd.s32 v38, v17;
	v14 =	vmul.u32 $0x70, v14  }
0x4f: {  	v16 =	vmul.u32 $0x70, v9  }
0x50: {  	v9 =	vmul.u32 $0x70, v13;
	v13 =	vadd.s32 $0x3F, v14;
	v8 =	vld.idx.msk [tilespmem:v8+s7+$0x0], $0xffff;
	[tilespmem:$0x1FE80] =	vst v14  }
0x51: {  	v4 =	vld.idx.msk [tilespmem:v4+s7+$0x0], $0xffff;
	[tilespmem:$0x1FE90] =	vst v16  }
0x52: {  	v41 =	vadd.s32 $0x3F, v16;
	v40 =	vld.idx.msk [tilespmem:v40+s7+$0x0], $0xffff;
	[tilespmem:$0x1FF00] =	vst v9;
	vm9 =	vlt.f32 v12, v31  }
0x53: {  	v42 =	vadd.s32 $0x3F, v9;
	v43 =	vld.idx.msk [tilespmem:v26+s7+$0x0], $0xffff;
	v12 =	vsel vm9, $0x40, v1  }
0x54: {  	v29 =	vld [tilespmem:s21+$0xFFFFFFF0];
	v26 =	vadd.s32 $0xFFFFFFFF, v44;
	v61 =	vor.u32 $0x20, v12  }
0x55: {  	vm8 =	vlt.f32 v8, v34;
	v8 =	vld.idx.msk [tilespmem:v13+s7+$0x0], $0xffff;
	v62 =	vadd.s32 v61, v26  }
0x56: {  	v33 =	vld [tilespmem:s21+$0xFFFFFFE0]  }
0x57: {  	v13 =	vld.idx.msk [tilespmem:v41+s7+$0x0], $0xffff  }
0x58: {  	v20 =	vadd.s32 $0xFFFFFFFF, v16;
	v3 =	vsel vm8, v5, v3;
	vm8 =	vlt.f32 v4, v21;
	v4 =	vld.idx.msk [tilespmem:v42+s7+$0x0], $0xffff  }
0x59: {  	v5 =	vld [tilespmem:s21+$0x0];
	v46 =	vor.u32 $0x8, v3;
	vm9 =	vlt.f32 v40, v22;
	v7 =	vsel vm8, v10, v7  }
0x5a: {  	vm8 =	vlt.f32 v43, v35;
	v6 =	vsel vm9, v36, v6;
	vm9 =	vlt.f32 v8, v29;
	v8 =	vld.idx.msk [tilespmem:v62+s7+$0x0], $0xffff  }
0x5b: {  	v45 =	vadd.s32 v46, v15;
	v11 =	vsel vm8, v38, v11;
	v63 =	vor.u32 $0x8, v6  }
0x5c: {  	v10 =	vor.u32 $0x8, v7;
	v47 =	vor.u32 $0x8, v11;
	v48 =	vadd.s32 v63, v19  }
0x5d: {  	v36 =	vadd.s32 $0xFFFFFFFF, v14;
	v32 =	vadd.s32 v10, v18;
	v49 =	vadd.s32 v47, v17  }
0x5e: {  	v50 =	vsel vm9, $0x40, v1;
	vm9 =	vlt.f32 v13, v5;
	vm8 =	vlt.f32 v4, v33  }
0x5f: {  	v13 =	vor.u32 $0x20, v50;
	v4 =	vsel vm9, $0x40, v1;
	vm9 =	vlt.f32 v8, v31  }
0x60: {  	s22 =	simm.s32 $0xB0;
	v39 =	vld.idx.msk [tilespmem:v45+s7+$0x0], $0xffff;
	v51 =	vadd.s32 v13, v36;
	v53 =	vor.u32 $0x20, v4;
	v8 =	vsel vm9, v61, v12  }
0x61: {  	v41 =	vor.u32 s22, v0;
	v55 =	vadd.s32 v53, v20;
	v48 =	vld.idx.msk [tilespmem:v48+s7+$0x0], $0xffff;
	v12 =	vor.u32 $0x10, v8  }
0x62: {  	v38 =	vmulhi.u32 $0x51EB851F, v41;
	v52 =	vsel vm8, $0x40, v1;
	v43 =	vld.idx.msk [tilespmem:v32+s7+$0x0], $0xffff;
	v61 =	vadd.s32 v12, v26  }
0x63: {  	v45 =	vadd.s32 $0xFFFFFFFF, v9;
	v54 =	vor.u32 $0x20, v52;
	v49 =	vld.idx.msk [tilespmem:v49+s7+$0x0], $0xffff  }
0x64: {  	s23 =	simm.s32 $0x90;
	v38 =	vshrl.u32 v38, $0x5;
	v56 =	vadd.s32 v54, v45  }
0x65: {  	s24 =	simm.s32 $0xA0;
	v42 =	vor.u32 s23, v0;
	v38 =	vmul.u32 $0x64, v38;
	vm8 =	vlt.f32 v39, v34;
	v60 =	vld.idx.msk [tilespmem:v51+s7+$0x0], $0xffff  }
0x66: {  	v32 =	vor.u32 s24, v0;
	v14 =	vsel vm8, v46, v3;
	v55 =	vld.idx.msk [tilespmem:v55+s7+$0x0], $0xffff;
	vm8 =	vlt.f32 v48, v22  }
0x67: {  	vm9 =	vlt.f32 v43, v21;
	v46 =	vadd.s32 $0x4, v14;
	v9 =	vsel vm8, v63, v6;
	v63 =	vld.idx.msk [tilespmem:v61+s7+$0x0], $0xffff  }
0x68: {  	v7 =	vsel vm9, v10, v7;
	v51 =	vadd.s32 v46, v15;
	vm10 =	vlt.f32 v49, v35  }
0x69: {  	v62 =	vld.idx.msk [tilespmem:v56+s7+$0x0], $0xffff;
	v16 =	vsel vm10, v47, v11;
	v47 =	vadd.s32 $0x4, v7;
	v48 =	vadd.s32 $0x4, v9  }
0x6a: {  	v49 =	vadd.s32 $0x4, v16;
	v6 =	vadd.s32 v47, v18;
	vm9 =	vlt.f32 v60, v29  }
0x6b: {  	v56 =	vadd.s32 v48, v19;
	v50 =	vsel vm9, v13, v50;
	vm9 =	vlt.f32 v55, v5  }
0x6c: {  	v60 =	vmulhi.u32 $0x51EB851F, v32;
	v3 =	vsel vm9, v53, v4;
	vm9 =	vlt.f32 v63, v31  }
0x6d: {  	s25 =	simm.s32 $0x80;
	v57 =	vadd.s32 v49, v17;
	v8 =	vsel vm9, v12, v8;
	v12 =	vmulhi.u32 $0x51EB851F, v42  }
0x6e: {  	vm8 =	vlt.f32 v62, v33;
	v62 =	vor.u32 s25, v0;
	v55 =	vor.u32 $0x10, v50  }
0x6f: {  	v60 =	vshrl.u32 v60, $0x5;
	v59 =	vor.u32 $0x8, v8;
	v12 =	vshrl.u32 v12, $0x5  }
0x70: {  	v63 =	vmulhi.u32 $0x51EB851F, v62;
	v61 =	vadd.s32 v59, v26;
	v12 =	vmul.u32 $0x64, v12  }
0x71: {  	v52 =	vsel vm8, v54, v52;
	v4 =	vsub.s32 v41, v38;
	v51 =	vld.idx.msk [tilespmem:v51+s7+$0x0], $0xffff;
	v60 =	vmul.u32 $0x64, v60  }
0x72: {  	v13 =	vadd.s32 v55, v36;
	v6 =	vld.idx.msk [tilespmem:v6+s7+$0x0], $0xffff;
	[tilespmem:$0x1FCE0] =	vst v4;
	v63 =	vshrl.u32 v63, $0x5;
	v10 =	vsub.s32 v42, v12  }
0x73: {  	v11 =	vmul.u32 $0x70, v4;
	v39 =	vmul.u32 $0x64, v63;
	v12 =	vsub.s32 v32, v60;
	[tilespmem:$0x1FF20] =	vst v10  }
0x74: {  	v54 =	vor.u32 $0x10, v52;
	v56 =	vld.idx.msk [tilespmem:v56+s7+$0x0], $0xffff;
	[tilespmem:$0x1FF40] =	vst v12  }
0x75: {  	v41 =	vadd.s32 v54, v45;
	v4 =	vmul.u32 $0x70, v12;
	v12 =	vsub.s32 v62, v39;
	v60 =	vld.idx.msk [tilespmem:v61+s7+$0x0], $0xffff;
	[tilespmem:$0x1FFD0] =	vst v11  }
0x76: {  	v32 =	vadd.s32 $0x3F, v11;
	v57 =	vld.idx.msk [tilespmem:v57+s7+$0x0], $0xffff;
	[tilespmem:$0x1FF60] =	vst v12  }
0x77: {  	v10 =	vmul.u32 $0x70, v10;
	v62 =	vld.idx.msk [tilespmem:v13+s7+$0x0], $0xffff;
	v13 =	vadd.s32 $0x3F, v4;
	_ =	sdelay $0x1  }
0x78: {  	v53 =	vor.u32 $0x10, v3;
	v38 =	vadd.s32 $0x3F, v10  }
0x79: {  	v58 =	vadd.s32 v53, v20;
	v27 =	vmul.u32 $0x70, v12;
	v41 =	vld.idx.msk [tilespmem:v41+s7+$0x0], $0xffff  }
0x7a: {  	vm9 =	vlt.f32 v60, v31;
	v60 =	vld.idx.msk [tilespmem:v32+s7+$0x0], $0xffff  }
0x7b: {  	s26 =	simm.s32 $0xA0;
	v42 =	vadd.s32 $0x3F, v27;
	v63 =	vld.idx.msk [tilespmem:v13+s7+$0x0], $0xffff  }
0x7c: {  	v23 =	vsel vm9, v59, v8;
	v13 =	vld [tilespmem:s26+$0x10]  }
0x7d: {  	v24 =	vmovc v21;
	v59 =	vld.idx.msk [tilespmem:v38+s7+$0x0], $0xffff;
	vm9 =	vlt.f32 v51, v34;
	vm8 =	vlt.f32 v57, v35;
	v38 =	vadd.s32 $0xFFFFFFFF, v11  }
0x7e: {  	v21 =	vmovc v22;
	v58 =	vld.idx.msk [tilespmem:v58+s7+$0x0], $0xffff;
	v22 =	vadd.s32 $0x4, v23;
	v46 =	vsel vm9, v46, v14;
	vm9 =	vlt.f32 v6, v24  }
0x7f: {  	v39 =	vmovc v24;
	v28 =	vld [tilespmem:s26+$0xFFFFFFF0];
	v51 =	vadd.s32 v22, v26;
	v47 =	vsel vm9, v47, v7;
	vm9 =	vlt.f32 v56, v21  }
0x80: {  	v61 =	vld.idx.msk [tilespmem:v42+s7+$0x0], $0xffff;
	v25 =	vsel vm8, v49, v16;
	v24 =	vsel vm9, v48, v9;
	vm9 =	vlt.f32 v62, v29  }
0x81: {  	vm10 =	vlt.f32 v41, v33;
	v7 =	vld [tilespmem:s26+$0x0];
	[tilespmem:$0x1FD60] =	vst v29;
	v41 =	vsel vm9, v55, v50;
	vm9 =	vlt.f32 v60, v13  }
0x82: {  	v48 =	vadd.s32 $0x2, v46;
	v9 =	vld [tilespmem:s26+$0xFFFFFFE0];
	v50 =	vsel vm10, v54, v52;
	v52 =	vsel vm9, $0x40, v1  }
0x83: {  	vm8 =	vlt.f32 v58, v5;
	v14 =	vadd.s32 v48, v15;
	v54 =	vor.u32 $0x20, v52  }
0x84: {  	v62 =	vld.idx.msk [tilespmem:v51+s7+$0x0], $0xffff;
	v51 =	vmovc v5;
	v5 =	vsel vm8, v53, v3;
	v53 =	vor.u32 $0x8, v41;
	v57 =	vadd.s32 v54, v38  }
0x85: {  	vm9 =	vlt.f32 v59, v28;
	v55 =	vor.u32 $0x8, v5;
	v59 =	vadd.s32 v53, v36  }
0x86: {  	v58 =	vor.u32 $0x8, v50;
	[tilespmem:$0x1FD90] =	vst v20;
	v40 =	vadd.s32 v55, v20  }
0x87: {  	v6 =	vadd.s32 $0xFFFFFFFF, v10;
	v11 =	vadd.s32 $0x2, v24;
	v42 =	vadd.s32 v58, v45;
	[tilespmem:$0x1FD70] =	vst v9  }
0x88: {  	v32 =	vmovc v21;
	v49 =	vadd.s32 $0x2, v47;
	v8 =	vadd.s32 v11, v19;
	vm11 =	vlt.f32 v63, v7;
	v21 =	vld.idx.msk [tilespmem:v14+s7+$0x0], $0xffff  }
0x89: {  	v60 =	vadd.s32 $0x2, v25;
	vm8 =	vlt.f32 v62, v31;
	v62 =	vadd.s32 v49, v18;
	v18 =	vld.idx.msk [tilespmem:v57+s7+$0x0], $0xffff;
	[tilespmem:$0x1FCF0] =	vst v10  }
0x8a: {  	v30 =	vmovc v20;
	v15 =	vadd.s32 $0xFFFFFFFF, v4;
	v63 =	vadd.s32 v60, v17;
	v20 =	vsel vm11, $0x40, v1;
	v57 =	vld.idx.msk [tilespmem:v59+s7+$0x0], $0xffff  }
0x8b: {  	vm10 =	vlt.f32 v61, v9;
	v19 =	vsel vm9, $0x40, v1;
	v12 =	vor.u32 $0x20, v20;
	v56 =	vld.idx.msk [tilespmem:v40+s7+$0x0], $0xffff  }
0x8c: {  	v43 =	vmovc v4;
	v14 =	vsel vm10, $0x40, v1;
	v3 =	vadd.s32 v12, v15;
	v59 =	vor.u32 $0x20, v19;
	v61 =	vld.idx.msk [tilespmem:v42+s7+$0x0], $0xffff;
	[tilespmem:$0x1FD00] =	vst v27  }
0x8d: {  	v22 =	vsel vm8, v22, v23;
	vm8 =	vlt.f32 v21, v34;
	v4 =	vadd.s32 v59, v6;
	v8 =	vld.idx.msk [tilespmem:v8+s7+$0x0], $0xffff  }
0x8e: {  	v10 =	vor.u32 $0x20, v14;
	v40 =	vadd.s32 $0xFFFFFFFF, v27;
	v27 =	vsel vm8, v48, v46;
	v23 =	vld.idx.msk [tilespmem:v62+s7+$0x0], $0xffff  }
0x8f: {  	v62 =	vadd.s32 v10, v40;
	vm9 =	vlt.f32 v18, v13;
	v18 =	vadd.s32 $0x2, v22  }
0x90: {  	v63 =	vld.idx.msk [tilespmem:v63+s7+$0x0], $0xffff;
	v21 =	vsel vm9, v54, v52;
	v26 =	vadd.s32 v18, v26;
	vm9 =	vlt.f32 v57, v29  }
0x91: {  	[tilespmem:$0x1FE00] =	vst v27;
	vm8 =	vlt.f32 v56, v51;
	v54 =	vor.u32 $0x10, v21;
	v41 =	vsel vm9, v53, v41  }
0x92: {  	v4 =	vld.idx.msk [tilespmem:v4+s7+$0x0], $0xffff;
	vm9 =	vlt.f32 v61, v33;
	vm10 =	vlt.f32 v8, v32;
	v46 =	vadd.s32 v54, v38  }
0x93: {  	v3 =	vld.idx.msk [tilespmem:v3+s7+$0x0], $0xffff;
	v57 =	vsel vm9, v58, v50;
	vm9 =	vlt.f32 v23, v39;
	v16 =	vsel vm10, v11, v24  }
0x94: {  	v42 =	vsel vm8, v55, v5;
	v5 =	vld.idx.msk [tilespmem:v62+s7+$0x0], $0xffff;
	v17 =	vsel vm9, v49, v47;
	[tilespmem:$0x1FE70] =	vst v16  }
0x95: {  	vm8 =	vlt.f32 v63, v35;
	[tilespmem:$0x1FE50] =	vst v17  }
0x96: {  	v11 =	vsel vm8, v60, v25;
	v8 =	vld.idx.msk [tilespmem:v26+s7+$0x0], $0xffff  }
0x97: {  	s28 =	simm.s32 $0xF0;
	[tilespmem:$0x1FFC0] =	vst v11;
	vm9 =	vlt.f32 v4, v28  }
0x98: {  	vm8 =	vlt.f32 v3, v7;
	v24 =	vsel vm9, v59, v19;
	v3 =	vld.idx.msk [tilespmem:v46+s7+$0x0], $0xffff;
	v19 =	vor.u32 s28, v0  }
0x99: {  	vm9 =	vlt.f32 v5, v9;
	v9 =	vld [tilespmem:$0x1FD10];
	v23 =	vmulhi.u32 $0x51EB851F, v19  }
0x9a: {  	v4 =	vadd.s32 v37, v27  }
0x9b: {  	v37 =	vsel vm9, v10, v14;
	vm9 =	vlt.f32 v8, v31;
	v8 =	vshrl.u32 v23, $0x5  }
0x9c: {  	s29 =	simm.s32 $0xD0;
	v27 =	vadd.s32 $0x4, v41;
	v8 =	vmul.u32 $0x64, v8  }
0x9d: {  	v46 =	vsel vm9, v18, v22;
	v18 =	vor.u32 s29, v0;
	vm9 =	vlt.f32 v3, v13  }
0x9e: {  	v3 =	vmulhi.u32 $0x51EB851F, v18;
	v5 =	vsub.s32 v19, v8;
	v19 =	vadd.s32 v9, v17;
	v9 =	vld [tilespmem:$0x1FD20]  }
0x9f: {  	v48 =	vmovc v39;
	v39 =	vadd.s32 $0x4, v42;
	v49 =	vadd.s32 $0x4, v57;
	v22 =	vadd.s32 v27, v36  }
0xa0: {  	v23 =	vsel vm9, v54, v21;
	v21 =	vadd.s32 v39, v30;
	v3 =	vshrl.u32 v3, $0x5  }
0xa1: {  	s30 =	simm.s32 $0xE0;
	v8 =	vadd.s32 v49, v45;
	v3 =	vmul.u32 $0x64, v3  }
0xa2: {  	v52 =	vor.u32 s30, v0;
	v50 =	vmov v32;
	v32 =	vsel vm8, v12, v20;
	v20 =	vld.idx.msk [tilespmem:v4+s7+$0x0], $0xffff  }
0xa3: {  	s31 =	simm.s32 $0xC0;
	v26 =	vmulhi.u32 $0x51EB851F, v52;
	v4 =	vsub.s32 v18, v3;
	v3 =	vld [tilespmem:$0x1FD30];
	v25 =	vadd.s32 v9, v16  }
0xa4: {  	v53 =	vor.u32 s31, v0;
	v54 =	vor.u32 $0x8, v23;
	v56 =	vld.idx.msk [tilespmem:v22+s7+$0x0], $0xffff;
	[tilespmem:$0x1FF70] =	vst v4  }
0xa5: {  	v63 =	vmulhi.u32 $0x51EB851F, v53;
	v26 =	vshrl.u32 v26, $0x5;
	v22 =	vadd.s32 v54, v38;
	v30 =	vld.idx.msk [tilespmem:v21+s7+$0x0], $0xffff  }
0xa6: {  	v60 =	vor.u32 $0x10, v32;
	v58 =	vor.u32 $0x10, v24;
	v47 =	vmul.u32 $0x64, v26;
	v29 =	vld.idx.msk [tilespmem:v8+s7+$0x0], $0xffff  }
0xa7: {  	v59 =	vshrl.u32 v63, $0x5;
	v44 =	vadd.s32 v44, v46;
	v21 =	vadd.s32 v58, v6;
	v19 =	vld.idx.msk [tilespmem:v19+s7+$0x0], $0xffff  }
0xa8: {  	v18 =	vadd.s32 v3, v11;
	v3 =	vsub.s32 v52, v47;
	v12 =	vld.idx.msk [tilespmem:v25+s7+$0x0], $0xffff;
	v25 =	vmul.u32 $0x64, v59;
	[tilespmem:$0x1FD40] =	vst v5  }
0xa9: {  	v63 =	vadd.s32 v60, v15;
	[tilespmem:$0x1FF90] =	vst v3  }
0xaa: {  	v55 =	vmul.u32 $0x70, v5;
	v5 =	vmul.u32 $0x70, v4;
	v47 =	vld.idx.msk [tilespmem:v22+s7+$0x0], $0xffff;
	v4 =	vsub.s32 v53, v25  }
0xab: {  	[tilespmem:$0x1FFA0] =	vst v4  }
0xac: {  	v44 =	vld.idx.msk [tilespmem:v44+s7+$0x0], $0xffff  }
0xad: {  	v8 =	vadd.s32 $0x3F, v55;
	v11 =	vld.idx.msk [tilespmem:v21+s7+$0x0], $0xffff  }
0xae: {  	v62 =	vor.u32 $0x10, v37;
	v18 =	vld.idx.msk [tilespmem:v18+s7+$0x0], $0xffff  }
0xaf: {  	v59 =	vadd.s32 v62, v40;
	v63 =	vld.idx.msk [tilespmem:v63+s7+$0x0], $0xffff;
	vm9 =	vlt.f32 v47, v13  }
0xb0: {  	v52 =	vmul.u32 $0x70, v3;
	v3 =	vadd.s32 $0x3F, v5;
	v54 =	vsel vm9, v54, v23;
	v23 =	vmovc v5;
	v5 =	vld [tilespmem:$0x1FD50]  }
0xb1: {  	vm14 =	vlt.f32 v44, v31;
	v31 =	vld [tilespmem:$0x1FD60]  }
0xb2: {  	s0 =	simm.s32 $0xE0;
	v25 =	vmul.u32 $0x70, v4;
	v8 =	vld.idx.msk [tilespmem:v8+s7+$0x0], $0xffff  }
0xb3: {  	v4 =	vadd.s32 $0x3F, v52;
	v22 =	vld [tilespmem:s0+$0x10]  }
0xb4: {  	v16 =	vmovc v28;
	v17 =	vld [tilespmem:s0+$0xFFFFFFF0];
	v10 =	vadd.s32 $0x3F, v25;
	vm10 =	vlt.f32 v12, v50;
	vm9 =	vlt.f32 v11, v28  }
0xb5: {  	v59 =	vld.idx.msk [tilespmem:v59+s7+$0x0], $0xffff;
	vm8 =	vlt.f32 v18, v35;
	v28 =	vsel vm9, v58, v24;
	vm9 =	vlt.f32 v20, v34  }
0xb6: {  	v3 =	vld.idx.msk [tilespmem:v3+s7+$0x0], $0xffff;
	v18 =	vmovc v33;
	v12 =	vsel vm9, $0x1, v1;
	v20 =	vmul.u32 $0x65, v5;
	vm9 =	vlt.f32 v56, v31  }
0xb7: {  	v5 =	vimm.s32 $0x0;
	v33 =	vsel vm9, v27, v41;
	vm9 =	vlt.f32 v29, v18;
	v29 =	vld [tilespmem:$0x1FD70]  }
0xb8: {  	v4 =	vld.idx.msk [tilespmem:v4+s7+$0x0], $0xffff;
	v11 =	vadd.s32 $0x4, v54;
	v5 =	vsel vm8, $0xFFFFFFFF, v5  }
0xb9: {  	v58 =	vadd.s32 v11, v38;
	v10 =	vld.idx.msk [tilespmem:v10+s7+$0x0], $0xffff;
	v61 =	vor.u32 $0x8, v28;
	[tilespmem:$0x1FE40] =	vst v5  }
0xba: {  	v53 =	vadd.s32 v61, v6;
	v14 =	vld [tilespmem:s0+$0x0]  }
0xbb: {  	vm8 =	vlt.f32 v30, v51  }
0xbc: {  	v50 =	vsel vm8, v39, v42;
	v21 =	vld [tilespmem:s0+$0xFFFFFFE0];
	v42 =	vsel vm9, v49, v57;
	vm9 =	vlt.f32 v59, v29  }
0xbd: {  	v37 =	vsel vm9, v62, v37;
	vm9 =	vlt.f32 v3, v17;
	v3 =	vimm.s32 $0x0  }
0xbe: {  	vm8 =	vlt.f32 v63, v7;
	v30 =	vld.idx.msk [tilespmem:v58+s7+$0x0], $0xffff;
	v3 =	vsel vm9, $0xFFFFFFFF, v3  }
0xbf: {  	v5 =	vimm.s32 $0x0;
	v34 =	vld.idx.msk [tilespmem:v53+s7+$0x0], $0xffff;
	vm9 =	vlt.f32 v4, v14;
	[tilespmem:$0x1FDC0] =	vst v3;
	v3 =	vimm.s32 $0x0  }
0xc0: {  	v32 =	vsel vm8, v60, v32;
	vm8 =	vlt.f32 v8, v22;
	v3 =	vsel vm9, $0xFFFFFFFF, v3  }
0xc1: {  	v5 =	vsel vm8, $0xFFFFFFFF, v5;
	vm8 =	vlt.f32 v10, v21;
	[tilespmem:$0x1FDD0] =	vst v3;
	v3 =	vimm.s32 $0x0  }
0xc2: {  	v3 =	vsel vm8, $0xFFFFFFFF, v3  }
0xc3: {  	[tilespmem:$0x1FDE0] =	vst v3;
	v3 =	vld [tilespmem:$0x1FD80];
	_ =	sdelay $0x4  }
0xc4: {  	v4 =	vmul.u32 $0x65, v3;
	v3 =	vld [tilespmem:$0x1FD90];
	_ =	sdelay $0x3  }
0xc5: {  	v9 =	vadd.s32 $0x2, v50;
	[tilespmem:$0x1FDA0] =	vst v5  }
0xc6: {  	v44 =	vadd.s32 v9, v3;
	v3 =	vld [tilespmem:$0x1FDA0];
	_ =	sdelay $0x4  }
0xc7: {  	vm8 =	vnez.u8 v3;
	v3 =	vld [tilespmem:$0x1FDC0]  }
0xc8: {  	v10 =	vor.u32 $0x8, v32  }
0xc9: {  	v63 =	vadd.s32 v10, v15;
	vm9 =	vlt.f32 v30, v13;
	v30 =	vor.u32 $0x8, v37  }
0xca: {  	v26 =	vadd.s32 $0x2, v33;
	v35 =	vadd.s32 v30, v40  }
0xcb: {  	vm11 =	vlt.f32 v19, v48;
	v8 =	vld [tilespmem:$0x1FE00];
	v49 =	vsel vm14, $0x1, v1;
	v36 =	vadd.s32 v26, v36  }
0xcc: {  	v19 =	vmovc v6;
	v6 =	vadd.s32 $0x2, v42;
	v4 =	vadd.s32 v49, v4;
	vm14 =	vnez.u8 v3;
	v3 =	vld [tilespmem:$0x1FDD0]  }
0xcd: {  	[tilespmem:$0x1FDB0] =	vst v55;
	v41 =	vadd.s32 v6, v45;
	v53 =	vadd.s32 v46, v4;
	v4 =	vld [tilespmem:$0x1FE10];
	v45 =	vsel vm8, $0x40, v1  }
0xce: {  	v39 =	vadd.s32 $0xFFFFFFFF, v55;
	v48 =	vsel vm9, v11, v54;
	v58 =	vld.idx.msk [tilespmem:v63+s7+$0x0], $0xffff;
	v54 =	vor.u32 $0x20, v45  }
0xcf: {  	v47 =	vadd.s32 v12, v20;
	v62 =	vld.idx.msk [tilespmem:v35+s7+$0x0], $0xffff;
	[tilespmem:$0x1FDF0] =	vst v52;
	v57 =	vadd.s32 v54, v39  }
0xd0: {  	v5 =	vadd.s32 $0xFFFFFFFF, v52;
	vm9 =	vlt.f32 v34, v16;
	v24 =	vld.idx.msk [tilespmem:v36+s7+$0x0], $0xffff;
	v55 =	vsel vm14, $0x40, v1  }
0xd1: {  	v34 =	vadd.s32 $0xFFFFFFFF, v23;
	v59 =	vor.u32 $0x20, v55;
	vm14 =	vnez.u8 v3;
	v3 =	vld [tilespmem:$0x1FDE0]  }
0xd2: {  	v20 =	vmovc v15;
	v28 =	vsel vm9, v61, v28;
	v15 =	vmul.u32 $0x65, v4;
	v4 =	vld [tilespmem:$0x1FE20];
	v63 =	vadd.s32 v59, v34  }
0xd3: {  	v61 =	vsel vm10, $0x1, v1;
	v35 =	vadd.s32 v8, v47;
	v47 =	vsel vm11, $0x1, v1  }
0xd4: {  	v8 =	vadd.s32 $0x2, v48;
	v36 =	vadd.s32 $0xFFFFFFFF, v25;
	v52 =	vld.idx.msk [tilespmem:v57+s7+$0x0], $0xffff;
	v56 =	vsel vm14, $0x40, v1  }
0xd5: {  	vm9 =	vlt.f32 v58, v7;
	vm10 =	vlt.f32 v24, v31;
	v44 =	vld.idx.msk [tilespmem:v44+s7+$0x0], $0xffff;
	v12 =	vor.u32 $0x20, v56  }
0xd6: {  	v41 =	vld.idx.msk [tilespmem:v41+s7+$0x0], $0xffff;
	v27 =	vadd.s32 v47, v15;
	vm8 =	vnez.u8 v3;
	v3 =	vadd.s32 v12, v5  }
0xd7: {  	v57 =	vmul.u32 $0x65, v4;
	v4 =	vadd.s32 $0x4, v28;
	v15 =	vld.idx.msk [tilespmem:v63+s7+$0x0], $0xffff;
	v63 =	vadd.s32 v8, v38  }
0xd8: {  	v60 =	vsel vm8, $0x40, v1;
	vm8 =	vlt.f32 v62, v29;
	v62 =	vadd.s32 v4, v19  }
0xd9: {  	v47 =	vadd.s32 v61, v57;
	v61 =	vsel vm9, v10, v32;
	vm9 =	vlt.f32 v52, v22  }
0xda: {  	v58 =	vmovc v29;
	v10 =	vsel vm9, v54, v45;
	vm9 =	vlt.f32 v44, v51;
	v11 =	vor.u32 $0x20, v60  }
0xdb: {  	v45 =	vsel vm10, v26, v33;
	v33 =	vmovc v7;
	v29 =	vmov v22;
	v49 =	vadd.s32 v11, v36;
	v3 =	vld.idx.msk [tilespmem:v3+s7+$0x0], $0xffff  }
0xdc: {  	v22 =	vsel vm9, v9, v50;
	v46 =	vsel vm8, v30, v37;
	vm8 =	vlt.f32 v41, v18;
	v7 =	vld.idx.msk [tilespmem:v63+s7+$0x0], $0xffff  }
0xdd: {  	v41 =	vmovc v34;
	v34 =	vmov v17;
	vm9 =	vlt.f32 v15, v17;
	v17 =	vsel vm8, v6, v42;
	v6 =	vld.idx.msk [tilespmem:v62+s7+$0x0], $0xffff;
	_ =	sdelay $0x2  }
0xde: {  	v38 =	vadd.s32 $0x4, v61;
	v57 =	vsel vm9, v59, v55;
	v32 =	vld.idx.msk [tilespmem:v49+s7+$0x0], $0xffff;
	vm9 =	vlt.f32 v3, v14  }
0xdf: {  	v24 =	vadd.s32 v38, v20;
	v59 =	vsel vm9, v12, v56;
	vm9 =	vlt.f32 v7, v13  }
0xe0: {  	v49 =	vsel vm9, v8, v48;
	vm9 =	vlt.f32 v6, v16;
	v6 =	vld [tilespmem:$0x1FE70];
	_ =	sdelay $0x2  }
0xe1: {  	v9 =	vld [tilespmem:$0x1FE40];
	vm8 =	vlt.f32 v32, v21  }
0xe2: {  	v60 =	vsel vm8, v11, v60;
	v11 =	vld.idx.msk [tilespmem:v24+s7+$0x0], $0xffff  }
0xe3: {  	v8 =	vadd.s32 v6, v47;
	v6 =	vld [tilespmem:$0x1FE80];
	_ =	sdelay $0x3  }
0xe4: {  	vm8 =	vnez.u8 v9;
	v9 =	vsel vm9, v4, v28;
	vm9 =	vlt.f32 v11, v33;
	v11 =	vld [tilespmem:$0x1FEC0]  }
0xe5: {  	v15 =	vadd.s32 v6, v45;
	v6 =	vld [tilespmem:$0x1FE90];
	_ =	sdelay $0x1  }
0xe6: {  	v4 =	vld [tilespmem:$0x1FEA0];
	_ =	sdelay $0x1  }
0xe7: {  	v62 =	vadd.s32 $0x4, v46  }
0xe8: {  	v24 =	vadd.s32 v62, v40;
	[tilespmem:$0x1FE60] =	vst v16;
	v16 =	vadd.s32 v6, v22;
	v6 =	vmul.u32 $0x65, v11;
	v11 =	vld [tilespmem:$0x1FEE0];
	_ =	sdelay $0x1  }
0xe9: {  	v4 =	vmul.u32 $0x65, v4;
	_ =	sdelay $0x1  }
0xea: {  	[tilespmem:$0x1FEB0] =	vst v4  }
0xeb: {  	v50 =	vld.idx.msk [tilespmem:v24+s7+$0x0], $0xffff;
	[tilespmem:$0x1FED0] =	vst v6;
	v6 =	vmul.u32 $0x65, v11;
	_ =	sdelay $0x1  }
0xec: {  	[tilespmem:$0x1FEF0] =	vst v6;
	v6 =	vld [tilespmem:$0x1FF00];
	_ =	sdelay $0x4  }
0xed: {  	v37 =	vmov v14;
	v14 =	vadd.s32 v6, v17;
	v6 =	vld [tilespmem:$0x1FF20];
	_ =	sdelay $0x4  }
0xee: {  	v6 =	vmul.u32 $0x65, v6;
	_ =	sdelay $0x1  }
0xef: {  	[tilespmem:$0x1FF30] =	vst v6;
	v6 =	vld [tilespmem:$0x1FF40];
	_ =	sdelay $0x4  }
0xf0: {  	v3 =	vld [tilespmem:$0x1FE30];
	v6 =	vmul.u32 $0x65, v6;
	_ =	sdelay $0x1  }
0xf1: {  	[tilespmem:$0x1FF50] =	vst v6;
	v6 =	vld [tilespmem:$0x1FF60];
	_ =	sdelay $0x2  }
0xf2: {  	s4 =	simm.s32 $0x3310;
	v3 =	vmul.u32 $0x65, v3;
	[tilespmem:$0x1FF10] =	vst v17  }
0xf3: {  	v7 =	vld [tilespmem:$0x1FE50];
	v12 =	vsel vm8, $0x1, v1;
	[tilespmem:s4+$0x0] =	vst v35  }
0xf4: {  	v56 =	vmovc v40;
	v12 =	vadd.s32 v12, v3;
	v3 =	vor.u32 $0x10, v10;
	v40 =	vmul.u32 $0x65, v6;
	v6 =	vld [tilespmem:$0x1FF70]  }
0xf5: {  	v55 =	vadd.s32 v3, v39;
	_ =	sdelay $0x3  }
0xf6: {  	v6 =	vmul.u32 $0x65, v6  }
0xf7: {  	v55 =	vld.idx.msk [tilespmem:v55+s7+$0x0], $0xffff  }
0xf8: {  	[tilespmem:$0x1FF80] =	vst v6;
	v6 =	vld [tilespmem:$0x1FF90];
	_ =	sdelay $0x4  }
0xf9: {  	v31 =	vmov v20;
	v20 =	vmov v36;
	v36 =	vmul.u32 $0x65, v6;
	v6 =	vld [tilespmem:$0x1FFA0];
	_ =	sdelay $0x4  }
0xfa: {  	v6 =	vmul.u32 $0x65, v6;
	_ =	sdelay $0x1  }
0xfb: {  	s1 =	simm.s32 $0x3410;
	[tilespmem:$0x1FFB0] =	vst v6  }
0xfc: {  	v63 =	vor.u32 $0x10, v57;
	[tilespmem:s1+$0x0] =	vst v53  }
0xfd: {  	v4 =	vadd.s32 v63, v41;
	v11 =	vor.u32 $0x10, v59;
	v6 =	vld [tilespmem:$0x1FFC0]  }
0xfe: {  	v30 =	vmov v5;
	v54 =	vadd.s32 v11, v5;
	v5 =	vld [tilespmem:$0x1FFD0];
	_ =	sdelay $0x1  }
0xff: {  	v7 =	vadd.s32 v7, v27;
	v47 =	vld.idx.msk [tilespmem:v15+s7+$0x0], $0xffff  }
0x100: {  	v42 =	vmov v21;
	v38 =	vsel vm9, v38, v61;
	v35 =	vld.idx.msk [tilespmem:v16+s7+$0x0], $0xffff;
	[tilespmem:s4+$0xFFFFFF80] =	vst v7  }
0x101: {  	v61 =	vmovc v22;
	v24 =	vadd.s32 $0x2, v9;
	v4 =	vld.idx.msk [tilespmem:v4+s7+$0x0], $0xffff;
	[tilespmem:$0x1FFE0] =	vst v9;
	v48 =	vadd.s32 v6, v12;
	v12 =	vor.u32 $0x10, v60  }
0x102: {  	s5 =	simm.s32 $0xC;
	s6 =	simm.s32 $0x100;
	vm8 =	vlt.f32 v50, v58;
	v53 =	vld.idx.msk [tilespmem:v14+s7+$0x0], $0xffff;
	v50 =	vadd.s32 v5, v49;
	v52 =	vadd.s32 v12, v20  }
.LBB2_2:
0x103: {  	v6 =	vld [tilespmem:$0x1FDB0];
	_ =	sdelay $0x4  }
0x104: {  	v7 =	vmov v6;
	v6 =	vmov v43  }
0x105: {  	[tilespmem:$0x1FC40] =	vst v6;
	v6 =	vld [tilespmem:$0x1FDF0];
	_ =	sdelay $0x4  }
0x106: {  	[tilespmem:$0x1FCA0] =	vst v7;
	v7 =	vmov v6;
	v6 =	vld [tilespmem:$0x1FEF0];
	_ =	sdelay $0x2  }
0x107: {  	v5 =	vld.idx.msk [tilespmem:v54+s7+$0x0], $0xffff;
	v9 =	vsel vm8, v62, v46;
	[tilespmem:s4+$0xFFFFFFF0] =	vst v8  }
0x108: {  	v58 =	vld.idx.msk [tilespmem:v52+s7+$0x0], $0xffff;
	[tilespmem:$0x1FC30] =	vst v9  }
0x109: {  	s2 =	sadd.s32 $0x10, s6;
	v52 =	vadd.s32 $0x2, v9;
	v9 =	vld [tilespmem:$0x1FF10];
	[tilespmem:$0x1FC70] =	vst v7;
	v7 =	vmov v6;
	v6 =	vmov v40  }
0x10a: {  	s3 =	sadd.s32 $0x30, s6;
	v8 =	vor.u32 s2, v0;
	[tilespmem:$0x1FEF0] =	vst v6;
	v6 =	vld [tilespmem:$0x1FFB0]  }
0x10b: {  	[tilespmem:$0x1FC60] =	vst v25;
	vm9 =	vlt.f32 v55, v29;
	v26 =	vor.u32 s3, v0;
	v25 =	vmulhi.u32 $0x51EB851F, v8  }
0x10c: {  	s31 =	sadd.s32 $0x20, s6;
	v3 =	vsel vm9, v3, v10;
	v46 =	vmulhi.u32 $0x51EB851F, v26  }
0x10d: {  	[tilespmem:s4+$0xFFFFFF70] =	vst v48;
	v62 =	vor.u32 s31, v0;
	v22 =	vor.u32 $0x8, v3;
	v25 =	vshrl.u32 v25, $0x5  }
0x10e: {  	v21 =	vld.idx.msk [tilespmem:v50+s7+$0x0], $0xffff;
	v32 =	vmulhi.u32 $0x51EB851F, v62;
	v48 =	vshrl.u32 v46, $0x5;
	v25 =	vmul.u32 $0x64, v25;
	[tilespmem:$0x1FC50] =	vst v7;
	v7 =	vmovc v9  }
0x10f: {  	v14 =	vor.u32 s6, v0;
	v43 =	vmul.u32 $0x64, v48;
	[tilespmem:$0x1FCC0] =	vst v7;
	v7 =	vld [tilespmem:$0x1FCE0];
	v17 =	vmovc v6;
	v6 =	vadd.s32 v22, v39  }
0x110: {  	[tilespmem:$0x1FC20] =	vst v36;
	v36 =	vmulhi.u32 $0x51EB851F, v14;
	v32 =	vshrl.u32 v32, $0x5;
	v40 =	vsub.s32 v8, v25  }
0x111: {  	vm8 =	vlt.f32 v4, v34;
	v48 =	vsub.s32 v26, v43;
	v25 =	vmul.u32 $0x70, v40  }
0x112: {  	v4 =	vshrl.u32 v36, $0x5;
	v32 =	vmul.u32 $0x64, v32;
	v27 =	vmul.u32 $0x70, v48  }
0x113: {  	vm9 =	vlt.f32 v21, v13;
	vm10 =	vlt.f32 v5, v37;
	v13 =	vld [tilespmem:$0x1FD60];
	v5 =	vadd.s32 $0x3F, v25  }
0x114: {  	v15 =	vmovc v61;
	v55 =	vmovc v23;
	s0 =	sadd.s32 $0x40, s0;
	v4 =	vmul.u32 $0x64, v4;
	v23 =	vadd.s32 $0x3F, v27;
	v21 =	vmul.u32 $0x65, v7;
	v6 =	vld.idx.msk [tilespmem:v6+s7+$0x0], $0xffff  }
0x115: {  	v61 =	vmovc v34;
	v34 =	vmovc v42;
	vm11 =	vlt.f32 v58, v42;
	v57 =	vsel vm8, v63, v57;
	v42 =	vld [tilespmem:s0+$0xFFFFFFE0];
	v8 =	vsel vm9, $0x1, v1  }
0x116: {  	vm8 =	vlt.f32 v53, v18;
	v18 =	vld [tilespmem:$0x1FEB0];
	v32 =	vsub.s32 v62, v32;
	v7 =	vmovc v48;
	v21 =	vadd.s32 v8, v21  }
0x117: {  	s4 =	smov.u32 s1;
	s1 =	sadd.s32 $0x100, s1;
	v4 =	vsub.s32 v14, v4;
	v9 =	vld [tilespmem:$0x1FD40];
	[tilespmem:$0x1FD40] =	vst v7;
	v7 =	vmul.u32 $0x70, v32;
	v14 =	vadd.s32 v49, v21  }
0x118: {  	v26 =	vmov v29;
	v5 =	vld.idx.msk [tilespmem:v5+s7+$0x0], $0xffff;
	v49 =	vmul.u32 $0x70, v4;
	[tilespmem:s1+$0x0] =	vst v14  }
0x119: {  	v44 =	vadd.s32 $0x3F, v7;
	v50 =	vld.idx.msk [tilespmem:v23+s7+$0x0], $0xffff;
	vm9 =	vlt.f32 v6, v26  }
0x11a: {  	v21 =	vadd.s32 $0x3F, v49;
	v36 =	vld [tilespmem:s0+$0x10];
	v3 =	vsel vm9, v22, v3  }
0x11b: {  	v10 =	vmovc v39;
	v11 =	vsel vm10, v11, v59;
	v6 =	vsel vm11, v12, v60;
	v12 =	vld [tilespmem:s0+$0xFFFFFFF0];
	v60 =	vadd.s32 $0x4, v3  }
0x11c: {  	vm11 =	vlt.f32 v47, v13;
	v47 =	vld [tilespmem:s0+$0x0];
	v22 =	vor.u32 $0x8, v57;
	v43 =	vadd.s32 v60, v10  }
0x11d: {  	v16 =	vmov v45;
	v59 =	vor.u32 $0x8, v11;
	v13 =	vld [tilespmem:$0x1FE60];
	v63 =	vadd.s32 v22, v41  }
0x11e: {  	[tilespmem:$0x1FC80] =	vst v16;
	v58 =	vmovc v41;
	v16 =	vadd.s32 v59, v30;
	v62 =	vor.u32 $0x8, v6;
	v44 =	vld.idx.msk [tilespmem:v44+s7+$0x0], $0xffff;
	v41 =	vsel vm11, $0x1, v1  }
0x11f: {  	v54 =	vadd.s32 $0x2, v38;
	[tilespmem:$0x1FCB0] =	vst v15;
	v15 =	vadd.s32 v62, v20;
	v21 =	vld.idx.msk [tilespmem:v21+s7+$0x0], $0xffff;
	v18 =	vadd.s32 v41, v18  }
0x120: {  	vm10 =	vlt.f32 v35, v51;
	v53 =	vmul.u32 $0x65, v40;
	v9 =	vmovc v9;
	v14 =	vadd.s32 $0xFFFFFFFF, v25;
	[tilespmem:$0x1FC90] =	vst v18;
	v18 =	vld [tilespmem:$0x1FED0]  }
0x121: {  	v39 =	vadd.s32 $0xFFFFFFFF, v27;
	[tilespmem:$0x1FCE0] =	vst v9;
	v4 =	vmul.u32 $0x65, v4;
	v40 =	vmovc v14;
	vm9 =	vlt.f32 v50, v36;
	v14 =	vld.idx.msk [tilespmem:v43+s7+$0x0], $0xffff  }
0x122: {  	v48 =	vmovc v24;
	[tilespmem:$0x1FDF0] =	vst v7;
	v45 =	vadd.s32 $0xFFFFFFFF, v7;
	v7 =	vadd.s32 v24, v19;
	v24 =	vsel vm9, $0x40, v1;
	v43 =	vld.idx.msk [tilespmem:v63+s7+$0x0], $0xffff  }
0x123: {  	v16 =	vld.idx.msk [tilespmem:v16+s7+$0x0], $0xffff;
	v9 =	vadd.s32 v52, v56;
	v56 =	vsel vm10, $0x1, v1;
	[tilespmem:$0x1FFB0] =	vst v4;
	v4 =	vor.u32 $0x20, v24  }
0x124: {  	v8 =	vmovc v38;
	v50 =	vsel vm8, $0x1, v1;
	vm9 =	vlt.f32 v5, v12;
	v5 =	vadd.s32 v4, v39;
	v15 =	vld.idx.msk [tilespmem:v15+s7+$0x0], $0xffff  }
0x125: {  	v19 =	vmovc v33;
	v23 =	vmovc v30;
	vm8 =	vlt.f32 v44, v47;
	v63 =	vsel vm9, $0x40, v1;
	vm9 =	vlt.f32 v21, v42  }
0x126: {  	v38 =	vmovc v13;
	v13 =	vmovc v61;
	v21 =	vsel vm8, $0x40, v1;
	v30 =	vsel vm9, $0x40, v1;
	vm8 =	vlt.f32 v14, v26  }
0x127: {  	v33 =	vmovc v37;
	v44 =	vadd.s32 v56, v18;
	v14 =	vld [tilespmem:$0x1FD70];
	vm9 =	vlt.f32 v43, v13;
	v43 =	vsel vm8, v60, v3  }
0x128: {  	v56 =	vmovc v34;
	v3 =	vld.idx.msk [tilespmem:v9+s7+$0x0], $0xffff;
	v9 =	vsel vm9, v22, v57;
	vm8 =	vlt.f32 v16, v33;
	v16 =	vadd.s32 $0x2, v43  }
0x129: {  	vm9 =	vlt.f32 v15, v56;
	v15 =	vsel vm8, v59, v11;
	v11 =	vadd.s32 v16, v10;
	v10 =	vld [tilespmem:$0x1FF30];
	_ =	sdelay $0x2  }
0x12a: {  	v7 =	vld.idx.msk [tilespmem:v7+s7+$0x0], $0xffff  }
0x12b: {  	v5 =	vld.idx.msk [tilespmem:v5+s7+$0x0], $0xffff  }
0x12c: {  	v18 =	vmov v14;
	v60 =	vmov v10;
	v10 =	vld [tilespmem:$0x1FF80]  }
0x12d: {  	vm8 =	vlt.f32 v3, v18;
	v3 =	vld [tilespmem:$0x1FF50];
	_ =	sdelay $0x1  }
0x12e: {  	v28 =	vmov v20;
	[tilespmem:$0x1FDB0] =	vst v27  }
0x12f: {  	v51 =	vmul.u32 $0x65, v32;
	[tilespmem:$0x1FCD0] =	vst v17;
	v17 =	vadd.s32 v54, v31;
	v32 =	vmovc v28;
	v46 =	vadd.s32 $0xFFFFFFFF, v49  }
0x130: {  	v27 =	vmovc v46;
	v46 =	vsel vm9, v62, v6;
	vm9 =	vlt.f32 v5, v36;
	v62 =	vmovc v10;
	v10 =	vmov v53  }
0x131: {  	vm10 =	vlt.f32 v7, v38;
	v7 =	vld [tilespmem:$0x1FFE0];
	v28 =	vor.u32 $0x20, v63;
	[tilespmem:$0x1FF80] =	vst v10;
	v10 =	vsel vm9, v4, v24;
	v4 =	vmovc v3  }
0x132: {  	v61 =	vmov v12;
	v12 =	vadd.s32 v28, v40;
	[tilespmem:$0x1FED0] =	vst v4;
	v4 =	vld.idx.msk [tilespmem:v11+s7+$0x0], $0xffff  }
0x133: {  	v11 =	vld [tilespmem:$0x1FC20]  }
0x134: {  	v35 =	vmov v47;
	v47 =	vor.u32 $0x20, v30  }
0x135: {  	v17 =	vld.idx.msk [tilespmem:v17+s7+$0x0], $0xffff;
	v14 =	vadd.s32 v47, v27;
	_ =	sdelay $0x1  }
0x136: {  	v12 =	vld.idx.msk [tilespmem:v12+s7+$0x0], $0xffff;
	v6 =	vadd.s32 $0x4, v9  }
0x137: {  	v20 =	vmovc v45;
	v45 =	vmovc v58;
	v59 =	vadd.s32 v6, v58;
	v58 =	vsel vm10, v48, v7;
	v7 =	vmov v11;
	v11 =	vld [tilespmem:$0x1FCF0]  }
0x138: {  	v22 =	vadd.s32 $0x4, v15  }
0x139: {  	[tilespmem:$0x1FEB0] =	vst v60;
	v60 =	vadd.s32 v22, v23;
	v14 =	vld.idx.msk [tilespmem:v14+s7+$0x0], $0xffff;
	vm9 =	vlt.f32 v17, v19  }
0x13a: {  	v8 =	vsel vm9, v54, v8  }
0x13b: {  	v34 =	vmovc v61;
	v3 =	vor.u32 $0x10, v10;
	vm9 =	vlt.f32 v12, v61;
	v61 =	vmov v8;
	v8 =	vld [tilespmem:$0x1FC30]  }
0x13c: {  	[tilespmem:$0x1FF50] =	vst v7;
	v7 =	vadd.s32 v3, v39;
	v24 =	vadd.s32 v11, v58;
	v11 =	vld [tilespmem:$0x1FD00]  }
0x13d: {  	v41 =	vmov v42;
	[tilespmem:$0x1FD60] =	vst v38;
	v31 =	vor.u32 $0x20, v21  }
0x13e: {  	v37 =	vadd.s32 v31, v20;
	v38 =	vld.idx.msk [tilespmem:v60+s7+$0x0], $0xffff;
	v57 =	vsel vm9, v28, v63;
	vm9 =	vlt.f32 v14, v41  }
0x13f: {  	v60 =	vsel vm9, v47, v30;
	vm9 =	vlt.f32 v4, v26;
	v4 =	vld [tilespmem:$0x1FC80]  }
0x140: {  	v12 =	vsel vm8, v52, v8;
	v8 =	vld [tilespmem:$0x1FC40]  }
0x141: {  	v29 =	vmovc v36;
	v36 =	vmov v51;
	v51 =	vadd.s32 v11, v12;
	v11 =	vmov v55;
	v55 =	vld.idx.msk [tilespmem:v7+s7+$0x0], $0xffff  }
0x142: {  	[tilespmem:$0x1FF30] =	vst v62;
	v62 =	vadd.s32 $0x4, v46;
	v7 =	vld [tilespmem:$0x1FC90]  }
0x143: {  	v42 =	vld.idx.msk [tilespmem:v37+s7+$0x0], $0xffff;
	v5 =	vadd.s32 v62, v32;
	_ =	sdelay $0x1  }
0x144: {  	v17 =	vld.idx.msk [tilespmem:v59+s7+$0x0], $0xffff  }
0x145: {  	v28 =	vadd.s32 v8, v61;
	v8 =	vld [tilespmem:$0x1FC50]  }
0x146: {  	v63 =	vor.u32 $0x10, v57;
	v7 =	vadd.s32 v4, v7;
	v4 =	vld [tilespmem:$0x1FCA0]  }
0x147: {  	v14 =	vadd.s32 v63, v40;
	v5 =	vld.idx.msk [tilespmem:v5+s7+$0x0], $0xffff;
	vm8 =	vlt.f32 v42, v35  }
0x148: {  	v37 =	vmovc v35;
	v42 =	vmovc v41;
	v41 =	vmov v40;
	v35 =	vmov v13;
	v40 =	vld [tilespmem:$0x1FCD0];
	[tilespmem:$0x1FF10] =	vst v12;
	v59 =	vsel vm8, v31, v21  }
0x149: {  	v31 =	vmovc v23;
	v23 =	vmovc v25;
	v25 =	vmov v49;
	v49 =	vsel vm9, v16, v43;
	vm9 =	vlt.f32 v17, v35;
	v12 =	vld [tilespmem:$0x1FC60]  }
0x14a: {  	s5 =	sadd.s32 $0x4, s5;
	[tilespmem:$0x1FD70] =	vst v56;
	v6 =	vsel vm9, v6, v9;
	v9 =	vld [tilespmem:$0x1FCC0]  }
0x14b: {  	p1 =	slt.u32 s5, $0x60;
	[tilespmem:$0x1FE60] =	vst v35;
	v21 =	vadd.s32 v50, v8;
	v50 =	vadd.s32 v4, v49;
	v4 =	vld [tilespmem:$0x1FCB0]  }
.Ltmp2:
0x14c: {  	v30 =	vmov v20;
	v13 =	vmov v26;
	v43 =	vld [tilespmem:$0x1FC70];
	vm9 =	vlt.f32 v38, v33;
	[tilespmem:$0x1FFE0] =	vst v6;
	(pc) =	sbr.rel @p1 .LBB2_2-.Ltmp2, $4  }
0x14d: {  	v38 =	vsel vm9, v22, v15;
	vm8 =	vlt.f32 v5, v56;
	v47 =	vld.idx.msk [tilespmem:v24+s7+$0x0], $0xffff;
	[tilespmem:$0x1FCF0] =	vst v11;
	v11 =	vor.u32 $0x10, v59  }
0x14e: {  	v56 =	vmovc v32;
	v24 =	vadd.s32 $0x2, v6;
	v35 =	vld.idx.msk [tilespmem:v28+s7+$0x0], $0xffff;
	v54 =	vadd.s32 v11, v20;
	v20 =	vmovc v27;
	v8 =	vmov v12  }
0x14f: {  	v48 =	vadd.s32 v9, v21;
	v12 =	vor.u32 $0x10, v60;
	v53 =	vld.idx.msk [tilespmem:v51+s7+$0x0], $0xffff;
	v51 =	vmovc v19;
	v19 =	vmov v45;
	[tilespmem:$0x1FD00] =	vst v8  }
0x150: {  	s6 =	sadd.s32 $0x40, s6;
	v45 =	vmov v58;
	v52 =	vadd.s32 v12, v27;
	v8 =	vadd.s32 v4, v44;
	v4 =	vld.idx.msk [tilespmem:v14+s7+$0x0], $0xffff;
	[tilespmem:s4+$0xFFFFFF80] =	vst v7  }
0x151: {  	_ =	sdelay $0x3  }
0x152: {  	v6 =	vld.idx.msk [tilespmem:v54+s7+$0x0], $0xffff  }
0x153: {  	v9 =	vld.idx.msk [tilespmem:v52+s7+$0x0], $0xffff  }
0x154: {  	vm9 =	vlt.f32 v55, v29  }
0x155: {  	v3 =	vsel vm9, v3, v10  }
0x156: {  	v5 =	vor.u32 $0x8, v3;
	vm9 =	vlt.f32 v4, v34  }
0x157: {  	v7 =	vadd.s32 v5, v39;
	vm10 =	vlt.f32 v6, v37;
	v57 =	vsel vm9, v63, v57  }
0x158: {  	vm9 =	vlt.f32 v9, v42;
	v58 =	vsel vm10, v11, v59;
	v59 =	vor.u32 $0x8, v57  }
0x159: {  	v63 =	vsel vm9, v12, v60;
	v11 =	vor.u32 $0x8, v58;
	v21 =	vadd.s32 v59, v41  }
0x15a: {  	v14 =	vor.u32 $0x8, v63;
	v15 =	vadd.s32 v11, v30  }
0x15b: {  	v16 =	vadd.s32 v14, v20  }
0x15c: {  	v55 =	vld.idx.msk [tilespmem:v7+s7+$0x0], $0xffff;
	_ =	sdelay $0x1  }
0x15d: {  	v26 =	vld.idx.msk [tilespmem:v21+s7+$0x0], $0xffff  }
0x15e: {  	v15 =	vld.idx.msk [tilespmem:v15+s7+$0x0], $0xffff  }
0x15f: {  	v16 =	vld.idx.msk [tilespmem:v16+s7+$0x0], $0xffff  }
0x160: {  	vm9 =	vlt.f32 v55, v29  }
0x161: {  	v3 =	vsel vm9, v5, v3  }
0x162: {  	v22 =	vadd.s32 $0x4, v3;
	vm9 =	vlt.f32 v26, v34  }
0x163: {  	v27 =	vadd.s32 v22, v39;
	v6 =	vsel vm9, v59, v57;
	vm9 =	vlt.f32 v15, v37  }
0x164: {  	vm10 =	vlt.f32 v16, v42;
	v7 =	vsel vm9, v11, v58;
	v9 =	vadd.s32 $0x4, v6  }
0x165: {  	v10 =	vsel vm10, v14, v63;
	v11 =	vadd.s32 $0x4, v7;
	v44 =	vadd.s32 v9, v41  }
0x166: {  	v14 =	vadd.s32 $0x4, v10;
	v52 =	vadd.s32 v11, v30  }
0x167: {  	v54 =	vadd.s32 v14, v20  }
0x168: {  	v28 =	vld.idx.msk [tilespmem:v27+s7+$0x0], $0xffff;
	_ =	sdelay $0x1  }
0x169: {  	v55 =	vld.idx.msk [tilespmem:v44+s7+$0x0], $0xffff  }
0x16a: {  	v15 =	vld.idx.msk [tilespmem:v52+s7+$0x0], $0xffff  }
0x16b: {  	v16 =	vld.idx.msk [tilespmem:v54+s7+$0x0], $0xffff  }
0x16c: {  	v17 =	vsel vm8, v62, v46;
	vm9 =	vlt.f32 v28, v29  }
0x16d: {  	v21 =	vadd.s32 $0x2, v38;
	v3 =	vsel vm9, v22, v3;
	v22 =	vadd.s32 v24, v19  }
0x16e: {  	v58 =	vmovc v24;
	v27 =	vadd.s32 v21, v31;
	v24 =	vadd.s32 $0x2, v17;
	v4 =	vadd.s32 $0x2, v3  }
0x16f: {  	v60 =	vld.idx.msk [tilespmem:v50+s7+$0x0], $0xffff;
	v28 =	vadd.s32 v24, v56;
	v57 =	vadd.s32 v4, v39;
	vm9 =	vlt.f32 v55, v34  }
0x170: {  	v50 =	vld [tilespmem:$0x1FCE0];
	v6 =	vsel vm9, v9, v6;
	vm9 =	vlt.f32 v15, v37;
	vm8 =	vlt.f32 v16, v42  }
0x171: {  	v56 =	vld [tilespmem:$0x1FFE0];
	v12 =	vadd.s32 $0x2, v6;
	v7 =	vsel vm9, v11, v7;
	v10 =	vsel vm8, v14, v10  }
0x172: {  	v62 =	vld.idx.msk [tilespmem:v22+s7+$0x0], $0xffff;
	v14 =	vadd.s32 $0x2, v7;
	v63 =	vadd.s32 v12, v41;
	v41 =	vadd.s32 $0x2, v10  }
0x173: {  	v44 =	vadd.s32 v14, v30;
	v46 =	vadd.s32 v41, v20;
	v30 =	vld [tilespmem:$0x1FE60]  }
0x174: {  	v39 =	vld.idx.msk [tilespmem:v27+s7+$0x0], $0xffff  }
0x175: {  	v28 =	vld.idx.msk [tilespmem:v28+s7+$0x0], $0xffff  }
0x176: {  	v59 =	vld.idx.msk [tilespmem:v57+s7+$0x0], $0xffff  }
0x177: {  	v54 =	vld.idx.msk [tilespmem:v63+s7+$0x0], $0xffff  }
0x178: {  	vm10 =	vlt.f32 v62, v30;
	v26 =	vld.idx.msk [tilespmem:v46+s7+$0x0], $0xffff  }
0x179: {  	vm8 =	vlt.f32 v60, v13;
	v13 =	vsel vm10, v58, v56;
	v58 =	vld [tilespmem:$0x1FD70]  }
0x17a: {  	v32 =	vmov v29  }
0x17b: {  	v52 =	vld [tilespmem:$0x1FDB0];
	vm9 =	vlt.f32 v59, v32  }
0x17c: {  	v27 =	vld [tilespmem:$0x1FD00];
	v55 =	vsel vm8, $0x1, v1;
	v3 =	vsel vm9, v4, v3;
	vm9 =	vlt.f32 v39, v33  }
0x17d: {  	v59 =	vld [tilespmem:$0x1FCF0];
	v4 =	vmul.u32 $0x65, v50;
	v16 =	vsel vm9, v21, v38;
	vm9 =	vlt.f32 v54, v34  }
0x17e: {  	v6 =	vsel vm9, v12, v6;
	vm9 =	vlt.f32 v26, v42;
	vm8 =	vlt.f32 v28, v58;
	v28 =	vld [tilespmem:$0x1FD60]  }
0x17f: {  	v10 =	vsel vm9, v41, v10;
	v41 =	vld [tilespmem:$0x1FDF0];
	[tilespmem:s4+$0xFFFFFFF0] =	vst v8  }
0x180: {  	v57 =	vld.idx.msk [tilespmem:v44+s7+$0x0], $0xffff;
	v4 =	vadd.s32 v55, v4;
	[tilespmem:s4+$0xFFFFFF70] =	vst v48  }
0x181: {  	s0 =	sadd.s32 $0x100, s1;
	v4 =	vadd.s32 v49, v4;
	v48 =	vld [tilespmem:$0x1FEB0]  }
0x182: {  	v49 =	vld [tilespmem:$0x1FD40];
	[tilespmem:s0+$0x0] =	vst v4  }
0x183: {  	v4 =	vld [tilespmem:$0x1FED0]  }
0x184: {  	v5 =	vadd.s32 v52, v3;
	v50 =	vld [tilespmem:$0x1FEF0]  }
0x185: {  	v63 =	vadd.s32 v43, v16;
	v60 =	vadd.s32 v59, v13;
	v62 =	vsel vm8, v24, v17;
	v52 =	vld [tilespmem:$0x1FF10]  }
0x186: {  	vm8 =	vlt.f32 v53, v18;
	v24 =	vadd.s32 v27, v62;
	vm10 =	vlt.f32 v47, v28  }
0x187: {  	v43 =	vsel vm8, $0x1, v1;
	v29 =	vsel vm10, $0x1, v1;
	vm10 =	vlt.f32 v57, v37  }
0x188: {  	v7 =	vsel vm10, v14, v7;
	vm10 =	vlt.f32 v35, v51;
	v9 =	vadd.s32 v29, v48  }
0x189: {  	v5 =	vld.idx.msk [tilespmem:v5+s7+$0x0], $0xffff;
	v8 =	vadd.s32 v43, v50;
	v44 =	vsel vm10, $0x1, v1;
	v9 =	vadd.s32 v45, v9  }
0x18a: {  	v39 =	vld.idx.msk [tilespmem:v63+s7+$0x0], $0xffff;
	v8 =	vadd.s32 v52, v8;
	v4 =	vadd.s32 v44, v4;
	[tilespmem:s1+$0xFFFFFF80] =	vst v9  }
0x18b: {  	v31 =	vld.idx.msk [tilespmem:v60+s7+$0x0], $0xffff;
	[tilespmem:s1+$0xFFFFFF70] =	vst v8;
	v4 =	vadd.s32 v61, v4  }
0x18c: {  	v46 =	vld.idx.msk [tilespmem:v24+s7+$0x0], $0xffff;
	[tilespmem:s1+$0xFFFFFFF0] =	vst v4  }
0x18d: {  	v8 =	vld [tilespmem:$0x1FF30]  }
0x18e: {  	vm9 =	vlt.f32 v5, v32;
	v5 =	vmul.u32 $0x65, v49;
	v17 =	vadd.s32 v41, v7;
	v57 =	vld [tilespmem:$0x1FF50]  }
0x18f: {  	v38 =	vadd.s32 v23, v6;
	v51 =	vsel vm9, $0x1, v1  }
0x190: {  	v47 =	vadd.s32 v25, v10;
	v5 =	vadd.s32 v51, v5;
	vm9 =	vlt.f32 v31, v30  }
0x191: {  	vm10 =	vlt.f32 v39, v33;
	v3 =	vadd.s32 v3, v5;
	v55 =	vsel vm9, $0x1, v1  }
0x192: {  	s31 =	sadd.s32 $0x100, s0;
	v15 =	vsel vm10, $0x1, v1;
	vm8 =	vlt.f32 v46, v58;
	v4 =	vadd.s32 v55, v8  }
0x193: {  	[tilespmem:s31+$0x0] =	vst v3;
	v53 =	vld.idx.msk [tilespmem:v17+s7+$0x0], $0xffff;
	v56 =	vsel vm8, $0x1, v1;
	v8 =	vadd.s32 v15, v57;
	v3 =	vadd.s32 v13, v4  }
0x194: {  	v14 =	vld.idx.msk [tilespmem:v38+s7+$0x0], $0xffff;
	v12 =	vadd.s32 v56, v40;
	v58 =	vadd.s32 v16, v8;
	[tilespmem:s0+$0xFFFFFF80] =	vst v3  }
0x195: {  	v54 =	vld.idx.msk [tilespmem:v47+s7+$0x0], $0xffff;
	v59 =	vadd.s32 v62, v12;
	[tilespmem:s0+$0xFFFFFFF0] =	vst v58  }
0x196: {  	v61 =	vld [tilespmem:$0x1FF80];
	[tilespmem:s0+$0xFFFFFF70] =	vst v59  }
0x197: {  	v63 =	vld [tilespmem:$0x1FFB0]  }
0x198: {  	vm8 =	vlt.f32 v53, v37  }
0x199: {  	vm9 =	vlt.f32 v14, v34;
	v60 =	vsel vm8, $0x1, v1  }
.Ltmp3:
0x19a: {  	v3 =	vsel vm9, $0x1, v1;
	vm9 =	vlt.f32 v54, v42;
	v4 =	vadd.s32 v60, v36;
	(pc) =	sbr.rel .LBB2_4-.Ltmp3, $4  }
0x19b: {  	v62 =	vsel vm9, $0x1, v1;
	v4 =	vadd.s32 v7, v4;
	v3 =	vadd.s32 v3, v61  }
0x19c: {  	[tilespmem:s31+$0xFFFFFFF0] =	vst v4;
	v3 =	vadd.s32 v6, v3;
	v5 =	vadd.s32 v62, v63  }
0x19d: {  	[tilespmem:s31+$0xFFFFFF80] =	vst v3;
	v3 =	vadd.s32 v10, v5  }
0x19e: {  	vm11 =	vcmask $0x704;
	s4 =	simm.s32 $0x0;
	vm9 =	vcmask $0xF0C;
	[tilespmem:s31+$0xFFFFFF70] =	vst v3  }
.LBB2_30:
0x19f: {  	s4 =	sld [smem:$0x7F0];
	_ =	sdelay $0x2  }
0x1a0: {  	s4 =	sadd.s32 $0x1, s4  }
0x1a1: {  	p1 =	sne.s32 s4, $0x10  }
.Ltmp4:
0x1a2: {  	_ = 	snop;
	(pc) =	sbr.rel @!p1 .LBB2_31-.Ltmp4, $1  }
0x1a3: {  	_ =	sdelay $0x3  }
.LBB2_4:
0x1a4: {  	s1 =	rddreg [dreg:$0x2]  }
0x1a5: {  	s3 =	simm.s32 $0x20;
	s0 =	simm.s32 $0x3280;
	s2 =	simm.s32 $0x6A80  }
0x1a6: {  	s12 =	simm.s32 $0x3300;
	s13 =	simm.s32 $0x7A80;
	s19 =	sld [smem:$0x7FA]  }
0x1a7: {  	[tilespmem:s2], [sflag:$0x1] =	stream.indirect.gather [spmem:s1], $0x80, s0, s3, $0xb8;
	[tilespmem:$0x1F620] =	vst v63  }
0x1a8: {  	s14 =	simm.s32 $0x3380;
	s15 =	simm.s32 $0x8A80;
	s16 =	smul.u32 $0xC80, s4  }
0x1a9: {  	[tilespmem:s13], [sflag:$0x2] =	stream.indirect.gather [spmem:s1], $0x80, s12, s3, $0xb8;
	[tilespmem:$0x1F620] =	vst v63  }
0x1aa: {  	[smem:$0x7F0] =	sst s4;
	s17 =	simm.s32 $0x3400;
	s20 =	sadd.s32 s19, s16  }
0x1ab: {  	[tilespmem:s15], [sflag:$0x3] =	stream.indirect.gather [spmem:s1], $0x80, s14, s3, $0xb8;
	[tilespmem:$0x1F620] =	vst v63  }
0x1ac: {  	s18 =	simm.s32 $0x9A80;
	s24 =	rddreg [dreg:$0x0];
	s23 =	sshrl.u32 s20, $0x3  }
0x1ad: {  	[tilespmem:s18], [sflag:$0x4] =	stream.indirect.gather [spmem:s1], $0x80, s17, s3, $0xb8;
	[tilespmem:$0x1F620] =	vst v63  }
0x1ae: {  	s21 =	simm.s32 $0x3480;
	s22 =	simm.s32 $0xAA80;
	s0 =	sadd.s32 s24, s23  }
0x1af: {  	[tilespmem:s22], [sflag:$0x5] =	stream.indirect.gather [spmem:s1], $0x80, s21, s3, $0xb8;
	[tilespmem:$0x1F620] =	vst v63  }
0x1b0: {  	s25 =	simm.s32 $0x0;
	s26 =	simm.s32 $0xB;
	s0 =	sadd.s32 $0xC8, s0  }
0x1b1: {  	[tilespmem:s25], [sflag:$0xB] =	stream.linear.gather [hbm4b:s0+s25], $0x640, $0x38;
	[tilespmem:$0x1F620] =	vst v63  }
0x1b2: {  	s28 =	sor.u32 $0x20, s20;
	_ =	swait.ge [sflag:s26], $0x640  }
0x1b3: {  	s29 =	sor.u32 $0x40, s20;
	[smem:$0x7F1] =	sst s28  }
0x1b4: {  	s5 =	simm.s32 $0x4E90;
	s30 =	sor.u32 $0x60, s20;
	[smem:$0x7F2] =	sst s29  }
0x1b5: {  	s6 =	simm.s32 $0x10;
	s8 =	simm.s32 $0x0;
	[smem:$0x7F3] =	sst s30  }
0x1b6: {  	s31 =	sadd.s32 $0x80, s20;
	[sflag:s26] =	ssyncset.done $0x0;
	[smem:$0x7F4] =	sst s20  }
0x1b7: {  	s9 =	simm.s32 $0x0;
	[smem:$0x7F5] =	sst s31;
	[sflag:s26] =	ssyncadd.s32 $0xFFFFF9C0  }
.LBB2_5:
0x1b8: {  	s2 =	simm.s32 $0x1  }
0x1b9: {  	_ =	swait.ge [sflag:s2], $0x1000  }
0x1ba: {  	s1 =	sld [smem:$0x7F4]  }
0x1bb: {  	s0 =	smul.u32 $0xA0, s9  }
0x1bc: {  	s3 =	sld [smem:$0x7F9]  }
0x1bd: {  	s13 =	simm.s32 $0x0;
	s1 =	sadd.s32 s1, s0  }
0x1be: {  	s4 =	simm.s32 $0x6A80;
	[sflag:s2] =	ssyncset.done $0x0;
	s1 =	sshll.u32 s1, $0x4  }
0x1bf: {  	s14 =	simm.s32 $0x2;
	[sflag:s2] =	ssyncadd.s32 $0xFFFFF000;
	s1 =	sadd.s32 s3, s1  }
0x1c0: {  	[hbm4b:s1+s13] =	stream.linear.scatter [tilespmem:s4], [sflag:$0x6], $0x1000, $0x38;
	[tilespmem:$0x1F620] =	vst v63  }
0x1c1: {  	_ =	swait.ge [sflag:s14], $0x1000  }
0x1c2: {  	s15 =	sld [smem:$0x7F1];
	_ =	sdelay $0x2  }
0x1c3: {  	s1 =	sadd.s32 s0, s15  }
0x1c4: {  	s16 =	simm.s32 $0x7A80;
	[sflag:s14] =	ssyncset.done $0x0;
	s1 =	sshll.u32 s1, $0x4  }
0x1c5: {  	s17 =	simm.s32 $0x3;
	[sflag:s14] =	ssyncadd.s32 $0xFFFFF000;
	s1 =	sadd.s32 s3, s1  }
0x1c6: {  	[hbm4b:s1+s13] =	stream.linear.scatter [tilespmem:s16], [sflag:$0x7], $0x1000, $0x38;
	[tilespmem:$0x1F620] =	vst v63  }
0x1c7: {  	_ =	swait.ge [sflag:s17], $0x1000  }
0x1c8: {  	s18 =	sld [smem:$0x7F2];
	_ =	sdelay $0x2  }
0x1c9: {  	s1 =	sadd.s32 s0, s18  }
0x1ca: {  	s19 =	simm.s32 $0x8A80;
	[sflag:s17] =	ssyncset.done $0x0;
	s1 =	sshll.u32 s1, $0x4  }
0x1cb: {  	s20 =	simm.s32 $0x4;
	[sflag:s17] =	ssyncadd.s32 $0xFFFFF000;
	s1 =	sadd.s32 s3, s1  }
0x1cc: {  	[hbm4b:s1+s13] =	stream.linear.scatter [tilespmem:s19], [sflag:$0x8], $0x1000, $0x38;
	[tilespmem:$0x1F620] =	vst v63  }
0x1cd: {  	_ =	swait.ge [sflag:s20], $0x1000  }
0x1ce: {  	s21 =	sld [smem:$0x7F3];
	_ =	sdelay $0x2  }
0x1cf: {  	s1 =	sadd.s32 s0, s21  }
0x1d0: {  	s22 =	simm.s32 $0x9A80;
	[sflag:s20] =	ssyncset.done $0x0;
	s1 =	sshll.u32 s1, $0x4  }
0x1d1: {  	s23 =	simm.s32 $0x5;
	[sflag:s20] =	ssyncadd.s32 $0xFFFFF000;
	s1 =	sadd.s32 s3, s1  }
0x1d2: {  	[hbm4b:s1+s13] =	stream.linear.scatter [tilespmem:s22], [sflag:$0x9], $0x1000, $0x38;
	[tilespmem:$0x1F620] =	vst v63  }
0x1d3: {  	_ =	swait.ge [sflag:s23], $0x1000  }
0x1d4: {  	s24 =	sld [smem:$0x7F5];
	_ =	sdelay $0x2  }
0x1d5: {  	s25 =	simm.s32 $0xAA80;
	s0 =	sadd.s32 s0, s24  }
0x1d6: {  	p1 =	sne.s32 s9, $0x9;
	[sflag:s23] =	ssyncset.done $0x0;
	s0 =	sshll.u32 s0, $0x4  }
0x1d7: {  	s26 =	simm.s32 $0x6;
	[sflag:s23] =	ssyncadd.s32 $0xFFFFF000;
	s0 =	sadd.s32 s3, s0  }
0x1d8: {  	[hbm4b:s0+s13] =	stream.linear.scatter [tilespmem:s25], [sflag:$0xA], $0x1000, $0x38;
	[tilespmem:$0x1F620] =	vst v63  }
0x1d9: {  	s0 =	smul.u32 @p1 $0xA00, s9;
	_ =	swait.ge [sflag:s26], $0x1000  }
0x1da: {  	[sflag:s26] =	ssyncset.done $0x0  }
0x1db: {  	s2 =	simm.s32 @p1 $0x20;
	s0 =	sshra.s32 @p1 s0, $0x2;
	[sflag:s26] =	ssyncadd.s32 $0xFFFFF000  }
0x1dc: {  	s3 =	simm.s32 @p1 $0x6A80;
	s1 =	sadd.s32 @p1 $0x3500, s0;
	s4 =	rddreg [dreg:$0x2]  }
0x1dd: {  	[tilespmem:s3], [sflag:$0x1] =	stream.indirect.gather @p1 [spmem:s4], $0x80, s1, s2, $0xb8;
	[tilespmem:$0x1F620] =	vst v63  }
0x1de: {  	s1 =	simm.s32 @p1 $0x7  }
0x1df: {  	_ =	swait.ge @p1 [sflag:s1], $0x1000  }
0x1e0: {  	[sflag:s1] =	ssyncset.done @p1 $0x0  }
0x1e1: {  	s3 =	simm.s32 @p1 $0x7A80;
	[sflag:s1] =	ssyncadd.s32 @p1 $0xFFFFF000;
	s1 =	sadd.s32 @p1 $0x3580, s0  }
0x1e2: {  	[tilespmem:s3], [sflag:$0x2] =	stream.indirect.gather @p1 [spmem:s4], $0x80, s1, s2, $0xb8;
	[tilespmem:$0x1F620] =	vst v63  }
0x1e3: {  	s1 =	simm.s32 @p1 $0x8  }
0x1e4: {  	_ =	swait.ge @p1 [sflag:s1], $0x1000  }
0x1e5: {  	[sflag:s1] =	ssyncset.done @p1 $0x0  }
0x1e6: {  	s3 =	simm.s32 @p1 $0x8A80;
	[sflag:s1] =	ssyncadd.s32 @p1 $0xFFFFF000;
	s1 =	sadd.s32 @p1 $0x3600, s0  }
0x1e7: {  	[tilespmem:s3], [sflag:$0x3] =	stream.indirect.gather @p1 [spmem:s4], $0x80, s1, s2, $0xb8;
	[tilespmem:$0x1F620] =	vst v63  }
0x1e8: {  	s1 =	simm.s32 @p1 $0x9  }
0x1e9: {  	_ =	swait.ge @p1 [sflag:s1], $0x1000  }
0x1ea: {  	[sflag:s1] =	ssyncset.done @p1 $0x0  }
0x1eb: {  	s3 =	simm.s32 @p1 $0x9A80;
	[sflag:s1] =	ssyncadd.s32 @p1 $0xFFFFF000;
	s1 =	sadd.s32 @p1 $0x3680, s0  }
0x1ec: {  	[tilespmem:s3], [sflag:$0x4] =	stream.indirect.gather @p1 [spmem:s4], $0x80, s1, s2, $0xb8;
	[tilespmem:$0x1F620] =	vst v63  }
0x1ed: {  	s1 =	simm.s32 @p1 $0xA  }
0x1ee: {  	_ =	swait.ge @p1 [sflag:s1], $0x1000  }
0x1ef: {  	[sflag:s1] =	ssyncset.done @p1 $0x0  }
0x1f0: {  	s0 =	sadd.s32 @p1 $0x3700, s0;
	[sflag:s1] =	ssyncadd.s32 @p1 $0xFFFFF000;
	s1 =	simm.s32 @p1 $0xAA80  }
0x1f1: {  	[tilespmem:s1], [sflag:$0x5] =	stream.indirect.gather @p1 [spmem:s4], $0x80, s0, s2, $0xb8;
	[tilespmem:$0x1F620] =	vst v63  }
0x1f2: {  	s0 =	simm.s32 @!p1 $0x7  }
0x1f3: {  	_ =	swait.ge @!p1 [sflag:s0], $0x1000  }
0x1f4: {  	[sflag:s0] =	ssyncset.done @!p1 $0x0  }
0x1f5: {  	[sflag:s0] =	ssyncadd.s32 @!p1 $0xFFFFF000;
	s0 =	simm.s32 @!p1 $0x8  }
0x1f6: {  	_ =	swait.ge @!p1 [sflag:s0], $0x1000  }
0x1f7: {  	[sflag:s0] =	ssyncset.done @!p1 $0x0  }
0x1f8: {  	[sflag:s0] =	ssyncadd.s32 @!p1 $0xFFFFF000;
	s0 =	simm.s32 @!p1 $0x9  }
0x1f9: {  	_ =	swait.ge @!p1 [sflag:s0], $0x1000  }
0x1fa: {  	[sflag:s0] =	ssyncset.done @!p1 $0x0  }
0x1fb: {  	s1 =	simm.s32 @!p1 $0xA;
	[sflag:s0] =	ssyncadd.s32 @!p1 $0xFFFFF000  }
0x1fc: {  	v6 =	vor.u32 s8, v0;
	s30 =	sadd.s32 $0x10, s8;
	_ =	swait.ge @!p1 [sflag:s1], $0x1000  }
0x1fd: {  	v4 =	vor.u32 s30, v0;
	(v2sf) =	vpush v6, $0x7  }
0x1fe: {  	(v2sf) =	vpush v4, $0xF  }
0x1ff: {  	(v2sf) =	vpush v4, $0xB  }
0x200: {  	(v2sf) =	vpush v4, $0x6  }
0x201: {  	s28 =	smul.u32 $0xA, s9;
	(v2sf) =	vpush v4, $0xE  }
0x202: {  	(v2sf) =	vpush v4, $0xA  }
0x203: {  	s29 =	sadd.s32 $0xA, s28;
	(v2sf) =	vpush v4, $0xD  }
0x204: {  	[dreg:$0x4] =	wrdreg s29;
	(v2sf) =	vpush v4, $0x9  }
0x205: {  	s0 =	sadd.s32 $0x2, s28;
	s31 =	rddreg [dreg:$0x4];
	(v2sf) =	vpush v4, $0x5  }
0x206: {  	p4 =	slt.u32 s0, s31;
	(v2sf) =	vpush v4, $0xC  }
.Ltmp5:
0x207: {  	(v2sf) =	vpush v4, $0x8;
	(pc) =	sbr.rel @!p4 .LBB2_6-.Ltmp5, $4  }
0x208: {  	[smem:$0x7EE] =	sst s9;
	(v2sf) =	vpush v4, $0x4  }
0x209: {  	p2 =	por $0x0, $0x0;
	[smem:$0x7EC] =	sst s5;
	(v2sf) =	vpush v4, $0x3  }
0x20a: {  	p3 =	por $0x0, $0x0;
	[sflag:s1] =	ssyncset.done @!p1 $0x0;
	[smem:$0x7ED] =	sst s6;
	(v2sf) =	vpush v4, $0x2  }
0x20b: {  	[smem:$0x7EF] =	sst s8;
	[sflag:s1] =	ssyncadd.s32 @!p1 $0xFFFFF000;
	p1 =	por $0x0, $0x0;
	(v2sf) =	vpush v4, $0x1  }
0x20c: {  	s1 =	spop (v2sf)  }
0x20d: {  	s3 =	spop (v2sf)  }
0x20e: {  	s5 =	smulhi.u32 $0x51EB851F, s3;
	s7 =	spop (v2sf)  }
0x20f: {  	s3 =	sshra.s32 s3, $0x1F;
	s8 =	smulhi.u32 $0x51EB851F, s7  }
0x210: {  	s9 =	spop (v2sf);
	s3 =	smul.u32 $0x51EB851F, s3  }
0x211: {  	s7 =	sshra.s32 s7, $0x1F;
	s2 =	smulhi.u32 $0x51EB851F, s9  }
0x212: {  	s10 =	spop (v2sf);
	s22 =	smul.u32 $0x51EB851F, s7  }
0x213: {  	s26 =	sshra.s32 s9, $0x1F;
	s11 =	smulhi.u32 $0x51EB851F, s10  }
0x214: {  	s12 =	spop (v2sf);
	s7 =	smul.u32 $0x51EB851F, s26  }
0x215: {  	s28 =	sshra.s32 s10, $0x1F;
	s4 =	smulhi.u32 $0x51EB851F, s12  }
0x216: {  	s9 =	smul.u32 $0x51EB851F, s28  }
0x217: {  	s13 =	spop (v2sf);
	s22 =	sadd.s32 s22, s8;
	s8 =	smulhi.u32 $0x51EB851F, s1  }
0x218: {  	s29 =	sshra.s32 s12, $0x1F;
	s14 =	smulhi.u32 $0x51EB851F, s13  }
0x219: {  	s15 =	spop (v2sf);
	s10 =	smul.u32 $0x51EB851F, s29  }
0x21a: {  	s30 =	sshra.s32 s13, $0x1F;
	s16 =	smulhi.u32 $0x51EB851F, s15  }
0x21b: {  	s17 =	spop (v2sf);
	s12 =	smul.u32 $0x51EB851F, s30  }
0x21c: {  	[smem:$0x7E9] =	sst s0;
	s31 =	sshra.s32 s15, $0x1F;
	s6 =	smulhi.u32 $0x51EB851F, s17  }
0x21d: {  	s18 =	spop (v2sf);
	s13 =	smul.u32 $0x51EB851F, s31  }
0x21e: {  	(v2sf) =	vpush v4, $0x0;
	[smem:$0x7E7] =	sst s22;
	s17 =	sshra.s32 s17, $0x1F;
	s19 =	smulhi.u32 $0x51EB851F, s18  }
0x21f: {  	s5 =	sadd.s32 s3, s5;
	s20 =	spop (v2sf);
	s17 =	smul.u32 $0x51EB851F, s17  }
0x220: {  	s2 =	sadd.s32 s7, s2;
	s18 =	sshra.s32 s18, $0x1F;
	s21 =	smulhi.u32 $0x51EB851F, s20  }
0x221: {  	s9 =	sadd.s32 s9, s11;
	(v2sf) =	vpush v4, $0x7;
	s18 =	smul.u32 $0x51EB851F, s18;
	s20 =	sshra.s32 s20, $0x1F  }
0x222: {  	s10 =	sadd.s32 s10, s4;
	s15 =	spop (v2sf);
	s20 =	smul.u32 $0x51EB851F, s20  }
0x223: {  	s14 =	sadd.s32 s12, s14;
	(v2sf) =	vpush v6, $0x0;
	s23 =	spop (v2sf);
	s11 =	smulhi.u32 $0x51EB851F, s15  }
0x224: {  	s13 =	sadd.s32 s13, s16;
	s15 =	sshra.s32 s15, $0x1F;
	s12 =	smulhi.u32 $0x51EB851F, s23  }
0x225: {  	s7 =	sshrl.u32 s14, $0x1F;
	s24 =	spop (v2sf);
	s3 =	smul.u32 $0x51EB851F, s15  }
0x226: {  	s18 =	sadd.s32 s18, s19;
	s25 =	spop (v2sf);
	s22 =	smulhi.u32 $0x51EB851F, s24  }
0x227: {  	s23 =	sshra.s32 s23, $0x1F;
	s15 =	sshra.s32 s24, $0x1F;
	s26 =	smulhi.u32 $0x51EB851F, s25  }
0x228: {  	s19 =	sadd.s32 s20, s21;
	s25 =	sshra.s32 s25, $0x1F;
	s24 =	smul.u32 $0x51EB851F, s15  }
0x229: {  	s15 =	sadd.s32 s17, s6;
	s6 =	sshrl.u32 s19, $0x1F;
	s25 =	smul.u32 $0x51EB851F, s25  }
0x22a: {  	s17 =	sshra.s32 s18, $0x5;
	s19 =	sshra.s32 s19, $0x5;
	v7 =	vmov s6;
	s6 =	sshrl.u32 s5, $0x1F  }
0x22b: {  	(v2sf) =	vpush v6, $0x1;
	s5 =	sshra.s32 s5, $0x5;
	s21 =	sadd.s32 s25, s26;
	s26 =	sshra.s32 s1, $0x1F  }
0x22c: {  	(v2sf) =	vpush v6, $0x2;
	s22 =	sadd.s32 s24, s22;
	s24 =	sadd.s32 s3, s11;
	s3 =	smul.u32 $0x51EB851F, s26  }
0x22d: {  	(v2sf) =	vpush v6, $0x3;
	s26 =	sshra.s32 s14, $0x5;
	s0 =	sshra.s32 s21, $0x1F;
	s28 =	spop (v2sf)  }
0x22e: {  	(v2sf) =	vpush v6, $0x4;
	s8 =	sadd.s32 s3, s8;
	s29 =	smulhi.u32 $0x51EB851F, s28;
	s28 =	sshra.s32 s28, $0x1F  }
0x22f: {  	(v2sf) =	vpush v6, $0xC;
	s3 =	sshrl.u32 s10, $0x1F;
	s10 =	sshra.s32 s10, $0x5;
	s28 =	smul.u32 $0x51EB851F, s28  }
0x230: {  	(v2sf) =	vpush v6, $0x8;
	[smem:$0x7E8] =	sst s8;
	s8 =	sshrl.u32 s13, $0x1F;
	s30 =	spop (v2sf)  }
0x231: {  	s25 =	sadd.s32 s28, s29;
	s28 =	sshra.s32 s13, $0x5;
	s13 =	sshra.s32 s22, $0x5  }
0x232: {  	(v2sf) =	vpush v6, $0xD;
	s31 =	smulhi.u32 $0x51EB851F, s30;
	s16 =	sshra.s32 s30, $0x1F;
	s29 =	spop (v2sf)  }
0x233: {  	v10 =	vmov s19;
	s30 =	smul.u32 $0x51EB851F, s23;
	s23 =	sshrl.u32 s18, $0x1F;
	s20 =	sshrl.u32 s25, $0x1F  }
0x234: {  	(v2sf) =	vpush v6, $0x9;
	s11 =	sshra.s32 s25, $0x5;
	s25 =	sshra.s32 s25, $0x1F;
	v10 =	vsel vm0, s28, v10;
	s16 =	smul.u32 $0x51EB851F, s16  }
0x235: {  	s28 =	sshra.s32 s15, $0x1F;
	v10 =	vsel vm1, s10, v10;
	s10 =	sshra.s32 s2, $0x1F;
	s18 =	sadd.s32 s30, s12  }
0x236: {  	(v2sf) =	vpush v6, $0x5;
	s30 =	sshra.s32 s9, $0x5;
	s1 =	sadd.s32 s16, s31;
	s31 =	sshra.s32 s29, $0x1F  }
0x237: {  	(v2sf) =	vpush v6, $0xE;
	v5 =	vmov s23;
	s16 =	smulhi.u32 $0x51EB851F, s29;
	s29 =	sshrl.u32 s9, $0x1F;
	s9 =	sshra.s32 s22, $0x1F  }
0x238: {  	(v2sf) =	vpush v6, $0xA;
	v9 =	vmov s20;
	v5 =	vsel vm0, s7, v5;
	s20 =	sshra.s32 s18, $0x5;
	s4 =	smul.u32 $0x51EB851F, s31;
	s12 =	sshra.s32 s1, $0x1F  }
0x239: {  	v8 =	vmov s17;
	s31 =	sshra.s32 s21, $0x5;
	s21 =	sshrl.u32 s21, $0x1F;
	v5 =	vsel vm1, s29, v5;
	s29 =	sshra.s32 s24, $0x1F;
	v3 =	vmov s12  }
0x23a: {  	(v2sf) =	vpush v6, $0xF;
	v9 =	vnsel vm3, $0x0, v9;
	s12 =	sshrl.u32 s22, $0x1F;
	s4 =	sadd.s32 s4, s16;
	s16 =	spop (v2sf);
	v3 =	vsel vm3, s11, v3  }
0x23b: {  	v9 =	vsel vm0, s21, v9;
	s21 =	sshra.s32 s2, $0x5;
	v5 =	vsel vm2, s6, v5;
	s6 =	sshrl.u32 s2, $0x1F;
	s14 =	spop (v2sf);
	v3 =	vsel vm11, s25, v3  }
0x23c: {  	(v2sf) =	vpush v6, $0xB;
	v9 =	vsel vm1, s12, v9;
	s12 =	sshrl.u32 s1, $0x1F;
	s22 =	spop (v2sf);
	v3 =	vsel vm0, s31, v3;
	s31 =	sld [smem:$0x7E7]  }
0x23d: {  	v8 =	vsel vm0, s26, v8;
	s25 =	sshra.s32 s18, $0x1F;
	s18 =	sshrl.u32 s18, $0x1F;
	s23 =	spop (v2sf);
	v3 =	vsel vm9, s0, v3  }
0x23e: {  	v8 =	vsel vm1, s30, v8;
	s30 =	sshra.s32 s16, $0x1F;
	v9 =	vsel vm2, s18, v9;
	s18 =	sshra.s32 s4, $0x5;
	s11 =	spop (v2sf);
	v3 =	vsel vm1, s13, v3  }
0x23f: {  	vm8 =	vmmov vm12;
	s17 =	spop (v2sf);
	s19 =	sshrl.u32 s31, $0x1F;
	s26 =	sshra.s32 s31, $0x5;
	v3 =	vsel vm13, s9, v3  }
0x240: {  	vm12 =	vcmask $0x2320;
	v7 =	vsel vm0, s8, v7;
	s31 =	sshra.s32 s24, $0x5;
	s24 =	sshrl.u32 s24, $0x1F;
	s9 =	sshra.s32 s15, $0x5;
	v3 =	vsel vm2, s20, v3  }
0x241: {  	v7 =	vsel vm1, s3, v7;
	s8 =	spop (v2sf);
	v9 =	vsel vm12, s24, v9;
	s24 =	sshra.s32 s14, $0x1F;
	s14 =	smulhi.u32 $0x51EB851F, s14;
	v3 =	vsel vm4, s25, v3  }
0x242: {  	vm10 =	vcmask $0x2F2C;
	s20 =	sshrl.u32 s15, $0x1F;
	v7 =	vsel vm2, s19, v7;
	s19 =	sshra.s32 s1, $0x5;
	s13 =	smul.u32 $0x51EB851F, s24;
	v3 =	vsel vm12, s31, v3  }
0x243: {  	vm14 =	vmmov vm9;
	v10 =	vsel vm2, s26, v10;
	s26 =	sshra.s32 s22, $0x1F;
	s7 =	spop (v2sf);
	s31 =	smul.u32 $0x51EB851F, s30;
	v3 =	vsel vm15, s29, v3  }
0x244: {  	v8 =	vsel vm2, s5, v8;
	s25 =	sld [smem:$0x7E8];
	v9 =	vsel vm5, s20, v9;
	s20 =	sshra.s32 s4, $0x1F;
	s30 =	smulhi.u32 $0x51EB851F, s22;
	v3 =	vsel vm5, s9, v3  }
0x245: {  	vm9 =	vcmask $0x3734;
	v5 =	vcombine.low v7, v5;
	s4 =	sshrl.u32 s4, $0x1F;
	s0 =	spop (v2sf);
	s29 =	smulhi.u32 $0x51EB851F, s16;
	v7 =	vsel vm10, s28, v3  }
0x246: {  	v8 =	vcombine.low v10, v8;
	v9 =	vsel vm6, s6, v9;
	s15 =	spop (v2sf);
	s14 =	sadd.s32 s13, s14;
	s9 =	smul.u32 $0x51EB851F, s26;
	v7 =	vsel vm6, s21, v7  }
0x247: {  	v5 =	vperm.xlane v5, v2;
	s3 =	spop (v2sf);
	s26 =	sshra.s32 s8, $0x1F;
	s8 =	smulhi.u32 $0x51EB851F, s8;
	v3 =	vmul.u32 $0x2, v0;
	v7 =	vsel vm9, s10, v7  }
0x248: {  	v9 =	vsel vm7, s12, v9;
	v8 =	vperm.xlane v8, v2;
	s5 =	sadd.s32 s31, s29;
	s29 =	sshra.s32 s23, $0x1F;
	s23 =	smulhi.u32 $0x51EB851F, s23;
	v7 =	vsel vm7, s19, v7  }
0x249: {  	s16 =	sshra.s32 s25, $0x1F;
	s28 =	sshra.s32 s11, $0x1F;
	s11 =	smulhi.u32 $0x51EB851F, s11;
	v9 =	vperm.xlane v9, v3;
	v7 =	vperm.xlane v7, v3  }
0x24a: {  	s2 =	spop (v2sf);
	s31 =	sshra.s32 s17, $0x1F;
	s17 =	smulhi.u32 $0x51EB851F, s17  }
0x24b: {  	s24 =	sshra.s32 s14, $0x5;
	s1 =	spop (v2sf);
	s12 =	smul.u32 $0x51EB851F, s28;
	v5 =	vsel vm8, v9, v5;
	v7 =	vsel vm8, v7, v8  }
0x24c: {  	s6 =	sshra.s32 s5, $0x5;
	s22 =	smul.u32 $0x51EB851F, s31;
	s28 =	sshra.s32 s7, $0x1F;
	v5 =	vadd.s32 v5, v7;
	v7 =	vmov s16  }
0x24d: {  	s13 =	sadd.s32 s9, s30;
	s21 =	sshra.s32 s14, $0x1F;
	s31 =	smul.u32 $0x51EB851F, s28;
	v5 =	vmul.u32 $0x64, v5;
	v7 =	vsel vm3, s18, v7  }
0x24e: {  	(v2sf) =	vpush v6, $0x6;
	s14 =	sshrl.u32 s14, $0x1F;
	s10 =	sshra.s32 s5, $0x1F;
	s28 =	smulhi.u32 $0x51EB851F, s7;
	v7 =	vsel vm11, s20, v7  }
0x24f: {  	s30 =	sshra.s32 s13, $0x1F;
	s5 =	sshrl.u32 s5, $0x1F;
	s19 =	smul.u32 $0x51EB851F, s29;
	v8 =	vsub.s32 v4, v5;
	v4 =	vsel vm0, s6, v7  }
0x250: {  	s11 =	sadd.s32 s12, s11;
	s29 =	sshra.s32 s0, $0x1F;
	s0 =	smulhi.u32 $0x51EB851F, s0;
	v4 =	vsel vm14, s10, v4  }
0x251: {  	s12 =	smul.u32 $0x51EB851F, s29;
	v9 =	vmov s4;
	s4 =	sld [smem:$0x7ED];
	s9 =	sadd.s32 s19, s23;
	v4 =	vsel vm1, s24, v4  }
0x252: {  	s19 =	smul.u32 $0x51EB851F, s26;
	s23 =	sshra.s32 s3, $0x1F;
	v9 =	vnsel vm3, $0x0, v9;
	s16 =	sshra.s32 s13, $0x5;
	v4 =	vsel vm13, s21, v4  }
0x253: {  	s26 =	sshrl.u32 s11, $0x1F;
	s3 =	smulhi.u32 $0x51EB851F, s3;
	v9 =	vsel vm0, s5, v9;
	s5 =	sadd.s32 s31, s28;
	v5 =	vmul.u32 $0x70, v8;
	v4 =	vsel vm2, s16, v4  }
0x254: {  	s8 =	sadd.s32 s19, s8;
	s19 =	smul.u32 $0x51EB851F, s23;
	v4 =	vsel vm4, s30, v4;
	s30 =	sld [smem:$0x7EF]  }
0x255: {  	v12 =	vmov s26;
	s23 =	sshra.s32 s9, $0x1F;
	s26 =	sshrl.u32 s8, $0x1F;
	s20 =	sshra.s32 s15, $0x1F;
	v7 =	vadd.s32 $0x3F, v5  }
0x256: {  	s8 =	sshra.s32 s8, $0x5;
	s31 =	smul.u32 $0x51EB851F, s20;
	s6 =	sadd.s32 s12, s0  }
0x257: {  	vm8 =	vmmov vm6;
	v9 =	vsel vm1, s14, v9;
	s20 =	sshra.s32 s11, $0x5;
	s0 =	sadd.s32 s19, s3;
	s18 =	sadd.s32 $0x20, s30  }
0x258: {  	v12 =	vsel vm0, s26, v12;
	s10 =	sadd.s32 s22, s17;
	s17 =	sshra.s32 s9, $0x5;
	v14 =	vmov s20;
	v16 =	vor.u32 s18, v0;
	s12 =	sadd.s32 $0x10, s18  }
0x259: {  	v10 =	vld [tilespmem:s4+$0x0];
	s29 =	sshrl.u32 s10, $0x1F;
	v11 =	vsel vm12, s17, v4;
	s17 =	smulhi.u32 $0x51EB851F, s15;
	s15 =	simm.s32 $0x680;
	v4 =	vor.u32 s12, v0;
	(v2sf) =	vpush v16, $0x7  }
0x25a: {  	s19 =	sshrl.u32 s9, $0x1F;
	s22 =	sshra.s32 s2, $0x1F;
	s10 =	sshra.s32 s10, $0x5;
	v17 =	vsel vm0, s8, v14;
	v13 =	vmov s29;
	v7 =	vld.idx.msk [tilespmem:v7+s15+$0x0], $0xffff;
	(v2sf) =	vpush v4, $0xF  }
0x25b: {  	s2 =	smulhi.u32 $0x51EB851F, s2;
	s20 =	rddreg [dreg:$0x4];
	v15 =	vmov s10;
	s29 =	sshrl.u32 s13, $0x1F;
	v14 =	vadd.s32 $0xFFFFFFFF, v5;
	(v2sf) =	vpush v4, $0xB  }
0x25c: {  	s26 =	sshrl.u32 s6, $0x1F;
	s24 =	sshra.s32 s1, $0x1F;
	s28 =	smul.u32 $0x51EB851F, s22;
	v9 =	vsel vm2, s29, v9;
	vm4 =	vmmov vm3;
	(v2sf) =	vpush v4, $0x6  }
0x25d: {  	s1 =	smulhi.u32 $0x51EB851F, s1;
	s13 =	spop (v2sf);
	vm3 =	vmmov vm9;
	v9 =	vsel vm12, s19, v9;
	s30 =	sshrl.u32 s5, $0x1F;
	(v2sf) =	vpush v4, $0xE  }
0x25e: {  	v11 =	vsel vm15, s23, v11;
	s23 =	sld [smem:$0x7E9];
	s21 =	sadd.s32 s31, s17;
	s5 =	sshra.s32 s5, $0x5;
	v13 =	vsel vm0, s30, v13;
	(v2sf) =	vpush v4, $0xA  }
0x25f: {  	s16 =	sshra.s32 s13, $0x1F;
	s2 =	sadd.s32 s28, s2;
	v15 =	vsel vm0, s5, v15;
	s7 =	sshra.s32 s21, $0x5;
	vm9 =	vlt.f32 v7, v10;
	(v2sf) =	vpush v4, $0xD  }
0x260: {  	s3 =	smulhi.u32 $0x51EB851F, s13;
	s31 =	sshra.s32 s6, $0x5;
	s14 =	sshrl.u32 s21, $0x1F;
	v17 =	vsel vm1, s7, v17;
	v24 =	vsel vm9, $0x40, v1;
	(v2sf) =	vpush v4, $0x9  }
0x261: {  	s17 =	sshrl.u32 s0, $0x1F;
	s5 =	smul.u32 $0x51EB851F, s16;
	s7 =	sadd.s32 $0x2, s23;
	v7 =	vsel vm1, s14, v12;
	v26 =	vor.u32 $0x20, v24;
	(v2sf) =	vpush v4, $0x5  }
0x262: {  	s0 =	sshra.s32 s0, $0x5;
	s12 =	smul.u32 $0x51EB851F, s24;
	p4 =	slt.u32 s7, s20;
	v12 =	vsel vm1, s17, v13;
	v13 =	vadd.s32 v26, v14;
	(v2sf) =	vpush v4, $0xC  }
.Ltmp6:
0x263: {  	v32 =	vsel vm5, s26, v9;
	v11 =	vsel vm5, s31, v11;
	s21 =	sshra.s32 s6, $0x1F;
	s3 =	sadd.s32 s5, s3;
	(v2sf) =	vpush v4, $0x8;
	(pc) =	sbr.rel @!p4 .LBB2_8-.Ltmp6, $4  }
0x264: {  	s28 =	sshra.s32 s2, $0x5;
	v15 =	vsel vm1, s0, v15;
	v11 =	vsel vm10, s21, v11;
	s1 =	sadd.s32 s12, s1;
	s29 =	sshra.s32 s3, $0x5;
	(v2sf) =	vpush v4, $0x4  }
0x265: {  	s22 =	sshrl.u32 s2, $0x1F;
	v27 =	vsel vm2, s28, v17;
	s24 =	sshrl.u32 s1, $0x1F;
	v9 =	vsel vm6, s29, v11;
	(v2sf) =	vpush v4, $0x3  }
0x266: {  	p1 =	por $0x1, $0x1;
	s31 =	sshra.s32 s3, $0x1F;
	s30 =	sshra.s32 s1, $0x5;
	v22 =	vsel vm2, s22, v7;
	v25 =	vsel vm2, s24, v12;
	v7 =	vld [tilespmem:s4+$0xFFFFFFF0];
	(v2sf) =	vpush v4, $0x2  }
0x267: {  	s13 =	sshra.s32 s25, $0x5;
	s19 =	sshrl.u32 s25, $0x1F;
	s9 =	sshrl.u32 s3, $0x1F;
	v29 =	vsel vm2, s30, v15;
	v34 =	vsel vm3, s31, v9;
	v31 =	vld.idx.msk [tilespmem:v13+s15+$0x0], $0xffff;
	(v2sf) =	vpush v4, $0x1  }
0x268: {  	s3 =	spop (v2sf)  }
0x269: {  	s2 =	spop (v2sf)  }
0x26a: {  	s5 =	smulhi.u32 $0x51EB851F, s2;
	s29 =	spop (v2sf)  }
0x26b: {  	s2 =	sshra.s32 s2, $0x1F;
	s11 =	smulhi.u32 $0x51EB851F, s29  }
0x26c: {  	s8 =	spop (v2sf);
	s2 =	smul.u32 $0x51EB851F, s2  }
0x26d: {  	[smem:$0x7E6] =	sst s7;
	s7 =	sshra.s32 s29, $0x1F;
	s0 =	smulhi.u32 $0x51EB851F, s8  }
0x26e: {  	s12 =	spop (v2sf);
	s26 =	smul.u32 $0x51EB851F, s7  }
0x26f: {  	s14 =	smulhi.u32 $0x51EB851F, s12;
	s15 =	spop (v2sf)  }
0x270: {  	s1 =	sshra.s32 s12, $0x1F;
	s6 =	smulhi.u32 $0x51EB851F, s15  }
0x271: {  	s16 =	spop (v2sf);
	s12 =	smul.u32 $0x51EB851F, s1  }
0x272: {  	[smem:$0x7E4] =	sst s0;
	(v2sf) =	vpush v4, $0x0;
	s0 =	sshra.s32 s8, $0x1F;
	s17 =	smulhi.u32 $0x51EB851F, s16  }
0x273: {  	s4 =	sshra.s32 s15, $0x1F;
	s7 =	smul.u32 $0x51EB851F, s0  }
0x274: {  	s30 =	spop (v2sf);
	(v2sf) =	vpush v4, $0x7;
	s10 =	sshra.s32 s16, $0x1F;
	s16 =	smul.u32 $0x51EB851F, s4  }
0x275: {  	s20 =	smulhi.u32 $0x51EB851F, s30  }
0x276: {  	s21 =	spop (v2sf);
	s15 =	smul.u32 $0x51EB851F, s10  }
0x277: {  	[smem:$0x7E5] =	sst s18;
	vm9 =	vlt.f32 v31, v10;
	s18 =	sshra.s32 s30, $0x1F;
	s31 =	smulhi.u32 $0x51EB851F, s21  }
0x278: {  	v9 =	vsel vm9, v26, v24;
	s22 =	spop (v2sf);
	s18 =	smul.u32 $0x51EB851F, s18  }
0x279: {  	v11 =	vor.u32 $0x10, v9;
	s8 =	sadd.s32 s2, s5;
	s28 =	sshra.s32 s21, $0x1F;
	s23 =	smulhi.u32 $0x51EB851F, s22  }
0x27a: {  	v12 =	vadd.s32 v11, v14;
	s24 =	spop (v2sf);
	s29 =	sshra.s32 s22, $0x1F;
	s22 =	smul.u32 $0x51EB851F, s28  }
0x27b: {  	s5 =	sadd.s32 s26, s11;
	[smem:$0x7E3] =	sst s31;
	s25 =	smulhi.u32 $0x51EB851F, s24  }
0x27c: {  	(v2sf) =	vpush v16, $0x0;
	s28 =	smul.u32 $0x51EB851F, s29;
	s30 =	sshra.s32 s24, $0x1F;
	s31 =	spop (v2sf)  }
0x27d: {  	s26 =	simm.s32 $0x680;
	s24 =	smul.u32 $0x51EB851F, s30;
	s29 =	spop (v2sf)  }
0x27e: {  	s30 =	smulhi.u32 $0x51EB851F, s31;
	s0 =	sshra.s32 s31, $0x1F;
	s31 =	spop (v2sf)  }
0x27f: {  	v12 =	vld.idx.msk [tilespmem:v12+s26+$0x0], $0xffff;
	s10 =	smul.u32 $0x51EB851F, s0;
	s1 =	spop (v2sf)  }
0x280: {  	(v2sf) =	vpush v16, $0x1;
	s4 =	smulhi.u32 $0x51EB851F, s1;
	s0 =	sshra.s32 s1, $0x1F  }
0x281: {  	s20 =	sadd.s32 s18, s20;
	s0 =	smul.u32 $0x51EB851F, s0;
	s21 =	spop (v2sf)  }
0x282: {  	s18 =	sadd.s32 s16, s6;
	(v2sf) =	vpush v16, $0x2;
	s1 =	smulhi.u32 $0x51EB851F, s21;
	s21 =	sshra.s32 s21, $0x1F  }
0x283: {  	s26 =	simm.s32 $0x680;
	s11 =	spop (v2sf);
	s2 =	smul.u32 $0x51EB851F, s21  }
0x284: {  	vm9 =	vlt.f32 v12, v10;
	s21 =	sadd.s32 s15, s17;
	s15 =	sadd.s32 s12, s14;
	s12 =	smulhi.u32 $0x51EB851F, s11  }
0x285: {  	s23 =	sadd.s32 s28, s23;
	v9 =	vsel vm9, v11, v9;
	s11 =	sshra.s32 s11, $0x1F;
	s14 =	smulhi.u32 $0x51EB851F, s31  }
0x286: {  	s24 =	sadd.s32 s24, s25;
	v11 =	vor.u32 $0x8, v9;
	s31 =	sshra.s32 s31, $0x1F;
	s11 =	smul.u32 $0x51EB851F, s11  }
0x287: {  	v12 =	vadd.s32 v11, v14;
	s17 =	sadd.s32 s0, s4;
	s4 =	sshrl.u32 s23, $0x1F;
	s28 =	smul.u32 $0x51EB851F, s31  }
0x288: {  	v15 =	vsel vm7, s13, v34;
	s31 =	smulhi.u32 $0x51EB851F, s29;
	s13 =	sshra.s32 s17, $0x1F;
	s1 =	sadd.s32 s2, s1  }
0x289: {  	s2 =	sadd.s32 s11, s12;
	s11 =	sshra.s32 s29, $0x1F;
	s12 =	smulhi.u32 $0x51EB851F, s3  }
0x28a: {  	v13 =	vsel vm8, s9, v32;
	(v2sf) =	vpush v16, $0x3;
	s16 =	sadd.s32 s28, s14;
	s14 =	sshra.s32 s3, $0x1F;
	s28 =	sld [smem:$0x7E3]  }
0x28b: {  	v13 =	vsel vm7, s19, v13;
	s29 =	spop (v2sf);
	s19 =	sshrl.u32 s1, $0x1F;
	s25 =	smul.u32 $0x51EB851F, s11  }
0x28c: {  	(v2sf) =	vpush v16, $0x4;
	v12 =	vld.idx.msk [tilespmem:v12+s26+$0x0], $0xffff;
	s0 =	smul.u32 $0x51EB851F, s14;
	s14 =	sadd.s32 s10, s30;
	s10 =	sld [smem:$0x7E4]  }
0x28d: {  	vm6 =	vmmov vm12;
	(v2sf) =	vpush v16, $0xC;
	v17 =	vmov s4;
	s4 =	sshra.s32 s1, $0x5;
	s6 =	sadd.s32 s22, s28;
	s11 =	sadd.s32 s25, s31  }
0x28e: {  	v19 =	vcombine.low v25, v22;
	v20 =	vcombine.low v29, v27;
	v23 =	vld [tilespmem:$0x1FFF0];
	(v2sf) =	vpush v16, $0x8;
	s31 =	sshra.s32 s29, $0x1F;
	s12 =	sadd.s32 s0, s12;
	s25 =	sshrl.u32 s24, $0x1F  }
0x28f: {  	vm15 =	vmmov vm0;
	vm11 =	vcmask $0xF0C;
	(v2sf) =	vpush v16, $0xD;
	s22 =	smulhi.u32 $0x51EB851F, s29;
	s29 =	spop (v2sf);
	s7 =	sadd.s32 s7, s10  }
0x290: {  	vm14 =	vcmask $0x1714;
	v15 =	vperm.xlane v15, v3;
	(v2sf) =	vpush v16, $0x9;
	s10 =	sshra.s32 s23, $0x5;
	s3 =	smul.u32 $0x51EB851F, s31;
	s23 =	sshra.s32 s24, $0x5  }
0x291: {  	(v2sf) =	vpush v16, $0x5;
	s30 =	smulhi.u32 $0x51EB851F, s29;
	s24 =	sshra.s32 s29, $0x1F;
	s31 =	spop (v2sf);
	v18 =	vmov s25;
	vm9 =	vlt.f32 v12, v10  }
0x292: {  	v12 =	vperm.xlane v13, v3;
	v13 =	vperm.xlane v20, v2;
	s25 =	sshra.s32 s15, $0x5;
	v20 =	vmov s19;
	s19 =	sshrl.u32 s17, $0x1F;
	s9 =	sshra.s32 s11, $0x5  }
0x293: {  	v19 =	vperm.xlane v19, v2;
	vm10 =	vnez.u8 v23;
	(v2sf) =	vpush v16, $0xE;
	s26 =	smul.u32 $0x51EB851F, s24;
	s28 =	sshra.s32 s31, $0x1F;
	s24 =	sshrl.u32 s21, $0x1F  }
0x294: {  	(v2sf) =	vpush v16, $0xA;
	v21 =	vmov s10;
	s10 =	sshrl.u32 s20, $0x1F;
	s21 =	sshra.s32 s21, $0x5;
	s20 =	sshra.s32 s20, $0x5;
	v11 =	vsel vm9, v11, v9  }
0x295: {  	v20 =	vnsel vm4, $0x0, v20;
	s3 =	sadd.s32 s3, s22;
	s29 =	smul.u32 $0x51EB851F, s28;
	(v2sf) =	vpush v16, $0xF;
	s22 =	sshrl.u32 s15, $0x1F;
	v22 =	vadd.s32 $0x4, v11  }
0x296: {  	s28 =	sshra.s32 s2, $0x1F;
	v12 =	vsel vm10, v12, v19;
	v13 =	vsel vm10, v15, v13;
	v19 =	vmov s23;
	s23 =	sshrl.u32 s8, $0x1F;
	s15 =	sshra.s32 s8, $0x5  }
0x297: {  	v20 =	vsel vm15, s19, v20;
	s19 =	sshra.s32 s7, $0x1F;
	s0 =	sadd.s32 s26, s30;
	s30 =	smulhi.u32 $0x51EB851F, s31;
	(v2sf) =	vpush v16, $0xB;
	v9 =	vmov s28  }
0x298: {  	s31 =	sshra.s32 s1, $0x1F;
	s26 =	sshra.s32 s17, $0x5;
	s28 =	sshrl.u32 s18, $0x1F;
	v15 =	vadd.s32 v22, v14;
	v12 =	vadd.s32 v12, v13;
	v13 =	vsel vm0, s24, v17  }
0x299: {  	s18 =	sshra.s32 s18, $0x5;
	vm0 =	vcmask $0x704;
	s24 =	spop (v2sf);
	v17 =	vsel vm15, s10, v18;
	s10 =	sshrl.u32 s11, $0x1F;
	v9 =	vsel vm4, s4, v9  }
0x29a: {  	v18 =	vsel vm15, s21, v21;
	s21 =	sshrl.u32 s5, $0x1F;
	v19 =	vsel vm15, s20, v19;
	s17 =	sshra.s32 s5, $0x5;
	s5 =	sshra.s32 s14, $0x5;
	v9 =	vsel vm0, s31, v9  }
0x29b: {  	s20 =	sshra.s32 s14, $0x1F;
	s4 =	sshrl.u32 s16, $0x1F;
	v12 =	vmul.u32 $0x64, v12;
	v18 =	vsel vm1, s25, v18;
	s25 =	sshra.s32 s6, $0x5;
	v9 =	vsel vm15, s26, v9  }
0x29c: {  	vm13 =	vcmask $0x1F1C;
	v17 =	vsel vm1, s28, v17;
	s28 =	sshrl.u32 s6, $0x1F;
	s1 =	sadd.s32 s29, s30;
	s29 =	sshra.s32 s16, $0x5;
	v9 =	vsel vm11, s13, v9  }
0x29d: {  	s30 =	sshra.s32 s16, $0x1F;
	s16 =	spop (v2sf);
	v12 =	vsub.s32 v6, v12;
	v6 =	vsel vm1, s22, v13;
	v13 =	vsel vm1, s29, v9;
	s29 =	simm.s32 $0x680  }
0x29e: {  	vm3 =	vcmask $0x2724;
	v19 =	vsel vm1, s18, v19;
	s18 =	sshrl.u32 s7, $0x1F;
	s31 =	sshra.s32 s11, $0x1F;
	s13 =	spop (v2sf);
	v15 =	vld.idx.msk [tilespmem:v15+s29+$0x0], $0xffff;
	v13 =	vsel vm14, s30, v13  }
0x29f: {  	v17 =	vsel vm2, s21, v17;
	s21 =	sshrl.u32 s2, $0x1F;
	s22 =	sshrl.u32 s14, $0x1F;
	v9 =	vmul.u32 $0x70, v12;
	s14 =	spop (v2sf);
	v13 =	vsel vm2, s9, v13  }
0x2a0: {  	v8 =	vmul.u32 $0x65, v8;
	s26 =	sshra.s32 s6, $0x1F;
	v6 =	vsel vm2, s23, v6;
	s23 =	sshra.s32 s12, $0x1F;
	s8 =	spop (v2sf);
	v13 =	vsel vm13, s31, v13  }
0x2a1: {  	v20 =	vsel vm1, s4, v20;
	s29 =	sshra.s32 s7, $0x5;
	s30 =	sshra.s32 s24, $0x1F;
	v21 =	vadd.s32 $0x3F, v9;
	s9 =	spop (v2sf);
	v13 =	vsel vm12, s5, v13  }
0x2a2: {  	v18 =	vsel vm2, s15, v18;
	v19 =	vsel vm2, s17, v19;
	s11 =	spop (v2sf);
	s31 =	sshra.s32 s2, $0x5;
	v13 =	vsel vm3, s20, v13;
	s20 =	smul.u32 $0x51EB851F, s30  }
0x2a3: {  	s30 =	simm.s32 $0x680;
	vm9 =	vlt.f32 v15, v10;
	v15 =	vsel vm2, s10, v20;
	v13 =	vsel vm5, s25, v13;
	s10 =	smulhi.u32 $0x51EB851F, s24;
	s25 =	sshra.s32 s16, $0x1F  }
0x2a4: {  	v6 =	vcombine.low v17, v6;
	v17 =	vcombine.low v19, v18;
	(v2sf) =	vpush v16, $0x6;
	s24 =	sshra.s32 s3, $0x5;
	s16 =	smulhi.u32 $0x51EB851F, s16;
	s6 =	spop (v2sf)  }
0x2a5: {  	v20 =	vsel vm9, v22, v11;
	v11 =	vsel vm12, s22, v15;
	vm9 =	vcmask $0x2F2C;
	s22 =	smul.u32 $0x51EB851F, s25;
	s25 =	sshra.s32 s3, $0x1F;
	s7 =	spop (v2sf)  }
0x2a6: {  	v15 =	vld.idx.msk [tilespmem:v21+s30+$0x0], $0xffff;
	v13 =	vsel vm9, s26, v13;
	v21 =	vadd.s32 $0x2, v20;
	v11 =	vsel vm5, s28, v11;
	s26 =	sshra.s32 s0, $0x5;
	s28 =	sshra.s32 s13, $0x1F;
	s13 =	smulhi.u32 $0x51EB851F, s13  }
0x2a7: {  	v6 =	vperm.xlane v6, v2;
	v17 =	vperm.xlane v17, v2;
	s15 =	sadd.s32 s20, s10;
	s20 =	sshra.s32 s8, $0x1F;
	s8 =	smulhi.u32 $0x51EB851F, s8;
	v14 =	vadd.s32 v21, v14  }
0x2a8: {  	vm12 =	vcmask $0x3734;
	s5 =	spop (v2sf);
	v13 =	vsel vm8, s29, v13;
	v11 =	vsel vm8, s18, v11;
	s29 =	sshra.s32 s14, $0x1F;
	s14 =	smulhi.u32 $0x51EB851F, s14  }
0x2a9: {  	s18 =	sshra.s32 s0, $0x1F;
	s10 =	smul.u32 $0x51EB851F, s20;
	s0 =	sshrl.u32 s0, $0x1F;
	v13 =	vsel vm12, s19, v13;
	v22 =	vsel vm7, s21, v11;
	v11 =	vmov s23  }
0x2aa: {  	s2 =	spop (v2sf);
	s19 =	sshra.s32 s1, $0x5;
	s21 =	sshrl.u32 s3, $0x1F;
	v13 =	vsel vm7, s31, v13;
	v18 =	vsel vm4, s24, v11;
	v22 =	vperm.xlane v22, v3  }
0x2ab: {  	s4 =	smul.u32 $0x51EB851F, s29;
	s23 =	sshra.s32 s1, $0x1F;
	s3 =	sadd.s32 s22, s16;
	v11 =	vadd.s32 $0xFFFFFFFF, v9;
	vm9 =	vlt.f32 v15, v7;
	v13 =	vperm.xlane v13, v3  }
0x2ac: {  	s22 =	sshra.s32 s15, $0x5;
	s29 =	sshra.s32 s9, $0x1F;
	s9 =	smulhi.u32 $0x51EB851F, s9;
	v18 =	vsel vm0, s25, v18;
	v15 =	vsel vm9, $0x40, v1;
	v6 =	vsel vm10, v22, v6;
	v14 =	vld.idx.msk [tilespmem:v14+s30+$0x0], $0xffff  }
0x2ad: {  	s1 =	sshrl.u32 s1, $0x1F;
	s31 =	smul.u32 $0x51EB851F, s28;
	s28 =	simm.s32 $0x680;
	v19 =	vor.u32 $0x20, v15;
	v13 =	vsel vm10, v13, v17;
	v17 =	vsel vm15, s26, v18  }
0x2ae: {  	s24 =	sshra.s32 s6, $0x1F;
	s14 =	sadd.s32 s4, s14;
	s30 =	sshra.s32 s11, $0x1F;
	v23 =	vadd.s32 v19, v11;
	v17 =	vsel vm11, s18, v17;
	v6 =	vadd.s32 v6, v13  }
0x2af: {  	v12 =	vmul.u32 $0x65, v12;
	s18 =	smul.u32 $0x51EB851F, s30;
	s30 =	sshrl.u32 s14, $0x1F;
	s14 =	sshra.s32 s14, $0x5;
	v13 =	vsel vm1, s19, v17;
	v6 =	vmul.u32 $0x64, v6  }
0x2b0: {  	s17 =	smul.u32 $0x51EB851F, s29;
	s20 =	sshra.s32 s3, $0x5;
	s29 =	sld [smem:$0x7E5];
	vm0 =	vmmov vm15;
	v24 =	vmov s14;
	v13 =	vsel vm14, s23, v13  }
0x2b1: {  	s6 =	smulhi.u32 $0x51EB851F, s6;
	s13 =	sadd.s32 s31, s13;
	s31 =	sshra.s32 s15, $0x1F;
	v13 =	vsel vm2, s22, v13;
	v33 =	vsub.s32 v4, v6;
	vm9 =	vlt.f32 v14, v10  }
0x2b2: {  	s8 =	sadd.s32 s10, s8;
	s25 =	sshra.s32 s7, $0x1F;
	s4 =	smul.u32 $0x51EB851F, s24;
	v14 =	vmov s21;
	v4 =	vsel vm13, s31, v13;
	v17 =	vsel vm9, v21, v20  }
0x2b3: {  	s9 =	sadd.s32 s17, s9;
	s23 =	sadd.s32 $0x20, s29;
	s21 =	sshrl.u32 s13, $0x1F;
	v6 =	vld.idx.msk [tilespmem:v23+s28+$0x0], $0xffff;
	v13 =	vnsel vm4, $0x0, v14;
	v20 =	vadd.s32 v5, v17;
	v5 =	vmul.u32 $0x70, v33  }
0x2b4: {  	s11 =	smulhi.u32 $0x51EB851F, s11;
	s31 =	sadd.s32 $0x10, s23;
	s13 =	sshra.s32 s13, $0x5;
	v14 =	vsel vm6, s20, v4;
	v18 =	vmov s21;
	v21 =	vmov s30  }
0x2b5: {  	s26 =	sld [smem:$0x7ED];
	s21 =	sshra.s32 s3, $0x1F;
	v4 =	vor.u32 s31, v0;
	v23 =	vmov s13;
	s28 =	sshrl.u32 s8, $0x1F;
	v22 =	vadd.s32 $0x3F, v5  }
0x2b6: {  	s29 =	sshrl.u32 s9, $0x1F;
	s20 =	smul.u32 $0x51EB851F, s25;
	s25 =	sadd.s32 s18, s11;
	v13 =	vsel vm15, s0, v13;
	v14 =	vsel vm3, s21, v14;
	v25 =	vsel vm15, s28, v18  }
0x2b7: {  	s24 =	smulhi.u32 $0x51EB851F, s7;
	s6 =	sadd.s32 s4, s6;
	v21 =	vsel vm15, s29, v21;
	s4 =	sshra.s32 s25, $0x5;
	vm3 =	vcmask $0x2F2C;
	v13 =	vsel vm1, s1, v13  }
0x2b8: {  	s17 =	simm.s32 $0x680;
	s14 =	sshrl.u32 s6, $0x1F;
	s26 =	sadd.s32 $0x20, s26;
	v14 =	vsel vm5, s4, v14;
	vm9 =	vlt.f32 v6, v7;
	v6 =	vor.u32 s23, v0  }
0x2b9: {  	s16 =	spop (v2sf);
	s8 =	sshra.s32 s8, $0x5;
	s13 =	simm.s32 $0x680;
	v18 =	vld [tilespmem:s26+$0x0];
	v25 =	vsel vm1, s14, v25;
	v15 =	vsel vm9, v19, v15;
	(v2sf) =	vpush v6, $0x7  }
0x2ba: {  	s19 =	sshra.s32 s5, $0x1F;
	s5 =	smulhi.u32 $0x51EB851F, s5;
	s9 =	sshra.s32 s9, $0x5;
	v19 =	vor.u32 $0x10, v15;
	(v2sf) =	vpush v4, $0xF;
	v26 =	vld.idx.msk [tilespmem:v22+s13+$0x0], $0xffff;
	v22 =	vsel vm15, s8, v23  }
0x2bb: {  	s6 =	sshra.s32 s6, $0x5;
	s30 =	sshrl.u32 s15, $0x1F;
	s18 =	sshra.s32 s25, $0x1F;
	v23 =	vsel vm15, s9, v24;
	v24 =	vadd.s32 v19, v11;
	(v2sf) =	vpush v4, $0xB  }
0x2bc: {  	s31 =	smul.u32 $0x51EB851F, s19;
	s3 =	sshrl.u32 s3, $0x1F;
	s0 =	sadd.s32 s20, s24;
	v13 =	vsel vm2, s30, v13;
	v28 =	vsel vm3, s18, v14;
	(v2sf) =	vpush v4, $0x6  }
0x2bd: {  	s11 =	sshra.s32 s2, $0x1F;
	s24 =	sshrl.u32 s25, $0x1F;
	s15 =	sshrl.u32 s0, $0x1F;
	v14 =	vadd.s32 $0xFFFFFFFF, v5;
	v13 =	vsel vm6, s3, v13;
	v20 =	vld.idx.msk [tilespmem:v20+s13+$0x0], $0xffff;
	(v2sf) =	vpush v4, $0xE  }
0x2be: {  	s2 =	smulhi.u32 $0x51EB851F, s2;
	s5 =	sadd.s32 s31, s5;
	s31 =	sld [smem:$0x7E6];
	v21 =	vsel vm1, s15, v21;
	v32 =	vsel vm5, s24, v13;
	(v2sf) =	vpush v4, $0xA  }
0x2bf: {  	s19 =	sshra.s32 s16, $0x1F;
	s1 =	smul.u32 $0x51EB851F, s11;
	s0 =	sshra.s32 s0, $0x5;
	v27 =	vsel vm1, s6, v22;
	(v2sf) =	vpush v4, $0xD;
	vm9 =	vlt.f32 v26, v18  }
0x2c0: {  	s22 =	smul.u32 $0x51EB851F, s19;
	s20 =	sshrl.u32 s5, $0x1F;
	v23 =	vsel vm1, s0, v23;
	v13 =	vld.idx.msk [tilespmem:v24+s17+$0x0], $0xffff;
	(v2sf) =	vpush v4, $0x9;
	v24 =	vsel vm9, $0x40, v1  }
0x2c1: {  	s30 =	rddreg [dreg:$0x4];
	s1 =	sadd.s32 s1, s2;
	s3 =	sadd.s32 $0x2, s31;
	v22 =	vsel vm2, s20, v25;
	(v2sf) =	vpush v4, $0x5;
	v26 =	vor.u32 $0x20, v24  }
0x2c2: {  	s25 =	smulhi.u32 $0x51EB851F, s16;
	s21 =	sshrl.u32 s1, $0x1F;
	p4 =	slt.u32 s3, s30;
	vm9 =	vlt.f32 v20, v10;
	(v2sf) =	vpush v4, $0xC;
	v10 =	vadd.s32 v26, v14  }
.Ltmp7:
0x2c3: {  	s4 =	sld [smem:$0x7EC];
	s28 =	sshra.s32 s5, $0x5;
	v25 =	vsel vm2, s21, v21;
	v21 =	vsel vm9, $0x1, v1;
	(v2sf) =	vpush v4, $0x8;
	(pc) =	sbr.rel @!p4 .LBB2_10-.Ltmp7, $4  }
0x2c4: {  	s0 =	sadd.s32 s22, s25;
	v27 =	vsel vm2, s28, v27;
	v8 =	vadd.s32 v21, v8;
	(v2sf) =	vpush v4, $0x4  }
0x2c5: {  	p2 =	por $0x1, $0x1;
	s29 =	sshra.s32 s0, $0x5;
	v8 =	vadd.s32 v17, v8;
	vm9 =	vlt.f32 v13, v7;
	(v2sf) =	vpush v4, $0x3  }
0x2c6: {  	s1 =	sshra.s32 s1, $0x5;
	s9 =	sshrl.u32 s0, $0x1F;
	s0 =	sshra.s32 s0, $0x1F;
	v20 =	vsel vm8, s29, v28;
	[tilespmem:s4+$0x0] =	vst v8;
	v13 =	vsel vm9, v19, v15;
	v15 =	vld [tilespmem:s26+$0xFFFFFFF0];
	(v2sf) =	vpush v4, $0x2  }
0x2c7: {  	s19 =	sshrl.u32 s12, $0x1F;
	s13 =	sshra.s32 s12, $0x5;
	v29 =	vsel vm2, s1, v23;
	v34 =	vsel vm12, s0, v20;
	(v2sf) =	vpush v4, $0x1;
	v31 =	vld.idx.msk [tilespmem:v10+s17+$0x0], $0xffff;
	[smem:$0x7EB] =	sst s26  }
0x2c8: {  	s2 =	spop (v2sf)  }
0x2c9: {  	s1 =	spop (v2sf)  }
0x2ca: {  	s29 =	spop (v2sf);
	s5 =	smulhi.u32 $0x51EB851F, s1  }
0x2cb: {  	[smem:$0x7E2] =	sst s3;
	s1 =	sshra.s32 s1, $0x1F;
	s8 =	smulhi.u32 $0x51EB851F, s29  }
0x2cc: {  	s6 =	spop (v2sf);
	s1 =	smul.u32 $0x51EB851F, s1;
	s3 =	sshra.s32 s29, $0x1F  }
0x2cd: {  	s10 =	spop (v2sf);
	s3 =	smul.u32 $0x51EB851F, s3  }
0x2ce: {  	s11 =	smulhi.u32 $0x51EB851F, s10;
	s12 =	spop (v2sf)  }
0x2cf: {  	s10 =	sshra.s32 s10, $0x1F;
	s7 =	smulhi.u32 $0x51EB851F, s12  }
0x2d0: {  	s14 =	spop (v2sf);
	(v2sf) =	vpush v4, $0x0;
	s10 =	smul.u32 $0x51EB851F, s10  }
0x2d1: {  	s12 =	sshra.s32 s12, $0x1F;
	s15 =	smulhi.u32 $0x51EB851F, s14  }
0x2d2: {  	s16 =	spop (v2sf);
	(v2sf) =	vpush v4, $0x7;
	s12 =	smul.u32 $0x51EB851F, s12  }
0x2d3: {  	s14 =	sshra.s32 s14, $0x1F;
	s17 =	smulhi.u32 $0x51EB851F, s16  }
0x2d4: {  	s18 =	spop (v2sf);
	s14 =	smul.u32 $0x51EB851F, s14  }
0x2d5: {  	s16 =	sshra.s32 s16, $0x1F;
	s0 =	smulhi.u32 $0x51EB851F, s18  }
0x2d6: {  	s21 =	spop (v2sf);
	s16 =	smul.u32 $0x51EB851F, s16  }
0x2d7: {  	[smem:$0x7E1] =	sst s23;
	s18 =	sshra.s32 s18, $0x1F;
	s23 =	smulhi.u32 $0x51EB851F, s21  }
0x2d8: {  	s22 =	spop (v2sf);
	s18 =	smul.u32 $0x51EB851F, s18  }
0x2d9: {  	vm9 =	vlt.f32 v31, v18;
	s21 =	sshra.s32 s21, $0x1F;
	s24 =	smulhi.u32 $0x51EB851F, s22;
	s25 =	spop (v2sf)  }
0x2da: {  	v8 =	vsel vm9, v26, v24;
	(v2sf) =	vpush v6, $0x0;
	s26 =	smul.u32 $0x51EB851F, s21;
	s30 =	sshra.s32 s22, $0x1F;
	s28 =	spop (v2sf)  }
0x2db: {  	v10 =	vor.u32 $0x10, v8;
	s29 =	smul.u32 $0x51EB851F, s30;
	s31 =	spop (v2sf)  }
0x2dc: {  	v17 =	vadd.s32 v10, v14;
	[smem:$0x7E0] =	sst s0;
	s30 =	smulhi.u32 $0x51EB851F, s31;
	s21 =	sshra.s32 s31, $0x1F  }
0x2dd: {  	s0 =	spop (v2sf);
	s31 =	smul.u32 $0x51EB851F, s21  }
0x2de: {  	s5 =	sadd.s32 s1, s5;
	s20 =	smulhi.u32 $0x51EB851F, s0;
	s21 =	sshra.s32 s0, $0x1F  }
0x2df: {  	s1 =	sadd.s32 s3, s8;
	s0 =	smul.u32 $0x51EB851F, s21;
	s22 =	spop (v2sf)  }
0x2e0: {  	v22 =	vcombine.low v25, v22;
	v25 =	vcombine.low v29, v27;
	v29 =	vld [tilespmem:$0x1FFF0];
	s3 =	simm.s32 $0x680;
	s4 =	smulhi.u32 $0x51EB851F, s22;
	s8 =	sshra.s32 s22, $0x1F  }
0x2e1: {  	(v2sf) =	vpush v6, $0x1;
	v17 =	vld.idx.msk [tilespmem:v17+s3+$0x0], $0xffff;
	s21 =	sadd.s32 s14, s15;
	s22 =	spop (v2sf);
	s3 =	smul.u32 $0x51EB851F, s8  }
0x2e2: {  	s8 =	sadd.s32 s10, s11;
	s11 =	smulhi.u32 $0x51EB851F, s22;
	s15 =	sshra.s32 s22, $0x1F  }
0x2e3: {  	v19 =	vsel vm8, s9, v32;
	v20 =	vsel vm7, s13, v34;
	(v2sf) =	vpush v6, $0x2;
	s22 =	sadd.s32 s16, s17;
	s17 =	sadd.s32 s26, s23;
	s16 =	smulhi.u32 $0x51EB851F, s2  }
0x2e4: {  	v19 =	vsel vm7, s19, v19;
	v20 =	vperm.xlane v20, v3;
	s23 =	sadd.s32 s29, s24;
	s10 =	sadd.s32 s0, s20;
	s26 =	smulhi.u32 $0x51EB851F, s25  }
0x2e5: {  	v22 =	vperm.xlane v22, v2;
	v19 =	vperm.xlane v19, v3;
	s24 =	sshra.s32 s28, $0x1F;
	s20 =	sshra.s32 s2, $0x1F;
	s14 =	smul.u32 $0x51EB851F, s15  }
0x2e6: {  	v25 =	vperm.xlane v25, v2;
	vm14 =	vnez.u8 v29;
	(v2sf) =	vpush v6, $0x3;
	s15 =	sadd.s32 s12, s7;
	s12 =	sadd.s32 s31, s30;
	s7 =	smul.u32 $0x51EB851F, s24  }
0x2e7: {  	v19 =	vsel vm14, v19, v22;
	(v2sf) =	vpush v6, $0x4;
	vm9 =	vlt.f32 v17, v18;
	s30 =	sld [smem:$0x7E0];
	s31 =	sshrl.u32 s17, $0x1F;
	s19 =	sshrl.u32 s23, $0x1F  }
0x2e8: {  	v20 =	vsel vm14, v20, v25;
	(v2sf) =	vpush v6, $0xC;
	v8 =	vsel vm9, v10, v8;
	s17 =	sshra.s32 s17, $0x5;
	s9 =	sshrl.u32 s8, $0x1F;
	s0 =	sadd.s32 s3, s4  }
0x2e9: {  	(v2sf) =	vpush v6, $0x8;
	v10 =	vor.u32 $0x8, v8;
	s4 =	spop (v2sf);
	v21 =	vmov s31;
	s31 =	smul.u32 $0x51EB851F, s20;
	s20 =	sshrl.u32 s22, $0x1F  }
0x2ea: {  	(v2sf) =	vpush v6, $0xD;
	v17 =	vadd.s32 v10, v14;
	v23 =	vmov s19;
	s19 =	sshra.s32 s22, $0x5;
	s3 =	sadd.s32 s14, s11;
	s14 =	smulhi.u32 $0x51EB851F, s28  }
0x2eb: {  	v19 =	vadd.s32 v19, v20;
	(v2sf) =	vpush v6, $0x9;
	s22 =	sshra.s32 s10, $0x5;
	s28 =	sshra.s32 s25, $0x1F;
	s25 =	smulhi.u32 $0x51EB851F, s6  }
0x2ec: {  	v19 =	vmul.u32 $0x64, v19;
	(v2sf) =	vpush v6, $0x5;
	s6 =	sshra.s32 s6, $0x1F;
	s13 =	sshra.s32 s0, $0x1F;
	s29 =	smul.u32 $0x51EB851F, s28  }
0x2ed: {  	(v2sf) =	vpush v6, $0xE;
	s2 =	sadd.s32 s18, s30;
	s6 =	smul.u32 $0x51EB851F, s6;
	s24 =	sshra.s32 s3, $0x1F  }
0x2ee: {  	vm11 =	vcmask $0xF0C;
	v19 =	vsub.s32 v16, v19;
	(v2sf) =	vpush v6, $0xA;
	s28 =	sshra.s32 s23, $0x5;
	s18 =	sadd.s32 s29, s26;
	s26 =	simm.s32 $0x680  }
0x2ef: {  	vm13 =	vcmask $0x1714;
	v16 =	vmul.u32 $0x70, v19;
	(v2sf) =	vpush v6, $0xF;
	s30 =	sshra.s32 s0, $0x5;
	s23 =	sshrl.u32 s15, $0x1F;
	s11 =	sadd.s32 s7, s14;
	v17 =	vld.idx.msk [tilespmem:v17+s26+$0x0], $0xffff  }
0x2f0: {  	v23 =	vsel vm15, s20, v23;
	s14 =	spop (v2sf);
	v26 =	vmov s24;
	v28 =	vmov s28;
	s24 =	sshra.s32 s8, $0x5;
	s28 =	sshra.s32 s12, $0x5  }
0x2f1: {  	v24 =	vmov s17;
	(v2sf) =	vpush v6, $0xB;
	v23 =	vsel vm1, s23, v23;
	s23 =	simm.s32 $0x680;
	s17 =	sadd.s32 s6, s25;
	s6 =	sshrl.u32 s21, $0x1F  }
0x2f2: {  	s7 =	spop (v2sf);
	s29 =	sshrl.u32 s0, $0x1F;
	s21 =	sshra.s32 s21, $0x5;
	v26 =	vsel vm4, s30, v26;
	v21 =	vsel vm0, s6, v21;
	vm0 =	vcmask $0x704  }
0x2f3: {  	s25 =	sshra.s32 s10, $0x1F;
	s0 =	sadd.s32 s31, s16;
	s10 =	sshrl.u32 s10, $0x1F;
	v27 =	vmov s29;
	v24 =	vsel vm15, s21, v24;
	v22 =	vsel vm0, s13, v26  }
0x2f4: {  	s30 =	sshrl.u32 s12, $0x1F;
	s31 =	sshrl.u32 s5, $0x1F;
	s5 =	sshra.s32 s5, $0x5;
	v26 =	vsel vm15, s19, v28;
	vm9 =	vlt.f32 v17, v18;
	v17 =	vor.u32 $0x8, v13  }
0x2f5: {  	s20 =	sshra.s32 s11, $0x1F;
	s26 =	sshra.s32 s15, $0x5;
	s16 =	spop (v2sf);
	v21 =	vsel vm1, s9, v21;
	v8 =	vsel vm9, v10, v8;
	v10 =	vadd.s32 v17, v11  }
0x2f6: {  	s29 =	sshra.s32 s12, $0x1F;
	s6 =	sshra.s32 s11, $0x5;
	s21 =	sshrl.u32 s1, $0x1F;
	v24 =	vsel vm1, s24, v24;
	v22 =	vsel vm15, s22, v22;
	v20 =	vadd.s32 $0x4, v8  }
0x2f7: {  	s1 =	sshra.s32 s1, $0x5;
	s15 =	spop (v2sf);
	v27 =	vnsel vm4, $0x0, v27;
	s24 =	sshrl.u32 s18, $0x1F;
	v22 =	vsel vm11, s25, v22;
	v25 =	vadd.s32 v20, v14  }
0x2f8: {  	v23 =	vsel vm2, s21, v23;
	s21 =	sshrl.u32 s2, $0x1F;
	s12 =	spop (v2sf);
	s22 =	sshrl.u32 s11, $0x1F;
	v27 =	vsel vm15, s10, v27;
	v22 =	vsel vm1, s28, v22  }
0x2f9: {  	v26 =	vsel vm1, s26, v26;
	s26 =	sld [smem:$0x7EB];
	s10 =	sshra.s32 s2, $0x5;
	v21 =	vsel vm2, s31, v21;
	s31 =	sshra.s32 s0, $0x1F;
	v22 =	vsel vm13, s29, v22  }
0x2fa: {  	s13 =	spop (v2sf);
	s25 =	sshra.s32 s4, $0x1F;
	s4 =	smulhi.u32 $0x51EB851F, s4;
	v22 =	vsel vm2, s6, v22;
	vm9 =	vcmask $0x1F1C;
	v10 =	vld.idx.msk [tilespmem:v10+s23+$0x0], $0xffff  }
0x2fb: {  	v28 =	vadd.s32 $0x3F, v16;
	v27 =	vsel vm1, s30, v27;
	s30 =	sshrl.u32 s3, $0x1F;
	s19 =	smul.u32 $0x51EB851F, s25;
	s25 =	sshra.s32 s18, $0x5;
	v22 =	vsel vm9, s20, v22  }
0x2fc: {  	vm3 =	vcmask $0x2724;
	s3 =	sshra.s32 s3, $0x5;
	s8 =	spop (v2sf);
	s29 =	sshra.s32 s18, $0x1F;
	v22 =	vsel vm6, s25, v22;
	v25 =	vld.idx.msk [tilespmem:v25+s23+$0x0], $0xffff  }
0x2fd: {  	s28 =	simm.s32 $0x680;
	s9 =	spop (v2sf);
	s26 =	sadd.s32 $0x20, s26;
	v22 =	vsel vm3, s29, v22  }
0x2fe: {  	vm10 =	vcmask $0x2F2C;
	s20 =	sshra.s32 s2, $0x1F;
	v22 =	vsel vm5, s10, v22;
	s23 =	smulhi.u32 $0x51EB851F, s14;
	s14 =	sshra.s32 s14, $0x1F  }
0x2ff: {  	v24 =	vsel vm2, s5, v24;
	s11 =	spop (v2sf);
	s25 =	sshra.s32 s17, $0x5;
	v22 =	vsel vm10, s20, v22;
	s5 =	smul.u32 $0x51EB851F, s14;
	vm9 =	vlt.f32 v10, v7  }
0x300: {  	vm12 =	vcmask $0x3734;
	s6 =	spop (v2sf);
	v22 =	vsel vm8, s25, v22;
	s25 =	sshra.s32 s12, $0x1F;
	s12 =	smulhi.u32 $0x51EB851F, s12;
	v10 =	vld.idx.msk [tilespmem:v28+s28+$0x0], $0xffff;
	v28 =	vsel vm9, v17, v13  }
0x301: {  	v26 =	vsel vm2, s1, v26;
	s10 =	sadd.s32 s5, s23;
	s23 =	sshra.s32 s7, $0x1F;
	s7 =	smulhi.u32 $0x51EB851F, s7;
	vm9 =	vlt.f32 v25, v18;
	v25 =	vadd.s32 $0x4, v28  }
0x302: {  	v27 =	vsel vm2, s22, v27;
	s4 =	sadd.s32 s19, s4;
	s18 =	spop (v2sf);
	s5 =	smul.u32 $0x51EB851F, s23;
	v8 =	vsel vm9, v20, v8;
	v20 =	vadd.s32 v25, v11  }
0x303: {  	v21 =	vcombine.low v23, v21;
	s29 =	sshrl.u32 s17, $0x1F;
	v17 =	vsel vm6, s24, v27;
	s24 =	sshra.s32 s16, $0x1F;
	s16 =	smulhi.u32 $0x51EB851F, s16;
	v27 =	vadd.s32 $0x2, v8  }
0x304: {  	v23 =	vcombine.low v26, v24;
	s17 =	sshra.s32 s17, $0x1F;
	s2 =	spop (v2sf);
	v17 =	vsel vm5, s21, v17;
	s14 =	smul.u32 $0x51EB851F, s24;
	v14 =	vadd.s32 v27, v14  }
0x305: {  	v24 =	vmov s31;
	v21 =	vperm.xlane v21, v2;
	s20 =	sshra.s32 s4, $0x5;
	v17 =	vsel vm8, s29, v17;
	s29 =	sshra.s32 s15, $0x1F;
	s15 =	smulhi.u32 $0x51EB851F, s15  }
0x306: {  	v23 =	vperm.xlane v23, v2;
	v24 =	vsel vm4, s20, v24;
	s1 =	spop (v2sf);
	s28 =	simm.s32 $0x680;
	s31 =	smul.u32 $0x51EB851F, s29;
	vm9 =	vlt.f32 v10, v15  }
0x307: {  	s7 =	sadd.s32 s5, s7;
	s5 =	sadd.s32 s14, s16;
	s16 =	smul.u32 $0x51EB851F, s25;
	v10 =	vsel vm12, s17, v22;
	v22 =	vsel vm7, s30, v17;
	v29 =	vsel vm9, $0x40, v1;
	v20 =	vld.idx.msk [tilespmem:v20+s28+$0x0], $0xffff  }
0x308: {  	s23 =	sshra.s32 s4, $0x1F;
	s14 =	sshra.s32 s8, $0x1F;
	s8 =	smulhi.u32 $0x51EB851F, s8;
	v17 =	vadd.s32 $0xFFFFFFFF, v16;
	v10 =	vsel vm7, s3, v10;
	v26 =	vor.u32 $0x20, v29  }
0x309: {  	s4 =	sshrl.u32 s4, $0x1F;
	s25 =	sshra.s32 s9, $0x1F;
	s9 =	smulhi.u32 $0x51EB851F, s9;
	v22 =	vperm.xlane v22, v3;
	v10 =	vperm.xlane v10, v3;
	v30 =	vadd.s32 v26, v17;
	v14 =	vld.idx.msk [tilespmem:v14+s28+$0x0], $0xffff  }
0x30a: {  	(v2sf) =	vpush v6, $0x6;
	s21 =	sshra.s32 s10, $0x5;
	v24 =	vsel vm0, s23, v24;
	vm0 =	vmmov vm15;
	s29 =	sshra.s32 s11, $0x1F;
	s11 =	smulhi.u32 $0x51EB851F, s11  }
0x30b: {  	v24 =	vsel vm15, s21, v24;
	s17 =	sshra.s32 s10, $0x1F;
	s30 =	sshra.s32 s13, $0x1F;
	s13 =	smulhi.u32 $0x51EB851F, s13;
	v21 =	vsel vm14, v22, v21;
	v10 =	vsel vm14, v10, v23  }
0x30c: {  	s22 =	sshra.s32 s7, $0x5;
	s20 =	sshra.s32 s7, $0x1F;
	s14 =	smul.u32 $0x51EB851F, s14;
	v22 =	vsel vm11, s17, v24;
	v10 =	vadd.s32 v21, v10;
	vm9 =	vlt.f32 v20, v7  }
0x30d: {  	s7 =	sshrl.u32 s7, $0x1F;
	s21 =	smul.u32 $0x51EB851F, s25;
	v22 =	vsel vm1, s22, v22;
	s28 =	simm.s32 $0x680;
	v10 =	vmul.u32 $0x64, v10;
	v21 =	vsel vm9, v25, v28  }
0x30e: {  	s23 =	sshra.s32 s5, $0x5;
	s10 =	sshrl.u32 s10, $0x1F;
	s24 =	smul.u32 $0x51EB851F, s30;
	v23 =	vld.idx.msk [tilespmem:v30+s28+$0x0], $0xffff;
	vm9 =	vlt.f32 v14, v18;
	v14 =	vmov s4;
	v24 =	vadd.s32 $0x2, v21  }
0x30f: {  	s25 =	sld [smem:$0x7E1];
	s3 =	sadd.s32 s31, s15;
	s12 =	sadd.s32 s16, s12;
	v20 =	vsel vm9, v27, v8;
	v8 =	vsub.s32 v4, v10;
	v4 =	vsel vm13, s20, v22  }
0x310: {  	s30 =	sshra.s32 s5, $0x1F;
	s4 =	sadd.s32 s24, s13;
	s24 =	sshrl.u32 s12, $0x1F;
	v10 =	vadd.s32 v24, v11;
	v14 =	vnsel vm4, $0x0, v14;
	vm9 =	vcmask $0x1F1C  }
0x311: {  	s31 =	sshra.s32 s6, $0x1F;
	s16 =	sshra.s32 s18, $0x1F;
	s15 =	smul.u32 $0x51EB851F, s29;
	v28 =	vmov s24;
	v25 =	vadd.s32 v5, v20;
	v4 =	vsel vm2, s23, v4  }
0x312: {  	s6 =	smulhi.u32 $0x51EB851F, s6;
	s5 =	sshrl.u32 s5, $0x1F;
	s29 =	sshrl.u32 s4, $0x1F;
	v5 =	vmul.u32 $0x70, v8;
	v14 =	vsel vm15, s10, v14;
	v4 =	vsel vm9, s30, v4  }
0x313: {  	s31 =	smul.u32 $0x51EB851F, s31;
	s25 =	sadd.s32 $0x20, s25;
	s22 =	sshra.s32 s3, $0x5;
	vm9 =	vlt.f32 v23, v15;
	v23 =	vmov s29;
	v14 =	vsel vm1, s7, v14  }
0x314: {  	s8 =	sadd.s32 s14, s8;
	s12 =	sshra.s32 s12, $0x5;
	s30 =	sadd.s32 $0x10, s25;
	v22 =	vadd.s32 $0x3F, v5;
	v27 =	vsel vm6, s22, v4;
	v29 =	vsel vm9, v26, v29  }
0x315: {  	s16 =	smul.u32 $0x51EB851F, s16;
	s6 =	sadd.s32 s31, s6;
	v4 =	vor.u32 s30, v0;
	v26 =	vmov s12;
	s30 =	sshrl.u32 s8, $0x1F;
	v31 =	vor.u32 $0x10, v29  }
0x316: {  	s13 =	sshra.s32 s2, $0x1F;
	s23 =	sshra.s32 s3, $0x1F;
	s29 =	sadd.s32 s15, s11;
	v63 =	vsel vm15, s30, v28;
	v28 =	vor.u32 s25, v0;
	v62 =	vadd.s32 v31, v17  }
0x317: {  	s19 =	sshra.s32 s4, $0x5;
	v14 =	vsel vm2, s5, v14;
	s8 =	sshra.s32 s8, $0x5;
	s11 =	sshra.s32 s29, $0x5;
	v30 =	vld.idx.msk [tilespmem:v10+s28+$0x0], $0xffff;
	v10 =	vsel vm3, s23, v27;
	(v2sf) =	vpush v28, $0x7  }
0x318: {  	s24 =	smulhi.u32 $0x51EB851F, s18;
	s3 =	sshrl.u32 s3, $0x1F;
	s22 =	sadd.s32 s21, s9;
	v26 =	vsel vm15, s8, v26;
	v35 =	vsel vm5, s11, v10;
	v10 =	vld [tilespmem:s26+$0x0];
	(v2sf) =	vpush v4, $0xF  }
0x319: {  	s12 =	smul.u32 $0x51EB851F, s13;
	s13 =	sshrl.u32 s6, $0x1F;
	s31 =	sshrl.u32 s22, $0x1F;
	v36 =	vsel vm6, s3, v14;
	v27 =	vmov s19;
	(v2sf) =	vpush v4, $0xB;
	v22 =	vld.idx.msk [tilespmem:v22+s28+$0x0], $0xffff  }
0x31a: {  	s10 =	sadd.s32 s16, s24;
	s16 =	sshra.s32 s6, $0x5;
	s7 =	sshra.s32 s22, $0x5;
	v23 =	vsel vm15, s31, v23;
	v34 =	vsel vm1, s13, v63;
	(v2sf) =	vpush v4, $0x6  }
0x31b: {  	s2 =	smulhi.u32 $0x51EB851F, s2;
	s15 =	sshrl.u32 s10, $0x1F;
	s17 =	sshra.s32 s10, $0x5;
	v37 =	vsel vm1, s16, v26;
	v27 =	vsel vm15, s7, v27;
	(v2sf) =	vpush v4, $0xE;
	v14 =	vld.idx.msk [tilespmem:v62+s28+$0x0], $0xffff  }
0x31c: {  	s20 =	sshra.s32 s1, $0x1F;
	s1 =	smulhi.u32 $0x51EB851F, s1;
	s18 =	sshra.s32 s29, $0x1F;
	v23 =	vsel vm1, s15, v23;
	v39 =	vsel vm1, s17, v27;
	v27 =	vld.idx.msk [tilespmem:v25+s28+$0x0], $0xffff;
	(v2sf) =	vpush v4, $0xA  }
0x31d: {  	s14 =	smul.u32 $0x51EB851F, s20;
	v35 =	vsel vm10, s18, v35;
	vm9 =	vlt.f32 v30, v7;
	(v2sf) =	vpush v4, $0xD  }
0x31e: {  	s24 =	sld [smem:$0x7E2];
	s21 =	spop (v2sf);
	v21 =	vsel vm9, v24, v21;
	(v2sf) =	vpush v4, $0x9;
	vm9 =	vlt.f32 v22, v10  }
0x31f: {  	s22 =	sshra.s32 s21, $0x1F;
	s5 =	smulhi.u32 $0x51EB851F, s21;
	v38 =	vadd.s32 v9, v21;
	(v2sf) =	vpush v4, $0x5;
	v24 =	vsel vm9, $0x40, v1  }
0x320: {  	s3 =	smul.u32 $0x51EB851F, s22;
	vm9 =	vlt.f32 v14, v15;
	v26 =	vor.u32 $0x20, v24;
	v14 =	vadd.s32 $0xFFFFFFFF, v5  }
0x321: {  	s1 =	sadd.s32 s14, s1;
	s23 =	rddreg [dreg:$0x4];
	s6 =	sadd.s32 $0x2, s24;
	v30 =	vsel vm9, v31, v29;
	vm9 =	vlt.f32 v27, v18;
	v27 =	vmul.u32 $0x65, v33  }
0x322: {  	s4 =	sshrl.u32 s29, $0x1F;
	p4 =	slt.u32 s6, s23;
	s3 =	sadd.s32 s3, s5;
	(v2sf) =	vpush v4, $0xC;
	v29 =	vadd.s32 v26, v14;
	v31 =	vsel vm9, $0x1, v1  }
.Ltmp8:
0x323: {  	s29 =	sld [smem:$0x7EC];
	s30 =	sshra.s32 s3, $0x5;
	(v2sf) =	vpush v4, $0x8;
	v18 =	vmul.u32 $0x65, v19;
	v19 =	vadd.s32 v31, v27;
	(pc) =	sbr.rel @!p4 .LBB2_12-.Ltmp8, $4  }
0x324: {  	p3 =	por $0x1, $0x1;
	s20 =	sshrl.u32 s1, $0x1F;
	s2 =	sadd.s32 s12, s2;
	(v2sf) =	vpush v4, $0x4;
	v19 =	vadd.s32 v20, v19;
	v20 =	vsel vm8, s30, v35  }
0x325: {  	s1 =	sshra.s32 s1, $0x5;
	v32 =	vsel vm5, s4, v36;
	s19 =	sshrl.u32 s2, $0x1F;
	s2 =	sshra.s32 s2, $0x5;
	v25 =	vsel vm2, s20, v23;
	v33 =	vld [tilespmem:s26+$0xFFFFFFF0];
	(v2sf) =	vpush v4, $0x3  }
0x326: {  	s13 =	sshra.s32 s0, $0x5;
	s21 =	sadd.s32 $0x80, s29;
	s31 =	sshra.s32 s3, $0x1F;
	v22 =	vsel vm2, s19, v34;
	v23 =	vld.idx.msk [tilespmem:v38+s28+$0x0], $0xffff;
	v27 =	vsel vm2, s2, v37;
	(v2sf) =	vpush v4, $0x2  }
0x327: {  	s9 =	sshrl.u32 s3, $0x1F;
	s19 =	sshrl.u32 s0, $0x1F;
	s2 =	smov.u32 s29;
	(v2sf) =	vpush v4, $0x1;
	[tilespmem:s21+$0x0] =	vst v19;
	v34 =	vsel vm12, s31, v20;
	v31 =	vld.idx.msk [tilespmem:v29+s28+$0x0], $0xffff;
	v29 =	vsel vm2, s1, v39;
	v19 =	vmovc v7;
	v20 =	vmovc v12  }
.LBB2_13:
0x328: {  	s0 =	rddreg [dreg:$0x4]  }
0x329: {  	s30 =	smov.u32 s21;
	[dreg:$0xa] =	wrdreg s0  }
0x32a: {  	s31 =	spop (v2sf);
	s6 =	sadd.s32 $0x2, s6;
	[dreg:$0x6] =	wrdreg s30  }
0x32b: {  	s1 =	smulhi.u32 $0x51EB851F, s31;
	s0 =	sshra.s32 s31, $0x1F;
	[dreg:$0x8] =	wrdreg s6  }
0x32c: {  	[dreg:$0xe] =	wrdreg s0;
	s0 =	spop (v2sf)  }
0x32d: {  	s8 =	smulhi.u32 $0x51EB851F, s0;
	s4 =	spop (v2sf)  }
0x32e: {  	[dreg:$0xc] =	wrdreg s1;
	s1 =	sshra.s32 s0, $0x1F;
	s3 =	smulhi.u32 $0x51EB851F, s4  }
0x32f: {  	s12 =	spop (v2sf);
	s6 =	smul.u32 $0x51EB851F, s1  }
0x330: {  	s10 =	smulhi.u32 $0x51EB851F, s12;
	s18 =	spop (v2sf)  }
0x331: {  	[smem:$0x7D3] =	sst s3;
	s11 =	smulhi.u32 $0x51EB851F, s18  }
0x332: {  	s17 =	spop (v2sf);
	[dreg:$0x10] =	wrdreg s10  }
0x333: {  	v22 =	vcombine.low v25, v22;
	v25 =	vcombine.low v29, v27;
	v27 =	vsel vm7, s13, v34;
	s8 =	sadd.s32 s6, s8;
	s13 =	smulhi.u32 $0x51EB851F, s17;
	s6 =	sld [smem:$0x7D3]  }
0x334: {  	s20 =	spop (v2sf);
	[smem:$0x7D5] =	sst s11  }
0x335: {  	s14 =	smulhi.u32 $0x51EB851F, s20;
	s22 =	spop (v2sf)  }
0x336: {  	(v2sf) =	vpush v4, $0x0;
	[smem:$0x7D9] =	sst s13;
	s15 =	smulhi.u32 $0x51EB851F, s22  }
0x337: {  	(v2sf) =	vpush v4, $0x7;
	s23 =	spop (v2sf);
	[smem:$0x7D4] =	sst s14  }
0x338: {  	v32 =	vsel vm8, s9, v32;
	(v2sf) =	vpush v28, $0x0;
	s16 =	smulhi.u32 $0x51EB851F, s23;
	s7 =	spop (v2sf)  }
0x339: {  	vm9 =	vlt.f32 v31, v10;
	v31 =	vsel vm7, s19, v32;
	(v2sf) =	vpush v28, $0x1;
	s14 =	sshra.s32 s12, $0x1F;
	[smem:$0x7D6] =	sst s15;
	s19 =	smulhi.u32 $0x51EB851F, s7  }
0x33a: {  	v51 =	vld [tilespmem:$0x1FFF0];
	(v2sf) =	vpush v28, $0x2;
	s5 =	spop (v2sf);
	s14 =	smul.u32 $0x51EB851F, s14  }
0x33b: {  	v50 =	vor.u32 $0x8, v30;
	(v2sf) =	vpush v28, $0x3;
	s1 =	sshra.s32 s7, $0x1F;
	[smem:$0x7DB] =	sst s16;
	s24 =	smulhi.u32 $0x51EB851F, s5  }
0x33c: {  	v27 =	vperm.xlane v27, v3;
	v22 =	vperm.xlane v22, v2;
	(v2sf) =	vpush v28, $0x4;
	s11 =	spop (v2sf);
	s1 =	smul.u32 $0x51EB851F, s1  }
0x33d: {  	v25 =	vperm.xlane v25, v2;
	v24 =	vsel vm9, v26, v24;
	v31 =	vperm.xlane v31, v3;
	s17 =	sshra.s32 s17, $0x1F;
	[smem:$0x7D7] =	sst s19;
	s28 =	smulhi.u32 $0x51EB851F, s11  }
0x33e: {  	vm9 =	vlt.f32 v23, v19;
	v26 =	vor.u32 $0x10, v24;
	(v2sf) =	vpush v28, $0xC;
	s0 =	sshra.s32 s23, $0x1F;
	[smem:$0x7DE] =	sst s14;
	s14 =	smul.u32 $0x51EB851F, s17  }
0x33f: {  	vm10 =	vnez.u8 v51;
	v29 =	vadd.s32 v26, v14;
	(v2sf) =	vpush v28, $0x8;
	s17 =	smul.u32 $0x51EB851F, s0;
	s0 =	sshra.s32 s5, $0x1F;
	[smem:$0x7D8] =	sst s24  }
0x340: {  	s29 =	simm.s32 $0x680;
	v22 =	vsel vm10, v31, v22;
	v25 =	vsel vm10, v27, v25;
	(v2sf) =	vpush v28, $0xD;
	s24 =	spop (v2sf);
	s0 =	smul.u32 $0x51EB851F, s0  }
0x341: {  	s4 =	sshra.s32 s4, $0x1F;
	v31 =	vadd.s32 v50, v17;
	v22 =	vadd.s32 v22, v25;
	(v2sf) =	vpush v28, $0x9;
	[smem:$0x7DD] =	sst s28;
	s31 =	smulhi.u32 $0x51EB851F, s24  }
0x342: {  	v23 =	vsel vm9, $0x1, v1;
	v22 =	vmul.u32 $0x64, v22;
	(v2sf) =	vpush v28, $0x5;
	s16 =	smov.u32 s26;
	s26 =	spop (v2sf);
	s28 =	smul.u32 $0x51EB851F, s4  }
0x343: {  	v23 =	vadd.s32 v23, v20;
	(v2sf) =	vpush v28, $0xE;
	s19 =	smov.u32 s25;
	s4 =	sshra.s32 s18, $0x1F;
	s3 =	smulhi.u32 $0x51EB851F, s26  }
0x344: {  	v20 =	vmovc v18;
	v18 =	vadd.s32 v21, v23;
	v21 =	vsub.s32 v6, v22;
	v6 =	vmov v28;
	v27 =	vld.idx.msk [tilespmem:v29+s29+$0x0], $0xffff;
	s10 =	spop (v2sf);
	s12 =	smul.u32 $0x51EB851F, s4;
	s4 =	sshra.s32 s20, $0x1F  }
0x345: {  	(v2sf) =	vpush v6, $0xA;
	s25 =	spop (v2sf);
	s6 =	sadd.s32 s28, s6;
	s28 =	sld [smem:$0x7D4]  }
0x346: {  	v23 =	vld.idx.msk [tilespmem:v31+s29+$0x0], $0xffff;
	[tilespmem:s2+$0xFFFFFFF0] =	vst v18;
	s4 =	smul.u32 $0x51EB851F, s4;
	s2 =	spop (v2sf)  }
0x347: {  	v22 =	vmul.u32 $0x70, v21;
	(v2sf) =	vpush v6, $0xF;
	[smem:$0x7DC] =	sst s31;
	s30 =	spop (v2sf)  }
0x348: {  	v18 =	vmul.u32 $0x65, v21;
	s31 =	spop (v2sf);
	s28 =	sadd.s32 s4, s28;
	s4 =	sld [smem:$0x7D5]  }
0x349: {  	v21 =	vadd.s32 $0x3F, v22;
	vm9 =	vlt.f32 v27, v10;
	(v2sf) =	vpush v6, $0xB;
	[smem:$0x7DA] =	sst s3;
	s3 =	spop (v2sf)  }
0x34a: {  	v25 =	vsel vm9, v26, v24;
	[smem:$0x7DF] =	sst s3;
	s18 =	spop (v2sf)  }
0x34b: {  	(v2sf) =	vpush v6, $0x6;
	v26 =	vor.u32 $0x8, v25;
	s3 =	spop (v2sf);
	s4 =	sadd.s32 s12, s4;
	s12 =	sld [smem:$0x7D6]  }
0x34c: {  	s22 =	sshra.s32 s22, $0x1F;
	s9 =	smulhi.u32 $0x51EB851F, s10;
	v24 =	vadd.s32 v26, v14;
	[dreg:$0x1d] =	wrdreg s3  }
0x34d: {  	s11 =	sshra.s32 s11, $0x1F;
	s20 =	spop (v2sf);
	s3 =	smul.u32 $0x51EB851F, s22  }
0x34e: {  	v19 =	vmov v15;
	s24 =	sshra.s32 s24, $0x1F;
	v21 =	vld.idx.msk [tilespmem:v21+s29+$0x0], $0xffff;
	[dreg:$0x1f] =	wrdreg s20;
	s20 =	spop (v2sf)  }
0x34f: {  	vm9 =	vlt.f32 v23, v19;
	s22 =	spop (v2sf);
	s3 =	sadd.s32 s3, s12;
	s12 =	sld [smem:$0x7D7]  }
0x350: {  	s26 =	sshra.s32 s26, $0x1F;
	s15 =	smulhi.u32 $0x51EB851F, s25;
	v23 =	vsel vm9, v50, v30;
	s7 =	spop (v2sf)  }
0x351: {  	s25 =	sshra.s32 s25, $0x1F;
	s13 =	smulhi.u32 $0x51EB851F, s2;
	v28 =	vadd.s32 $0x4, v23;
	v30 =	vld.idx.msk [tilespmem:v24+s29+$0x0], $0xffff;
	s5 =	spop (v2sf)  }
0x352: {  	v15 =	vmov v33;
	v29 =	vadd.s32 v28, v17;
	s23 =	spop (v2sf);
	s1 =	sadd.s32 s1, s12;
	s12 =	sld [smem:$0x7D8]  }
0x353: {  	s10 =	sshra.s32 s10, $0x1F;
	s25 =	smul.u32 $0x51EB851F, s25;
	vm9 =	vlt.f32 v21, v15;
	[dreg:$0x18] =	wrdreg s23  }
0x354: {  	s2 =	sshra.s32 s2, $0x1F;
	v21 =	vsel vm9, $0x40, v1;
	s23 =	smul.u32 $0x51EB851F, s11;
	s11 =	spop (v2sf)  }
0x355: {  	v27 =	vadd.s32 $0xFFFFFFFF, v22;
	s2 =	smul.u32 $0x51EB851F, s2;
	s15 =	sadd.s32 s25, s15;
	v24 =	vor.u32 $0x20, v21;
	[dreg:$0x1b] =	wrdreg s11  }
0x356: {  	s25 =	smov.u32 s19;
	vm9 =	vlt.f32 v30, v10;
	v30 =	vadd.s32 v24, v27;
	s11 =	smul.u32 $0x51EB851F, s24;
	s24 =	spop (v2sf)  }
0x357: {  	s25 =	sadd.s32 $0x20, s25;
	v29 =	vld.idx.msk [tilespmem:v29+s29+$0x0], $0xffff;
	[dreg:$0x14] =	wrdreg s24;
	s24 =	smul.u32 $0x51EB851F, s26  }
0x358: {  	s26 =	spop (v2sf);
	s12 =	sadd.s32 s0, s12;
	s0 =	sadd.s32 s2, s13  }
0x359: {  	s2 =	sshrl.u32 s15, $0x1F;
	[dreg:$0x12] =	wrdreg s26;
	s26 =	smul.u32 $0x51EB851F, s10  }
0x35a: {  	s10 =	spop (v2sf);
	s19 =	sshrl.u32 s12, $0x1F;
	s13 =	sshra.s32 s0, $0x1F  }
0x35b: {  	v31 =	vsel vm9, v26, v25;
	[dreg:$0x16] =	wrdreg s10;
	s10 =	sshra.s32 s30, $0x1F;
	v25 =	vld.idx.msk [tilespmem:v30+s29+$0x0], $0xffff;
	v30 =	vmov s19;
	s19 =	sshrl.u32 s28, $0x1F  }
0x35c: {  	vm9 =	vlt.f32 v29, v19;
	v52 =	vadd.s32 $0x4, v31;
	s9 =	sadd.s32 s26, s9;
	s26 =	smov.u32 s16;
	s16 =	sshrl.u32 s1, $0x1F  }
0x35d: {  	v53 =	vadd.s32 v52, v14;
	v55 =	vmov s13;
	s13 =	sshrl.u32 s3, $0x1F;
	s1 =	sshra.s32 s1, $0x5;
	v29 =	vmov s16;
	s16 =	sld [smem:$0x7D9]  }
0x35e: {  	v54 =	vmov s1;
	s1 =	sshra.s32 s12, $0x5;
	s12 =	sshra.s32 s15, $0x5;
	v29 =	vsel vm0, s19, v29;
	s19 =	sld [smem:$0x7DA]  }
0x35f: {  	s28 =	sshra.s32 s28, $0x5;
	s3 =	sshra.s32 s3, $0x5;
	v30 =	vsel vm0, s13, v30;
	s15 =	sshra.s32 s15, $0x1F;
	v34 =	vsel vm4, s12, v55;
	vm0 =	vcmask $0x704  }
0x360: {  	v23 =	vsel vm9, v28, v23;
	v33 =	vsel vm15, s28, v54;
	s28 =	sshrl.u32 s4, $0x1F;
	s4 =	sshra.s32 s4, $0x5;
	v34 =	vsel vm0, s15, v34;
	s15 =	sshra.s32 s9, $0x5  }
0x361: {  	v26 =	vadd.s32 $0x2, v23;
	s12 =	sadd.s32 s14, s16;
	s14 =	sld [smem:$0x7DB];
	s13 =	sadd.s32 s24, s19  }
0x362: {  	vm11 =	vcmask $0xF0C;
	v28 =	vadd.s32 v26, v17;
	v17 =	vmovc v27;
	v27 =	vld.idx.msk [tilespmem:v53+s29+$0x0], $0xffff;
	v34 =	vsel vm15, s15, v34;
	s24 =	sshra.s32 s9, $0x1F;
	s16 =	sshrl.u32 s12, $0x1F;
	s9 =	sshrl.u32 s9, $0x1F  }
0x363: {  	v36 =	vmov s1;
	v34 =	vsel vm11, s24, v34;
	s15 =	sshra.s32 s13, $0x5;
	s19 =	sshra.s32 s13, $0x1F;
	s24 =	sld [smem:$0x7DD]  }
0x364: {  	v35 =	vmov s2;
	v36 =	vsel vm15, s3, v36;
	v30 =	vsel vm1, s16, v30;
	s16 =	sshrl.u32 s8, $0x1F;
	s3 =	sadd.s32 s17, s14;
	s17 =	sld [smem:$0x7DC]  }
0x365: {  	v35 =	vnsel vm4, $0x0, v35;
	s8 =	sshra.s32 s8, $0x5;
	s14 =	sshra.s32 s12, $0x5;
	s12 =	sld [smem:$0x7DE]  }
0x366: {  	vm14 =	vcmask $0x1714;
	v56 =	vsel vm15, s9, v35;
	v57 =	vsel vm1, s14, v36;
	s9 =	sshra.s32 s3, $0x5;
	s14 =	rddreg [dreg:$0xe];
	s2 =	sadd.s32 s23, s24  }
0x367: {  	vm9 =	vlt.f32 v27, v10;
	v27 =	vsel vm1, s28, v29;
	v29 =	vsel vm1, s15, v34;
	s23 =	sshrl.u32 s13, $0x1F;
	s13 =	sshra.s32 s3, $0x1F;
	s11 =	sadd.s32 s11, s17  }
0x368: {  	vm13 =	vcmask $0x1F1C;
	v29 =	vsel vm14, s19, v29;
	s17 =	sshrl.u32 s6, $0x1F;
	s19 =	sshra.s32 s2, $0x5;
	s6 =	sshra.s32 s6, $0x5  }
0x369: {  	vm3 =	vcmask $0x2724;
	v33 =	vsel vm1, s4, v33;
	s24 =	sshra.s32 s2, $0x1F;
	s2 =	sshrl.u32 s2, $0x1F;
	v35 =	vsel vm2, s6, v57;
	s6 =	smul.u32 $0x51EB851F, s14  }
0x36a: {  	v31 =	vsel vm9, v52, v31;
	v27 =	vsel vm2, s16, v27;
	s28 =	sshra.s32 s11, $0x5;
	s15 =	sshra.s32 s11, $0x1F;
	v30 =	vsel vm2, s17, v30;
	s17 =	smul.u32 $0x51EB851F, s10  }
0x36b: {  	v32 =	vadd.s32 $0x2, v31;
	v34 =	vsel vm1, s23, v56;
	s10 =	sshra.s32 s31, $0x1F;
	v29 =	vsel vm2, s28, v29;
	s28 =	sshrl.u32 s11, $0x1F;
	s11 =	rddreg [dreg:$0x10]  }
0x36c: {  	v14 =	vadd.s32 v32, v14;
	v29 =	vsel vm13, s15, v29;
	v34 =	vsel vm2, s28, v34;
	s4 =	sadd.s32 s12, s11;
	s15 =	sshrl.u32 s3, $0x1F;
	s11 =	rddreg [dreg:$0xc]  }
0x36d: {  	v27 =	vcombine.low v30, v27;
	s28 =	sshrl.u32 s0, $0x1F;
	s12 =	smul.u32 $0x51EB851F, s10;
	v29 =	vsel vm6, s19, v29;
	v30 =	vsel vm6, s2, v34;
	s14 =	sadd.s32 s6, s11  }
0x36e: {  	s11 =	sshra.s32 s7, $0x1F;
	s7 =	smulhi.u32 $0x51EB851F, s7;
	v29 =	vsel vm3, s24, v29;
	v30 =	vsel vm5, s15, v30;
	s15 =	sld [smem:$0x7DF]  }
0x36f: {  	vm9 =	vcmask $0x2F2C;
	s0 =	sshra.s32 s0, $0x5;
	s19 =	sshrl.u32 s4, $0x1F;
	s24 =	smulhi.u32 $0x51EB851F, s30;
	v29 =	vsel vm5, s9, v29  }
0x370: {  	s16 =	sshra.s32 s4, $0x5;
	s23 =	sshra.s32 s4, $0x1F;
	s30 =	smulhi.u32 $0x51EB851F, s31;
	v30 =	vsel vm8, s19, v30;
	v29 =	vsel vm9, s13, v29  }
0x371: {  	vm12 =	vcmask $0x3734;
	v30 =	vsel vm7, s28, v30;
	s13 =	sshra.s32 s14, $0x1F;
	v29 =	vsel vm8, s16, v29;
	s16 =	sshra.s32 s15, $0x1F;
	s28 =	smulhi.u32 $0x51EB851F, s15  }
0x372: {  	v33 =	vsel vm2, s8, v33;
	v14 =	vld.idx.msk [tilespmem:v14+s29+$0x0], $0xffff;
	s4 =	sadd.s32 s12, s30;
	v58 =	vmov s13;
	s13 =	rddreg [dreg:$0x1f];
	v29 =	vsel vm12, s23, v29;
	s23 =	smul.u32 $0x51EB851F, s16  }
0x373: {  	v33 =	vcombine.low v35, v33;
	s12 =	rddreg [dreg:$0x1d];
	s10 =	sshra.s32 s13, $0x1F;
	s13 =	smulhi.u32 $0x51EB851F, s13  }
0x374: {  	v27 =	vperm.xlane v27, v2;
	v30 =	vperm.xlane v30, v3;
	v29 =	vsel vm7, s0, v29;
	s0 =	sadd.s32 s17, s24;
	s24 =	sshra.s32 s18, $0x1F;
	s10 =	smul.u32 $0x51EB851F, s10  }
0x375: {  	s26 =	sadd.s32 $0x20, s26;
	v28 =	vld.idx.msk [tilespmem:v28+s29+$0x0], $0xffff;
	v33 =	vperm.xlane v33, v2;
	vm9 =	vlt.f32 v25, v15;
	s16 =	sshra.s32 s12, $0x1F;
	v29 =	vperm.xlane v29, v3;
	s2 =	smul.u32 $0x51EB851F, s24  }
0x376: {  	v25 =	vsel vm9, v24, v21;
	v21 =	vsel vm10, v30, v27;
	s17 =	sshra.s32 s0, $0x5;
	s3 =	sadd.s32 s23, s28;
	s23 =	smul.u32 $0x51EB851F, s16  }
0x377: {  	s19 =	sshra.s32 s0, $0x1F;
	s10 =	sadd.s32 s10, s13;
	s13 =	smulhi.u32 $0x51EB851F, s22;
	v24 =	vsel vm10, v29, v33;
	vm10 =	vlt.f32 v14, v10;
	v14 =	vsel vm4, s17, v58  }
0x378: {  	s30 =	sshra.s32 s4, $0x5;
	s17 =	sshra.s32 s20, $0x1F;
	v14 =	vsel vm0, s19, v14;
	s19 =	smulhi.u32 $0x51EB851F, s18  }
0x379: {  	s31 =	sshra.s32 s4, $0x1F;
	s0 =	sshrl.u32 s0, $0x1F;
	v21 =	vadd.s32 v21, v24;
	v24 =	vsel vm10, v32, v31;
	s15 =	smul.u32 $0x51EB851F, s17  }
0x37a: {  	vm9 =	vlt.f32 v28, v19;
	s24 =	sshra.s32 s3, $0x5;
	s17 =	sshra.s32 s5, $0x1F;
	s5 =	smulhi.u32 $0x51EB851F, s5;
	v28 =	vmul.u32 $0x64, v21;
	v29 =	vadd.s32 v5, v24  }
0x37b: {  	v27 =	vor.u32 $0x10, v25;
	s28 =	sshra.s32 s3, $0x1F;
	s3 =	sshrl.u32 s3, $0x1F;
	v5 =	vsel vm15, s30, v14;
	s30 =	smulhi.u32 $0x51EB851F, s12  }
0x37c: {  	v21 =	vsel vm9, v26, v23;
	s12 =	smul.u32 $0x51EB851F, s17;
	v5 =	vsel vm11, s31, v5;
	s1 =	sadd.s32 s2, s19;
	s31 =	sshra.s32 s22, $0x1F;
	v4 =	vsub.s32 v4, v28  }
0x37d: {  	v14 =	vadd.s32 v27, v17;
	s19 =	smulhi.u32 $0x51EB851F, s20;
	s20 =	sshrl.u32 s4, $0x1F;
	s22 =	sshra.s32 s10, $0x5;
	v23 =	vsel vm1, s24, v5;
	v5 =	vmul.u32 $0x70, v4  }
0x37e: {  	v26 =	vadd.s32 v16, v21;
	v16 =	vmov v22;
	v22 =	vmov s0;
	s9 =	sshra.s32 s1, $0x5;
	s0 =	sadd.s32 s23, s30;
	s18 =	sshra.s32 s1, $0x1F  }
0x37f: {  	s24 =	rddreg [dreg:$0x1b];
	s8 =	smul.u32 $0x51EB851F, s31;
	s30 =	sshrl.u32 s10, $0x1F;
	v28 =	vadd.s32 $0x3F, v5;
	v29 =	vld.idx.msk [tilespmem:v29+s29+$0x0], $0xffff  }
0x380: {  	v22 =	vnsel vm4, $0x0, v22;
	s1 =	sshrl.u32 s1, $0x1F;
	v23 =	vsel vm14, s28, v23;
	s28 =	rddreg [dreg:$0x18];
	s16 =	sshra.s32 s24, $0x1F  }
0x381: {  	s23 =	sshra.s32 s0, $0x5;
	v22 =	vsel vm15, s20, v22;
	s20 =	rddreg [dreg:$0x12];
	s6 =	sshra.s32 s28, $0x1F  }
0x382: {  	vm0 =	vmmov vm15;
	v23 =	vsel vm2, s9, v23;
	s9 =	smul.u32 $0x51EB851F, s11;
	s11 =	sadd.s32 s15, s19;
	s15 =	sshra.s32 s20, $0x1F;
	v14 =	vld.idx.msk [tilespmem:v14+s29+$0x0], $0xffff  }
0x383: {  	v59 =	vmov s22;
	s19 =	rddreg [dreg:$0x16];
	v22 =	vsel vm1, s3, v22;
	s16 =	smul.u32 $0x51EB851F, s16;
	s8 =	sadd.s32 s8, s13;
	v30 =	vsel vm13, s18, v23;
	v23 =	vld.idx.msk [tilespmem:v26+s29+$0x0], $0xffff  }
0x384: {  	s2 =	sshra.s32 s19, $0x1F;
	s31 =	sshrl.u32 s11, $0x1F;
	s6 =	smul.u32 $0x51EB851F, s6;
	v26 =	vsel vm6, s23, v30;
	v30 =	vld.idx.msk [tilespmem:v28+s29+$0x0], $0xffff;
	vm9 =	vlt.f32 v29, v10;
	v28 =	vmul.u32 $0x65, v8  }
0x385: {  	s17 =	sshrl.u32 s8, $0x1F;
	s22 =	smul.u32 $0x51EB851F, s15;
	s8 =	sshra.s32 s8, $0x5;
	v22 =	vsel vm2, s1, v22;
	v31 =	vmov s31;
	v8 =	vmovc v4;
	v4 =	vsel vm9, $0x1, v1  }
0x386: {  	s18 =	sadd.s32 $0x10, s25;
	s15 =	smulhi.u32 $0x51EB851F, s20;
	s31 =	sshra.s32 s0, $0x1F;
	v32 =	vsel vm15, s8, v59;
	v4 =	vadd.s32 v4, v28;
	v28 =	vor.u32 s25, v0  }
0x387: {  	s7 =	sadd.s32 s9, s7;
	s9 =	smulhi.u32 $0x51EB851F, s24;
	s0 =	sshrl.u32 s0, $0x1F;
	v10 =	vld [tilespmem:s26+$0x0];
	v24 =	vadd.s32 v24, v4;
	v4 =	vor.u32 s18, v0;
	(v2sf) =	vpush v28, $0x7  }
0x388: {  	s23 =	rddreg [dreg:$0x14];
	v37 =	vsel vm6, s0, v22;
	v29 =	vmov s30;
	s30 =	sshra.s32 s11, $0x5;
	s11 =	smulhi.u32 $0x51EB851F, s28;
	(v2sf) =	vpush v4, $0xF  }
0x389: {  	s24 =	smul.u32 $0x51EB851F, s2;
	s4 =	sshra.s32 s23, $0x1F;
	vm9 =	vlt.f32 v14, v15;
	v14 =	vadd.s32 $0xFFFFFFFF, v5;
	(v2sf) =	vpush v4, $0xB  }
0x38a: {  	s28 =	sshra.s32 s7, $0x5;
	v60 =	vmov s30;
	v29 =	vsel vm15, s17, v29;
	s6 =	sadd.s32 s6, s11;
	s18 =	sshrl.u32 s7, $0x1F;
	(v2sf) =	vpush v4, $0x6  }
0x38b: {  	s21 =	sadd.s32 $0x80, s21;
	s4 =	smul.u32 $0x51EB851F, s4;
	v34 =	vsel vm15, s28, v60;
	s11 =	sshrl.u32 s6, $0x1F;
	v31 =	vsel vm15, s18, v31;
	(v2sf) =	vpush v4, $0xE  }
0x38c: {  	s3 =	sadd.s32 s12, s5;
	s9 =	sadd.s32 s16, s9;
	s16 =	smulhi.u32 $0x51EB851F, s19;
	v29 =	vsel vm1, s11, v29;
	vm10 =	vlt.f32 v30, v10;
	(v2sf) =	vpush v4, $0xA  }
0x38d: {  	s12 =	sshrl.u32 s9, $0x1F;
	s17 =	sshra.s32 s6, $0x5;
	[tilespmem:s21+$0x0] =	vst v24;
	v30 =	vsel vm3, s31, v26;
	s31 =	smulhi.u32 $0x51EB851F, s23;
	v24 =	vsel vm10, $0x40, v1;
	(v2sf) =	vpush v4, $0xD  }
0x38e: {  	s1 =	sadd.s32 s24, s16;
	s24 =	sshrl.u32 s3, $0x1F;
	s6 =	rddreg [dreg:$0x8];
	v38 =	vsel vm1, s17, v32;
	v26 =	vor.u32 $0x20, v24;
	(v2sf) =	vpush v4, $0x9  }
0x38f: {  	s18 =	sshra.s32 s9, $0x5;
	v32 =	vsel vm5, s24, v37;
	s4 =	sadd.s32 s4, s31;
	s31 =	rddreg [dreg:$0xa];
	v61 =	vadd.s32 v26, v14;
	(v2sf) =	vpush v4, $0x5  }
0x390: {  	s30 =	sshra.s32 s3, $0x5;
	v62 =	vsel vm1, s12, v31;
	v34 =	vsel vm1, s18, v34;
	p4 =	slt.u32 s6, s31;
	(v2sf) =	vpush v4, $0xC  }
.Ltmp9:
0x391: {  	s22 =	sadd.s32 s22, s15;
	s19 =	sshra.s32 s3, $0x1F;
	vm10 =	vcmask $0x2F2C;
	v30 =	vsel vm5, s30, v30;
	(v2sf) =	vpush v4, $0x8;
	(pc) =	sbr.rel @p4 .LBB2_13-.Ltmp9, $4  }
0x392: {  	s23 =	sshrl.u32 s22, $0x1F;
	s30 =	sshra.s32 s1, $0x5;
	v63 =	vsel vm10, s19, v30;
	v30 =	vsel vm9, v27, v25;
	(v2sf) =	vpush v4, $0x4  }
0x393: {  	v25 =	vsel vm2, s23, v62;
	s20 =	sshrl.u32 s4, $0x1F;
	s28 =	sshra.s32 s4, $0x5;
	v35 =	vsel vm8, s30, v63;
	(v2sf) =	vpush v4, $0x3  }
0x394: {  	s9 =	sshrl.u32 s1, $0x1F;
	s1 =	sshra.s32 s1, $0x1F;
	v22 =	vsel vm2, s20, v29;
	v27 =	vsel vm2, s28, v38;
	v31 =	vld.idx.msk [tilespmem:v61+s29+$0x0], $0xffff;
	s29 =	sshra.s32 s22, $0x5;
	(v2sf) =	vpush v4, $0x2  }
0x395: {  	v33 =	vld [tilespmem:s26+$0xFFFFFFF0];
	s13 =	sshra.s32 s14, $0x5;
	s2 =	rddreg [dreg:$0x6];
	s19 =	sshrl.u32 s14, $0x1F;
	v29 =	vsel vm2, s29, v34;
	v34 =	vsel vm12, s1, v35;
	(v2sf) =	vpush v4, $0x1  }
0x396: {  	v63 =	vld [tilespmem:$0x1FFF0];
	_ =	sdelay $0x2  }
0x397: {  	vm11 =	vcmask $0x704;
	vm9 =	vcmask $0xF0C  }
0x398: {  	[smem:$0x7EA] =	sst s21;
	vm3 =	vmmov vm4;
	vm4 =	vcmask $0x1F1C;
	vm13 =	vcmask $0x1714  }
0x399: {  	[smem:$0x7EB] =	sst s26;
	v35 =	vmovc v15;
	vm6 =	vmmov vm8;
	vm15 =	vcmask $0x2724;
	v15 =	vmovc v33;
	vm8 =	vnez.u8 v63  }
.LBB2_15:
0x39a: {  	s17 =	spop (v2sf)  }
0x39b: {  	s3 =	spop (v2sf)  }
0x39c: {  	s1 =	smulhi.u32 $0x51EB851F, s3;
	s4 =	spop (v2sf)  }
0x39d: {  	s21 =	smulhi.u32 $0x51EB851F, s4;
	s6 =	spop (v2sf)  }
0x39e: {  	s28 =	sshra.s32 s4, $0x1F;
	s0 =	smulhi.u32 $0x51EB851F, s6  }
0x39f: {  	s7 =	spop (v2sf);
	s22 =	smul.u32 $0x51EB851F, s28  }
0x3a0: {  	s29 =	sshra.s32 s6, $0x1F;
	s14 =	smulhi.u32 $0x51EB851F, s7  }
0x3a1: {  	s12 =	spop (v2sf);
	s31 =	smul.u32 $0x51EB851F, s29  }
0x3a2: {  	s30 =	sshra.s32 s7, $0x1F;
	s8 =	smulhi.u32 $0x51EB851F, s12  }
0x3a3: {  	s16 =	spop (v2sf);
	s5 =	smul.u32 $0x51EB851F, s30  }
0x3a4: {  	s2 =	sshra.s32 s12, $0x1F;
	s15 =	smulhi.u32 $0x51EB851F, s16  }
0x3a5: {  	s18 =	spop (v2sf);
	s4 =	smul.u32 $0x51EB851F, s2  }
0x3a6: {  	s24 =	smulhi.u32 $0x51EB851F, s18;
	s20 =	spop (v2sf)  }
0x3a7: {  	s25 =	smulhi.u32 $0x51EB851F, s20;
	s23 =	spop (v2sf)  }
0x3a8: {  	s6 =	sshra.s32 s18, $0x1F;
	s26 =	smulhi.u32 $0x51EB851F, s23  }
0x3a9: {  	s7 =	sshra.s32 s20, $0x1F;
	[smem:$0x7B5] =	sst s24;
	s24 =	smul.u32 $0x51EB851F, s6  }
0x3aa: {  	(v2sf) =	vpush v4, $0x0;
	s6 =	smul.u32 $0x51EB851F, s7;
	s11 =	spop (v2sf)  }
0x3ab: {  	s3 =	sshra.s32 s3, $0x1F;
	(v2sf) =	vpush v4, $0x7;
	s2 =	smulhi.u32 $0x51EB851F, s11;
	s18 =	spop (v2sf)  }
0x3ac: {  	(v2sf) =	vpush v28, $0x0;
	[smem:$0x7B6] =	sst s26;
	s26 =	smul.u32 $0x51EB851F, s3  }
0x3ad: {  	[smem:$0x7BC] =	sst s0;
	s3 =	sshra.s32 s16, $0x1F;
	s20 =	smulhi.u32 $0x51EB851F, s18  }
0x3ae: {  	[smem:$0x7BD] =	sst s31;
	s16 =	sshra.s32 s11, $0x1F;
	s28 =	smul.u32 $0x51EB851F, s3  }
0x3af: {  	[smem:$0x7B8] =	sst s25;
	s12 =	sshra.s32 s18, $0x1F;
	s30 =	smul.u32 $0x51EB851F, s16  }
0x3b0: {  	s10 =	sshra.s32 s23, $0x1F;
	s25 =	spop (v2sf);
	s23 =	smul.u32 $0x51EB851F, s12  }
0x3b1: {  	[smem:$0x7B7] =	sst s4;
	s29 =	smulhi.u32 $0x51EB851F, s25  }
0x3b2: {  	s31 =	spop (v2sf);
	s16 =	smulhi.u32 $0x51EB851F, s17  }
0x3b3: {  	(v2sf) =	vpush v28, $0x1;
	s0 =	sshra.s32 s25, $0x1F;
	[smem:$0x7BA] =	sst s20;
	s18 =	smulhi.u32 $0x51EB851F, s31  }
0x3b4: {  	(v2sf) =	vpush v28, $0x2;
	s31 =	sshra.s32 s31, $0x1F;
	s20 =	smul.u32 $0x51EB851F, s0;
	s3 =	spop (v2sf)  }
0x3b5: {  	s17 =	sshra.s32 s17, $0x1F;
	[smem:$0x7BB] =	sst s23;
	s23 =	smul.u32 $0x51EB851F, s31  }
0x3b6: {  	(v2sf) =	vpush v28, $0x3;
	s1 =	sadd.s32 s26, s1;
	[smem:$0x7B9] =	sst s29;
	s25 =	smulhi.u32 $0x51EB851F, s3  }
0x3b7: {  	s31 =	sshra.s32 s3, $0x1F;
	[smem:$0x7BE] =	sst s16;
	s16 =	smul.u32 $0x51EB851F, s17  }
0x3b8: {  	(v2sf) =	vpush v28, $0x4;
	[smem:$0x7CA] =	sst s1;
	s31 =	smul.u32 $0x51EB851F, s31  }
0x3b9: {  	[smem:$0x7BF] =	sst s16;
	s4 =	spop (v2sf)  }
0x3ba: {  	s12 =	smulhi.u32 $0x51EB851F, s4;
	s0 =	sshra.s32 s4, $0x1F;
	s7 =	spop (v2sf)  }
0x3bb: {  	s11 =	smul.u32 $0x51EB851F, s0;
	s29 =	spop (v2sf)  }
0x3bc: {  	s25 =	sadd.s32 s31, s25;
	s3 =	smulhi.u32 $0x51EB851F, s7;
	s17 =	sshra.s32 s29, $0x1F  }
0x3bd: {  	(v2sf) =	vpush v28, $0xC;
	s31 =	sld [smem:$0x7B7];
	s0 =	sshra.s32 s7, $0x1F;
	s7 =	smul.u32 $0x51EB851F, s17  }
0x3be: {  	s10 =	smul.u32 $0x51EB851F, s10;
	s12 =	sadd.s32 s11, s12;
	s11 =	sld [smem:$0x7BC]  }
0x3bf: {  	s4 =	smul.u32 $0x51EB851F, s0;
	[smem:$0x7C0] =	sst s7  }
0x3c0: {  	(v2sf) =	vpush v28, $0x8;
	s7 =	sadd.s32 s22, s21;
	s22 =	sadd.s32 s28, s15;
	s15 =	sld [smem:$0x7B5]  }
0x3c1: {  	(v2sf) =	vpush v28, $0xD;
	s17 =	smulhi.u32 $0x51EB851F, s29;
	[smem:$0x7CB] =	sst s7  }
0x3c2: {  	(v2sf) =	vpush v28, $0x9;
	s29 =	spop (v2sf);
	[smem:$0x7C7] =	sst s22;
	s7 =	sadd.s32 s5, s14  }
0x3c3: {  	(v2sf) =	vpush v28, $0x5;
	s1 =	smulhi.u32 $0x51EB851F, s29;
	s26 =	sshra.s32 s29, $0x1F;
	s0 =	spop (v2sf)  }
0x3c4: {  	[smem:$0x7C8] =	sst s7;
	s21 =	smul.u32 $0x51EB851F, s26  }
0x3c5: {  	s16 =	sshra.s32 s0, $0x1F;
	s29 =	spop (v2sf);
	s0 =	smulhi.u32 $0x51EB851F, s0  }
0x3c6: {  	[smem:$0x7C1] =	sst s1;
	s28 =	smul.u32 $0x51EB851F, s16  }
0x3c7: {  	s22 =	spop (v2sf);
	[smem:$0x7C3] =	sst s0  }
0x3c8: {  	s14 =	sshra.s32 s29, $0x1F;
	s29 =	smulhi.u32 $0x51EB851F, s29;
	[smem:$0x7C2] =	sst s28  }
0x3c9: {  	s16 =	smul.u32 $0x51EB851F, s14;
	s28 =	sld [smem:$0x7B6]  }
0x3ca: {  	s1 =	sshra.s32 s22, $0x1F;
	[smem:$0x7C5] =	sst s29;
	s29 =	sadd.s32 s4, s3  }
0x3cb: {  	s5 =	smul.u32 $0x51EB851F, s1;
	[smem:$0x7C9] =	sst s29  }
0x3cc: {  	s24 =	sadd.s32 s24, s15;
	s7 =	spop (v2sf);
	s29 =	sld [smem:$0x7B9]  }
0x3cd: {  	s15 =	sshra.s32 s7, $0x1F;
	[smem:$0x7C6] =	sst s5;
	s5 =	sadd.s32 s23, s18  }
0x3ce: {  	s23 =	sld [smem:$0x7B8];
	s10 =	sadd.s32 s10, s28;
	s28 =	smulhi.u32 $0x51EB851F, s22  }
0x3cf: {  	s14 =	spop (v2sf);
	s22 =	smul.u32 $0x51EB851F, s15  }
0x3d0: {  	s26 =	sadd.s32 s31, s8;
	s15 =	smulhi.u32 $0x51EB851F, s7;
	s31 =	spop (v2sf)  }
0x3d1: {  	s0 =	spop (v2sf);
	s18 =	sadd.s32 s6, s23;
	s23 =	sadd.s32 s20, s29  }
0x3d2: {  	s29 =	sld [smem:$0x7BD];
	s1 =	spop (v2sf);
	s3 =	sshra.s32 s0, $0x1F  }
0x3d3: {  	(v2sf) =	vpush v28, $0xE;
	s7 =	smul.u32 $0x51EB851F, s3;
	s4 =	sshra.s32 s1, $0x1F;
	s3 =	sld [smem:$0x7BA]  }
0x3d4: {  	s6 =	smul.u32 $0x51EB851F, s4;
	s4 =	sld [smem:$0x7BB]  }
0x3d5: {  	_ = 	snop  }
0x3d6: {  	s11 =	sadd.s32 s29, s11;
	s29 =	sld [smem:$0x7BF]  }
0x3d7: {  	s20 =	sadd.s32 s4, s3;
	s3 =	sld [smem:$0x7BE]  }
0x3d8: {  	s30 =	sadd.s32 s30, s2  }
0x3d9: {  	s2 =	sshra.s32 s31, $0x1F;
	s4 =	smulhi.u32 $0x51EB851F, s31;
	s31 =	sld [smem:$0x7C0]  }
0x3da: {  	s8 =	smul.u32 $0x51EB851F, s2;
	s2 =	sadd.s32 s29, s3;
	s29 =	sld [smem:$0x7C1]  }
0x3db: {  	[smem:$0x7C4] =	sst s16  }
0x3dc: {  	s17 =	sadd.s32 s31, s17;
	s31 =	sld [smem:$0x7C2]  }
0x3dd: {  	s4 =	sadd.s32 s8, s4;
	s21 =	sadd.s32 s21, s29;
	s29 =	sld [smem:$0x7C3]  }
0x3de: {  	[smem:$0x7D0] =	sst s4  }
0x3df: {  	v32 =	vsel @p1 vm6, s9, v32;
	s9 =	sshrl.u32 s25, $0x1F;
	s16 =	sshra.s32 s14, $0x1F;
	s4 =	sld [smem:$0x7C8]  }
0x3e0: {  	s14 =	smulhi.u32 $0x51EB851F, s14;
	s31 =	sadd.s32 s31, s29;
	s29 =	sld [smem:$0x7C4]  }
0x3e1: {  	v32 =	vsel @p1 vm7, s19, v32;
	s19 =	sshra.s32 s5, $0x1F;
	s3 =	smulhi.u32 $0x51EB851F, s0;
	[smem:$0x7CD] =	sst s31  }
0x3e2: {  	s8 =	sshrl.u32 s12, $0x1F;
	s0 =	spop (v2sf);
	s31 =	sld [smem:$0x7C5]  }
0x3e3: {  	[smem:$0x7CC] =	sst s2;
	s2 =	smulhi.u32 $0x51EB851F, s1;
	s3 =	sadd.s32 s7, s3  }
0x3e4: {  	s1 =	sshra.s32 s0, $0x1F;
	s0 =	smulhi.u32 $0x51EB851F, s0;
	[smem:$0x7D1] =	sst s3  }
0x3e5: {  	s1 =	smul.u32 $0x51EB851F, s1;
	s3 =	sld [smem:$0x7C7];
	s31 =	sadd.s32 s29, s31  }
0x3e6: {  	s16 =	smul.u32 $0x51EB851F, s16;
	v39 =	vmov s8;
	s8 =	sshra.s32 s23, $0x1F;
	[smem:$0x7CE] =	sst s31  }
0x3e7: {  	s7 =	sshra.s32 s30, $0x5;
	s0 =	sadd.s32 s1, s0;
	s31 =	sld [smem:$0x7C6]  }
0x3e8: {  	v39 =	vnsel vm3, $0x0, v39;
	v40 =	vmov s7;
	[smem:$0x7D2] =	sst s0;
	s29 =	sshrl.u32 s24, $0x1F;
	s24 =	sshra.s32 s24, $0x5  }
0x3e9: {  	v39 =	vsel vm0, s9, v39;
	s9 =	sshra.s32 s17, $0x1F;
	s7 =	sshra.s32 s23, $0x5;
	v40 =	vsel vm0, s24, v40;
	s24 =	sld [smem:$0x7CC]  }
0x3ea: {  	s0 =	sshrl.u32 s10, $0x1F;
	s28 =	sadd.s32 s31, s28;
	s31 =	sld [smem:$0x7C9]  }
0x3eb: {  	s1 =	sshra.s32 s25, $0x5;
	v61 =	vmov s0;
	s0 =	sshra.s32 s26, $0x5;
	[smem:$0x7CF] =	sst s28  }
0x3ec: {  	(v2sf) =	vpush v28, $0xA;
	s28 =	sadd.s32 s22, s15;
	s15 =	sadd.s32 s16, s14;
	s14 =	sadd.s32 s6, s2  }
0x3ed: {  	v33 =	vsel @p1 vm7, s13, v34;
	v22 =	vcombine.low @p1 v25, v22;
	(v2sf) =	vpush v28, $0xF;
	s2 =	sshra.s32 s10, $0x5;
	s6 =	sshrl.u32 s30, $0x1F;
	s10 =	sshra.s32 s12, $0x5  }
0x3ee: {  	vm12 =	vcmask $0x2320;
	v27 =	vcombine.low @p1 v29, v27;
	(v2sf) =	vpush v28, $0xB;
	s12 =	sshra.s32 s12, $0x1F;
	s16 =	sshrl.u32 s3, $0x1F;
	s22 =	sshra.s32 s3, $0x5  }
0x3ef: {  	v29 =	vperm.xlane @p1 v33, v3;
	v22 =	vperm.xlane @p1 v22, v2;
	(v2sf) =	vpush v28, $0x6;
	s30 =	sshrl.u32 s4, $0x1F;
	s4 =	sshra.s32 s4, $0x5;
	s13 =	sshra.s32 s31, $0x1F  }
0x3f0: {  	s3 =	sshra.s32 s25, $0x1F;
	s25 =	sshrl.u32 s26, $0x1F;
	s26 =	sld [smem:$0x7CA];
	v37 =	vmov s6;
	v38 =	vmov s2;
	v36 =	vmov s13  }
0x3f1: {  	s2 =	sshrl.u32 s5, $0x1F;
	v37 =	vsel vm0, s29, v37;
	v38 =	vsel vm0, s22, v38;
	s29 =	sshra.s32 s20, $0x1F;
	s22 =	sshra.s32 s18, $0x5;
	v36 =	vsel vm3, s10, v36  }
0x3f2: {  	v40 =	vsel vm1, s0, v40;
	s0 =	sshra.s32 s31, $0x5;
	v39 =	vsel vm1, s2, v39;
	s2 =	sshrl.u32 s15, $0x1F;
	s13 =	sshra.s32 s5, $0x5;
	v36 =	vsel vm11, s12, v36  }
0x3f3: {  	v32 =	vperm.xlane @p1 v32, v3;
	v27 =	vperm.xlane @p1 v27, v2;
	s5 =	sshrl.u32 s26, $0x1F;
	s10 =	sshrl.u32 s23, $0x1F;
	v36 =	vsel vm0, s1, v36;
	s1 =	sld [smem:$0x7CB]  }
0x3f4: {  	v34 =	vsel vm0, s16, v61;
	s6 =	sshra.s32 s26, $0x5;
	s26 =	sshra.s32 s20, $0x5;
	s20 =	sshrl.u32 s20, $0x1F;
	v39 =	vsel vm2, s10, v39;
	v36 =	vsel vm9, s3, v36  }
0x3f5: {  	v34 =	vsel vm1, s30, v34;
	v39 =	vsel vm12, s20, v39;
	s20 =	sld [smem:$0x7CF];
	v36 =	vsel vm1, s13, v36;
	s13 =	sshra.s32 s18, $0x1F;
	s18 =	sshrl.u32 s18, $0x1F  }
0x3f6: {  	v37 =	vsel vm1, s25, v37;
	v38 =	vsel vm1, s4, v38;
	s16 =	sshrl.u32 s1, $0x1F;
	s12 =	sshra.s32 s1, $0x5;
	v36 =	vsel vm13, s19, v36;
	s19 =	sshrl.u32 s31, $0x1F  }
0x3f7: {  	v34 =	vsel vm2, s5, v34;
	s31 =	sshra.s32 s17, $0x5;
	s1 =	sshrl.u32 s17, $0x1F;
	s17 =	sshra.s32 s24, $0x1F;
	v39 =	vsel vm5, s18, v39;
	v36 =	vsel vm2, s7, v36  }
0x3f8: {  	s4 =	sshrl.u32 s11, $0x1F;
	s25 =	sshra.s32 s21, $0x1F;
	s23 =	sshra.s32 s11, $0x5;
	v37 =	vsel vm2, s16, v37;
	v41 =	vmov s17;
	v40 =	vsel vm2, s12, v40  }
0x3f9: {  	s11 =	sshra.s32 s11, $0x1F;
	s5 =	sshrl.u32 s21, $0x1F;
	s12 =	sshra.s32 s28, $0x5;
	v39 =	vsel vm6, s4, v39;
	v42 =	vmov s1;
	v36 =	vsel vm4, s8, v36  }
0x3fa: {  	s16 =	sshra.s32 s14, $0x1F;
	s8 =	sshra.s32 s21, $0x5;
	v41 =	vsel vm3, s31, v41;
	v42 =	vnsel vm3, $0x0, v42;
	v45 =	vmov s12;
	s12 =	sshrl.u32 s20, $0x1F  }
0x3fb: {  	v39 =	vsel vm7, s19, v39;
	s19 =	sshrl.u32 s14, $0x1F;
	v36 =	vsel vm12, s26, v36;
	s26 =	spop (v2sf);
	v42 =	vsel vm0, s5, v42;
	s5 =	sld [smem:$0x7D0]  }
0x3fc: {  	vm10 =	vcmask $0x2F2C;
	v41 =	vsel vm11, s9, v41;
	v36 =	vsel vm15, s29, v36;
	s29 =	sld [smem:$0x7CD];
	s21 =	sshra.s32 s26, $0x1F;
	s26 =	smulhi.u32 $0x51EB851F, s26  }
0x3fd: {  	v22 =	vsel @p1 vm8, v32, v22;
	v27 =	vsel @p1 vm8, v29, v27;
	s10 =	spop (v2sf);
	v41 =	vsel vm0, s8, v41;
	s8 =	sshrl.u32 s28, $0x1F;
	s7 =	smul.u32 $0x51EB851F, s21  }
0x3fe: {  	v22 =	vadd.s32 @p1 v22, v27;
	v36 =	vsel vm5, s22, v36;
	s17 =	spop (v2sf);
	v41 =	vsel vm9, s25, v41;
	s21 =	sld [smem:$0x7CE];
	s25 =	sshra.s32 s20, $0x5  }
0x3ff: {  	v3 =	vmul.u32 $0x2, v0;
	v22 =	vmul.u32 @p1 $0x64, v22;
	s28 =	sshra.s32 s10, $0x1F;
	v36 =	vsel vm10, s13, v36;
	s13 =	sshra.s32 s15, $0x5;
	s15 =	spop (v2sf)  }
0x400: {  	v44 =	vmov s2;
	v38 =	vsel vm2, s6, v38;
	v34 =	vcombine.low v37, v34;
	s3 =	smul.u32 $0x51EB851F, s28;
	s30 =	sshra.s32 s29, $0x5;
	s31 =	sshra.s32 s29, $0x1F  }
0x401: {  	v39 =	vperm.xlane v39, v3;
	s9 =	sshrl.u32 s29, $0x1F;
	s29 =	sshra.s32 s17, $0x1F;
	v46 =	vmov s13;
	s13 =	smulhi.u32 $0x51EB851F, s15;
	v41 =	vsel vm1, s30, v41  }
0x402: {  	vm9 =	vcmask $0x3734;
	s28 =	sshra.s32 s5, $0x5;
	v36 =	vsel vm6, s23, v36;
	s22 =	sshra.s32 s21, $0x5;
	s4 =	smul.u32 $0x51EB851F, s29;
	v41 =	vsel vm13, s31, v41  }
0x403: {  	v34 =	vperm.xlane v34, v2;
	s23 =	sshra.s32 s21, $0x1F;
	v36 =	vsel vm9, s11, v36;
	s11 =	smulhi.u32 $0x51EB851F, s17;
	v41 =	vsel vm2, s22, v41;
	s22 =	sld [smem:$0x7D1]  }
0x404: {  	v43 =	vmov s8;
	s30 =	sshra.s32 s15, $0x1F;
	v36 =	vsel vm7, s0, v36;
	s0 =	sadd.s32 s7, s26;
	s26 =	smulhi.u32 $0x51EB851F, s10;
	v41 =	vsel vm4, s23, v41  }
0x405: {  	v49 =	vsel vm8, v39, v34;
	v45 =	vsel vm0, s28, v45;
	s31 =	sshra.s32 s20, $0x1F;
	s7 =	sshrl.u32 s5, $0x1F;
	s6 =	smul.u32 $0x51EB851F, s30;
	v41 =	vsel vm12, s25, v41  }
0x406: {  	v42 =	vsel vm1, s9, v42;
	v43 =	vsel vm0, s7, v43;
	s25 =	sshrl.u32 s21, $0x1F;
	s23 =	sshrl.u32 s22, $0x1F;
	v41 =	vsel vm15, s31, v41;
	s31 =	sld [smem:$0x7D2]  }
0x407: {  	s30 =	sshra.s32 s14, $0x5;
	s8 =	sshrl.u32 s0, $0x1F;
	v36 =	vperm.xlane v36, v3;
	s29 =	sshra.s32 s22, $0x5;
	v42 =	vsel vm2, s25, v42;
	v44 =	vsel vm0, s23, v44  }
0x408: {  	s0 =	sshra.s32 s0, $0x5;
	s2 =	sadd.s32 s4, s11;
	s3 =	sadd.s32 s3, s26;
	v41 =	vsel vm5, s30, v41;
	v46 =	vsel vm0, s29, v46;
	v42 =	vsel vm12, s12, v42  }
0x409: {  	s18 =	sshrl.u32 s2, $0x1F;
	s1 =	sadd.s32 s6, s13;
	v44 =	vsel vm1, s8, v44;
	v46 =	vsel vm1, s0, v46;
	v41 =	vsel vm10, s16, v41;
	s15 =	sshra.s32 s31, $0x5  }
0x40a: {  	s20 =	sshra.s32 s3, $0x5;
	s21 =	sshra.s32 s1, $0x5;
	s22 =	sshra.s32 s2, $0x5;
	v42 =	vsel vm5, s19, v42;
	v63 =	vsel vm2, s18, v44;
	v45 =	vsel vm1, s15, v45  }
0x40b: {  	s23 =	sshra.s32 s1, $0x1F;
	s1 =	sshrl.u32 s1, $0x1F;
	s7 =	sshrl.u32 s31, $0x1F;
	v41 =	vsel vm6, s21, v41;
	v44 =	vsel vm2, s20, v45;
	v45 =	vcombine.low v40, v38  }
0x40c: {  	s17 =	sshrl.u32 s3, $0x1F;
	v46 =	vsel vm2, s22, v46;
	v48 =	vsel vm6, s1, v42;
	v43 =	vsel vm1, s7, v43  }
0x40d: {  	s26 =	sshrl.u32 s24, $0x1F;
	s25 =	sshra.s32 s24, $0x5;
	v47 =	vsel vm9, s23, v41;
	v62 =	vsel vm2, s17, v43;
	v37 =	vperm.xlane v45, v2  }
0x40e: {  	v53 =	vsel vm7, s26, v48;
	v40 =	vsel vm7, s25, v47;
	v25 =	vcombine.low v63, v62  }
0x40f: {  	v56 =	vperm.xlane v53, v3;
	v52 =	vcombine.low v46, v44;
	v50 =	vsel vm8, v36, v37  }
0x410: {  	v54 =	vperm.xlane v40, v3;
	v55 =	vperm.xlane v25, v2;
	v51 =	vadd.s32 v49, v50  }
0x411: {  	v25 =	vsub.s32 @p1 v6, v22;
	v57 =	vperm.xlane v52, v2;
	v27 =	vmul.u32 $0x64, v51  }
0x412: {  	v32 =	vmul.u32 @p1 $0x70, v25  }
0x413: {  	v6 =	vsel vm8, v56, v55;
	v22 =	vsel vm8, v54, v57;
	v4 =	vsub.s32 v4, v27  }
0x414: {  	s28 =	sld [smem:$0x7ED];
	v6 =	vadd.s32 v6, v22;
	v27 =	vadd.s32 @p1 $0x3F, v32;
	v29 =	vmul.u32 $0x70, v4  }
0x415: {  	s0 =	sld [smem:$0x7EB];
	v6 =	vmul.u32 $0x64, v6  }
0x416: {  	v58 =	vadd.s32 $0x3F, v29  }
0x417: {  	v22 =	vsub.s32 v28, v6  }
0x418: {  	s1 =	smov.u32 s28;
	s7 =	simm.s32 $0x680;
	s0 =	sadd.s32 @p1 $0x20, s0;
	v28 =	vmul.u32 $0x70, v22  }
0x419: {  	s1 =	smov.u32 @p1 s0;
	v34 =	vld.idx.msk @p1 [tilespmem:v27+s7+$0x0], $0xffff  }
0x41a: {  	v59 =	vadd.s32 $0x3F, v28;
	v27 =	vld [tilespmem:s1+$0x0]  }
0x41b: {  	v33 =	vld.idx.msk [tilespmem:v58+s7+$0x0], $0xffff;
	_ =	sdelay $0x2  }
0x41c: {  	v6 =	vld [tilespmem:s1+$0xFFFFFFF0]  }
0x41d: {  	v60 =	vld.idx.msk [tilespmem:v59+s7+$0x0], $0xffff;
	vm9 =	vlt.f32 @p1 v34, v15  }
0x41e: {  	v36 =	vsel @p1 vm9, $0x40, v1;
	vm9 =	vlt.f32 v33, v27  }
0x41f: {  	v37 =	vor.u32 @p1 $0x20, v36;
	v33 =	vadd.s32 @p1 $0xFFFFFFFF, v32;
	v61 =	vsel vm9, $0x40, v1  }
0x420: {  	v41 =	vadd.s32 $0xFFFFFFFF, v29;
	v39 =	vadd.s32 @p1 v37, v33;
	v62 =	vor.u32 $0x20, v61  }
0x421: {  	v63 =	vadd.s32 v62, v41  }
0x422: {  	vm9 =	vlt.f32 v60, v6  }
0x423: {  	v34 =	vsel vm9, $0x40, v1  }
0x424: {  	v43 =	vadd.s32 $0xFFFFFFFF, v28;
	v48 =	vor.u32 $0x20, v34  }
0x425: {  	v49 =	vadd.s32 v48, v43;
	v39 =	vld.idx.msk @p1 [tilespmem:v39+s7+$0x0], $0xffff  }
0x426: {  	vm9 =	vlt.f32 @p1 v31, v10;
	v50 =	vld.idx.msk [tilespmem:v63+s7+$0x0], $0xffff  }
0x427: {  	v24 =	vsel @p1 vm9, v26, v24  }
0x428: {  	v26 =	vor.u32 @p1 $0x10, v24  }
0x429: {  	v42 =	vadd.s32 @p1 v26, v14  }
0x42a: {  	v51 =	vld.idx.msk [tilespmem:v49+s7+$0x0], $0xffff;
	vm9 =	vlt.f32 @p1 v39, v15  }
0x42b: {  	v36 =	vsel @p1 vm9, v37, v36;
	vm9 =	vlt.f32 v50, v27  }
0x42c: {  	v31 =	vmov @p1 v33;
	v33 =	vor.u32 @p1 $0x10, v36;
	v52 =	vsel vm9, v62, v61  }
0x42d: {  	v38 =	vadd.s32 @p1 v33, v31;
	v40 =	vor.u32 $0x10, v52  }
0x42e: {  	v42 =	vld.idx.msk @p1 [tilespmem:v42+s7+$0x0], $0xffff;
	v53 =	vadd.s32 v40, v41  }
0x42f: {  	vm9 =	vlt.f32 v51, v6  }
0x430: {  	v34 =	vsel vm9, v48, v34  }
0x431: {  	v54 =	vor.u32 $0x10, v34  }
0x432: {  	v55 =	vadd.s32 v54, v43;
	v38 =	vld.idx.msk @p1 [tilespmem:v38+s7+$0x0], $0xffff  }
0x433: {  	vm9 =	vlt.f32 @p1 v42, v10;
	v56 =	vld.idx.msk [tilespmem:v53+s7+$0x0], $0xffff  }
0x434: {  	v24 =	vsel @p1 vm9, v26, v24  }
0x435: {  	v26 =	vor.u32 @p1 $0x8, v24  }
0x436: {  	v45 =	vor.u32 @p2 $0x8, v30;
	v46 =	vadd.s32 @p1 v26, v14  }
0x437: {  	v47 =	vadd.s32 @p2 v45, v17;
	v44 =	vld.idx.msk [tilespmem:v55+s7+$0x0], $0xffff  }
0x438: {  	vm9 =	vlt.f32 @p1 v38, v15;
	vm10 =	vlt.f32 v56, v27  }
0x439: {  	v33 =	vsel @p1 vm9, v33, v36;
	v57 =	vsel vm10, v40, v52  }
0x43a: {  	v13 =	vpsel p1, v33, v13;
	v58 =	vor.u32 $0x8, v57  }
0x43b: {  	v11 =	vpsel p1, v31, v11;
	v37 =	vld.idx.msk @p1 [tilespmem:v46+s7+$0x0], $0xffff;
	v31 =	vor.u32 @p1 $0x8, v13;
	v59 =	vadd.s32 v58, v41  }
0x43c: {  	v40 =	vld.idx.msk @p2 [tilespmem:v47+s7+$0x0], $0xffff;
	vm9 =	vlt.f32 v44, v6;
	v42 =	vadd.s32 @p1 v31, v11  }
0x43d: {  	v34 =	vsel vm9, v54, v34  }
0x43e: {  	v39 =	vor.u32 $0x8, v34  }
0x43f: {  	v60 =	vadd.s32 v39, v43  }
0x440: {  	vm9 =	vlt.f32 @p1 v37, v10;
	v61 =	vld.idx.msk [tilespmem:v59+s7+$0x0], $0xffff  }
0x441: {  	v24 =	vsel @p1 vm9, v26, v24;
	vm9 =	vlt.f32 @p2 v40, v35;
	v26 =	vld.idx.msk @p1 [tilespmem:v42+s7+$0x0], $0xffff  }
0x442: {  	v38 =	vadd.s32 @p1 $0x4, v24;
	v30 =	vsel @p2 vm9, v45, v30  }
0x443: {  	v42 =	vadd.s32 @p1 v38, v14;
	v40 =	vadd.s32 @p2 $0x4, v30  }
0x444: {  	v7 =	vpsel p1, v15, v7;
	v15 =	vadd.s32 @p2 v40, v17;
	v44 =	vld.idx.msk [tilespmem:v60+s7+$0x0], $0xffff  }
0x445: {  	vm9 =	vlt.f32 v61, v27  }
0x446: {  	vm10 =	vlt.f32 @p1 v26, v7;
	v62 =	vsel vm9, v58, v57  }
0x447: {  	v13 =	vsel @p1 vm10, v31, v13;
	v63 =	vadd.s32 $0x4, v62  }
0x448: {  	v33 =	vld.idx.msk @p1 [tilespmem:v42+s7+$0x0], $0xffff;
	v36 =	vadd.s32 @p1 $0x4, v13;
	v48 =	vadd.s32 v63, v41  }
0x449: {  	v15 =	vld.idx.msk @p2 [tilespmem:v15+s7+$0x0], $0xffff;
	vm9 =	vlt.f32 v44, v6;
	v42 =	vadd.s32 @p1 v36, v11  }
0x44a: {  	v34 =	vsel vm9, v39, v34  }
0x44b: {  	v39 =	vadd.s32 $0x4, v34  }
0x44c: {  	v49 =	vadd.s32 v39, v43  }
0x44d: {  	vm9 =	vlt.f32 @p1 v33, v10;
	v50 =	vld.idx.msk [tilespmem:v48+s7+$0x0], $0xffff  }
0x44e: {  	v24 =	vsel @p1 vm9, v38, v24;
	vm9 =	vlt.f32 @p2 v15, v35;
	v15 =	vld.idx.msk @p1 [tilespmem:v42+s7+$0x0], $0xffff;
	_ =	sdelay $0x1  }
0x44f: {  	v37 =	vadd.s32 @p1 $0x2, v24;
	v30 =	vsel @p2 vm9, v40, v30  }
0x450: {  	v14 =	vadd.s32 @p1 v37, v14;
	v38 =	vadd.s32 @p2 $0x2, v30;
	v51 =	vld.idx.msk [tilespmem:v49+s7+$0x0], $0xffff  }
0x451: {  	v17 =	vadd.s32 @p2 v38, v17;
	vm9 =	vlt.f32 v50, v27  }
0x452: {  	v26 =	vsel vm9, v63, v62;
	vm9 =	vlt.f32 @p1 v15, v7  }
0x453: {  	v13 =	vsel @p1 vm9, v36, v13;
	v52 =	vadd.s32 $0x2, v26  }
0x454: {  	v31 =	vadd.s32 @p1 $0x2, v13;
	v53 =	vadd.s32 v52, v41  }
0x455: {  	v14 =	vld.idx.msk @p1 [tilespmem:v14+s7+$0x0], $0xffff;
	vm9 =	vlt.f32 v51, v6;
	v11 =	vadd.s32 @p1 v31, v11  }
0x456: {  	v17 =	vld.idx.msk @p2 [tilespmem:v17+s7+$0x0], $0xffff;
	v34 =	vsel vm9, v39, v34  }
0x457: {  	v54 =	vadd.s32 $0x2, v34  }
0x458: {  	v55 =	vadd.s32 v54, v43  }
0x459: {  	v56 =	vld.idx.msk [tilespmem:v53+s7+$0x0], $0xffff  }
0x45a: {  	vm9 =	vlt.f32 @p1 v14, v10;
	v11 =	vld.idx.msk @p1 [tilespmem:v11+s7+$0x0], $0xffff  }
0x45b: {  	vm10 =	vlt.f32 @p2 v17, v35;
	v17 =	vsel @p1 vm9, v37, v24  }
0x45c: {  	v24 =	vsel @p2 vm10, v38, v30;
	v5 =	vadd.s32 @p1 v5, v17  }
0x45d: {  	v16 =	vadd.s32 @p2 v16, v24;
	v57 =	vld.idx.msk [tilespmem:v55+s7+$0x0], $0xffff  }
0x45e: {  	vm9 =	vlt.f32 v56, v27  }
0x45f: {  	v14 =	vmov @p1 v32;
	vm10 =	vlt.f32 @p1 v11, v7;
	v58 =	vsel vm9, v52, v26  }
0x460: {  	v9 =	vpsel p1, v14, v9;
	v59 =	vadd.s32 v29, v58;
	v13 =	vsel @p1 vm10, v31, v13  }
0x461: {  	v5 =	vld.idx.msk @p1 [tilespmem:v5+s7+$0x0], $0xffff;
	v9 =	vadd.s32 @p1 v9, v13  }
0x462: {  	v15 =	vld.idx.msk @p2 [tilespmem:v16+s7+$0x0], $0xffff;
	vm10 =	vlt.f32 v57, v6  }
0x463: {  	v60 =	vsel vm10, v54, v34  }
0x464: {  	vm9 =	vlt.f32 @p3 v23, v19;
	v61 =	vadd.s32 v28, v60  }
0x465: {  	v8 =	vmul.u32 @p1 $0x65, v8;
	v4 =	vmul.u32 $0x65, v4;
	v16 =	vsel @p3 vm9, $0x1, v1;
	v14 =	vld.idx.msk [tilespmem:v59+s7+$0x0], $0xffff  }
0x466: {  	v63 =	vmul.u32 $0x65, v22;
	v7 =	vpsel p1, v7, v0;
	v16 =	vadd.s32 @p3 v16, v20;
	v9 =	vld.idx.msk @p1 [tilespmem:v9+s7+$0x0], $0xffff  }
0x467: {  	s2 =	sld [smem:$0x7EA];
	vm9 =	vlt.f32 @p1 v5, v10;
	v10 =	vpsel p2, v35, v0;
	v5 =	vpsel p2, v15, v0  }
0x468: {  	s29 =	sld [smem:$0x7EC];
	v16 =	vadd.s32 @p3 v21, v16;
	v15 =	vmovc @p2 v18;
	v18 =	vsel @p1 vm9, $0x1, v1;
	vm9 =	vlt.f32 @p2 v5, v10  }
0x469: {  	v5 =	vmul.u32 @p1 $0x65, v25;
	v10 =	vpsel p2, v15, v0;
	v8 =	vadd.s32 @p1 v18, v8;
	v62 =	vld.idx.msk [tilespmem:v61+s7+$0x0], $0xffff  }
0x46a: {  	v18 =	vpsel p2, v24, v0;
	v15 =	vsel @p2 vm9, $0x1, v1;
	v8 =	vadd.s32 @p1 v17, v8  }
0x46b: {  	s0 =	sadd.s32 @p2 $0x80, s2;
	s1 =	smov.u32 s29;
	v10 =	vadd.s32 @p2 v15, v10;
	vm9 =	vlt.f32 v14, v27;
	v9 =	vpsel p1, v9, v0  }
0x46c: {  	s1 =	smov.u32 @p2 s0;
	v5 =	vpsel p1, v5, v12;
	v14 =	vsel vm9, $0x1, v1;
	vm9 =	vlt.f32 @p1 v9, v7  }
0x46d: {  	s3 =	rddreg [dreg:$0x6];
	[tilespmem:s1+$0x0] =	vst @p1 v8;
	v8 =	vpsel p1, v13, v0;
	v5 =	vpsel p1, v5, v0;
	v7 =	vsel @p1 vm9, $0x1, v1  }
0x46e: {  	s0 =	smov.u32 @p2 s2;
	s2 =	smov.u32 @p1 s1;
	[tilespmem:s3+$0xFFFFFFF0] =	vst @p3 v16;
	v10 =	vadd.s32 @p2 v18, v10;
	vm9 =	vlt.f32 v62, v6;
	v5 =	vadd.s32 @p1 v7, v5  }
0x46f: {  	s2 =	smov.u32 @p1 s2;
	[tilespmem:s0+$0xFFFFFFF0] =	vst @p2 v10;
	s0 =	sadd.s32 @p1 $0x80, s1;
	s1 =	smov.u32 s29;
	v4 =	vadd.s32 v14, v4;
	v6 =	vsel vm9, $0x1, v1;
	v5 =	vadd.s32 @p1 v8, v5  }
0x470: {  	s1 =	smov.u32 @p1 s0;
	v4 =	vadd.s32 v58, v4;
	[tilespmem:s2+$0xFFFFFFF0] =	vst @p1 v5;
	v5 =	vadd.s32 v6, v63  }
0x471: {  	[tilespmem:s1+$0x0] =	vst v4;
	v4 =	vadd.s32 v60, v5  }
0x472: {  	[tilespmem:s1+$0xFFFFFFF0] =	vst v4  }
0x473: {  	s30 =	sld [smem:$0x7EE];
	_ =	sdelay $0x2  }
0x474: {  	s9 =	sadd.s32 $0x1, s30  }
0x475: {  	p1 =	seq.s32 s9, $0xA  }
.Ltmp10:
0x476: {  	_ = 	snop;
	(pc) =	sbr.rel @!p1 .LBB2_5-.Ltmp10, $4  }
.Ltmp11:
0x477: {  	s31 =	sld [smem:$0x7EF];
	(pc) =	sbr.rel @p1 .LBB2_16-.Ltmp11, $4  }
0x478: {  	_ = 	snop  }
0x479: {  	_ = 	snop  }
0x47a: {  	vm11 =	vcmask $0x704;
	s6 =	sadd.s32 $0xA0, s28;
	vm12 =	vmmov vm8;
	s5 =	sadd.s32 $0x280, s29;
	vm9 =	vcmask $0xF0C;
	s8 =	sadd.s32 $0xA0, s31  }
0x47b: {  	_ = 	snop  }
.LBB2_6:
.Ltmp12:
0x47c: {  	(pc) =	sbr.rel .LBB2_15-.Ltmp12, $3  }
0x47d: {  	_ =	sdelay $0x1  }
0x47e: {  	[smem:$0x7EA] =	sst s5  }
0x47f: {  	v28 =	vmov v6;
	[smem:$0x7EB] =	sst s6;
	vm8 =	vmmov vm12  }
.LBB2_8:
0x480: {  	v33 =	vld [tilespmem:$0x1FFF0]  }
.Ltmp13:
0x481: {  	_ = 	snop;
	(pc) =	sbr.rel .LBB2_15-.Ltmp13, $4  }
0x482: {  	s31 =	sld [smem:$0x7EC]  }
0x483: {  	vm11 =	vcmask $0x704;
	vm9 =	vcmask $0xF0C  }
0x484: {  	[smem:$0x7EB] =	sst s4;
	vm3 =	vmmov vm4;
	vm4 =	vcmask $0x1F1C;
	vm13 =	vcmask $0x1714  }
0x485: {  	v28 =	vmovc v16;
	vm6 =	vmmov vm8;
	vm15 =	vcmask $0x2724;
	v15 =	vmovc v7;
	[smem:$0x7EA] =	sst s31;
	vm8 =	vnez.u8 v33  }
.LBB2_10:
0x486: {  	v63 =	vld [tilespmem:$0x1FFF0]  }
.Ltmp14:
0x487: {  	_ = 	snop;
	(pc) =	sbr.rel .LBB2_15-.Ltmp14, $4  }
0x488: {  	v28 =	vmov v6;
	v10 =	vmov v18  }
0x489: {  	v30 =	vmovc v13;
	v17 =	vmovc v11;
	v35 =	vmov v7;
	vm11 =	vcmask $0x704;
	vm9 =	vcmask $0xF0C  }
0x48a: {  	v18 =	vmovc v12;
	v6 =	vmovc v16;
	vm3 =	vmmov vm4;
	vm4 =	vcmask $0x1F1C;
	vm13 =	vcmask $0x1714  }
0x48b: {  	[smem:$0x7EA] =	sst s4;
	v16 =	vmovc v9;
	v8 =	vmovc v33;
	vm6 =	vmmov vm8;
	vm15 =	vcmask $0x2724;
	vm8 =	vnez.u8 v63  }
.LBB2_12:
0x48c: {  	v63 =	vld [tilespmem:$0x1FFF0]  }
.Ltmp15:
0x48d: {  	_ = 	snop;
	(pc) =	sbr.rel .LBB2_15-.Ltmp15, $4  }
0x48e: {  	s0 =	sld [smem:$0x7EC]  }
0x48f: {  	[smem:$0x7EA] =	sst s21;
	vm11 =	vcmask $0x704;
	vm9 =	vcmask $0xF0C  }
0x490: {  	[smem:$0x7EB] =	sst s26;
	v35 =	vmovc v15;
	v19 =	vmovc v7;
	vm3 =	vmmov vm4;
	vm4 =	vcmask $0x1F1C;
	vm13 =	vcmask $0x1714  }
0x491: {  	v20 =	vmovc v12;
	vm6 =	vmmov vm8;
	vm15 =	vcmask $0x2724;
	v15 =	vmovc v33;
	[dreg:$0x6] =	wrdreg s0;
	vm8 =	vnez.u8 v63  }
.LBB2_16:
0x492: {  	s2 =	rddreg [dreg:$0x2]  }
0x493: {  	s3 =	simm.s32 $0x20;
	s0 =	simm.s32 $0x6A80;
	s1 =	simm.s32 $0x4E80  }
0x494: {  	[tilespmem:s0], [sflag:$0x1] =	stream.indirect.gather [spmem:s2], $0x80, s1, s3, $0xb8;
	[tilespmem:$0x1F620] =	vst v63  }
0x495: {  	s22 =	simm.s32 $0x7A80;
	s23 =	simm.s32 $0x4F00;
	s26 =	sld [smem:$0x7F0]  }
0x496: {  	[tilespmem:s22], [sflag:$0x2] =	stream.indirect.gather [spmem:s2], $0x80, s23, s3, $0xb8;
	[tilespmem:$0x1F620] =	vst v63  }
0x497: {  	s24 =	simm.s32 $0x8A80;
	s25 =	simm.s32 $0x4F80;
	s28 =	simm.s32 $0x9A80  }
0x498: {  	[tilespmem:s24], [sflag:$0x3] =	stream.indirect.gather [spmem:s2], $0x80, s25, s3, $0xb8;
	[tilespmem:$0x1F620] =	vst v63  }
0x499: {  	s4 =	simm.s32 $0x5000;
	s31 =	sld [smem:$0x7FA];
	s0 =	sshllo.u32 s26, $0x1  }
0x49a: {  	[tilespmem:s28], [sflag:$0x4] =	stream.indirect.gather [spmem:s2], $0x80, s4, s3, $0xb8;
	[tilespmem:$0x1F620] =	vst v63  }
0x49b: {  	s30 =	simm.s32 $0xAA80;
	s5 =	simm.s32 $0x5080;
	s29 =	smul.u32 $0x640, s0  }
0x49c: {  	[tilespmem:s30], [sflag:$0x5] =	stream.indirect.gather [spmem:s2], $0x80, s5, s3, $0xb8;
	[tilespmem:$0x1F620] =	vst v63  }
0x49d: {  	p1 =	sgt.u32 s0, $0x1E;
	s5 =	sadd.s32 s31, s29  }
0x49e: {  	s1 =	rddreg [dreg:$0x0];
	s0 =	sshrl.u32 @!p1 s5, $0x3  }
0x49f: {  	s0 =	sadd.s32 @!p1 s1, s0  }
0x4a0: {  	s1 =	simm.s32 @!p1 $0x0;
	s0 =	sadd.s32 @!p1 $0xC8, s0  }
0x4a1: {  	[tilespmem:s1], [sflag:$0xB] =	stream.linear.gather @!p1 [hbm4b:s0+s1], $0x640, $0x38;
	[tilespmem:$0x1F620] =	vst v63  }
0x4a2: {  	s0 =	simm.s32 @!p1 $0xB  }
0x4a3: {  	s11 =	simm.s32 $0x0;
	_ =	swait.ge @!p1 [sflag:s0], $0x640  }
.Ltmp16:
0x4a4: {  	s6 =	sor.u32 $0x20, s5;
	[smem:$0x7B0] =	sst s5;
	(pc) =	sbr.rel .LBB2_17-.Ltmp16, $4  }
0x4a5: {  	s14 =	simm.s32 $0x3290;
	s8 =	sadd.s32 $0x40, s5;
	[smem:$0x7B1] =	sst s6  }
0x4a6: {  	s16 =	simm.s32 $0x10;
	s9 =	sadd.s32 $0x60, s5;
	[smem:$0x7B2] =	sst s8  }
0x4a7: {  	s10 =	sadd.s32 $0x80, s5;
	[sflag:s0] =	ssyncset.done @!p1 $0x0;
	[smem:$0x7B3] =	sst s9  }
0x4a8: {  	s12 =	simm.s32 $0x0;
	[smem:$0x7B4] =	sst s10;
	[sflag:s0] =	ssyncadd.s32 @!p1 $0xFFFFF9C0  }
.LBB2_19:
0x4a9: {  	[smem:$0x7AA] =	sst s14  }
0x4aa: {  	v28 =	vmov v6;
	[smem:$0x7AB] =	sst s16  }
.LBB2_28:
0x4ab: {  	s11 =	spop (v2sf)  }
0x4ac: {  	s2 =	spop (v2sf)  }
0x4ad: {  	s9 =	smulhi.u32 $0x51EB851F, s2;
	s4 =	spop (v2sf)  }
0x4ae: {  	s2 =	sshra.s32 s2, $0x1F;
	s16 =	smulhi.u32 $0x51EB851F, s4  }
0x4af: {  	s6 =	spop (v2sf);
	s23 =	smul.u32 $0x51EB851F, s2  }
0x4b0: {  	s28 =	smulhi.u32 $0x51EB851F, s6;
	s7 =	spop (v2sf)  }
0x4b1: {  	s25 =	sshra.s32 s6, $0x1F;
	s24 =	smulhi.u32 $0x51EB851F, s7  }
0x4b2: {  	s1 =	smul.u32 $0x51EB851F, s25  }
0x4b3: {  	s14 =	spop (v2sf);
	s26 =	sshra.s32 s7, $0x1F;
	s7 =	smulhi.u32 $0x51EB851F, s11  }
0x4b4: {  	s20 =	smulhi.u32 $0x51EB851F, s14;
	s18 =	spop (v2sf)  }
0x4b5: {  	s29 =	sshra.s32 s14, $0x1F;
	s17 =	smulhi.u32 $0x51EB851F, s18  }
0x4b6: {  	s19 =	spop (v2sf);
	s31 =	smul.u32 $0x51EB851F, s29  }
0x4b7: {  	s30 =	sshra.s32 s18, $0x1F;
	s0 =	smulhi.u32 $0x51EB851F, s19  }
0x4b8: {  	s21 =	spop (v2sf);
	s25 =	smul.u32 $0x51EB851F, s30  }
0x4b9: {  	(v2sf) =	vpush v4, $0x0;
	s5 =	smulhi.u32 $0x51EB851F, s21;
	s22 =	spop (v2sf)  }
0x4ba: {  	s10 =	sshra.s32 s4, $0x1F;
	s8 =	smulhi.u32 $0x51EB851F, s22  }
0x4bb: {  	s2 =	sshra.s32 s21, $0x1F;
	[smem:$0x772] =	sst s0;
	s0 =	smul.u32 $0x51EB851F, s10  }
0x4bc: {  	(v2sf) =	vpush v4, $0x7;
	[smem:$0x77A] =	sst s1;
	s4 =	smul.u32 $0x51EB851F, s2  }
0x4bd: {  	s1 =	sshra.s32 s19, $0x1F;
	[smem:$0x773] =	sst s8;
	s8 =	smul.u32 $0x51EB851F, s26  }
0x4be: {  	s3 =	sshra.s32 s22, $0x1F;
	[smem:$0x775] =	sst s5;
	s26 =	smul.u32 $0x51EB851F, s1  }
0x4bf: {  	(v2sf) =	vpush v28, $0x0;
	s9 =	sadd.s32 s23, s9;
	s5 =	spop (v2sf);
	s1 =	smul.u32 $0x51EB851F, s3  }
0x4c0: {  	[smem:$0x786] =	sst s9;
	s29 =	smulhi.u32 $0x51EB851F, s5;
	s6 =	sshra.s32 s5, $0x1F  }
0x4c1: {  	s10 =	spop (v2sf);
	s30 =	smul.u32 $0x51EB851F, s6  }
0x4c2: {  	[smem:$0x774] =	sst s31;
	(v2sf) =	vpush v28, $0x1;
	s18 =	smulhi.u32 $0x51EB851F, s10;
	s14 =	sshra.s32 s10, $0x1F  }
0x4c3: {  	s21 =	spop (v2sf);
	s19 =	smul.u32 $0x51EB851F, s14  }
0x4c4: {  	(v2sf) =	vpush v28, $0x2;
	s22 =	smulhi.u32 $0x51EB851F, s21;
	s31 =	spop (v2sf)  }
0x4c5: {  	[smem:$0x778] =	sst s18;
	s14 =	smulhi.u32 $0x51EB851F, s31  }
0x4c6: {  	s2 =	spop (v2sf);
	[smem:$0x779] =	sst s19  }
0x4c7: {  	(v2sf) =	vpush v28, $0x3;
	s19 =	sshra.s32 s21, $0x1F;
	s21 =	sshra.s32 s31, $0x1F;
	s5 =	smulhi.u32 $0x51EB851F, s2  }
0x4c8: {  	s3 =	spop (v2sf);
	s18 =	smul.u32 $0x51EB851F, s21  }
0x4c9: {  	[smem:$0x776] =	sst s4;
	s21 =	sshra.s32 s2, $0x1F;
	s10 =	smulhi.u32 $0x51EB851F, s3  }
0x4ca: {  	(v2sf) =	vpush v28, $0x4;
	[smem:$0x777] =	sst s22;
	s22 =	sshra.s32 s3, $0x1F;
	s2 =	smul.u32 $0x51EB851F, s21  }
0x4cb: {  	s11 =	sshra.s32 s11, $0x1F;
	(v2sf) =	vpush v28, $0xC;
	s4 =	spop (v2sf);
	s6 =	smul.u32 $0x51EB851F, s22  }
0x4cc: {  	[smem:$0x77B] =	sst s7;
	s0 =	sadd.s32 s0, s16;
	(v2sf) =	vpush v28, $0x8;
	s3 =	smulhi.u32 $0x51EB851F, s4  }
0x4cd: {  	[smem:$0x787] =	sst s0;
	s21 =	sshra.s32 s4, $0x1F;
	s22 =	smul.u32 $0x51EB851F, s11  }
0x4ce: {  	s16 =	sadd.s32 s8, s24;
	(v2sf) =	vpush v28, $0xD;
	s4 =	smul.u32 $0x51EB851F, s21;
	s21 =	spop (v2sf)  }
0x4cf: {  	[smem:$0x784] =	sst s16;
	s19 =	smul.u32 $0x51EB851F, s19;
	s31 =	sshra.s32 s21, $0x1F  }
0x4d0: {  	[smem:$0x77C] =	sst s22;
	s11 =	smul.u32 $0x51EB851F, s31;
	s31 =	sadd.s32 s25, s17  }
0x4d1: {  	s3 =	sadd.s32 s4, s3;
	s4 =	sld [smem:$0x774];
	s22 =	spop (v2sf)  }
0x4d2: {  	(v2sf) =	vpush v28, $0x9;
	[smem:$0x783] =	sst s31;
	s23 =	smulhi.u32 $0x51EB851F, s22  }
0x4d3: {  	(v2sf) =	vpush v28, $0x5;
	[smem:$0x77D] =	sst s11;
	s0 =	spop (v2sf)  }
0x4d4: {  	s11 =	sshra.s32 s0, $0x1F;
	s0 =	smulhi.u32 $0x51EB851F, s0;
	[smem:$0x77E] =	sst s23  }
0x4d5: {  	s29 =	sadd.s32 s30, s29;
	s17 =	smul.u32 $0x51EB851F, s11;
	s23 =	sld [smem:$0x772]  }
0x4d6: {  	s9 =	sshra.s32 s22, $0x1F;
	s22 =	spop (v2sf);
	[smem:$0x781] =	sst s0  }
0x4d7: {  	s24 =	sshra.s32 s22, $0x1F;
	s30 =	smulhi.u32 $0x51EB851F, s22;
	[smem:$0x780] =	sst s17  }
0x4d8: {  	s7 =	sadd.s32 s18, s14;
	s31 =	smul.u32 $0x51EB851F, s24;
	s17 =	sld [smem:$0x775]  }
0x4d9: {  	s0 =	spop (v2sf);
	s25 =	sadd.s32 s26, s23;
	s26 =	sld [smem:$0x773]  }
0x4da: {  	s8 =	sadd.s32 s2, s5;
	s5 =	spop (v2sf);
	[smem:$0x782] =	sst s31  }
0x4db: {  	s16 =	sadd.s32 s4, s20;
	s23 =	smulhi.u32 $0x51EB851F, s0;
	s11 =	spop (v2sf)  }
0x4dc: {  	s22 =	sshra.s32 s5, $0x1F;
	s14 =	smulhi.u32 $0x51EB851F, s5;
	s31 =	sshra.s32 s11, $0x1F  }
0x4dd: {  	s26 =	sadd.s32 s1, s26;
	s1 =	sshra.s32 s0, $0x1F;
	s0 =	spop (v2sf)  }
0x4de: {  	s20 =	smul.u32 $0x51EB851F, s31;
	s31 =	sld [smem:$0x776];
	s5 =	sshra.s32 s0, $0x1F  }
0x4df: {  	s6 =	sadd.s32 s6, s10;
	s10 =	smul.u32 $0x51EB851F, s5;
	s5 =	sld [smem:$0x777]  }
0x4e0: {  	[smem:$0x785] =	sst s3;
	s24 =	smul.u32 $0x51EB851F, s1  }
0x4e1: {  	s1 =	spop (v2sf);
	s17 =	sadd.s32 s31, s17;
	s31 =	sld [smem:$0x779]  }
0x4e2: {  	s2 =	spop (v2sf);
	s5 =	sadd.s32 s19, s5;
	s19 =	sld [smem:$0x778]  }
0x4e3: {  	s3 =	sld [smem:$0x77B];
	s9 =	smul.u32 $0x51EB851F, s9;
	s18 =	sshra.s32 s2, $0x1F  }
0x4e4: {  	s4 =	smul.u32 $0x51EB851F, s18;
	s18 =	sld [smem:$0x77A]  }
0x4e5: {  	s19 =	sadd.s32 s31, s19;
	s31 =	sld [smem:$0x77C]  }
0x4e6: {  	[smem:$0x77F] =	sst s9  }
0x4e7: {  	s18 =	sadd.s32 s18, s28;
	s28 =	sld [smem:$0x77D]  }
0x4e8: {  	s21 =	smulhi.u32 $0x51EB851F, s21;
	s3 =	sadd.s32 s31, s3;
	s31 =	sld [smem:$0x77F]  }
0x4e9: {  	s22 =	smul.u32 $0x51EB851F, s22;
	[smem:$0x788] =	sst s3  }
0x4ea: {  	v32 =	vsel @p2 vm6, s12, v32;
	s3 =	smulhi.u32 $0x51EB851F, s0;
	s0 =	sld [smem:$0x77E]  }
0x4eb: {  	v32 =	vsel @p2 vm7, s15, v32;
	s15 =	sld [smem:$0x786];
	s9 =	sshra.s32 s1, $0x1F;
	s23 =	sadd.s32 s24, s23  }
0x4ec: {  	s24 =	sadd.s32 s22, s14;
	s14 =	sld [smem:$0x784];
	s21 =	sadd.s32 s28, s21  }
0x4ed: {  	s28 =	sadd.s32 s31, s0;
	s0 =	smulhi.u32 $0x51EB851F, s1;
	s1 =	sld [smem:$0x780]  }
0x4ee: {  	s11 =	smulhi.u32 $0x51EB851F, s11;
	s31 =	sld [smem:$0x781]  }
0x4ef: {  	s9 =	smul.u32 $0x51EB851F, s9;
	[smem:$0x78E] =	sst s23  }
0x4f0: {  	v33 =	vsel @p2 vm7, s13, v34;
	s13 =	sshra.s32 s15, $0x5;
	s2 =	smulhi.u32 $0x51EB851F, s2;
	[smem:$0x78B] =	sst s24  }
0x4f1: {  	s0 =	sadd.s32 s9, s0;
	s1 =	sadd.s32 s1, s31;
	s31 =	sld [smem:$0x782]  }
0x4f2: {  	s22 =	sshra.s32 s6, $0x5;
	s24 =	sshrl.u32 s8, $0x1F;
	[smem:$0x790] =	sst s0  }
0x4f3: {  	s23 =	sshrl.u32 s14, $0x1F;
	s9 =	sshrl.u32 s29, $0x1F;
	s0 =	sld [smem:$0x785]  }
0x4f4: {  	v37 =	vmov s9;
	s9 =	sshra.s32 s5, $0x1F;
	[smem:$0x789] =	sst s1;
	s1 =	sadd.s32 s31, s30  }
0x4f5: {  	s31 =	sadd.s32 s10, s3;
	s3 =	sadd.s32 s4, s2;
	s4 =	sld [smem:$0x783]  }
0x4f6: {  	s30 =	sadd.s32 s20, s11;
	s2 =	sshrl.u32 s26, $0x1F;
	[smem:$0x78D] =	sst s1  }
0x4f7: {  	s10 =	sshra.s32 s26, $0x5;
	s11 =	sshra.s32 s29, $0x5;
	[smem:$0x78C] =	sst s30  }
0x4f8: {  	(v2sf) =	vpush v28, $0xE;
	s20 =	sshrl.u32 s6, $0x1F;
	s6 =	sshra.s32 s6, $0x1F;
	[smem:$0x78F] =	sst s31  }
0x4f9: {  	(v2sf) =	vpush v28, $0xA;
	s12 =	sshra.s32 s0, $0x1F;
	[smem:$0x791] =	sst s3;
	s31 =	sshrl.u32 s25, $0x1F  }
0x4fa: {  	vm12 =	vcmask $0x2320;
	s25 =	sshra.s32 s25, $0x5;
	s30 =	sshra.s32 s14, $0x5;
	s1 =	sshra.s32 s8, $0x5  }
0x4fb: {  	vm8 =	vcmask $0x2F2C;
	v22 =	vcombine.low @p2 v25, v22;
	(v2sf) =	vpush v28, $0xF;
	s14 =	sshrl.u32 s16, $0x1F;
	s16 =	sshra.s32 s16, $0x5;
	s3 =	sshra.s32 s7, $0x5  }
0x4fc: {  	v27 =	vcombine.low @p2 v29, v27;
	v60 =	vmov s12;
	s12 =	sshrl.u32 s15, $0x1F;
	v36 =	vmov s2;
	s2 =	sshra.s32 s5, $0x5;
	s5 =	sshrl.u32 s5, $0x1F  }
0x4fd: {  	v33 =	vperm.xlane @p2 v33, v3;
	(v2sf) =	vpush v28, $0xB;
	v38 =	vmov s10;
	s15 =	sshra.s32 s19, $0x5;
	s10 =	sshra.s32 s19, $0x1F;
	s19 =	sshrl.u32 s19, $0x1F  }
0x4fe: {  	(v2sf) =	vpush v28, $0x6;
	v39 =	vmov s20;
	v40 =	vmov s11;
	s20 =	sshra.s32 s17, $0x5;
	s11 =	sshra.s32 s21, $0x1F;
	[smem:$0x78A] =	sst s5  }
0x4ff: {  	v22 =	vperm.xlane @p2 v22, v2;
	v34 =	vsel vm3, s22, v60;
	s22 =	sld [smem:$0x787];
	v40 =	vsel vm0, s25, v40;
	s25 =	sshra.s32 s18, $0x1F;
	s26 =	sshrl.u32 s4, $0x1F  }
0x500: {  	v32 =	vperm.xlane @p2 v32, v3;
	v27 =	vperm.xlane @p2 v27, v2;
	v39 =	vnsel vm3, $0x0, v39;
	s29 =	sshra.s32 s4, $0x5;
	s4 =	sshra.s32 s8, $0x1F;
	s8 =	sshra.s32 s7, $0x1F  }
0x501: {  	s7 =	sshrl.u32 s7, $0x1F;
	v34 =	vsel vm11, s6, v34;
	v39 =	vsel vm0, s24, v39;
	s24 =	sld [smem:$0x788];
	v36 =	vsel vm0, s26, v36;
	s26 =	sshra.s32 s17, $0x1F  }
0x502: {  	v37 =	vsel vm0, s31, v37;
	v34 =	vsel vm0, s1, v34;
	v38 =	vsel vm0, s29, v38;
	s17 =	sshrl.u32 s17, $0x1F;
	s1 =	sshrl.u32 s18, $0x1F;
	s29 =	sshra.s32 s21, $0x5  }
0x503: {  	v37 =	vsel vm1, s14, v37;
	v40 =	vsel vm1, s16, v40;
	s5 =	sshrl.u32 s22, $0x1F;
	s6 =	sshra.s32 s22, $0x5;
	v34 =	vsel vm9, s4, v34;
	s22 =	sshra.s32 s18, $0x5  }
0x504: {  	v39 =	vsel vm1, s7, v39;
	s18 =	sshrl.u32 s0, $0x1F;
	s0 =	sshra.s32 s0, $0x5;
	v38 =	vsel vm1, s30, v38;
	s30 =	sld [smem:$0x78A];
	v34 =	vsel vm1, s3, v34  }
0x505: {  	v36 =	vsel vm1, s23, v36;
	s4 =	sshrl.u32 s28, $0x1F;
	s31 =	sshra.s32 s24, $0x1F;
	v38 =	vsel vm2, s13, v38;
	s13 =	sld [smem:$0x789];
	v34 =	vsel vm13, s8, v34  }
0x506: {  	v36 =	vsel vm2, s12, v36;
	s12 =	sshra.s32 s28, $0x1F;
	v41 =	vmov s31;
	s31 =	sld [smem:$0x78B];
	v34 =	vsel vm2, s2, v34;
	s2 =	sshrl.u32 s21, $0x1F  }
0x507: {  	v37 =	vsel vm2, s5, v37;
	s21 =	spop (v2sf);
	v39 =	vsel vm2, s30, v39;
	s30 =	sld [smem:$0x78F];
	v34 =	vsel vm4, s9, v34;
	s9 =	sshra.s32 s28, $0x5  }
0x508: {  	v40 =	vsel vm2, s6, v40;
	v36 =	vcombine.low v37, v36;
	v41 =	vsel vm3, s29, v41;
	s3 =	sshra.s32 s21, $0x1F;
	s16 =	spop (v2sf);
	s14 =	sshra.s32 s13, $0x5  }
0x509: {  	v63 =	vcombine.low v40, v38;
	s28 =	sshra.s32 s13, $0x1F;
	v41 =	vsel vm11, s11, v41;
	s5 =	sshrl.u32 s13, $0x1F;
	v34 =	vsel vm12, s15, v34;
	s15 =	smul.u32 $0x51EB851F, s3  }
0x50a: {  	v39 =	vsel vm12, s19, v39;
	v42 =	vmov s2;
	s29 =	sshra.s32 s16, $0x1F;
	v41 =	vsel vm0, s9, v41;
	s9 =	spop (v2sf);
	s7 =	smulhi.u32 $0x51EB851F, s16  }
0x50b: {  	v36 =	vperm.xlane v36, v2;
	v37 =	vperm.xlane v63, v2;
	s11 =	sshrl.u32 s31, $0x1F;
	s3 =	sld [smem:$0x78C];
	v34 =	vsel vm15, s10, v34;
	s10 =	smul.u32 $0x51EB851F, s29  }
0x50c: {  	s6 =	sshra.s32 s31, $0x5;
	v39 =	vsel vm5, s17, v39;
	v42 =	vnsel vm3, $0x0, v42;
	v41 =	vsel vm9, s12, v41;
	s12 =	smulhi.u32 $0x51EB851F, s21;
	s19 =	spop (v2sf)  }
0x50d: {  	s21 =	sld [smem:$0x78D];
	v39 =	vsel vm6, s1, v39;
	vm9 =	vcmask $0x3734;
	s31 =	sshrl.u32 s30, $0x1F;
	v42 =	vsel vm0, s4, v42;
	s16 =	spop (v2sf)  }
0x50e: {  	v43 =	vmov s11;
	v34 =	vsel vm5, s20, v34;
	v41 =	vsel vm1, s14, v41;
	s20 =	sld [smem:$0x78E];
	s13 =	sshrl.u32 s3, $0x1F;
	s3 =	sshra.s32 s3, $0x5  }
0x50f: {  	v45 =	vmov s6;
	v34 =	vsel vm8, s26, v34;
	v41 =	vsel vm13, s28, v41;
	s26 =	sshra.s32 s19, $0x1F;
	s28 =	sshra.s32 s16, $0x1F;
	s11 =	sadd.s32 s15, s12  }
0x510: {  	v39 =	vsel vm7, s18, v39;
	v42 =	vsel vm1, s5, v42;
	s15 =	sld [smem:$0x790];
	v34 =	vsel vm6, s22, v34;
	s14 =	sshra.s32 s21, $0x5;
	s22 =	sshra.s32 s21, $0x1F  }
0x511: {  	v48 =	vld [tilespmem:$0x1FFF0];
	v43 =	vsel vm0, s31, v43;
	v39 =	vperm.xlane v39, v3;
	v44 =	vmov s13;
	s12 =	sshrl.u32 s11, $0x1F;
	s13 =	smulhi.u32 $0x51EB851F, s19;
	s23 =	sshra.s32 s20, $0x5  }
0x512: {  	v46 =	vmov s3;
	v34 =	vsel vm9, s25, v34;
	s25 =	sshra.s32 s9, $0x1F;
	v41 =	vsel vm2, s14, v41;
	s29 =	sshra.s32 s20, $0x1F;
	s9 =	smulhi.u32 $0x51EB851F, s9  }
0x513: {  	v43 =	vsel vm1, s12, v43;
	s2 =	smul.u32 $0x51EB851F, s25;
	v34 =	vsel vm7, s0, v34;
	v41 =	vsel vm4, s22, v41;
	s22 =	sshrl.u32 s15, $0x1F;
	s25 =	sshrl.u32 s21, $0x1F  }
0x514: {  	s0 =	smul.u32 $0x51EB851F, s26;
	s26 =	sshra.s32 s30, $0x5;
	s30 =	sld [smem:$0x791];
	v41 =	vsel vm12, s23, v41;
	v42 =	vsel vm2, s25, v42;
	v44 =	vsel vm0, s22, v44  }
0x515: {  	s23 =	smul.u32 $0x51EB851F, s28;
	s28 =	sshra.s32 s15, $0x5;
	v45 =	vsel vm0, s26, v45;
	s15 =	sshrl.u32 s20, $0x1F;
	v34 =	vperm.xlane v34, v3;
	v41 =	vsel vm15, s29, v41  }
0x516: {  	s4 =	sshra.s32 s11, $0x5;
	s19 =	smulhi.u32 $0x51EB851F, s16;
	v46 =	vsel vm0, s28, v46;
	v42 =	vsel vm12, s15, v42;
	vm12 =	vnez.u8 v48  }
0x517: {  	s29 =	sadd.s32 s10, s7;
	s2 =	sadd.s32 s2, s9;
	v45 =	vsel vm1, s4, v45;
	s31 =	sshra.s32 s30, $0x5;
	v22 =	vsel @p2 vm12, v32, v22;
	v27 =	vsel @p2 vm12, v33, v27  }
0x518: {  	s14 =	sshrl.u32 s29, $0x1F;
	s17 =	sshra.s32 s29, $0x5;
	s20 =	sshrl.u32 s2, $0x1F;
	v49 =	vsel vm12, v39, v36;
	v50 =	vsel vm12, v34, v37;
	v41 =	vsel vm5, s31, v41  }
0x519: {  	s0 =	sadd.s32 s0, s13;
	s22 =	sshrl.u32 s30, $0x1F;
	s25 =	sshra.s32 s2, $0x5;
	v44 =	vsel vm1, s14, v44;
	v61 =	vsel vm1, s17, v46;
	v43 =	vsel vm2, s20, v43  }
0x51a: {  	s18 =	sshra.s32 s30, $0x1F;
	s21 =	sshrl.u32 s0, $0x1F;
	s23 =	sadd.s32 s23, s19;
	v62 =	vsel vm5, s22, v42;
	v46 =	vsel vm2, s25, v45;
	v22 =	vadd.s32 @p2 v22, v27  }
0x51b: {  	s0 =	sshra.s32 s0, $0x5;
	s29 =	sshrl.u32 s23, $0x1F;
	v51 =	vadd.s32 v49, v50;
	v41 =	vsel vm8, s18, v41;
	v44 =	vsel vm2, s21, v44  }
0x51c: {  	s26 =	sshra.s32 s23, $0x5;
	v25 =	vsel vm2, s0, v61;
	v29 =	vsel vm6, s29, v62;
	v22 =	vmul.u32 @p2 $0x64, v22  }
0x51d: {  	s28 =	sshra.s32 s23, $0x1F;
	s31 =	sshrl.u32 s24, $0x1F;
	v27 =	vmul.u32 $0x64, v51;
	v47 =	vsel vm6, s26, v41;
	v52 =	vcombine.low v44, v43  }
0x51e: {  	s30 =	sshra.s32 s24, $0x5;
	v53 =	vcombine.low v25, v46;
	v29 =	vsel vm7, s31, v29;
	v40 =	vsel vm9, s28, v47  }
0x51f: {  	v56 =	vperm.xlane v29, v3;
	v40 =	vsel vm7, s30, v40;
	v55 =	vperm.xlane v52, v2  }
0x520: {  	v25 =	vsub.s32 @p2 v6, v22;
	v57 =	vperm.xlane v53, v2;
	v54 =	vperm.xlane v40, v3  }
0x521: {  	v4 =	vsub.s32 v4, v27;
	v32 =	vmul.u32 @p2 $0x70, v25  }
0x522: {  	v29 =	vmul.u32 $0x70, v4;
	v6 =	vsel vm12, v56, v55;
	v22 =	vsel vm12, v54, v57  }
0x523: {  	v27 =	vadd.s32 @p2 $0x3F, v32;
	v6 =	vadd.s32 v6, v22  }
0x524: {  	s16 =	sld [smem:$0x7AE];
	v58 =	vadd.s32 $0x3F, v29;
	v6 =	vmul.u32 $0x64, v6  }
0x525: {  	s0 =	sld [smem:$0x7AB]  }
0x526: {  	v22 =	vsub.s32 v28, v6  }
0x527: {  	s7 =	simm.s32 $0x680;
	v28 =	vmul.u32 $0x70, v22  }
0x528: {  	s1 =	smov.u32 s16;
	s0 =	sadd.s32 @p2 $0x20, s0;
	v34 =	vld.idx.msk @p2 [tilespmem:v27+s7+$0x0], $0xffff  }
0x529: {  	s1 =	smov.u32 @p2 s0;
	v33 =	vld.idx.msk [tilespmem:v58+s7+$0x0], $0xffff;
	v59 =	vadd.s32 $0x3F, v28  }
0x52a: {  	v27 =	vld [tilespmem:s1+$0x0];
	_ =	sdelay $0x2  }
0x52b: {  	v6 =	vld [tilespmem:s1+$0xFFFFFFF0]  }
0x52c: {  	vm9 =	vlt.f32 @p2 v34, v15;
	v60 =	vld.idx.msk [tilespmem:v59+s7+$0x0], $0xffff  }
0x52d: {  	v36 =	vsel @p2 vm9, $0x40, v1;
	vm9 =	vlt.f32 v33, v27  }
0x52e: {  	v33 =	vadd.s32 @p2 $0xFFFFFFFF, v32;
	v37 =	vor.u32 @p2 $0x20, v36;
	v61 =	vsel vm9, $0x40, v1  }
0x52f: {  	v41 =	vadd.s32 $0xFFFFFFFF, v29;
	v39 =	vadd.s32 @p2 v37, v33;
	v62 =	vor.u32 $0x20, v61  }
0x530: {  	v63 =	vadd.s32 v62, v41  }
0x531: {  	vm9 =	vlt.f32 v60, v6  }
0x532: {  	v34 =	vsel vm9, $0x40, v1  }
0x533: {  	v43 =	vadd.s32 $0xFFFFFFFF, v28;
	v48 =	vor.u32 $0x20, v34  }
0x534: {  	v39 =	vld.idx.msk @p2 [tilespmem:v39+s7+$0x0], $0xffff;
	v49 =	vadd.s32 v48, v43  }
0x535: {  	vm9 =	vlt.f32 @p2 v31, v10;
	v50 =	vld.idx.msk [tilespmem:v63+s7+$0x0], $0xffff  }
0x536: {  	v24 =	vsel @p2 vm9, v26, v24  }
0x537: {  	v26 =	vor.u32 @p2 $0x10, v24  }
0x538: {  	v42 =	vadd.s32 @p2 v26, v14  }
0x539: {  	vm9 =	vlt.f32 @p2 v39, v15;
	v51 =	vld.idx.msk [tilespmem:v49+s7+$0x0], $0xffff  }
0x53a: {  	v36 =	vsel @p2 vm9, v37, v36;
	vm9 =	vlt.f32 v50, v27  }
0x53b: {  	v31 =	vmov @p2 v33;
	v33 =	vor.u32 @p2 $0x10, v36;
	v52 =	vsel vm9, v62, v61  }
0x53c: {  	v38 =	vadd.s32 @p2 v33, v31;
	v40 =	vor.u32 $0x10, v52  }
0x53d: {  	v42 =	vld.idx.msk @p2 [tilespmem:v42+s7+$0x0], $0xffff;
	v53 =	vadd.s32 v40, v41  }
0x53e: {  	vm9 =	vlt.f32 v51, v6  }
0x53f: {  	v34 =	vsel vm9, v48, v34  }
0x540: {  	v54 =	vor.u32 $0x10, v34  }
0x541: {  	v38 =	vld.idx.msk @p2 [tilespmem:v38+s7+$0x0], $0xffff;
	v55 =	vadd.s32 v54, v43  }
0x542: {  	vm9 =	vlt.f32 @p2 v42, v10;
	v56 =	vld.idx.msk [tilespmem:v53+s7+$0x0], $0xffff  }
0x543: {  	v24 =	vsel @p2 vm9, v26, v24  }
0x544: {  	v26 =	vor.u32 @p2 $0x8, v24  }
0x545: {  	v45 =	vor.u32 @p3 $0x8, v30;
	v46 =	vadd.s32 @p2 v26, v14  }
0x546: {  	v47 =	vadd.s32 @p3 v45, v17;
	v44 =	vld.idx.msk [tilespmem:v55+s7+$0x0], $0xffff  }
0x547: {  	vm9 =	vlt.f32 @p2 v38, v15;
	vm10 =	vlt.f32 v56, v27  }
0x548: {  	v33 =	vsel @p2 vm9, v33, v36;
	v57 =	vsel vm10, v40, v52  }
0x549: {  	v13 =	vpsel p2, v33, v13;
	v58 =	vor.u32 $0x8, v57  }
0x54a: {  	v11 =	vpsel p2, v31, v11;
	v31 =	vor.u32 @p2 $0x8, v13;
	v37 =	vld.idx.msk @p2 [tilespmem:v46+s7+$0x0], $0xffff;
	v59 =	vadd.s32 v58, v41  }
0x54b: {  	v40 =	vld.idx.msk @p3 [tilespmem:v47+s7+$0x0], $0xffff;
	v42 =	vadd.s32 @p2 v31, v11;
	vm9 =	vlt.f32 v44, v6  }
0x54c: {  	v34 =	vsel vm9, v54, v34  }
0x54d: {  	v39 =	vor.u32 $0x8, v34  }
0x54e: {  	v60 =	vadd.s32 v39, v43  }
0x54f: {  	vm9 =	vlt.f32 @p2 v37, v10;
	v61 =	vld.idx.msk [tilespmem:v59+s7+$0x0], $0xffff  }
0x550: {  	v24 =	vsel @p2 vm9, v26, v24;
	vm9 =	vlt.f32 @p3 v40, v35;
	v26 =	vld.idx.msk @p2 [tilespmem:v42+s7+$0x0], $0xffff  }
0x551: {  	v30 =	vsel @p3 vm9, v45, v30;
	v38 =	vadd.s32 @p2 $0x4, v24  }
0x552: {  	v40 =	vadd.s32 @p3 $0x4, v30;
	v42 =	vadd.s32 @p2 v38, v14  }
0x553: {  	v7 =	vpsel p2, v15, v7;
	v15 =	vadd.s32 @p3 v40, v17;
	v44 =	vld.idx.msk [tilespmem:v60+s7+$0x0], $0xffff  }
0x554: {  	vm9 =	vlt.f32 v61, v27  }
0x555: {  	vm10 =	vlt.f32 @p2 v26, v7;
	v62 =	vsel vm9, v58, v57  }
0x556: {  	v13 =	vsel @p2 vm10, v31, v13;
	v63 =	vadd.s32 $0x4, v62  }
0x557: {  	v33 =	vld.idx.msk @p2 [tilespmem:v42+s7+$0x0], $0xffff;
	v36 =	vadd.s32 @p2 $0x4, v13;
	v48 =	vadd.s32 v63, v41  }
0x558: {  	v15 =	vld.idx.msk @p3 [tilespmem:v15+s7+$0x0], $0xffff;
	v42 =	vadd.s32 @p2 v36, v11;
	vm9 =	vlt.f32 v44, v6  }
0x559: {  	v34 =	vsel vm9, v39, v34  }
0x55a: {  	v39 =	vadd.s32 $0x4, v34  }
0x55b: {  	v49 =	vadd.s32 v39, v43  }
0x55c: {  	vm9 =	vlt.f32 @p2 v33, v10;
	v50 =	vld.idx.msk [tilespmem:v48+s7+$0x0], $0xffff  }
0x55d: {  	v24 =	vsel @p2 vm9, v38, v24;
	vm9 =	vlt.f32 @p3 v15, v35;
	v15 =	vld.idx.msk @p2 [tilespmem:v42+s7+$0x0], $0xffff;
	_ =	sdelay $0x1  }
0x55e: {  	v30 =	vsel @p3 vm9, v40, v30;
	v37 =	vadd.s32 @p2 $0x2, v24  }
0x55f: {  	v38 =	vadd.s32 @p3 $0x2, v30;
	v14 =	vadd.s32 @p2 v37, v14;
	v51 =	vld.idx.msk [tilespmem:v49+s7+$0x0], $0xffff  }
0x560: {  	v17 =	vadd.s32 @p3 v38, v17;
	vm9 =	vlt.f32 v50, v27  }
0x561: {  	v26 =	vsel vm9, v63, v62;
	vm9 =	vlt.f32 @p2 v15, v7  }
0x562: {  	v13 =	vsel @p2 vm9, v36, v13;
	v52 =	vadd.s32 $0x2, v26  }
0x563: {  	v31 =	vadd.s32 @p2 $0x2, v13;
	v53 =	vadd.s32 v52, v41  }
0x564: {  	v14 =	vld.idx.msk @p2 [tilespmem:v14+s7+$0x0], $0xffff;
	v11 =	vadd.s32 @p2 v31, v11;
	vm9 =	vlt.f32 v51, v6  }
0x565: {  	v17 =	vld.idx.msk @p3 [tilespmem:v17+s7+$0x0], $0xffff;
	v34 =	vsel vm9, v39, v34  }
0x566: {  	v54 =	vadd.s32 $0x2, v34  }
0x567: {  	v55 =	vadd.s32 v54, v43  }
0x568: {  	v56 =	vld.idx.msk [tilespmem:v53+s7+$0x0], $0xffff  }
0x569: {  	vm9 =	vlt.f32 @p2 v14, v10;
	v11 =	vld.idx.msk @p2 [tilespmem:v11+s7+$0x0], $0xffff  }
0x56a: {  	vm10 =	vlt.f32 @p3 v17, v35;
	v17 =	vsel @p2 vm9, v37, v24  }
0x56b: {  	v24 =	vsel @p3 vm10, v38, v30;
	v5 =	vadd.s32 @p2 v5, v17  }
0x56c: {  	v16 =	vadd.s32 @p3 v16, v24;
	v57 =	vld.idx.msk [tilespmem:v55+s7+$0x0], $0xffff  }
0x56d: {  	vm9 =	vlt.f32 v56, v27  }
0x56e: {  	v14 =	vmov @p2 v32;
	vm10 =	vlt.f32 @p2 v11, v7;
	v58 =	vsel vm9, v52, v26  }
0x56f: {  	v9 =	vpsel p2, v14, v9;
	v59 =	vadd.s32 v29, v58;
	v13 =	vsel @p2 vm10, v31, v13  }
0x570: {  	v5 =	vld.idx.msk @p2 [tilespmem:v5+s7+$0x0], $0xffff;
	v9 =	vadd.s32 @p2 v9, v13  }
0x571: {  	v15 =	vld.idx.msk @p3 [tilespmem:v16+s7+$0x0], $0xffff;
	vm10 =	vlt.f32 v57, v6  }
0x572: {  	v60 =	vsel vm10, v54, v34  }
0x573: {  	vm9 =	vlt.f32 @p4 v23, v19;
	v61 =	vadd.s32 v28, v60  }
0x574: {  	v8 =	vmul.u32 @p2 $0x65, v8;
	v4 =	vmul.u32 $0x65, v4;
	v16 =	vsel @p4 vm9, $0x1, v1;
	v14 =	vld.idx.msk [tilespmem:v59+s7+$0x0], $0xffff  }
0x575: {  	v63 =	vmul.u32 $0x65, v22;
	v7 =	vpsel p2, v7, v0;
	v16 =	vadd.s32 @p4 v16, v20;
	v9 =	vld.idx.msk @p2 [tilespmem:v9+s7+$0x0], $0xffff  }
0x576: {  	s2 =	sld [smem:$0x7AA];
	vm9 =	vlt.f32 @p2 v5, v10;
	v10 =	vpsel p3, v35, v0;
	v5 =	vpsel p3, v15, v0  }
0x577: {  	s14 =	sld [smem:$0x7AD];
	v16 =	vadd.s32 @p4 v21, v16;
	v15 =	vmovc @p3 v18;
	v18 =	vsel @p2 vm9, $0x1, v1;
	vm9 =	vlt.f32 @p3 v5, v10  }
0x578: {  	v5 =	vmul.u32 @p2 $0x65, v25;
	v10 =	vpsel p3, v15, v0;
	v8 =	vadd.s32 @p2 v18, v8;
	v62 =	vld.idx.msk [tilespmem:v61+s7+$0x0], $0xffff  }
0x579: {  	v18 =	vpsel p3, v24, v0;
	v15 =	vsel @p3 vm9, $0x1, v1;
	v8 =	vadd.s32 @p2 v17, v8  }
0x57a: {  	s0 =	sadd.s32 @p3 $0x80, s2;
	s1 =	smov.u32 s14;
	v10 =	vadd.s32 @p3 v15, v10;
	vm9 =	vlt.f32 v14, v27;
	v9 =	vpsel p2, v9, v0  }
0x57b: {  	s1 =	smov.u32 @p3 s0;
	v5 =	vpsel p2, v5, v12;
	v14 =	vsel vm9, $0x1, v1;
	vm9 =	vlt.f32 @p2 v9, v7  }
0x57c: {  	s3 =	rddreg [dreg:$0x7];
	[tilespmem:s1+$0x0] =	vst @p2 v8;
	v8 =	vpsel p2, v13, v0;
	v5 =	vpsel p2, v5, v0;
	v7 =	vsel @p2 vm9, $0x1, v1  }
0x57d: {  	s0 =	smov.u32 @p3 s2;
	s2 =	smov.u32 @p2 s1;
	[tilespmem:s3+$0xFFFFFFF0] =	vst @p4 v16;
	v10 =	vadd.s32 @p3 v18, v10;
	v5 =	vadd.s32 @p2 v7, v5;
	vm9 =	vlt.f32 v62, v6  }
0x57e: {  	s2 =	smov.u32 @p2 s2;
	[tilespmem:s0+$0xFFFFFFF0] =	vst @p3 v10;
	s0 =	sadd.s32 @p2 $0x80, s1;
	s1 =	smov.u32 s14;
	v4 =	vadd.s32 v14, v4;
	v5 =	vadd.s32 @p2 v8, v5;
	v6 =	vsel vm9, $0x1, v1  }
0x57f: {  	s1 =	smov.u32 @p2 s0;
	v4 =	vadd.s32 v58, v4;
	[tilespmem:s2+$0xFFFFFFF0] =	vst @p2 v5;
	v5 =	vadd.s32 v6, v63  }
0x580: {  	[tilespmem:s1+$0x0] =	vst v4;
	v4 =	vadd.s32 v60, v5  }
0x581: {  	[tilespmem:s1+$0xFFFFFFF0] =	vst v4  }
0x582: {  	s5 =	sld [smem:$0x7B0]  }
0x583: {  	s6 =	sld [smem:$0x7B1]  }
0x584: {  	s8 =	sld [smem:$0x7B2]  }
0x585: {  	s9 =	sld [smem:$0x7B3]  }
0x586: {  	s10 =	sld [smem:$0x7B4]  }
0x587: {  	s11 =	sld [smem:$0x7AF]  }
0x588: {  	vm11 =	vcmask $0x704;
	vm9 =	vcmask $0xF0C;
	s12 =	sld [smem:$0x7AC]  }
.LBB2_29:
0x589: {  	_ =	sdelay $0x1  }
0x58a: {  	s12 =	sadd.s32 $0x1, s12  }
0x58b: {  	p2 =	sne.s32 s12, $0xA  }
.Ltmp17:
0x58c: {  	_ = 	snop;
	(pc) =	sbr.rel @!p2 .LBB2_30-.Ltmp17, $2  }
0x58d: {  	_ =	sdelay $0x2  }
0x58e: {  	s14 =	sadd.s32 $0x280, s14;
	s16 =	sadd.s32 $0xA0, s16;
	s11 =	sadd.s32 $0xA0, s11  }
.LBB2_17:
0x58f: {  	s2 =	simm.s32 $0x1  }
0x590: {  	s0 =	smul.u32 $0xA0, s12;
	_ =	swait.ge [sflag:s2], $0x1000  }
0x591: {  	s3 =	sld [smem:$0x7F9]  }
0x592: {  	s18 =	simm.s32 $0x0;
	s1 =	sadd.s32 s5, s0  }
0x593: {  	s4 =	simm.s32 $0x6A80;
	[sflag:s2] =	ssyncset.done $0x0;
	s1 =	sshll.u32 s1, $0x4  }
0x594: {  	s19 =	simm.s32 $0x2;
	[sflag:s2] =	ssyncadd.s32 $0xFFFFF000;
	s1 =	sadd.s32 s3, s1  }
0x595: {  	[hbm4b:s1+s18] =	stream.linear.scatter [tilespmem:s4], [sflag:$0x6], $0x1000, $0x38;
	[tilespmem:$0x1F620] =	vst v63  }
0x596: {  	s20 =	sadd.s32 s0, s6;
	_ =	swait.ge [sflag:s19], $0x1000  }
0x597: {  	s21 =	simm.s32 $0x7A80;
	s1 =	sshll.u32 s20, $0x4;
	[sflag:s19] =	ssyncset.done $0x0  }
0x598: {  	s22 =	simm.s32 $0x3;
	s1 =	sadd.s32 s3, s1;
	[sflag:s19] =	ssyncadd.s32 $0xFFFFF000  }
0x599: {  	[hbm4b:s1+s18] =	stream.linear.scatter [tilespmem:s21], [sflag:$0x7], $0x1000, $0x38;
	[tilespmem:$0x1F620] =	vst v63  }
0x59a: {  	s23 =	sadd.s32 s0, s8;
	_ =	swait.ge [sflag:s22], $0x1000  }
0x59b: {  	s24 =	simm.s32 $0x8A80;
	s1 =	sshll.u32 s23, $0x4;
	[sflag:s22] =	ssyncset.done $0x0  }
0x59c: {  	s25 =	simm.s32 $0x4;
	s1 =	sadd.s32 s3, s1;
	[sflag:s22] =	ssyncadd.s32 $0xFFFFF000  }
0x59d: {  	[hbm4b:s1+s18] =	stream.linear.scatter [tilespmem:s24], [sflag:$0x8], $0x1000, $0x38;
	[tilespmem:$0x1F620] =	vst v63  }
0x59e: {  	s26 =	sadd.s32 s0, s9;
	_ =	swait.ge [sflag:s25], $0x1000  }
0x59f: {  	s28 =	simm.s32 $0x9A80;
	s1 =	sshll.u32 s26, $0x4;
	[sflag:s25] =	ssyncset.done $0x0  }
0x5a0: {  	s29 =	simm.s32 $0x5;
	s1 =	sadd.s32 s3, s1;
	[sflag:s25] =	ssyncadd.s32 $0xFFFFF000  }
0x5a1: {  	[hbm4b:s1+s18] =	stream.linear.scatter [tilespmem:s28], [sflag:$0x9], $0x1000, $0x38;
	[tilespmem:$0x1F620] =	vst v63  }
0x5a2: {  	s30 =	simm.s32 $0xAA80;
	s0 =	sadd.s32 s0, s10;
	_ =	swait.ge [sflag:s29], $0x1000  }
0x5a3: {  	p2 =	sne.s32 s12, $0x9;
	s0 =	sshll.u32 s0, $0x4;
	[sflag:s29] =	ssyncset.done $0x0  }
0x5a4: {  	s31 =	simm.s32 $0x6;
	s0 =	sadd.s32 s3, s0;
	[sflag:s29] =	ssyncadd.s32 $0xFFFFF000  }
0x5a5: {  	[hbm4b:s0+s18] =	stream.linear.scatter [tilespmem:s30], [sflag:$0xA], $0x1000, $0x38;
	[tilespmem:$0x1F620] =	vst v63  }
0x5a6: {  	s0 =	smul.u32 @p2 $0xA00, s12;
	_ =	swait.ge [sflag:s31], $0x1000  }
0x5a7: {  	[sflag:s31] =	ssyncset.done $0x0  }
0x5a8: {  	s2 =	simm.s32 @p2 $0x20;
	s0 =	sshra.s32 @p2 s0, $0x2;
	[sflag:s31] =	ssyncadd.s32 $0xFFFFF000  }
0x5a9: {  	s3 =	simm.s32 @p2 $0x6A80;
	s1 =	sadd.s32 @p2 $0x5100, s0;
	s4 =	rddreg [dreg:$0x2]  }
0x5aa: {  	[tilespmem:s3], [sflag:$0x1] =	stream.indirect.gather @p2 [spmem:s4], $0x80, s1, s2, $0xb8;
	[tilespmem:$0x1F620] =	vst v63  }
0x5ab: {  	s1 =	simm.s32 @p2 $0x7  }
0x5ac: {  	_ =	swait.ge @p2 [sflag:s1], $0x1000  }
0x5ad: {  	[sflag:s1] =	ssyncset.done @p2 $0x0  }
0x5ae: {  	s3 =	simm.s32 @p2 $0x7A80;
	[sflag:s1] =	ssyncadd.s32 @p2 $0xFFFFF000;
	s1 =	sadd.s32 @p2 $0x5180, s0  }
0x5af: {  	[tilespmem:s3], [sflag:$0x2] =	stream.indirect.gather @p2 [spmem:s4], $0x80, s1, s2, $0xb8;
	[tilespmem:$0x1F620] =	vst v63  }
0x5b0: {  	s1 =	simm.s32 @p2 $0x8  }
0x5b1: {  	_ =	swait.ge @p2 [sflag:s1], $0x1000  }
0x5b2: {  	[sflag:s1] =	ssyncset.done @p2 $0x0  }
0x5b3: {  	s3 =	simm.s32 @p2 $0x8A80;
	[sflag:s1] =	ssyncadd.s32 @p2 $0xFFFFF000;
	s1 =	sadd.s32 @p2 $0x5200, s0  }
0x5b4: {  	[tilespmem:s3], [sflag:$0x3] =	stream.indirect.gather @p2 [spmem:s4], $0x80, s1, s2, $0xb8;
	[tilespmem:$0x1F620] =	vst v63  }
0x5b5: {  	s1 =	simm.s32 @p2 $0x9  }
0x5b6: {  	_ =	swait.ge @p2 [sflag:s1], $0x1000  }
0x5b7: {  	[sflag:s1] =	ssyncset.done @p2 $0x0  }
0x5b8: {  	s3 =	simm.s32 @p2 $0x9A80;
	[sflag:s1] =	ssyncadd.s32 @p2 $0xFFFFF000;
	s1 =	sadd.s32 @p2 $0x5280, s0  }
0x5b9: {  	[tilespmem:s3], [sflag:$0x4] =	stream.indirect.gather @p2 [spmem:s4], $0x80, s1, s2, $0xb8;
	[tilespmem:$0x1F620] =	vst v63  }
0x5ba: {  	s1 =	simm.s32 @p2 $0xA  }
0x5bb: {  	_ =	swait.ge @p2 [sflag:s1], $0x1000  }
0x5bc: {  	[sflag:s1] =	ssyncset.done @p2 $0x0  }
0x5bd: {  	s0 =	sadd.s32 @p2 $0x5300, s0;
	[sflag:s1] =	ssyncadd.s32 @p2 $0xFFFFF000;
	s1 =	simm.s32 @p2 $0xAA80  }
0x5be: {  	[tilespmem:s1], [sflag:$0x5] =	stream.indirect.gather @p2 [spmem:s4], $0x80, s0, s2, $0xb8;
	[tilespmem:$0x1F620] =	vst v63  }
0x5bf: {  	s0 =	simm.s32 @!p2 $0x7  }
0x5c0: {  	_ =	swait.ge @!p2 [sflag:s0], $0x1000  }
0x5c1: {  	[sflag:s0] =	ssyncset.done @!p2 $0x0  }
0x5c2: {  	[sflag:s0] =	ssyncadd.s32 @!p2 $0xFFFFF000;
	s0 =	simm.s32 @!p2 $0x8  }
0x5c3: {  	_ =	swait.ge @!p2 [sflag:s0], $0x1000  }
0x5c4: {  	[sflag:s0] =	ssyncset.done @!p2 $0x0  }
0x5c5: {  	[sflag:s0] =	ssyncadd.s32 @!p2 $0xFFFFF000;
	s0 =	simm.s32 @!p2 $0x9  }
0x5c6: {  	_ =	swait.ge @!p2 [sflag:s0], $0x1000  }
.Ltmp18:
0x5c7: {  	[sflag:s0] =	ssyncset.done @!p2 $0x0;
	(pc) =	sbr.rel @p1 .LBB2_29-.Ltmp18, $4  }
0x5c8: {  	[sflag:s0] =	ssyncadd.s32 @!p2 $0xFFFFF000;
	s0 =	simm.s32 @!p2 $0xA  }
0x5c9: {  	_ =	swait.ge @!p2 [sflag:s0], $0x1000  }
0x5ca: {  	[sflag:s0] =	ssyncset.done @!p2 $0x0  }
0x5cb: {  	[sflag:s0] =	ssyncadd.s32 @!p2 $0xFFFFF000  }
0x5cc: {  	v6 =	vor.u32 s11, v0;
	s0 =	sadd.s32 $0x10, s11  }
0x5cd: {  	v4 =	vor.u32 s0, v0;
	(v2sf) =	vpush v6, $0x7  }
0x5ce: {  	(v2sf) =	vpush v4, $0xF  }
0x5cf: {  	(v2sf) =	vpush v4, $0xB  }
0x5d0: {  	(v2sf) =	vpush v4, $0x6  }
0x5d1: {  	s31 =	smul.u32 $0xA, s12;
	(v2sf) =	vpush v4, $0xE  }
0x5d2: {  	(v2sf) =	vpush v4, $0xA  }
0x5d3: {  	s1 =	sadd.s32 $0xA, s31;
	(v2sf) =	vpush v4, $0xD  }
0x5d4: {  	[dreg:$0x5] =	wrdreg s1;
	(v2sf) =	vpush v4, $0x9  }
0x5d5: {  	s0 =	sadd.s32 $0x2, s31;
	s1 =	rddreg [dreg:$0x5];
	(v2sf) =	vpush v4, $0x5  }
0x5d6: {  	p5 =	slt.u32 s0, s1;
	(v2sf) =	vpush v4, $0xC  }
.Ltmp19:
0x5d7: {  	(v2sf) =	vpush v4, $0x8;
	(pc) =	sbr.rel @!p5 .LBB2_19-.Ltmp19, $4  }
0x5d8: {  	[smem:$0x7AC] =	sst s12;
	(v2sf) =	vpush v4, $0x4  }
0x5d9: {  	[smem:$0x7AD] =	sst s14;
	(v2sf) =	vpush v4, $0x3  }
0x5da: {  	p2 =	por $0x0, $0x0;
	[smem:$0x7AE] =	sst s16;
	(v2sf) =	vpush v4, $0x2  }
0x5db: {  	p3 =	por $0x0, $0x0;
	p4 =	por $0x0, $0x0;
	[smem:$0x7AF] =	sst s11;
	(v2sf) =	vpush v4, $0x1  }
0x5dc: {  	[smem:$0x7A9] =	sst s0;
	s0 =	spop (v2sf)  }
0x5dd: {  	s2 =	spop (v2sf)  }
0x5de: {  	s3 =	smulhi.u32 $0x51EB851F, s2;
	s7 =	spop (v2sf)  }
0x5df: {  	s2 =	sshra.s32 s2, $0x1F;
	s8 =	smulhi.u32 $0x51EB851F, s7  }
0x5e0: {  	s9 =	spop (v2sf);
	s2 =	smul.u32 $0x51EB851F, s2  }
0x5e1: {  	s7 =	sshra.s32 s7, $0x1F;
	s1 =	smulhi.u32 $0x51EB851F, s9  }
0x5e2: {  	s10 =	spop (v2sf);
	s22 =	smul.u32 $0x51EB851F, s7  }
0x5e3: {  	s24 =	sshra.s32 s9, $0x1F;
	s11 =	smulhi.u32 $0x51EB851F, s10  }
0x5e4: {  	s12 =	spop (v2sf);
	s7 =	smul.u32 $0x51EB851F, s24  }
0x5e5: {  	s25 =	sshra.s32 s10, $0x1F;
	s5 =	smulhi.u32 $0x51EB851F, s12  }
0x5e6: {  	s9 =	smul.u32 $0x51EB851F, s25  }
0x5e7: {  	s13 =	spop (v2sf);
	s31 =	sadd.s32 s22, s8;
	s8 =	smulhi.u32 $0x51EB851F, s0  }
0x5e8: {  	s26 =	sshra.s32 s12, $0x1F;
	s14 =	smulhi.u32 $0x51EB851F, s13  }
0x5e9: {  	s15 =	spop (v2sf);
	s10 =	smul.u32 $0x51EB851F, s26  }
0x5ea: {  	(v2sf) =	vpush v4, $0x0;
	s28 =	sshra.s32 s13, $0x1F;
	s16 =	smulhi.u32 $0x51EB851F, s15  }
0x5eb: {  	s17 =	spop (v2sf);
	s12 =	smul.u32 $0x51EB851F, s28  }
0x5ec: {  	s29 =	sshra.s32 s15, $0x1F;
	s6 =	smulhi.u32 $0x51EB851F, s17  }
0x5ed: {  	s18 =	spop (v2sf);
	s13 =	smul.u32 $0x51EB851F, s29  }
0x5ee: {  	s17 =	sshra.s32 s17, $0x1F;
	s19 =	smulhi.u32 $0x51EB851F, s18;
	s20 =	spop (v2sf);
	(v2sf) =	vpush v4, $0x7  }
0x5ef: {  	s3 =	sadd.s32 s2, s3;
	s17 =	smul.u32 $0x51EB851F, s17  }
0x5f0: {  	[smem:$0x7A7] =	sst s31;
	s18 =	sshra.s32 s18, $0x1F;
	s21 =	smulhi.u32 $0x51EB851F, s20  }
0x5f1: {  	s9 =	sadd.s32 s9, s11;
	s18 =	smul.u32 $0x51EB851F, s18;
	s20 =	sshra.s32 s20, $0x1F  }
0x5f2: {  	s10 =	sadd.s32 s10, s5;
	s30 =	spop (v2sf);
	s20 =	smul.u32 $0x51EB851F, s20  }
0x5f3: {  	s12 =	sadd.s32 s12, s14;
	s23 =	spop (v2sf);
	s11 =	smulhi.u32 $0x51EB851F, s30  }
0x5f4: {  	(v2sf) =	vpush v6, $0x0;
	s15 =	sshra.s32 s30, $0x1F;
	s24 =	spop (v2sf);
	s14 =	smulhi.u32 $0x51EB851F, s23  }
0x5f5: {  	s13 =	sadd.s32 s13, s16;
	s15 =	smul.u32 $0x51EB851F, s15;
	s25 =	spop (v2sf)  }
0x5f6: {  	s30 =	sshra.s32 s0, $0x1F;
	s26 =	smulhi.u32 $0x51EB851F, s25;
	s25 =	sshra.s32 s25, $0x1F  }
0x5f7: {  	s5 =	sadd.s32 s17, s6;
	s23 =	sshra.s32 s23, $0x1F;
	s25 =	smul.u32 $0x51EB851F, s25  }
0x5f8: {  	s18 =	sadd.s32 s18, s19;
	s19 =	sadd.s32 s20, s21;
	s2 =	smul.u32 $0x51EB851F, s23  }
0x5f9: {  	(v2sf) =	vpush v6, $0x1;
	s21 =	sadd.s32 s25, s26;
	s26 =	smulhi.u32 $0x51EB851F, s24;
	s28 =	spop (v2sf)  }
0x5fa: {  	(v2sf) =	vpush v6, $0x2;
	s31 =	sshra.s32 s24, $0x1F;
	s29 =	smulhi.u32 $0x51EB851F, s28;
	s28 =	sshra.s32 s28, $0x1F  }
0x5fb: {  	s17 =	sshra.s32 s18, $0x5;
	s23 =	sshrl.u32 s13, $0x1F;
	s28 =	smul.u32 $0x51EB851F, s28  }
0x5fc: {  	(v2sf) =	vpush v6, $0x3;
	s6 =	sshrl.u32 s19, $0x1F;
	s19 =	sshra.s32 s19, $0x5;
	s24 =	smul.u32 $0x51EB851F, s31  }
0x5fd: {  	(v2sf) =	vpush v6, $0x4;
	s4 =	spop (v2sf);
	s25 =	sadd.s32 s28, s29;
	s28 =	sadd.s32 s15, s11  }
0x5fe: {  	s29 =	smul.u32 $0x51EB851F, s30;
	s15 =	sadd.s32 s7, s1;
	s7 =	sshrl.u32 s12, $0x1F  }
0x5ff: {  	(v2sf) =	vpush v6, $0xC;
	s22 =	smulhi.u32 $0x51EB851F, s4;
	s16 =	sshra.s32 s4, $0x1F;
	s20 =	sshrl.u32 s25, $0x1F  }
0x600: {  	(v2sf) =	vpush v6, $0x8;
	s11 =	sshra.s32 s25, $0x5;
	s16 =	smul.u32 $0x51EB851F, s16;
	s31 =	sadd.s32 s29, s8  }
0x601: {  	v11 =	vmov s19;
	s25 =	sshra.s32 s25, $0x1F;
	s29 =	sshra.s32 s13, $0x5;
	[smem:$0x7A8] =	sst s31  }
0x602: {  	(v2sf) =	vpush v6, $0xD;
	s31 =	sshra.s32 s9, $0x5;
	v11 =	vsel vm0, s29, v11;
	s29 =	sshra.s32 s15, $0x5;
	s0 =	sadd.s32 s16, s22  }
0x603: {  	s16 =	spop (v2sf);
	s22 =	sadd.s32 s24, s26;
	s24 =	sshrl.u32 s18, $0x1F  }
0x604: {  	(v2sf) =	vpush v6, $0x9;
	s18 =	sadd.s32 s2, s14;
	s26 =	sshra.s32 s12, $0x5;
	s12 =	sshrl.u32 s10, $0x1F  }
0x605: {  	s2 =	sshra.s32 s10, $0x5;
	s4 =	sshra.s32 s16, $0x1F;
	s8 =	sshra.s32 s0, $0x1F  }
0x606: {  	v9 =	vmov s17;
	v8 =	vmov s6;
	s13 =	sshra.s32 s22, $0x5;
	s10 =	sshra.s32 s22, $0x1F;
	s6 =	sshra.s32 s18, $0x1F  }
0x607: {  	(v2sf) =	vpush v6, $0x5;
	s19 =	sshrl.u32 s18, $0x1F;
	v9 =	vsel vm0, s26, v9;
	s26 =	sshrl.u32 s28, $0x1F;
	s30 =	smul.u32 $0x51EB851F, s4  }
0x608: {  	(v2sf) =	vpush v6, $0xE;
	s4 =	smulhi.u32 $0x51EB851F, s16;
	s16 =	spop (v2sf);
	v5 =	vmov s8;
	s8 =	sshrl.u32 s22, $0x1F  }
0x609: {  	(v2sf) =	vpush v6, $0xA;
	s14 =	spop (v2sf);
	v5 =	vsel vm3, s11, v5;
	s11 =	sshrl.u32 s3, $0x1F;
	s3 =	sshra.s32 s3, $0x5  }
0x60a: {  	(v2sf) =	vpush v6, $0xF;
	v10 =	vmov s20;
	s1 =	sadd.s32 s30, s4;
	s30 =	sshrl.u32 s9, $0x1F;
	s9 =	sshra.s32 s21, $0x5  }
0x60b: {  	v10 =	vnsel vm3, $0x0, v10;
	(v2sf) =	vpush v6, $0xB;
	v7 =	vmov s24;
	s4 =	sshra.s32 s21, $0x1F;
	s21 =	sshrl.u32 s21, $0x1F;
	s22 =	spop (v2sf)  }
0x60c: {  	v7 =	vsel vm0, s7, v7;
	v9 =	vsel vm1, s31, v9;
	v5 =	vsel vm11, s25, v5;
	s25 =	sshra.s32 s18, $0x5;
	s31 =	sshra.s32 s14, $0x1F;
	s24 =	spop (v2sf)  }
0x60d: {  	v5 =	vsel vm0, s9, v5;
	s9 =	sld [smem:$0x7A7];
	v7 =	vsel vm1, s30, v7;
	v10 =	vsel vm0, s21, v10;
	s21 =	sshra.s32 s15, $0x1F;
	s30 =	sshra.s32 s16, $0x1F  }
0x60e: {  	s17 =	spop (v2sf);
	v5 =	vsel vm9, s4, v5;
	s4 =	sshra.s32 s28, $0x5;
	v10 =	vsel vm1, s8, v10;
	s8 =	smul.u32 $0x51EB851F, s30  }
0x60f: {  	vm8 =	vmmov vm9;
	v7 =	vsel vm2, s11, v7;
	s11 =	sshra.s32 s0, $0x5;
	s30 =	sld [smem:$0x7A8];
	s18 =	spop (v2sf);
	v5 =	vsel vm1, s13, v5  }
0x610: {  	v8 =	vsel vm0, s23, v8;
	s13 =	sshra.s32 s28, $0x1F;
	s28 =	sshra.s32 s5, $0x1F;
	v10 =	vsel vm2, s19, v10;
	s19 =	sshra.s32 s1, $0x5;
	v5 =	vsel vm13, s10, v5  }
0x611: {  	vm14 =	vcmask $0x2320;
	v8 =	vsel vm1, s12, v8;
	s20 =	sshrl.u32 s9, $0x1F;
	s23 =	sshra.s32 s9, $0x5;
	s9 =	spop (v2sf);
	v5 =	vsel vm2, s25, v5  }
0x612: {  	v11 =	vsel vm1, s2, v11;
	s10 =	sshra.s32 s5, $0x5;
	v10 =	vsel vm14, s26, v10;
	s26 =	sshra.s32 s24, $0x1F;
	s24 =	smulhi.u32 $0x51EB851F, s24;
	v5 =	vsel vm4, s6, v5  }
0x613: {  	s7 =	spop (v2sf);
	s25 =	sshrl.u32 s5, $0x1F;
	v8 =	vsel vm2, s20, v8;
	v11 =	vsel vm2, s23, v11;
	s23 =	smulhi.u32 $0x51EB851F, s14;
	v5 =	vsel vm14, s4, v5  }
0x614: {  	s6 =	sshrl.u32 s15, $0x1F;
	v7 =	vcombine.low v8, v7;
	v8 =	vsel vm5, s25, v10;
	s25 =	sshra.s32 s17, $0x1F;
	s17 =	smulhi.u32 $0x51EB851F, s17;
	v5 =	vsel vm15, s13, v5  }
0x615: {  	vm10 =	vcmask $0x2F2C;
	s20 =	sshra.s32 s1, $0x1F;
	s4 =	sshrl.u32 s0, $0x1F;
	v8 =	vsel vm6, s6, v8;
	s13 =	smulhi.u32 $0x51EB851F, s16;
	v5 =	vsel vm5, s10, v5  }
0x616: {  	v9 =	vsel vm2, s3, v9;
	s1 =	sshrl.u32 s1, $0x1F;
	s12 =	spop (v2sf);
	v8 =	vsel vm7, s4, v8;
	s4 =	smul.u32 $0x51EB851F, s25;
	v5 =	vsel vm10, s28, v5  }
0x617: {  	vm9 =	vcmask $0x3734;
	v9 =	vcombine.low v11, v9;
	s5 =	spop (v2sf);
	s25 =	sshra.s32 s9, $0x1F;
	s9 =	smulhi.u32 $0x51EB851F, s9;
	v5 =	vsel vm6, s29, v5  }
0x618: {  	s15 =	spop (v2sf);
	s16 =	sshra.s32 s30, $0x1F;
	s10 =	smul.u32 $0x51EB851F, s31;
	v5 =	vsel vm9, s21, v5  }
0x619: {  	v7 =	vperm.xlane v7, v2;
	v9 =	vperm.xlane v9, v2;
	s2 =	spop (v2sf);
	s31 =	smul.u32 $0x51EB851F, s26;
	s26 =	sshra.s32 s7, $0x1F;
	v5 =	vsel vm7, s11, v5  }
0x61a: {  	v8 =	vperm.xlane v8, v3;
	s3 =	sadd.s32 s8, s13;
	s13 =	sshra.s32 s22, $0x1F;
	s28 =	smulhi.u32 $0x51EB851F, s22;
	v5 =	vperm.xlane v5, v3  }
0x61b: {  	s4 =	sadd.s32 s4, s17;
	s0 =	spop (v2sf);
	s8 =	smul.u32 $0x51EB851F, s13  }
0x61c: {  	s6 =	sshra.s32 s3, $0x5;
	s29 =	sshra.s32 s18, $0x1F;
	v7 =	vsel vm12, v8, v7;
	s18 =	smulhi.u32 $0x51EB851F, s18;
	v5 =	vsel vm12, v5, v9  }
0x61d: {  	s23 =	sadd.s32 s10, s23;
	s10 =	sadd.s32 s31, s24;
	s31 =	smul.u32 $0x51EB851F, s26;
	v5 =	vadd.s32 v7, v5;
	v7 =	vmov s16  }
0x61e: {  	(v2sf) =	vpush v6, $0x6;
	s14 =	sshra.s32 s3, $0x1F;
	s3 =	sshrl.u32 s3, $0x1F;
	s22 =	smul.u32 $0x51EB851F, s29;
	v5 =	vmul.u32 $0x64, v5;
	v7 =	vsel vm3, s19, v7  }
0x61f: {  	s24 =	sshra.s32 s15, $0x1F;
	s13 =	sadd.s32 s8, s28;
	s8 =	smul.u32 $0x51EB851F, s25;
	v7 =	vsel vm11, s20, v7  }
0x620: {  	s21 =	sshra.s32 s23, $0x1F;
	s11 =	sshra.s32 s23, $0x5;
	s25 =	smulhi.u32 $0x51EB851F, s7;
	v8 =	vsub.s32 v4, v5;
	v4 =	vsel vm0, s6, v7  }
0x621: {  	s28 =	sshra.s32 s12, $0x1F;
	s12 =	smulhi.u32 $0x51EB851F, s12;
	s29 =	sshra.s32 s13, $0x1F;
	v4 =	vsel vm8, s14, v4  }
0x622: {  	s17 =	smul.u32 $0x51EB851F, s28;
	s28 =	sshrl.u32 s23, $0x1F;
	s8 =	sadd.s32 s8, s9;
	v9 =	vmov s1;
	v4 =	vsel vm1, s11, v4  }
0x623: {  	s9 =	sshrl.u32 s4, $0x1F;
	s4 =	sshra.s32 s4, $0x5;
	s16 =	sshra.s32 s13, $0x5;
	v9 =	vnsel vm3, $0x0, v9;
	v4 =	vsel vm13, s21, v4  }
0x624: {  	s1 =	sld [smem:$0x7AE];
	v9 =	vsel vm0, s3, v9;
	s3 =	sadd.s32 s31, s25;
	s25 =	sshra.s32 s10, $0x1F;
	v5 =	vmul.u32 $0x70, v8;
	v4 =	vsel vm2, s16, v4  }
0x625: {  	s20 =	sshra.s32 s5, $0x1F;
	s5 =	smulhi.u32 $0x51EB851F, s5;
	v4 =	vsel vm4, s29, v4;
	s29 =	sld [smem:$0x7AF]  }
0x626: {  	v9 =	vsel vm1, s28, v9;
	s28 =	sshrl.u32 s8, $0x1F;
	s8 =	sshra.s32 s8, $0x5;
	s31 =	smul.u32 $0x51EB851F, s20;
	v7 =	vadd.s32 $0x3F, v5  }
0x627: {  	s6 =	sadd.s32 s17, s12;
	s17 =	simm.s32 $0x680;
	s20 =	smul.u32 $0x51EB851F, s24  }
0x628: {  	s14 =	sadd.s32 s22, s18;
	s18 =	sshra.s32 s10, $0x5;
	s21 =	sadd.s32 $0x20, s29  }
0x629: {  	v12 =	vmov s9;
	s22 =	sshra.s32 s0, $0x1F;
	s0 =	smulhi.u32 $0x51EB851F, s0;
	v11 =	vsel vm14, s18, v4;
	v16 =	vor.u32 s21, v0;
	s18 =	sadd.s32 $0x10, s21  }
0x62a: {  	v14 =	vmov s4;
	v10 =	vld [tilespmem:s1+$0x0];
	s26 =	sshrl.u32 s14, $0x1F;
	s23 =	sshra.s32 s14, $0x5;
	s14 =	smul.u32 $0x51EB851F, s22;
	v4 =	vor.u32 s18, v0;
	(v2sf) =	vpush v16, $0x7  }
0x62b: {  	v12 =	vsel vm0, s28, v12;
	v17 =	vsel vm0, s8, v14;
	s11 =	sshra.s32 s2, $0x1F;
	s24 =	sadd.s32 s31, s5;
	s2 =	smulhi.u32 $0x51EB851F, s2;
	v7 =	vld.idx.msk [tilespmem:v7+s17+$0x0], $0xffff;
	(v2sf) =	vpush v4, $0xF  }
0x62c: {  	s31 =	sshrl.u32 s13, $0x1F;
	s13 =	sshra.s32 s6, $0x5;
	v13 =	vmov s26;
	s26 =	smulhi.u32 $0x51EB851F, s15;
	v15 =	vmov s23;
	(v2sf) =	vpush v4, $0xB  }
0x62d: {  	v9 =	vsel vm2, s31, v9;
	s15 =	spop (v2sf);
	vm13 =	vmmov vm9;
	s23 =	rddreg [dreg:$0x5];
	s4 =	sshra.s32 s24, $0x5;
	(v2sf) =	vpush v4, $0x6  }
0x62e: {  	v14 =	vadd.s32 $0xFFFFFFFF, v5;
	s16 =	sshrl.u32 s24, $0x1F;
	v17 =	vsel vm1, s4, v17;
	s7 =	sadd.s32 s20, s26;
	s20 =	sshrl.u32 s10, $0x1F;
	(v2sf) =	vpush v4, $0xE  }
0x62f: {  	s26 =	sld [smem:$0x7A9];
	v9 =	vsel vm14, s20, v9;
	v11 =	vsel vm15, s25, v11;
	s29 =	smul.u32 $0x51EB851F, s11;
	s11 =	sshrl.u32 s3, $0x1F;
	(v2sf) =	vpush v4, $0xA  }
0x630: {  	s0 =	sadd.s32 s14, s0;
	s22 =	smulhi.u32 $0x51EB851F, s15;
	s3 =	sshra.s32 s3, $0x5;
	v13 =	vsel vm0, s11, v13;
	vm15 =	vlt.f32 v7, v10;
	(v2sf) =	vpush v4, $0xD  }
0x631: {  	s24 =	sshra.s32 s6, $0x1F;
	s6 =	sshrl.u32 s6, $0x1F;
	s28 =	sshrl.u32 s0, $0x1F;
	v15 =	vsel vm0, s3, v15;
	v24 =	vsel vm15, $0x40, v1;
	(v2sf) =	vpush v4, $0x9  }
0x632: {  	s19 =	sshrl.u32 s7, $0x1F;
	s4 =	sadd.s32 $0x2, s26;
	s18 =	sshra.s32 s15, $0x1F;
	v7 =	vsel vm1, s16, v12;
	v26 =	vor.u32 $0x20, v24;
	(v2sf) =	vpush v4, $0x5  }
0x633: {  	s0 =	sshra.s32 s0, $0x5;
	p5 =	slt.u32 s4, s23;
	s3 =	smul.u32 $0x51EB851F, s18;
	v12 =	vsel vm1, s19, v13;
	v13 =	vadd.s32 v26, v14;
	(v2sf) =	vpush v4, $0xC  }
.Ltmp20:
0x634: {  	s7 =	sshra.s32 s7, $0x5;
	v32 =	vsel vm5, s6, v9;
	v11 =	vsel vm5, s13, v11;
	s2 =	sadd.s32 s29, s2;
	(v2sf) =	vpush v4, $0x8;
	(pc) =	sbr.rel @!p5 .LBB2_21-.Ltmp20, $4  }
0x635: {  	v11 =	vsel vm10, s24, v11;
	v15 =	vsel vm1, s7, v15;
	s25 =	sshrl.u32 s2, $0x1F;
	s2 =	sshra.s32 s2, $0x5;
	s3 =	sadd.s32 s3, s22;
	(v2sf) =	vpush v4, $0x4  }
0x636: {  	v29 =	vsel vm2, s0, v15;
	v27 =	vsel vm2, s2, v17;
	s29 =	sshra.s32 s3, $0x5;
	(v2sf) =	vpush v4, $0x3  }
0x637: {  	p2 =	por $0x1, $0x1;
	v22 =	vsel vm2, s25, v7;
	v7 =	vld [tilespmem:s1+$0xFFFFFFF0];
	s31 =	sshra.s32 s3, $0x1F;
	v9 =	vsel vm6, s29, v11;
	(v2sf) =	vpush v4, $0x2  }
0x638: {  	s13 =	sshra.s32 s30, $0x5;
	s15 =	sshrl.u32 s30, $0x1F;
	v25 =	vsel vm2, s28, v12;
	s12 =	sshrl.u32 s3, $0x1F;
	v34 =	vsel vm13, s31, v9;
	v31 =	vld.idx.msk [tilespmem:v13+s17+$0x0], $0xffff;
	(v2sf) =	vpush v4, $0x1  }
0x639: {  	s5 =	spop (v2sf)  }
0x63a: {  	s3 =	spop (v2sf)  }
0x63b: {  	s6 =	smulhi.u32 $0x51EB851F, s3;
	s8 =	spop (v2sf)  }
0x63c: {  	s3 =	sshra.s32 s3, $0x1F;
	s9 =	smulhi.u32 $0x51EB851F, s8  }
0x63d: {  	s10 =	spop (v2sf);
	s3 =	smul.u32 $0x51EB851F, s3  }
0x63e: {  	s8 =	sshra.s32 s8, $0x1F;
	s0 =	smulhi.u32 $0x51EB851F, s10  }
0x63f: {  	s11 =	spop (v2sf);
	s26 =	smul.u32 $0x51EB851F, s8  }
0x640: {  	s31 =	sshra.s32 s10, $0x1F;
	s14 =	smulhi.u32 $0x51EB851F, s11  }
0x641: {  	s16 =	spop (v2sf);
	s8 =	smul.u32 $0x51EB851F, s31  }
0x642: {  	s7 =	smulhi.u32 $0x51EB851F, s16;
	s17 =	spop (v2sf)  }
0x643: {  	[smem:$0x7A4] =	sst s0;
	(v2sf) =	vpush v4, $0x0;
	s0 =	sshra.s32 s11, $0x1F;
	s18 =	smulhi.u32 $0x51EB851F, s17  }
0x644: {  	s1 =	sshra.s32 s16, $0x1F;
	s10 =	smul.u32 $0x51EB851F, s0  }
0x645: {  	s19 =	spop (v2sf);
	(v2sf) =	vpush v4, $0x7;
	s2 =	sshra.s32 s17, $0x1F;
	s17 =	smul.u32 $0x51EB851F, s1  }
0x646: {  	s20 =	smulhi.u32 $0x51EB851F, s19  }
0x647: {  	s29 =	spop (v2sf);
	s16 =	smul.u32 $0x51EB851F, s2  }
0x648: {  	[smem:$0x7A5] =	sst s21;
	s19 =	sshra.s32 s19, $0x1F;
	s30 =	smulhi.u32 $0x51EB851F, s29  }
0x649: {  	s22 =	spop (v2sf);
	s19 =	smul.u32 $0x51EB851F, s19  }
0x64a: {  	[smem:$0x7A6] =	sst s4;
	vm9 =	vlt.f32 v31, v10;
	s28 =	sshra.s32 s29, $0x1F;
	s23 =	smulhi.u32 $0x51EB851F, s22  }
0x64b: {  	v9 =	vsel vm9, v26, v24;
	s24 =	spop (v2sf);
	s29 =	sshra.s32 s22, $0x1F;
	s22 =	smul.u32 $0x51EB851F, s28  }
0x64c: {  	v11 =	vor.u32 $0x10, v9;
	(v2sf) =	vpush v16, $0x0;
	[smem:$0x7A3] =	sst s30;
	s25 =	smulhi.u32 $0x51EB851F, s24  }
0x64d: {  	v12 =	vadd.s32 v11, v14;
	s28 =	smul.u32 $0x51EB851F, s29;
	s30 =	sshra.s32 s24, $0x1F;
	s31 =	spop (v2sf)  }
0x64e: {  	s11 =	sadd.s32 s3, s6;
	s24 =	smul.u32 $0x51EB851F, s30;
	s29 =	spop (v2sf)  }
0x64f: {  	s30 =	smulhi.u32 $0x51EB851F, s31;
	s0 =	sshra.s32 s31, $0x1F;
	s31 =	spop (v2sf)  }
0x650: {  	s6 =	sadd.s32 s26, s9;
	s4 =	smul.u32 $0x51EB851F, s0;
	s1 =	spop (v2sf)  }
0x651: {  	s26 =	simm.s32 $0x680;
	s2 =	smulhi.u32 $0x51EB851F, s1;
	s0 =	sshra.s32 s1, $0x1F  }
0x652: {  	v12 =	vld.idx.msk [tilespmem:v12+s26+$0x0], $0xffff;
	s0 =	smul.u32 $0x51EB851F, s0;
	s21 =	spop (v2sf)  }
0x653: {  	s20 =	sadd.s32 s19, s20;
	s1 =	smulhi.u32 $0x51EB851F, s21;
	s21 =	sshra.s32 s21, $0x1F  }
0x654: {  	(v2sf) =	vpush v16, $0x1;
	s24 =	sadd.s32 s24, s25;
	s9 =	spop (v2sf);
	s3 =	smul.u32 $0x51EB851F, s21  }
0x655: {  	(v2sf) =	vpush v16, $0x2;
	s21 =	sadd.s32 s16, s18;
	s16 =	sadd.s32 s10, s14;
	s10 =	smulhi.u32 $0x51EB851F, s9  }
0x656: {  	s25 =	sld [smem:$0x7A3];
	s9 =	sshra.s32 s9, $0x1F;
	s14 =	smulhi.u32 $0x51EB851F, s31  }
0x657: {  	s19 =	sadd.s32 s17, s7;
	vm5 =	vlt.f32 v12, v10;
	s31 =	sshra.s32 s31, $0x1F;
	s9 =	smul.u32 $0x51EB851F, s9  }
0x658: {  	s26 =	simm.s32 $0x680;
	v9 =	vsel vm5, v11, v9;
	s18 =	sadd.s32 s0, s2;
	s2 =	smul.u32 $0x51EB851F, s31  }
0x659: {  	vm13 =	vcmask $0x3330;
	s23 =	sadd.s32 s28, s23;
	s7 =	sadd.s32 s22, s25;
	v11 =	vor.u32 $0x8, v9;
	s31 =	smulhi.u32 $0x51EB851F, s5  }
0x65a: {  	v13 =	vsel vm13, s12, v32;
	v12 =	vadd.s32 v11, v14;
	s12 =	sshrl.u32 s21, $0x1F;
	s21 =	sshra.s32 s21, $0x5;
	s1 =	sadd.s32 s3, s1  }
0x65b: {  	s28 =	spop (v2sf);
	s3 =	sadd.s32 s9, s10;
	s10 =	smulhi.u32 $0x51EB851F, s29  }
0x65c: {  	vm7 =	vcmask $0x3B38;
	v19 =	vcombine.low v25, v22;
	s29 =	sshra.s32 s29, $0x1F;
	s9 =	sshra.s32 s5, $0x1F;
	s5 =	smulhi.u32 $0x51EB851F, s28  }
0x65d: {  	v20 =	vcombine.low v29, v27;
	v15 =	vsel vm7, s13, v34;
	(v2sf) =	vpush v16, $0x3;
	s13 =	sshra.s32 s18, $0x1F;
	s17 =	sadd.s32 s2, s14;
	s14 =	smul.u32 $0x51EB851F, s29  }
0x65e: {  	vm3 =	vcmask $0x300;
	v13 =	vsel vm7, s15, v13;
	(v2sf) =	vpush v16, $0x4;
	s15 =	sshrl.u32 s1, $0x1F;
	s0 =	smul.u32 $0x51EB851F, s9;
	s9 =	sadd.s32 s4, s30  }
0x65f: {  	vm4 =	vcmask $0x704;
	vm11 =	vcmask $0xF0C;
	(v2sf) =	vpush v16, $0xC;
	v12 =	vld.idx.msk [tilespmem:v12+s26+$0x0], $0xffff;
	s29 =	sshra.s32 s28, $0x1F;
	s30 =	sld [smem:$0x7A4];
	s4 =	sshrl.u32 s23, $0x1F  }
0x660: {  	vm15 =	vcmask $0x1714;
	(v2sf) =	vpush v16, $0x8;
	s23 =	sshra.s32 s23, $0x5;
	s2 =	smul.u32 $0x51EB851F, s29;
	v17 =	vmov s4;
	s4 =	sshra.s32 s1, $0x5  }
0x661: {  	v23 =	vld [tilespmem:$0x1FFF0];
	vm8 =	vcmask $0x1F1C;
	(v2sf) =	vpush v16, $0xD;
	v21 =	vmov s23;
	s1 =	sshra.s32 s1, $0x1F;
	s23 =	sshrl.u32 s16, $0x1F;
	s14 =	sadd.s32 s14, s10  }
0x662: {  	vm12 =	vcmask $0x2724;
	vm14 =	vcmask $0x2B28;
	(v2sf) =	vpush v16, $0x9;
	s10 =	sadd.s32 s0, s31;
	s0 =	sshrl.u32 s24, $0x1F;
	s24 =	sshra.s32 s24, $0x5  }
0x663: {  	vm10 =	vcmask $0x2F2C;
	v15 =	vperm.xlane v15, v3;
	(v2sf) =	vpush v16, $0x5;
	s31 =	spop (v2sf);
	s8 =	sadd.s32 s8, s30;
	s30 =	simm.s32 $0x680  }
0x664: {  	v19 =	vperm.xlane v19, v2;
	s25 =	smulhi.u32 $0x51EB851F, s31;
	s22 =	sshra.s32 s31, $0x1F;
	s28 =	spop (v2sf);
	(v2sf) =	vpush v16, $0xE;
	vm6 =	vlt.f32 v12, v10  }
0x665: {  	s5 =	sadd.s32 s2, s5;
	v12 =	vperm.xlane v13, v3;
	v13 =	vperm.xlane v20, v2;
	v20 =	vmov s15;
	s15 =	sshra.s32 s11, $0x5;
	s29 =	smul.u32 $0x51EB851F, s22  }
0x666: {  	vm5 =	vnez.u8 v23;
	s31 =	sshra.s32 s28, $0x1F;
	(v2sf) =	vpush v16, $0xA;
	s28 =	smulhi.u32 $0x51EB851F, s28;
	s22 =	sshrl.u32 s20, $0x1F;
	v11 =	vsel vm6, v11, v9  }
0x667: {  	v18 =	vmov s0;
	s20 =	sshra.s32 s20, $0x5;
	s26 =	smul.u32 $0x51EB851F, s31;
	(v2sf) =	vpush v16, $0xF;
	v22 =	vadd.s32 $0x4, v11;
	s31 =	sshra.s32 s17, $0x5  }
0x668: {  	v12 =	vsel vm5, v12, v19;
	v13 =	vsel vm5, v15, v13;
	v19 =	vmov s24;
	s24 =	sshrl.u32 s11, $0x1F;
	s11 =	sshra.s32 s14, $0x5;
	s0 =	sadd.s32 s29, s25  }
0x669: {  	s25 =	sshra.s32 s16, $0x5;
	s29 =	sshra.s32 s3, $0x1F;
	s16 =	sshra.s32 s18, $0x5;
	v15 =	vadd.s32 v22, v14;
	v12 =	vadd.s32 v12, v13;
	v13 =	vsel vm0, s12, v17  }
0x66a: {  	s18 =	sshrl.u32 s18, $0x1F;
	s12 =	sshra.s32 s14, $0x1F;
	v17 =	vsel vm0, s22, v18;
	v18 =	vsel vm0, s21, v21;
	s21 =	sshrl.u32 s14, $0x1F;
	v9 =	vmov s29  }
0x66b: {  	v8 =	vmul.u32 $0x65, v8;
	s22 =	sshrl.u32 s6, $0x1F;
	v19 =	vsel vm0, s20, v19;
	s20 =	sshra.s32 s9, $0x5;
	s2 =	sadd.s32 s26, s28;
	v9 =	vsel vm3, s4, v9  }
0x66c: {  	v20 =	vnsel vm3, $0x0, v20;
	(v2sf) =	vpush v16, $0xB;
	s26 =	sshrl.u32 s19, $0x1F;
	s19 =	sshra.s32 s19, $0x5;
	s29 =	sshra.s32 s17, $0x1F;
	v9 =	vsel vm4, s1, v9  }
0x66d: {  	v12 =	vmul.u32 $0x64, v12;
	v18 =	vsel vm1, s25, v18;
	s25 =	sshra.s32 s7, $0x5;
	s28 =	sshrl.u32 s7, $0x1F;
	s1 =	spop (v2sf);
	v9 =	vsel vm0, s16, v9  }
0x66e: {  	v20 =	vsel vm0, s18, v20;
	s18 =	sshrl.u32 s8, $0x1F;
	s4 =	sshrl.u32 s17, $0x1F;
	v17 =	vsel vm1, s26, v17;
	s16 =	spop (v2sf);
	v9 =	vsel vm11, s13, v9  }
0x66f: {  	s17 =	sshra.s32 s6, $0x5;
	s26 =	sshra.s32 s7, $0x1F;
	v12 =	vsub.s32 v6, v12;
	v6 =	vsel vm1, s23, v13;
	s13 =	spop (v2sf);
	v15 =	vld.idx.msk [tilespmem:v15+s30+$0x0], $0xffff;
	v13 =	vsel vm1, s31, v9  }
0x670: {  	v19 =	vsel vm1, s19, v19;
	s19 =	sshra.s32 s8, $0x1F;
	s23 =	sshrl.u32 s9, $0x1F;
	v9 =	vmul.u32 $0x70, v12;
	s14 =	spop (v2sf);
	v13 =	vsel vm15, s29, v13  }
0x671: {  	vm6 =	vcmask $0x2320;
	v17 =	vsel vm2, s22, v17;
	s22 =	sshrl.u32 s3, $0x1F;
	s31 =	sshra.s32 s9, $0x1F;
	s9 =	spop (v2sf);
	v13 =	vsel vm2, s11, v13  }
0x672: {  	v6 =	vsel vm2, s24, v6;
	s24 =	sshra.s32 s5, $0x5;
	s30 =	sshra.s32 s1, $0x1F;
	v21 =	vadd.s32 $0x3F, v9;
	s11 =	spop (v2sf);
	v13 =	vsel vm8, s12, v13  }
0x673: {  	v20 =	vsel vm1, s4, v20;
	s1 =	smulhi.u32 $0x51EB851F, s1;
	v6 =	vcombine.low v17, v6;
	s29 =	sshra.s32 s8, $0x5;
	s12 =	spop (v2sf);
	v13 =	vsel vm6, s20, v13  }
0x674: {  	vm9 =	vlt.f32 v15, v10;
	s20 =	smul.u32 $0x51EB851F, s30;
	v15 =	vsel vm2, s21, v20;
	s30 =	simm.s32 $0x680;
	v13 =	vsel vm12, s31, v13;
	s31 =	sshra.s32 s3, $0x5  }
0x675: {  	v20 =	vsel vm9, v22, v11;
	v11 =	vsel vm6, s23, v15;
	s23 =	sshra.s32 s10, $0x1F;
	v13 =	vsel vm14, s25, v13;
	s25 =	sshra.s32 s16, $0x1F;
	s16 =	smulhi.u32 $0x51EB851F, s16  }
0x676: {  	v18 =	vsel vm2, s15, v18;
	v19 =	vsel vm2, s17, v19;
	s7 =	spop (v2sf);
	v11 =	vsel vm14, s28, v11;
	s28 =	sshra.s32 s13, $0x1F;
	s13 =	smulhi.u32 $0x51EB851F, s13  }
0x677: {  	v17 =	vcombine.low v19, v18;
	v6 =	vperm.xlane v6, v2;
	s15 =	sadd.s32 s20, s1;
	s8 =	spop (v2sf);
	v15 =	vld.idx.msk [tilespmem:v21+s30+$0x0], $0xffff;
	v21 =	vadd.s32 $0x2, v20;
	s21 =	smul.u32 $0x51EB851F, s25  }
0x678: {  	v13 =	vsel vm10, s26, v13;
	s25 =	sshra.s32 s5, $0x1F;
	s26 =	sshra.s32 s0, $0x5;
	v11 =	vsel vm13, s18, v11;
	s18 =	sshra.s32 s0, $0x1F;
	v14 =	vadd.s32 v21, v14  }
0x679: {  	v17 =	vperm.xlane v17, v2;
	s0 =	sshrl.u32 s0, $0x1F;
	s6 =	spop (v2sf);
	v13 =	vsel vm13, s29, v13;
	vm13 =	vcmask $0x3734;
	s29 =	sshra.s32 s14, $0x1F  }
0x67a: {  	v22 =	vsel vm7, s22, v11;
	v11 =	vmov s23;
	s22 =	sshrl.u32 s5, $0x1F;
	s23 =	sshra.s32 s2, $0x1F;
	s14 =	smulhi.u32 $0x51EB851F, s14;
	v13 =	vsel vm13, s19, v13  }
0x67b: {  	s3 =	spop (v2sf);
	s19 =	sshra.s32 s2, $0x5;
	s4 =	smul.u32 $0x51EB851F, s29;
	v18 =	vsel vm3, s24, v11;
	v22 =	vperm.xlane v22, v3;
	v13 =	vsel vm7, s31, v13  }
0x67c: {  	v11 =	vadd.s32 $0xFFFFFFFF, v9;
	s24 =	sshra.s32 s9, $0x1F;
	s5 =	sadd.s32 s21, s16;
	s9 =	smulhi.u32 $0x51EB851F, s9;
	v13 =	vperm.xlane v13, v3;
	vm7 =	vlt.f32 v15, v7  }
0x67d: {  	s16 =	sshra.s32 s15, $0x5;
	s29 =	sshra.s32 s11, $0x1F;
	s11 =	smulhi.u32 $0x51EB851F, s11;
	v18 =	vsel vm4, s25, v18;
	v6 =	vsel vm5, v22, v6;
	v15 =	vsel vm7, $0x40, v1;
	v14 =	vld.idx.msk [tilespmem:v14+s30+$0x0], $0xffff  }
0x67e: {  	s21 =	sshra.s32 s15, $0x1F;
	s2 =	sshrl.u32 s2, $0x1F;
	s31 =	smul.u32 $0x51EB851F, s28;
	v13 =	vsel vm5, v13, v17;
	v17 =	vsel vm0, s26, v18;
	v19 =	vor.u32 $0x20, v15  }
0x67f: {  	s17 =	smul.u32 $0x51EB851F, s29;
	s25 =	sshra.s32 s8, $0x1F;
	s4 =	sadd.s32 s4, s14;
	v17 =	vsel vm11, s18, v17;
	v6 =	vadd.s32 v6, v13;
	v23 =	vadd.s32 v19, v11  }
0x680: {  	(v2sf) =	vpush v16, $0x6;
	s1 =	smul.u32 $0x51EB851F, s25;
	s29 =	sshrl.u32 s4, $0x1F;
	s4 =	sshra.s32 s4, $0x5;
	v13 =	vsel vm1, s19, v17;
	v6 =	vmul.u32 $0x64, v6  }
0x681: {  	v12 =	vmul.u32 $0x65, v12;
	s13 =	sadd.s32 s31, s13;
	s31 =	sshra.s32 s12, $0x1F;
	s30 =	smul.u32 $0x51EB851F, s24;
	v24 =	vmov s4;
	v13 =	vsel vm15, s23, v13  }
0x682: {  	s28 =	simm.s32 $0x680;
	s18 =	smul.u32 $0x51EB851F, s31;
	s31 =	sld [smem:$0x7AE];
	v13 =	vsel vm2, s16, v13;
	v33 =	vsub.s32 v4, v6;
	vm5 =	vlt.f32 v14, v10  }
0x683: {  	s20 =	sshra.s32 s5, $0x5;
	s12 =	smulhi.u32 $0x51EB851F, s12;
	s23 =	sld [smem:$0x7A5];
	v14 =	vmov s22;
	v4 =	vsel vm8, s21, v13;
	v17 =	vsel vm5, v21, v20  }
0x684: {  	s11 =	sadd.s32 s17, s11;
	s9 =	sadd.s32 s30, s9;
	s22 =	sshrl.u32 s13, $0x1F;
	v13 =	vnsel vm3, $0x0, v14;
	v20 =	vadd.s32 v5, v17;
	v6 =	vld.idx.msk [tilespmem:v23+s28+$0x0], $0xffff;
	v5 =	vmul.u32 $0x70, v33  }
0x685: {  	s24 =	sshra.s32 s7, $0x1F;
	s25 =	sshrl.u32 s9, $0x1F;
	s26 =	sadd.s32 $0x20, s31;
	v14 =	vsel vm6, s20, v4;
	v18 =	vmov s22;
	v21 =	vmov s29  }
0x686: {  	s13 =	sshra.s32 s13, $0x5;
	s23 =	sadd.s32 $0x20, s23;
	s20 =	sshra.s32 s5, $0x1F;
	vm3 =	vcmask $0x3330;
	v13 =	vsel vm0, s0, v13;
	v22 =	vadd.s32 $0x3F, v5  }
0x687: {  	s22 =	smulhi.u32 $0x51EB851F, s8;
	s29 =	sshrl.u32 s11, $0x1F;
	s30 =	sadd.s32 $0x10, s23;
	v23 =	vmov s13;
	v14 =	vsel vm12, s20, v14;
	v25 =	vsel vm0, s25, v18  }
0x688: {  	s31 =	smul.u32 $0x51EB851F, s24;
	s24 =	sadd.s32 s18, s12;
	v21 =	vsel vm0, s29, v21;
	v13 =	vsel vm1, s2, v13;
	v4 =	vor.u32 s30, v0;
	s30 =	sshrl.u32 s15, $0x1F  }
0x689: {  	s7 =	smulhi.u32 $0x51EB851F, s7;
	s0 =	sadd.s32 s1, s22;
	s1 =	sshra.s32 s24, $0x5;
	v13 =	vsel vm2, s30, v13;
	vm7 =	vlt.f32 v6, v7;
	v6 =	vor.u32 s23, v0  }
0x68a: {  	s17 =	simm.s32 $0x680;
	s9 =	sshra.s32 s9, $0x5;
	s13 =	simm.s32 $0x680;
	v18 =	vld [tilespmem:s26+$0x0];
	v14 =	vsel vm14, s1, v14;
	v15 =	vsel vm7, v19, v15;
	(v2sf) =	vpush v6, $0x7  }
0x68b: {  	s19 =	sshra.s32 s6, $0x1F;
	s11 =	sshra.s32 s11, $0x5;
	s28 =	sadd.s32 s31, s7;
	v19 =	vor.u32 $0x10, v15;
	v26 =	vld.idx.msk [tilespmem:v22+s13+$0x0], $0xffff;
	v22 =	vsel vm0, s9, v23;
	(v2sf) =	vpush v4, $0xF  }
0x68c: {  	s6 =	smulhi.u32 $0x51EB851F, s6;
	s14 =	sshrl.u32 s28, $0x1F;
	s15 =	sshrl.u32 s0, $0x1F;
	v23 =	vsel vm0, s11, v24;
	v24 =	vadd.s32 v19, v11;
	(v2sf) =	vpush v4, $0xB  }
0x68d: {  	s18 =	sshra.s32 s24, $0x1F;
	s5 =	sshrl.u32 s5, $0x1F;
	s31 =	smul.u32 $0x51EB851F, s19;
	v25 =	vsel vm1, s14, v25;
	v21 =	vsel vm1, s15, v21;
	(v2sf) =	vpush v4, $0x6  }
0x68e: {  	s12 =	sshra.s32 s3, $0x1F;
	s3 =	smulhi.u32 $0x51EB851F, s3;
	s24 =	sshrl.u32 s24, $0x1F;
	v13 =	vsel vm6, s5, v13;
	v28 =	vsel vm10, s18, v14;
	v20 =	vld.idx.msk [tilespmem:v20+s13+$0x0], $0xffff;
	(v2sf) =	vpush v4, $0xE  }
0x68f: {  	s4 =	sshra.s32 s28, $0x5;
	s6 =	sadd.s32 s31, s6;
	s31 =	sld [smem:$0x7A6];
	v14 =	vadd.s32 $0xFFFFFFFF, v5;
	v32 =	vsel vm14, s24, v13;
	(v2sf) =	vpush v4, $0xA  }
0x690: {  	s16 =	spop (v2sf);
	s2 =	smul.u32 $0x51EB851F, s12;
	s0 =	sshra.s32 s0, $0x5;
	v27 =	vsel vm1, s4, v22;
	vm12 =	vlt.f32 v26, v18;
	(v2sf) =	vpush v4, $0xD  }
0x691: {  	s19 =	sshra.s32 s16, $0x1F;
	s25 =	smulhi.u32 $0x51EB851F, s16;
	s20 =	sshrl.u32 s6, $0x1F;
	v23 =	vsel vm1, s0, v23;
	v13 =	vld.idx.msk [tilespmem:v24+s17+$0x0], $0xffff;
	v24 =	vsel vm12, $0x40, v1;
	(v2sf) =	vpush v4, $0x9  }
0x692: {  	s30 =	rddreg [dreg:$0x5];
	s2 =	sadd.s32 s2, s3;
	v22 =	vsel vm2, s20, v25;
	s4 =	sadd.s32 $0x2, s31;
	v26 =	vor.u32 $0x20, v24;
	(v2sf) =	vpush v4, $0x5  }
0x693: {  	s22 =	smul.u32 $0x51EB851F, s19;
	s21 =	sshrl.u32 s2, $0x1F;
	p5 =	slt.u32 s4, s30;
	vm14 =	vlt.f32 v20, v10;
	v10 =	vadd.s32 v26, v14;
	(v2sf) =	vpush v4, $0xC  }
.Ltmp21:
0x694: {  	s1 =	sld [smem:$0x7AD];
	s28 =	sshra.s32 s6, $0x5;
	v25 =	vsel vm2, s21, v21;
	v21 =	vsel vm14, $0x1, v1;
	(v2sf) =	vpush v4, $0x8;
	(pc) =	sbr.rel @!p5 .LBB2_23-.Ltmp21, $4  }
0x695: {  	s0 =	sadd.s32 s22, s25;
	v27 =	vsel vm2, s28, v27;
	v8 =	vadd.s32 v21, v8;
	(v2sf) =	vpush v4, $0x4  }
0x696: {  	p3 =	por $0x1, $0x1;
	s29 =	sshra.s32 s0, $0x5;
	v8 =	vadd.s32 v17, v8;
	vm15 =	vlt.f32 v13, v7;
	(v2sf) =	vpush v4, $0x3  }
0x697: {  	s2 =	sshra.s32 s2, $0x5;
	s12 =	sshrl.u32 s0, $0x1F;
	s0 =	sshra.s32 s0, $0x1F;
	v20 =	vsel vm3, s29, v28;
	[tilespmem:s1+$0x0] =	vst v8;
	v13 =	vsel vm15, v19, v15;
	v15 =	vld [tilespmem:s26+$0xFFFFFFF0];
	(v2sf) =	vpush v4, $0x2  }
0x698: {  	s15 =	sshrl.u32 s10, $0x1F;
	s13 =	sshra.s32 s10, $0x5;
	v29 =	vsel vm2, s2, v23;
	v34 =	vsel vm13, s0, v20;
	v31 =	vld.idx.msk [tilespmem:v10+s17+$0x0], $0xffff;
	(v2sf) =	vpush v4, $0x1;
	[smem:$0x7AB] =	sst s26  }
0x699: {  	s2 =	spop (v2sf)  }
0x69a: {  	s0 =	spop (v2sf)  }
0x69b: {  	s3 =	spop (v2sf);
	s6 =	smulhi.u32 $0x51EB851F, s0  }
0x69c: {  	s0 =	sshra.s32 s0, $0x1F;
	s9 =	smulhi.u32 $0x51EB851F, s3  }
0x69d: {  	s5 =	spop (v2sf);
	s0 =	smul.u32 $0x51EB851F, s0;
	s3 =	sshra.s32 s3, $0x1F  }
0x69e: {  	s10 =	spop (v2sf);
	s3 =	smul.u32 $0x51EB851F, s3  }
0x69f: {  	s11 =	smulhi.u32 $0x51EB851F, s10;
	s14 =	spop (v2sf)  }
0x6a0: {  	s10 =	sshra.s32 s10, $0x1F;
	s8 =	smulhi.u32 $0x51EB851F, s14  }
0x6a1: {  	s16 =	spop (v2sf);
	s10 =	smul.u32 $0x51EB851F, s10  }
0x6a2: {  	s14 =	sshra.s32 s14, $0x1F;
	s17 =	smulhi.u32 $0x51EB851F, s16  }
0x6a3: {  	vm9 =	vlt.f32 v31, v18;
	s18 =	spop (v2sf);
	s14 =	smul.u32 $0x51EB851F, s14  }
0x6a4: {  	[smem:$0x7A1] =	sst s23;
	v8 =	vsel vm9, v26, v24;
	(v2sf) =	vpush v4, $0x0;
	s16 =	sshra.s32 s16, $0x1F;
	s19 =	smulhi.u32 $0x51EB851F, s18  }
0x6a5: {  	v10 =	vor.u32 $0x10, v8;
	s20 =	spop (v2sf);
	s16 =	smul.u32 $0x51EB851F, s16  }
0x6a6: {  	[smem:$0x7A2] =	sst s4;
	(v2sf) =	vpush v4, $0x7;
	v17 =	vadd.s32 v10, v14;
	s18 =	sshra.s32 s18, $0x1F;
	s7 =	smulhi.u32 $0x51EB851F, s20  }
0x6a7: {  	s9 =	sadd.s32 s3, s9;
	s21 =	spop (v2sf);
	s18 =	smul.u32 $0x51EB851F, s18  }
0x6a8: {  	[smem:$0x7A0] =	sst s9;
	s20 =	sshra.s32 s20, $0x1F;
	s23 =	smulhi.u32 $0x51EB851F, s21  }
0x6a9: {  	s3 =	simm.s32 $0x680;
	s22 =	spop (v2sf);
	s26 =	smul.u32 $0x51EB851F, s20  }
0x6aa: {  	s21 =	sshra.s32 s21, $0x1F;
	s24 =	smulhi.u32 $0x51EB851F, s22;
	s25 =	spop (v2sf)  }
0x6ab: {  	s20 =	smul.u32 $0x51EB851F, s21;
	s29 =	sshra.s32 s22, $0x1F;
	s28 =	spop (v2sf);
	v17 =	vld.idx.msk [tilespmem:v17+s3+$0x0], $0xffff  }
0x6ac: {  	s29 =	smul.u32 $0x51EB851F, s29;
	s31 =	spop (v2sf)  }
0x6ad: {  	s30 =	smulhi.u32 $0x51EB851F, s31;
	s21 =	sshra.s32 s31, $0x1F  }
0x6ae: {  	(v2sf) =	vpush v6, $0x0;
	s1 =	spop (v2sf);
	s31 =	smul.u32 $0x51EB851F, s21  }
0x6af: {  	s4 =	smulhi.u32 $0x51EB851F, s1;
	s21 =	sshra.s32 s1, $0x1F  }
0x6b0: {  	s6 =	sadd.s32 s0, s6;
	s0 =	smul.u32 $0x51EB851F, s21;
	vm5 =	vlt.f32 v17, v18  }
0x6b1: {  	(v2sf) =	vpush v6, $0x1;
	s21 =	sadd.s32 s16, s17;
	s17 =	sadd.s32 s20, s23;
	s23 =	sadd.s32 s29, s24;
	v8 =	vsel vm5, v10, v8;
	vm5 =	vcmask $0x3330  }
0x6b2: {  	(v2sf) =	vpush v6, $0x2;
	s20 =	smulhi.u32 $0x51EB851F, s2;
	s24 =	sshra.s32 s2, $0x1F;
	v19 =	vsel vm5, s12, v32;
	s12 =	sshrl.u32 s23, $0x1F  }
0x6b3: {  	v23 =	vmov s12;
	s12 =	smul.u32 $0x51EB851F, s24;
	s22 =	spop (v2sf)  }
0x6b4: {  	s1 =	smulhi.u32 $0x51EB851F, s22;
	s9 =	sshra.s32 s22, $0x1F  }
0x6b5: {  	(v2sf) =	vpush v6, $0x3;
	s22 =	spop (v2sf);
	s3 =	smul.u32 $0x51EB851F, s9  }
0x6b6: {  	(v2sf) =	vpush v6, $0x4;
	s2 =	sadd.s32 s26, s7;
	s9 =	sadd.s32 s10, s11;
	s11 =	smulhi.u32 $0x51EB851F, s22  }
0x6b7: {  	vm7 =	vcmask $0x3B38;
	s16 =	sshra.s32 s22, $0x1F;
	s22 =	sadd.s32 s18, s19;
	s18 =	smulhi.u32 $0x51EB851F, s25  }
0x6b8: {  	v22 =	vcombine.low v25, v22;
	v20 =	vsel vm7, s13, v34;
	s13 =	sshra.s32 s17, $0x5;
	s19 =	sadd.s32 s31, s30;
	s31 =	smulhi.u32 $0x51EB851F, s5  }
0x6b9: {  	v25 =	vcombine.low v29, v27;
	vm15 =	vcmask $0x300;
	vm4 =	vcmask $0x704;
	s26 =	sshra.s32 s23, $0x5;
	s10 =	sadd.s32 s0, s4;
	s16 =	smul.u32 $0x51EB851F, s16  }
0x6ba: {  	v29 =	vld [tilespmem:$0x1FFF0];
	vm11 =	vcmask $0xF0C;
	(v2sf) =	vpush v6, $0xC;
	v10 =	vor.u32 $0x8, v8;
	s30 =	sshrl.u32 s6, $0x1F;
	s0 =	sadd.s32 s3, s1;
	s1 =	smulhi.u32 $0x51EB851F, s28  }
0x6bb: {  	vm13 =	vcmask $0x1714;
	vm8 =	vcmask $0x1F1C;
	v17 =	vadd.s32 v10, v14;
	s3 =	sadd.s32 s16, s11;
	s16 =	sadd.s32 s14, s8;
	s14 =	sshra.s32 s28, $0x1F  }
0x6bc: {  	vm12 =	vcmask $0x2724;
	v20 =	vperm.xlane v20, v3;
	v22 =	vperm.xlane v22, v2;
	s24 =	sshrl.u32 s22, $0x1F;
	s22 =	sshra.s32 s22, $0x5;
	s4 =	smul.u32 $0x51EB851F, s14  }
0x6bd: {  	(v2sf) =	vpush v6, $0x8;
	v28 =	vmov s26;
	v19 =	vsel vm7, s15, v19;
	s23 =	sshra.s32 s9, $0x5;
	s26 =	sshrl.u32 s10, $0x1F;
	s7 =	spop (v2sf)  }
0x6be: {  	v25 =	vperm.xlane v25, v2;
	(v2sf) =	vpush v6, $0xD;
	v19 =	vperm.xlane v19, v3;
	s28 =	sshra.s32 s25, $0x1F;
	s25 =	sshra.s32 s10, $0x5;
	s11 =	sadd.s32 s4, s1  }
0x6bf: {  	vm3 =	vcmask $0x2B28;
	vm14 =	vnez.u8 v29;
	(v2sf) =	vpush v6, $0x9;
	s4 =	sshra.s32 s5, $0x1F;
	s5 =	sshrl.u32 s17, $0x1F;
	s17 =	simm.s32 $0x680  }
0x6c0: {  	v20 =	vsel vm14, v20, v25;
	(v2sf) =	vpush v6, $0x5;
	v19 =	vsel vm14, v19, v22;
	s29 =	smul.u32 $0x51EB851F, s28;
	s14 =	spop (v2sf);
	s28 =	sshrl.u32 s0, $0x1F;
	v17 =	vld.idx.msk [tilespmem:v17+s17+$0x0], $0xffff  }
0x6c1: {  	(v2sf) =	vpush v6, $0xE;
	v19 =	vadd.s32 v19, v20;
	s15 =	sshra.s32 s3, $0x1F;
	s8 =	spop (v2sf);
	v27 =	vmov s28;
	s28 =	sshra.s32 s16, $0x5  }
0x6c2: {  	v24 =	vmov s13;
	(v2sf) =	vpush v6, $0xA;
	v19 =	vmul.u32 $0x64, v19;
	s18 =	sadd.s32 s29, s18;
	s29 =	sshra.s32 s0, $0x5;
	s0 =	sshra.s32 s0, $0x1F  }
0x6c3: {  	v26 =	vmov s15;
	v27 =	vnsel vm15, $0x0, v27;
	s1 =	smul.u32 $0x51EB851F, s4;
	v21 =	vmov s5;
	s4 =	sshrl.u32 s9, $0x1F;
	s5 =	sadd.s32 s12, s20  }
0x6c4: {  	v23 =	vsel vm0, s24, v23;
	v26 =	vsel vm15, s29, v26;
	s20 =	sshrl.u32 s16, $0x1F;
	s16 =	spop (v2sf);
	s29 =	sshra.s32 s19, $0x1F;
	v27 =	vsel vm0, s26, v27  }
0x6c5: {  	s24 =	sshrl.u32 s11, $0x1F;
	s26 =	sshra.s32 s2, $0x5;
	s15 =	spop (v2sf);
	v22 =	vsel vm4, s0, v26;
	vm6 =	vlt.f32 v17, v18;
	v17 =	vor.u32 $0x8, v13  }
0x6c6: {  	s0 =	sshra.s32 s11, $0x5;
	s17 =	sadd.s32 s1, s31;
	s31 =	sshra.s32 s10, $0x1F;
	v22 =	vsel vm0, s25, v22;
	v8 =	vsel vm6, v10, v8;
	v10 =	vadd.s32 v17, v11  }
0x6c7: {  	v23 =	vsel vm1, s20, v23;
	s20 =	sshra.s32 s18, $0x5;
	s1 =	sshrl.u32 s21, $0x1F;
	v22 =	vsel vm11, s31, v22;
	s31 =	sld [smem:$0x7A0];
	v20 =	vadd.s32 $0x4, v8  }
0x6c8: {  	v19 =	vsub.s32 v16, v19;
	v26 =	vsel vm0, s22, v28;
	s21 =	sshra.s32 s21, $0x5;
	s10 =	sshra.s32 s19, $0x5;
	s19 =	sshrl.u32 s19, $0x1F;
	v25 =	vadd.s32 v20, v14  }
0x6c9: {  	v16 =	vmul.u32 $0x70, v19;
	s12 =	spop (v2sf);
	s25 =	sshra.s32 s18, $0x1F;
	v26 =	vsel vm1, s28, v26;
	s28 =	sshra.s32 s2, $0x1F;
	v21 =	vsel vm0, s1, v21  }
0x6ca: {  	vm10 =	vcmask $0x2F2C;
	v24 =	vsel vm0, s21, v24;
	v21 =	vsel vm1, s4, v21;
	s21 =	sshrl.u32 s31, $0x1F;
	s4 =	sshra.s32 s31, $0x5;
	s31 =	simm.s32 $0x680  }
0x6cb: {  	(v2sf) =	vpush v6, $0xF;
	v28 =	vadd.s32 $0x3F, v16;
	s1 =	sshra.s32 s6, $0x5;
	s6 =	sshra.s32 s11, $0x1F;
	s11 =	sshra.s32 s7, $0x1F;
	v22 =	vsel vm1, s10, v22;
	v10 =	vld.idx.msk [tilespmem:v10+s31+$0x0], $0xffff  }
0x6cc: {  	s2 =	sshrl.u32 s2, $0x1F;
	s13 =	spop (v2sf);
	v27 =	vsel vm1, s19, v27;
	s22 =	smul.u32 $0x51EB851F, s11;
	v24 =	vsel vm1, s23, v24;
	v22 =	vsel vm13, s29, v22  }
0x6cd: {  	s9 =	spop (v2sf);
	v27 =	vsel vm2, s24, v27;
	s24 =	sshra.s32 s8, $0x1F;
	s8 =	smulhi.u32 $0x51EB851F, s8;
	v21 =	vsel vm2, s30, v21;
	v22 =	vsel vm2, s0, v22;
	v25 =	vld.idx.msk [tilespmem:v25+s31+$0x0], $0xffff  }
0x6ce: {  	s19 =	sshra.s32 s14, $0x1F;
	s10 =	spop (v2sf);
	s29 =	smulhi.u32 $0x51EB851F, s7;
	v24 =	vsel vm2, s1, v24;
	vm6 =	vcmask $0x2320;
	v22 =	vsel vm8, s6, v22  }
0x6cf: {  	s23 =	sshrl.u32 s18, $0x1F;
	s1 =	smul.u32 $0x51EB851F, s19;
	s11 =	spop (v2sf);
	v23 =	vsel vm2, s21, v23;
	v26 =	vsel vm2, s4, v26;
	vm8 =	vcmask $0x3734  }
0x6d0: {  	s21 =	sshrl.u32 s17, $0x1F;
	v22 =	vsel vm6, s20, v22;
	s20 =	smulhi.u32 $0x51EB851F, s14;
	v21 =	vcombine.low v23, v21;
	s31 =	simm.s32 $0x680;
	vm9 =	vlt.f32 v10, v7  }
0x6d1: {  	s4 =	sshra.s32 s17, $0x1F;
	v23 =	vcombine.low v26, v24;
	v22 =	vsel vm12, s25, v22;
	s25 =	sshra.s32 s17, $0x5;
	s17 =	sadd.s32 s22, s29;
	v10 =	vld.idx.msk [tilespmem:v28+s31+$0x0], $0xffff;
	v28 =	vsel vm9, v17, v13  }
0x6d2: {  	s29 =	sshra.s32 s5, $0x1F;
	v22 =	vsel vm3, s26, v22;
	s14 =	sadd.s32 s1, s20;
	s1 =	smul.u32 $0x51EB851F, s24;
	vm9 =	vlt.f32 v25, v18;
	v25 =	vadd.s32 $0x4, v28  }
0x6d3: {  	s18 =	spop (v2sf);
	v24 =	vmov s29;
	s29 =	sshra.s32 s13, $0x1F;
	s13 =	smulhi.u32 $0x51EB851F, s13;
	v8 =	vsel vm9, v20, v8;
	v20 =	vadd.s32 v25, v11  }
0x6d4: {  	s6 =	spop (v2sf);
	v22 =	vsel vm10, s28, v22;
	s28 =	sshra.s32 s15, $0x1F;
	s15 =	smulhi.u32 $0x51EB851F, s15;
	v17 =	vsel vm6, s23, v27;
	v27 =	vadd.s32 $0x2, v8  }
0x6d5: {  	s20 =	sshra.s32 s17, $0x5;
	v21 =	vperm.xlane v21, v2;
	v22 =	vsel vm5, s25, v22;
	s25 =	sshra.s32 s16, $0x1F;
	s16 =	smulhi.u32 $0x51EB851F, s16;
	v14 =	vadd.s32 v27, v14  }
0x6d6: {  	s24 =	sshra.s32 s17, $0x1F;
	v23 =	vperm.xlane v23, v2;
	v24 =	vsel vm15, s20, v24;
	s8 =	sadd.s32 s1, s8;
	s1 =	smul.u32 $0x51EB851F, s28;
	v17 =	vsel vm3, s2, v17  }
0x6d7: {  	s22 =	sshrl.u32 s3, $0x1F;
	s3 =	sshra.s32 s3, $0x5;
	v24 =	vsel vm4, s24, v24;
	s24 =	smul.u32 $0x51EB851F, s29;
	v17 =	vsel vm5, s21, v17;
	vm9 =	vlt.f32 v10, v15  }
0x6d8: {  	s26 =	sld [smem:$0x7AB];
	s28 =	sshra.s32 s10, $0x1F;
	s10 =	smulhi.u32 $0x51EB851F, s10;
	v10 =	vsel vm8, s4, v22;
	v22 =	vsel vm7, s22, v17;
	v29 =	vsel vm9, $0x40, v1;
	v20 =	vld.idx.msk [tilespmem:v20+s31+$0x0], $0xffff  }
0x6d9: {  	s17 =	sshrl.u32 s17, $0x1F;
	s29 =	sshra.s32 s11, $0x1F;
	s11 =	smulhi.u32 $0x51EB851F, s11;
	v17 =	vadd.s32 $0xFFFFFFFF, v16;
	v10 =	vsel vm7, s3, v10;
	v26 =	vor.u32 $0x20, v29  }
0x6da: {  	s19 =	sshra.s32 s14, $0x5;
	s21 =	sshra.s32 s12, $0x1F;
	s12 =	smulhi.u32 $0x51EB851F, s12;
	v22 =	vperm.xlane v22, v3;
	v10 =	vperm.xlane v10, v3;
	v30 =	vadd.s32 v26, v17;
	v14 =	vld.idx.msk [tilespmem:v14+s31+$0x0], $0xffff  }
0x6db: {  	(v2sf) =	vpush v6, $0xB;
	s20 =	sshra.s32 s8, $0x1F;
	v24 =	vsel vm0, s19, v24;
	s19 =	sshra.s32 s6, $0x1F;
	s21 =	smul.u32 $0x51EB851F, s21  }
0x6dc: {  	(v2sf) =	vpush v6, $0x6;
	s6 =	smulhi.u32 $0x51EB851F, s6;
	s13 =	sadd.s32 s24, s13;
	s4 =	sshra.s32 s14, $0x1F;
	v21 =	vsel vm14, v22, v21;
	v10 =	vsel vm14, v10, v23  }
0x6dd: {  	s2 =	smul.u32 $0x51EB851F, s25;
	s22 =	sshra.s32 s8, $0x5;
	s12 =	sadd.s32 s21, s12;
	v22 =	vsel vm11, s4, v24;
	v10 =	vadd.s32 v21, v10;
	vm7 =	vlt.f32 v20, v7  }
0x6de: {  	s25 =	sshra.s32 s9, $0x1F;
	s9 =	smulhi.u32 $0x51EB851F, s9;
	s24 =	sshrl.u32 s12, $0x1F;
	v22 =	vsel vm1, s22, v22;
	v10 =	vmul.u32 $0x64, v10;
	v21 =	vsel vm7, v25, v28  }
0x6df: {  	s26 =	sadd.s32 $0x20, s26;
	s2 =	sadd.s32 s2, s16;
	s16 =	smul.u32 $0x51EB851F, s25;
	v23 =	vld.idx.msk [tilespmem:v30+s31+$0x0], $0xffff;
	v28 =	vmov s24;
	vm14 =	vlt.f32 v14, v18;
	v14 =	vmov s17  }
0x6e0: {  	s23 =	sshra.s32 s2, $0x5;
	s14 =	sshrl.u32 s14, $0x1F;
	s8 =	sshrl.u32 s8, $0x1F;
	v24 =	vadd.s32 $0x2, v21;
	v20 =	vsel vm14, v27, v8;
	v8 =	vsub.s32 v4, v10  }
0x6e1: {  	s3 =	sadd.s32 s1, s15;
	s21 =	smul.u32 $0x51EB851F, s28;
	s28 =	sld [smem:$0x7A1];
	v4 =	vsel vm13, s20, v22;
	v10 =	vadd.s32 v24, v11;
	v14 =	vnsel vm15, $0x0, v14  }
0x6e2: {  	s15 =	sshra.s32 s18, $0x1F;
	s1 =	smul.u32 $0x51EB851F, s29;
	s4 =	sshra.s32 s2, $0x1F;
	vm15 =	vcmask $0x1F1C;
	v25 =	vadd.s32 v5, v20;
	v4 =	vsel vm2, s23, v4  }
0x6e3: {  	s29 =	sshrl.u32 s13, $0x1F;
	s15 =	smul.u32 $0x51EB851F, s15;
	s12 =	sshra.s32 s12, $0x5;
	v5 =	vmul.u32 $0x70, v8;
	v14 =	vsel vm0, s14, v14;
	v4 =	vsel vm15, s4, v4  }
0x6e4: {  	s1 =	sadd.s32 s1, s11;
	s22 =	sshra.s32 s3, $0x5;
	s25 =	sadd.s32 $0x20, s28;
	vm7 =	vlt.f32 v23, v15;
	v23 =	vmov s29;
	v14 =	vsel vm1, s8, v14  }
0x6e5: {  	s28 =	smulhi.u32 $0x51EB851F, s18;
	s14 =	sadd.s32 $0x10, s25;
	s4 =	sadd.s32 s16, s9;
	v22 =	vadd.s32 $0x3F, v5;
	v27 =	vsel vm6, s22, v4;
	v29 =	vsel vm7, v26, v29  }
0x6e6: {  	s24 =	smul.u32 $0x51EB851F, s19;
	s29 =	sshra.s32 s3, $0x1F;
	v4 =	vor.u32 s14, v0;
	v26 =	vmov s12;
	s18 =	sshrl.u32 s4, $0x1F;
	v31 =	vor.u32 $0x10, v29  }
0x6e7: {  	s13 =	sshra.s32 s13, $0x5;
	s10 =	sadd.s32 s21, s10;
	s23 =	sshra.s32 s1, $0x5;
	v63 =	vsel vm0, s18, v28;
	v28 =	vor.u32 s25, v0;
	v30 =	vld.idx.msk [tilespmem:v10+s31+$0x0], $0xffff;
	v10 =	vsel vm12, s29, v27  }
0x6e8: {  	s8 =	sadd.s32 s15, s28;
	s28 =	sshra.s32 s10, $0x5;
	s22 =	sadd.s32 s24, s6;
	v27 =	vmov s13;
	v62 =	vadd.s32 v31, v17;
	(v2sf) =	vpush v28, $0x7  }
0x6e9: {  	s0 =	spop (v2sf);
	s2 =	sshrl.u32 s2, $0x1F;
	s15 =	sshra.s32 s22, $0x5;
	v35 =	vsel vm3, s23, v10;
	v10 =	vld [tilespmem:s26+$0x0];
	v27 =	vsel vm0, s28, v27;
	(v2sf) =	vpush v4, $0xF  }
0x6ea: {  	s7 =	spop (v2sf);
	s19 =	sshrl.u32 s10, $0x1F;
	v14 =	vsel vm2, s2, v14;
	s21 =	sshra.s32 s4, $0x5;
	(v2sf) =	vpush v4, $0xB;
	v39 =	vsel vm1, s15, v27;
	v27 =	vld.idx.msk [tilespmem:v25+s31+$0x0], $0xffff  }
0x6eb: {  	s17 =	sshra.s32 s0, $0x1F;
	v23 =	vsel vm0, s19, v23;
	s12 =	sshrl.u32 s3, $0x1F;
	v26 =	vsel vm0, s21, v26;
	s11 =	sshrl.u32 s22, $0x1F;
	v22 =	vld.idx.msk [tilespmem:v22+s31+$0x0], $0xffff;
	(v2sf) =	vpush v4, $0x6  }
0x6ec: {  	s0 =	smulhi.u32 $0x51EB851F, s0;
	s20 =	sshra.s32 s7, $0x1F;
	s14 =	sshra.s32 s8, $0x5;
	v36 =	vsel vm6, s12, v14;
	v23 =	vsel vm1, s11, v23;
	(v2sf) =	vpush v4, $0xE  }
0x6ed: {  	s10 =	smul.u32 $0x51EB851F, s20;
	s16 =	sshra.s32 s1, $0x1F;
	s1 =	sshrl.u32 s1, $0x1F;
	v37 =	vsel vm1, s14, v26;
	vm12 =	vlt.f32 v30, v7;
	v14 =	vld.idx.msk [tilespmem:v62+s31+$0x0], $0xffff;
	(v2sf) =	vpush v4, $0xA  }
0x6ee: {  	s24 =	smul.u32 $0x51EB851F, s17;
	v32 =	vsel vm3, s1, v36;
	v21 =	vsel vm12, v24, v21;
	(v2sf) =	vpush v4, $0xD  }
0x6ef: {  	s19 =	spop (v2sf);
	s22 =	sld [smem:$0x7A2];
	v35 =	vsel vm10, s16, v35;
	v38 =	vadd.s32 v9, v21;
	(v2sf) =	vpush v4, $0x9  }
0x6f0: {  	s20 =	sshra.s32 s19, $0x1F;
	s4 =	smulhi.u32 $0x51EB851F, s19;
	vm15 =	vlt.f32 v27, v18;
	vm13 =	vlt.f32 v22, v10;
	(v2sf) =	vpush v4, $0x5  }
0x6f1: {  	s21 =	rddreg [dreg:$0x5];
	s3 =	smul.u32 $0x51EB851F, s20;
	v27 =	vmul.u32 $0x65, v33;
	v24 =	vsel vm13, $0x40, v1;
	(v2sf) =	vpush v4, $0xC  }
0x6f2: {  	s13 =	smulhi.u32 $0x51EB851F, s7;
	s0 =	sadd.s32 s24, s0;
	s6 =	sadd.s32 $0x2, s22;
	vm14 =	vlt.f32 v14, v15;
	v26 =	vor.u32 $0x20, v24;
	v14 =	vadd.s32 $0xFFFFFFFF, v5  }
0x6f3: {  	s23 =	sld [smem:$0x7AD];
	s3 =	sadd.s32 s3, s4;
	p5 =	slt.u32 s6, s21;
	v30 =	vsel vm14, v31, v29;
	v29 =	vadd.s32 v26, v14;
	v31 =	vsel vm15, $0x1, v1  }
.Ltmp22:
0x6f4: {  	s2 =	sadd.s32 s10, s13;
	s24 =	sshra.s32 s3, $0x5;
	v18 =	vmul.u32 $0x65, v19;
	(v2sf) =	vpush v4, $0x8;
	v19 =	vadd.s32 v31, v27;
	(pc) =	sbr.rel @!p5 .LBB2_25-.Ltmp22, $4  }
0x6f5: {  	p4 =	por $0x1, $0x1;
	s29 =	sshrl.u32 s8, $0x1F;
	s18 =	sshrl.u32 s2, $0x1F;
	(v2sf) =	vpush v4, $0x4;
	v19 =	vadd.s32 v20, v19;
	v20 =	vsel vm5, s24, v35  }
0x6f6: {  	v34 =	vsel vm1, s29, v63;
	s17 =	sshrl.u32 s0, $0x1F;
	s0 =	sshra.s32 s0, $0x5;
	s15 =	sshrl.u32 s5, $0x1F;
	v25 =	vsel vm2, s18, v23;
	v33 =	vld [tilespmem:s26+$0xFFFFFFF0];
	(v2sf) =	vpush v4, $0x3  }
0x6f7: {  	s28 =	sshra.s32 s2, $0x5;
	s29 =	sshra.s32 s3, $0x1F;
	s30 =	sadd.s32 $0x80, s23;
	v22 =	vsel vm2, s17, v34;
	v23 =	vld.idx.msk [tilespmem:v38+s31+$0x0], $0xffff;
	v27 =	vsel vm2, s0, v37;
	(v2sf) =	vpush v4, $0x2  }
0x6f8: {  	s13 =	sshra.s32 s5, $0x5;
	s12 =	sshrl.u32 s3, $0x1F;
	s3 =	smov.u32 s23;
	[tilespmem:s30+$0x0] =	vst v19;
	(v2sf) =	vpush v4, $0x1;
	v34 =	vsel vm8, s29, v20;
	v31 =	vld.idx.msk [tilespmem:v29+s31+$0x0], $0xffff;
	v29 =	vsel vm2, s28, v39;
	v19 =	vmovc v7;
	v20 =	vmovc v12  }
.LBB2_26:
0x6f9: {  	s0 =	rddreg [dreg:$0x5]  }
0x6fa: {  	s5 =	spop (v2sf);
	s21 =	smov.u32 s30;
	[dreg:$0xb] =	wrdreg s0  }
0x6fb: {  	s6 =	sadd.s32 $0x2, s6;
	s1 =	smulhi.u32 $0x51EB851F, s5;
	[dreg:$0x7] =	wrdreg s21  }
0x6fc: {  	s7 =	spop (v2sf);
	[dreg:$0x9] =	wrdreg s6  }
0x6fd: {  	s0 =	sshra.s32 s5, $0x1F;
	s8 =	smulhi.u32 $0x51EB851F, s7;
	s17 =	spop (v2sf)  }
0x6fe: {  	[dreg:$0xf] =	wrdreg s0;
	s0 =	sshra.s32 s7, $0x1F;
	s9 =	smulhi.u32 $0x51EB851F, s17  }
0x6ff: {  	[dreg:$0xd] =	wrdreg s1;
	s6 =	smul.u32 $0x51EB851F, s0;
	s5 =	sshra.s32 s17, $0x1F  }
0x700: {  	[smem:$0x792] =	sst s8;
	s5 =	smul.u32 $0x51EB851F, s5  }
0x701: {  	(v2sf) =	vpush v4, $0x0;
	[smem:$0x793] =	sst s9;
	s9 =	spop (v2sf)  }
0x702: {  	s10 =	smulhi.u32 $0x51EB851F, s9;
	s20 =	spop (v2sf)  }
0x703: {  	vm5 =	vcmask $0x3330;
	(v2sf) =	vpush v4, $0x7;
	s11 =	smulhi.u32 $0x51EB851F, s20;
	s18 =	spop (v2sf)  }
0x704: {  	v51 =	vld [tilespmem:$0x1FFF0];
	v32 =	vsel vm5, s12, v32;
	[dreg:$0x11] =	wrdreg s10;
	s12 =	smulhi.u32 $0x51EB851F, s18  }
0x705: {  	v22 =	vcombine.low v25, v22;
	vm7 =	vcmask $0x3B38;
	(v2sf) =	vpush v28, $0x0;
	s22 =	spop (v2sf);
	[smem:$0x795] =	sst s11  }
0x706: {  	v25 =	vcombine.low v29, v27;
	v27 =	vsel vm7, s13, v34;
	(v2sf) =	vpush v28, $0x1;
	s13 =	smulhi.u32 $0x51EB851F, s22;
	s23 =	spop (v2sf)  }
0x707: {  	vm9 =	vlt.f32 v31, v10;
	v31 =	vsel vm7, s15, v32;
	[smem:$0x796] =	sst s12;
	s8 =	spop (v2sf)  }
0x708: {  	v22 =	vperm.xlane v22, v2;
	v31 =	vperm.xlane v31, v3;
	(v2sf) =	vpush v28, $0x2;
	[smem:$0x794] =	sst s13;
	s13 =	smulhi.u32 $0x51EB851F, s23  }
0x709: {  	v50 =	vor.u32 $0x8, v30;
	vm10 =	vnez.u8 v51;
	s14 =	smulhi.u32 $0x51EB851F, s8;
	s2 =	spop (v2sf)  }
0x70a: {  	(v2sf) =	vpush v28, $0x3;
	v22 =	vsel vm10, v31, v22;
	v31 =	vadd.s32 v50, v17;
	s19 =	smulhi.u32 $0x51EB851F, s2;
	s31 =	spop (v2sf)  }
0x70b: {  	vm12 =	vlt.f32 v23, v19;
	(v2sf) =	vpush v28, $0x4;
	s16 =	smulhi.u32 $0x51EB851F, s31;
	s11 =	spop (v2sf)  }
0x70c: {  	v23 =	vsel vm12, $0x1, v1;
	v27 =	vperm.xlane v27, v3;
	(v2sf) =	vpush v28, $0xC;
	s15 =	smulhi.u32 $0x51EB851F, s11;
	s24 =	spop (v2sf)  }
0x70d: {  	v25 =	vperm.xlane v25, v2;
	v23 =	vadd.s32 v23, v20;
	(v2sf) =	vpush v28, $0x8;
	[smem:$0x798] =	sst s14;
	s28 =	smulhi.u32 $0x51EB851F, s24  }
0x70e: {  	s29 =	simm.s32 $0x680;
	v20 =	vmov v18;
	v18 =	vadd.s32 v21, v23;
	(v2sf) =	vpush v28, $0xD;
	s4 =	spop (v2sf);
	[smem:$0x79A] =	sst s15  }
0x70f: {  	v25 =	vsel vm10, v27, v25;
	s10 =	smov.u32 s26;
	(v2sf) =	vpush v28, $0x9;
	v23 =	vld.idx.msk [tilespmem:v31+s29+$0x0], $0xffff;
	[tilespmem:s3+$0xFFFFFFF0] =	vst v18;
	s3 =	smulhi.u32 $0x51EB851F, s4;
	s26 =	spop (v2sf)  }
0x710: {  	v22 =	vadd.s32 v22, v25;
	s14 =	smov.u32 s25;
	s12 =	smulhi.u32 $0x51EB851F, s26;
	s25 =	spop (v2sf)  }
0x711: {  	v24 =	vsel vm9, v26, v24;
	v22 =	vmul.u32 $0x64, v22;
	(v2sf) =	vpush v28, $0x5;
	[smem:$0x799] =	sst s28;
	s26 =	sshra.s32 s26, $0x1F;
	s15 =	smulhi.u32 $0x51EB851F, s25  }
0x712: {  	v26 =	vor.u32 $0x10, v24;
	s28 =	spop (v2sf);
	s26 =	smul.u32 $0x51EB851F, s26  }
0x713: {  	v29 =	vadd.s32 v26, v14;
	v21 =	vsub.s32 v6, v22;
	v6 =	vmovc v28;
	(v2sf) =	vpush v28, $0xE;
	[smem:$0x797] =	sst s3;
	s3 =	sshra.s32 s9, $0x1F;
	s21 =	smulhi.u32 $0x51EB851F, s28  }
0x714: {  	(v2sf) =	vpush v6, $0xA;
	s25 =	sshra.s32 s25, $0x1F;
	s7 =	spop (v2sf);
	s0 =	smul.u32 $0x51EB851F, s3  }
0x715: {  	(v2sf) =	vpush v6, $0xF;
	s25 =	smul.u32 $0x51EB851F, s25;
	s28 =	sshra.s32 s28, $0x1F;
	s17 =	spop (v2sf)  }
0x716: {  	(v2sf) =	vpush v6, $0xB;
	s28 =	smul.u32 $0x51EB851F, s28;
	[smem:$0x79C] =	sst s17  }
0x717: {  	(v2sf) =	vpush v6, $0x6;
	s9 =	spop (v2sf);
	s17 =	sshra.s32 s20, $0x1F;
	[smem:$0x79B] =	sst s0  }
0x718: {  	v27 =	vld.idx.msk [tilespmem:v29+s29+$0x0], $0xffff;
	s0 =	sshra.s32 s18, $0x1F;
	[smem:$0x79D] =	sst s9;
	s1 =	smul.u32 $0x51EB851F, s17  }
0x719: {  	s3 =	sshra.s32 s22, $0x1F;
	s20 =	spop (v2sf);
	s17 =	smul.u32 $0x51EB851F, s0  }
0x71a: {  	s0 =	smul.u32 $0x51EB851F, s3;
	s9 =	sshra.s32 s23, $0x1F;
	s18 =	spop (v2sf)  }
0x71b: {  	v22 =	vmul.u32 $0x70, v21;
	s3 =	smul.u32 $0x51EB851F, s9;
	s9 =	sshra.s32 s8, $0x1F;
	s22 =	spop (v2sf)  }
0x71c: {  	s9 =	smul.u32 $0x51EB851F, s9;
	s23 =	spop (v2sf)  }
0x71d: {  	v18 =	vmul.u32 $0x65, v21;
	v21 =	vadd.s32 $0x3F, v22;
	vm13 =	vlt.f32 v27, v10;
	[dreg:$0x1e] =	wrdreg s23;
	s23 =	spop (v2sf)  }
0x71e: {  	v25 =	vsel vm13, v26, v24;
	[smem:$0x79E] =	sst s23;
	s23 =	sshra.s32 s2, $0x1F;
	s8 =	spop (v2sf)  }
0x71f: {  	v26 =	vor.u32 $0x8, v25;
	[dreg:$0x1a] =	wrdreg s8;
	s2 =	smul.u32 $0x51EB851F, s23;
	s23 =	sshra.s32 s31, $0x1F  }
0x720: {  	s11 =	sshra.s32 s11, $0x1F;
	v24 =	vadd.s32 v26, v14;
	s31 =	spop (v2sf);
	s8 =	smul.u32 $0x51EB851F, s23  }
0x721: {  	v19 =	vmov v15;
	s24 =	sshra.s32 s24, $0x1F;
	[smem:$0x79F] =	sst s31;
	s23 =	smul.u32 $0x51EB851F, s11  }
0x722: {  	vm14 =	vlt.f32 v23, v19;
	v21 =	vld.idx.msk [tilespmem:v21+s29+$0x0], $0xffff;
	s31 =	spop (v2sf);
	s11 =	smul.u32 $0x51EB851F, s24  }
0x723: {  	s4 =	sshra.s32 s4, $0x1F;
	v23 =	vsel vm14, v50, v30;
	[dreg:$0x19] =	wrdreg s31;
	s31 =	spop (v2sf)  }
0x724: {  	v28 =	vadd.s32 $0x4, v23;
	s15 =	sadd.s32 s25, s15;
	[dreg:$0x1c] =	wrdreg s31;
	s31 =	spop (v2sf)  }
0x725: {  	v29 =	vadd.s32 v28, v17;
	s25 =	smov.u32 s14;
	v30 =	vld.idx.msk [tilespmem:v24+s29+$0x0], $0xffff;
	[dreg:$0x15] =	wrdreg s31;
	s31 =	spop (v2sf)  }
0x726: {  	v15 =	vmov v33;
	s25 =	sadd.s32 $0x20, s25;
	[dreg:$0x13] =	wrdreg s31;
	s31 =	spop (v2sf)  }
0x727: {  	vm15 =	vlt.f32 v21, v15;
	s3 =	sadd.s32 s3, s13;
	s24 =	smul.u32 $0x51EB851F, s4;
	[dreg:$0x17] =	wrdreg s31  }
0x728: {  	v21 =	vsel vm15, $0x40, v1;
	s4 =	sshra.s32 s7, $0x1F;
	s19 =	sadd.s32 s2, s19;
	s31 =	sld [smem:$0x792]  }
0x729: {  	v27 =	vadd.s32 $0xFFFFFFFF, v22;
	v24 =	vor.u32 $0x20, v21;
	s2 =	sadd.s32 s28, s21;
	s21 =	sshrl.u32 s15, $0x1F;
	s4 =	smul.u32 $0x51EB851F, s4  }
0x72a: {  	v29 =	vld.idx.msk [tilespmem:v29+s29+$0x0], $0xffff;
	vm4 =	vlt.f32 v30, v10;
	v30 =	vadd.s32 v24, v27;
	s16 =	sadd.s32 s8, s16;
	s8 =	sadd.s32 s26, s12;
	v35 =	vmov s21;
	s21 =	sld [smem:$0x797]  }
0x72b: {  	s26 =	smov.u32 s10;
	s6 =	sadd.s32 s6, s31;
	s31 =	sld [smem:$0x793]  }
0x72c: {  	v31 =	vsel vm4, v26, v25;
	s13 =	sshra.s32 s19, $0x5;
	s14 =	sshra.s32 s2, $0x1F;
	s12 =	sld [smem:$0x798]  }
0x72d: {  	v52 =	vadd.s32 $0x4, v31;
	s10 =	sshrl.u32 s16, $0x1F;
	s28 =	sshra.s32 s16, $0x5;
	v55 =	vmov s14;
	s14 =	sshrl.u32 s3, $0x1F  }
0x72e: {  	v53 =	vadd.s32 v52, v14;
	s3 =	sshra.s32 s3, $0x5;
	s5 =	sadd.s32 s5, s31;
	s31 =	sld [smem:$0x794]  }
0x72f: {  	vm6 =	vlt.f32 v29, v19;
	s16 =	sshra.s32 s8, $0x5;
	s26 =	sadd.s32 $0x20, s26;
	v25 =	vld.idx.msk [tilespmem:v30+s29+$0x0], $0xffff;
	v30 =	vmov s10;
	v36 =	vmov s28;
	s28 =	sshra.s32 s8, $0x1F  }
0x730: {  	v23 =	vsel vm6, v28, v23;
	v30 =	vsel vm0, s14, v30;
	s14 =	sadd.s32 s24, s21;
	s9 =	sadd.s32 s9, s12;
	s21 =	sld [smem:$0x79A]  }
0x731: {  	vm3 =	vcmask $0x300;
	v26 =	vadd.s32 $0x2, v23;
	s12 =	smulhi.u32 $0x51EB851F, s7;
	s0 =	sadd.s32 s0, s31;
	s31 =	sld [smem:$0x795]  }
0x732: {  	v28 =	vadd.s32 v26, v17;
	v54 =	vmov s13;
	v35 =	vnsel vm3, $0x0, v35;
	s8 =	sshrl.u32 s8, $0x1F;
	s10 =	sshrl.u32 s0, $0x1F;
	s0 =	sshra.s32 s0, $0x5  }
0x733: {  	v17 =	vmovc v27;
	v36 =	vsel vm0, s3, v36;
	v56 =	vsel vm0, s8, v35;
	s8 =	sshrl.u32 s9, $0x1F;
	v27 =	vld.idx.msk [tilespmem:v53+s29+$0x0], $0xffff;
	s3 =	sadd.s32 s23, s21;
	v33 =	vsel vm0, s0, v54;
	s0 =	sadd.s32 s4, s12  }
0x734: {  	s1 =	sadd.s32 s1, s31;
	s31 =	sshrl.u32 s19, $0x1F;
	s19 =	sld [smem:$0x796]  }
0x735: {  	s21 =	sshra.s32 s9, $0x5;
	s7 =	sshra.s32 s0, $0x1F;
	v29 =	vmov s31;
	s31 =	sshra.s32 s15, $0x5  }
0x736: {  	s15 =	sshra.s32 s15, $0x1F;
	v34 =	vsel vm3, s31, v55;
	s31 =	sshrl.u32 s1, $0x1F;
	s1 =	sshra.s32 s1, $0x5  }
0x737: {  	vm11 =	vcmask $0xF0C;
	vm4 =	vcmask $0x704;
	v29 =	vsel vm0, s10, v29;
	s10 =	sshrl.u32 s5, $0x1F;
	s5 =	sshra.s32 s5, $0x5;
	s13 =	sadd.s32 s17, s19  }
0x738: {  	vm15 =	vcmask $0x1714;
	vm12 =	vlt.f32 v27, v10;
	v34 =	vsel vm4, s15, v34;
	s15 =	sshra.s32 s14, $0x5;
	s17 =	sld [smem:$0x799];
	s19 =	sshra.s32 s14, $0x1F  }
0x739: {  	v27 =	vsel vm1, s31, v29;
	v33 =	vsel vm1, s1, v33;
	s31 =	sshrl.u32 s6, $0x1F;
	s6 =	sshra.s32 s6, $0x5;
	v34 =	vsel vm0, s16, v34;
	s16 =	sshrl.u32 s13, $0x1F  }
0x73a: {  	s24 =	sshra.s32 s13, $0x5;
	v27 =	vsel vm2, s31, v27;
	v33 =	vsel vm2, s6, v33;
	s31 =	sshra.s32 s9, $0x1F;
	s6 =	rddreg [dreg:$0xf];
	v34 =	vsel vm11, s28, v34  }
0x73b: {  	v30 =	vsel vm1, s16, v30;
	v57 =	vsel vm1, s24, v36;
	s16 =	sshrl.u32 s14, $0x1F;
	s24 =	rddreg [dreg:$0x11];
	s11 =	sadd.s32 s11, s17;
	v29 =	vsel vm1, s15, v34  }
0x73c: {  	vm8 =	vcmask $0x1F1C;
	s13 =	sshrl.u32 s2, $0x1F;
	v34 =	vsel vm1, s16, v56;
	s16 =	sld [smem:$0x79C];
	v29 =	vsel vm15, s19, v29;
	s23 =	sshra.s32 s11, $0x5  }
0x73d: {  	vm6 =	vcmask $0x2320;
	v31 =	vsel vm12, v52, v31;
	s15 =	sshra.s32 s3, $0x5;
	s17 =	sshra.s32 s3, $0x1F;
	s28 =	sshra.s32 s11, $0x1F;
	v29 =	vsel vm2, s23, v29  }
0x73e: {  	vm12 =	vcmask $0x2724;
	v35 =	vsel vm2, s5, v57;
	s5 =	smul.u32 $0x51EB851F, s6;
	s19 =	sshrl.u32 s11, $0x1F;
	v29 =	vsel vm8, s28, v29;
	s28 =	sld [smem:$0x79B]  }
0x73f: {  	v32 =	vadd.s32 $0x2, v31;
	v34 =	vsel vm2, s19, v34;
	s23 =	sshrl.u32 s3, $0x1F;
	s19 =	rddreg [dreg:$0xd];
	s6 =	sshra.s32 s16, $0x1F;
	v29 =	vsel vm6, s15, v29  }
0x740: {  	vm14 =	vcmask $0x2B28;
	v14 =	vadd.s32 v32, v14;
	s14 =	sadd.s32 s5, s19;
	s15 =	sshra.s32 s2, $0x5;
	v29 =	vsel vm12, s17, v29;
	s17 =	smulhi.u32 $0x51EB851F, s16  }
0x741: {  	vm13 =	vcmask $0x2F2C;
	v30 =	vsel vm2, s10, v30;
	s3 =	sadd.s32 s28, s24;
	v29 =	vsel vm14, s21, v29;
	s21 =	smul.u32 $0x51EB851F, s6;
	s24 =	sld [smem:$0x79D]  }
0x742: {  	v27 =	vcombine.low v30, v27;
	v30 =	vsel vm6, s23, v34;
	s23 =	sshra.s32 s14, $0x1F;
	v29 =	vsel vm13, s31, v29;
	s9 =	sshra.s32 s3, $0x5;
	s10 =	sshrl.u32 s3, $0x1F  }
0x743: {  	v30 =	vsel vm14, s8, v30;
	s11 =	sshra.s32 s3, $0x1F;
	vm13 =	vcmask $0x3734;
	v29 =	vsel vm5, s9, v29;
	s4 =	sadd.s32 s21, s17;
	s21 =	smulhi.u32 $0x51EB851F, s20  }
0x744: {  	s16 =	sshra.s32 s22, $0x1F;
	v30 =	vsel vm5, s10, v30;
	s10 =	sshra.s32 s20, $0x1F;
	v29 =	vsel vm13, s11, v29;
	s11 =	smulhi.u32 $0x51EB851F, s24  }
0x745: {  	v14 =	vld.idx.msk [tilespmem:v14+s29+$0x0], $0xffff;
	s31 =	sshra.s32 s0, $0x5;
	s17 =	sshra.s32 s18, $0x1F;
	s2 =	smul.u32 $0x51EB851F, s10  }
0x746: {  	v33 =	vcombine.low v35, v33;
	v58 =	vmov s23;
	s0 =	sshrl.u32 s0, $0x1F;
	s20 =	rddreg [dreg:$0x15];
	s23 =	smul.u32 $0x51EB851F, s17  }
0x747: {  	v30 =	vsel vm7, s13, v30;
	s28 =	sshra.s32 s24, $0x1F;
	s13 =	rddreg [dreg:$0x1e];
	s10 =	smulhi.u32 $0x51EB851F, s18  }
0x748: {  	v28 =	vld.idx.msk [tilespmem:v28+s29+$0x0], $0xffff;
	v27 =	vperm.xlane v27, v2;
	v33 =	vperm.xlane v33, v2;
	s12 =	sshra.s32 s4, $0x5;
	s24 =	sld [smem:$0x79F];
	v29 =	vsel vm7, s15, v29;
	s9 =	smul.u32 $0x51EB851F, s28  }
0x749: {  	s6 =	sshra.s32 s20, $0x1F;
	v30 =	vperm.xlane v30, v3;
	vm7 =	vlt.f32 v25, v15;
	s19 =	sshra.s32 s13, $0x1F;
	s13 =	smulhi.u32 $0x51EB851F, s13;
	v29 =	vperm.xlane v29, v3  }
0x74a: {  	s15 =	sshra.s32 s4, $0x1F;
	s4 =	sshrl.u32 s4, $0x1F;
	s6 =	smul.u32 $0x51EB851F, s6;
	v25 =	vsel vm7, v24, v21;
	vm7 =	vlt.f32 v14, v10  }
0x74b: {  	v14 =	vsel vm3, s31, v58;
	s1 =	sadd.s32 s2, s21;
	s21 =	smulhi.u32 $0x51EB851F, s22;
	s22 =	rddreg [dreg:$0x1c];
	v21 =	vsel vm10, v30, v27;
	v24 =	vsel vm10, v29, v33  }
0x74c: {  	s18 =	smul.u32 $0x51EB851F, s19;
	v14 =	vsel vm4, s7, v14;
	s3 =	sadd.s32 s9, s11;
	s7 =	sld [smem:$0x79E];
	v21 =	vadd.s32 v21, v24;
	v24 =	vsel vm7, v32, v31  }
0x74d: {  	vm9 =	vlt.f32 v28, v19;
	s9 =	smul.u32 $0x51EB851F, s16;
	s16 =	rddreg [dreg:$0x1a];
	s19 =	sshra.s32 s24, $0x1F;
	v28 =	vmul.u32 $0x64, v21;
	v29 =	vadd.s32 v5, v24  }
0x74e: {  	s28 =	sshra.s32 s3, $0x5;
	s31 =	sshra.s32 s3, $0x1F;
	s11 =	smul.u32 $0x51EB851F, s19;
	v5 =	vsel vm0, s12, v14  }
0x74f: {  	s17 =	sshra.s32 s16, $0x1F;
	s19 =	rddreg [dreg:$0x13];
	s16 =	smulhi.u32 $0x51EB851F, s16;
	v5 =	vsel vm11, s15, v5;
	v4 =	vsub.s32 v4, v28  }
0x750: {  	s3 =	sshrl.u32 s3, $0x1F;
	s9 =	sadd.s32 s9, s21;
	s8 =	smul.u32 $0x51EB851F, s17;
	v21 =	vsel vm9, v26, v23;
	v23 =	vsel vm1, s28, v5;
	v5 =	vmul.u32 $0x70, v4  }
0x751: {  	s12 =	sshra.s32 s7, $0x1F;
	s7 =	smulhi.u32 $0x51EB851F, s7;
	s17 =	sshrl.u32 s9, $0x1F;
	v26 =	vadd.s32 v16, v21  }
0x752: {  	v27 =	vor.u32 $0x10, v25;
	s9 =	sshra.s32 s9, $0x5;
	v16 =	vmovc v22;
	v22 =	vmov s0;
	s15 =	sshra.s32 s1, $0x5;
	s0 =	sadd.s32 s23, s10;
	v28 =	vadd.s32 $0x3F, v5;
	v29 =	vld.idx.msk [tilespmem:v29+s29+$0x0], $0xffff  }
0x753: {  	v14 =	vadd.s32 v27, v17;
	s23 =	rddreg [dreg:$0x19];
	s2 =	smul.u32 $0x51EB851F, s12;
	s10 =	sadd.s32 s18, s13  }
0x754: {  	s12 =	sshra.s32 s19, $0x1F;
	s18 =	rddreg [dreg:$0x17];
	s8 =	sadd.s32 s8, s16;
	v23 =	vsel vm15, s31, v23  }
0x755: {  	v59 =	vmov s9;
	s13 =	smulhi.u32 $0x51EB851F, s20;
	v22 =	vnsel vm3, $0x0, v22;
	s28 =	sshra.s32 s1, $0x1F;
	s21 =	sshrl.u32 s10, $0x1F;
	v23 =	vsel vm2, s15, v23  }
0x756: {  	s5 =	sshra.s32 s23, $0x1F;
	s10 =	sshra.s32 s10, $0x5;
	s31 =	sshra.s32 s0, $0x5;
	v22 =	vsel vm0, s4, v22;
	v31 =	vmov s21;
	v30 =	vsel vm8, s28, v23;
	v23 =	vld.idx.msk [tilespmem:v26+s29+$0x0], $0xffff  }
0x757: {  	s12 =	smul.u32 $0x51EB851F, s12;
	s1 =	sshrl.u32 s1, $0x1F;
	s9 =	sshra.s32 s8, $0x5;
	v26 =	vsel vm6, s31, v30;
	v30 =	vld.idx.msk [tilespmem:v28+s29+$0x0], $0xffff;
	vm15 =	vlt.f32 v29, v10;
	v28 =	vmul.u32 $0x65, v8  }
0x758: {  	s4 =	sshra.s32 s18, $0x1F;
	s5 =	smul.u32 $0x51EB851F, s5;
	s7 =	sadd.s32 s2, s7;
	v60 =	vmov s10;
	v22 =	vsel vm1, s3, v22;
	v14 =	vld.idx.msk [tilespmem:v14+s29+$0x0], $0xffff;
	v8 =	vmovc v4;
	v4 =	vsel vm15, $0x1, v1  }
0x759: {  	s18 =	smulhi.u32 $0x51EB851F, s18;
	s15 =	sshra.s32 s22, $0x1F;
	v34 =	vsel vm0, s9, v60;
	s31 =	sadd.s32 $0x10, s25;
	v10 =	vld [tilespmem:s26+$0x0];
	v4 =	vadd.s32 v4, v28;
	v28 =	vor.u32 s25, v0  }
0x75a: {  	s28 =	smulhi.u32 $0x51EB851F, s24;
	s24 =	sshrl.u32 s7, $0x1F;
	s7 =	sshra.s32 s7, $0x5;
	v24 =	vadd.s32 v24, v4;
	v4 =	vor.u32 s31, v0;
	(v2sf) =	vpush v28, $0x7  }
0x75b: {  	s21 =	sshra.s32 s0, $0x1F;
	s0 =	sshrl.u32 s0, $0x1F;
	s3 =	smul.u32 $0x51EB851F, s15;
	v22 =	vsel vm2, s1, v22;
	v32 =	vsel vm0, s7, v59;
	(v2sf) =	vpush v4, $0xF  }
0x75c: {  	v37 =	vsel vm6, s0, v22;
	s2 =	sadd.s32 s11, s28;
	s28 =	sshrl.u32 s8, $0x1F;
	v29 =	vmov s17;
	s17 =	smulhi.u32 $0x51EB851F, s23;
	(v2sf) =	vpush v4, $0xB  }
0x75d: {  	s30 =	sadd.s32 $0x80, s30;
	s6 =	sadd.s32 s6, s13;
	v31 =	vsel vm0, s28, v31;
	vm4 =	vlt.f32 v14, v15;
	s23 =	smulhi.u32 $0x51EB851F, s22;
	(v2sf) =	vpush v4, $0x6  }
0x75e: {  	s10 =	sshra.s32 s2, $0x5;
	s20 =	sshra.s32 s2, $0x1F;
	v29 =	vsel vm0, s24, v29;
	s24 =	sshra.s32 s6, $0x5;
	vm7 =	vlt.f32 v30, v10;
	(v2sf) =	vpush v4, $0xE  }
0x75f: {  	v14 =	vadd.s32 $0xFFFFFFFF, v5;
	s5 =	sadd.s32 s5, s17;
	s3 =	sadd.s32 s3, s23;
	s17 =	smulhi.u32 $0x51EB851F, s19;
	[tilespmem:s30+$0x0] =	vst v24;
	v24 =	vsel vm7, $0x40, v1;
	(v2sf) =	vpush v4, $0xA  }
0x760: {  	s31 =	smul.u32 $0x51EB851F, s4;
	s15 =	sshrl.u32 s5, $0x1F;
	s16 =	sshrl.u32 s3, $0x1F;
	v30 =	vsel vm12, s21, v26;
	v26 =	vor.u32 $0x20, v24;
	(v2sf) =	vpush v4, $0xD  }
0x761: {  	vm15 =	vcmask $0x2F2C;
	s5 =	sshra.s32 s5, $0x5;
	s21 =	sshrl.u32 s6, $0x1F;
	s6 =	rddreg [dreg:$0x9];
	v61 =	vadd.s32 v26, v14;
	(v2sf) =	vpush v4, $0x9  }
0x762: {  	s19 =	sshra.s32 s3, $0x5;
	v29 =	vsel vm1, s15, v29;
	v62 =	vsel vm1, s16, v31;
	s1 =	sadd.s32 s31, s18;
	s31 =	rddreg [dreg:$0xb];
	(v2sf) =	vpush v4, $0x5  }
0x763: {  	s2 =	sshrl.u32 s2, $0x1F;
	v38 =	vsel vm1, s5, v32;
	s22 =	sadd.s32 s12, s17;
	v34 =	vsel vm1, s19, v34;
	p5 =	slt.u32 s6, s31;
	(v2sf) =	vpush v4, $0xC  }
.Ltmp23:
0x764: {  	v32 =	vsel vm14, s2, v37;
	s28 =	sshra.s32 s22, $0x5;
	v30 =	vsel vm14, s10, v30;
	(v2sf) =	vpush v4, $0x8;
	(pc) =	sbr.rel @p5 .LBB2_26-.Ltmp23, $4  }
0x765: {  	v22 =	vsel vm2, s21, v29;
	v29 =	vsel vm2, s28, v34;
	(v2sf) =	vpush v4, $0x4  }
0x766: {  	s23 =	sshrl.u32 s22, $0x1F;
	v63 =	vsel vm15, s20, v30;
	v30 =	vsel vm4, v27, v25;
	v31 =	vld.idx.msk [tilespmem:v61+s29+$0x0], $0xffff;
	s29 =	sshra.s32 s1, $0x5;
	(v2sf) =	vpush v4, $0x3  }
0x767: {  	s12 =	sshrl.u32 s1, $0x1F;
	v25 =	vsel vm2, s23, v62;
	s1 =	sshra.s32 s1, $0x1F;
	v35 =	vsel vm5, s29, v63;
	(v2sf) =	vpush v4, $0x2  }
0x768: {  	v33 =	vld [tilespmem:s26+$0xFFFFFFF0];
	s13 =	sshra.s32 s14, $0x5;
	s3 =	rddreg [dreg:$0x7];
	s15 =	sshrl.u32 s14, $0x1F;
	v27 =	vsel vm2, s24, v38;
	v34 =	vsel vm13, s1, v35;
	(v2sf) =	vpush v4, $0x1  }
.Ltmp24:
0x769: {  	_ = 	snop;
	(pc) =	sbr.rel .LBB2_28-.Ltmp24, $4  }
0x76a: {  	_ = 	snop  }
0x76b: {  	vm11 =	vcmask $0x704;
	vm9 =	vcmask $0xF0C;
	vm15 =	vcmask $0x2724  }
0x76c: {  	[smem:$0x7AA] =	sst s30;
	vm5 =	vcmask $0x2B28;
	vm3 =	vcmask $0x300;
	vm6 =	vcmask $0x3330  }
0x76d: {  	[smem:$0x7AB] =	sst s26;
	v35 =	vmovc v15;
	vm4 =	vcmask $0x1F1C;
	vm13 =	vcmask $0x1714;
	vm7 =	vcmask $0x3B38;
	v15 =	vmovc v33  }
.LBB2_21:
.Ltmp25:
0x76e: {  	(pc) =	sbr.rel .LBB2_28-.Ltmp25, $4  }
0x76f: {  	s31 =	sld [smem:$0x7AD]  }
0x770: {  	vm11 =	vcmask $0x704;
	vm9 =	vcmask $0xF0C;
	vm15 =	vcmask $0x2724  }
0x771: {  	[smem:$0x7AB] =	sst s1;
	vm5 =	vcmask $0x2B28;
	vm3 =	vcmask $0x300;
	vm6 =	vcmask $0x3330  }
0x772: {  	v28 =	vmovc v16;
	vm4 =	vcmask $0x1F1C;
	vm13 =	vcmask $0x1714;
	vm7 =	vcmask $0x3B38;
	v15 =	vmovc v7;
	[smem:$0x7AA] =	sst s31  }
.LBB2_23:
.Ltmp26:
0x773: {  	(pc) =	sbr.rel .LBB2_28-.Ltmp26, $4  }
0x774: {  	v28 =	vmov v6;
	v10 =	vmov v18;
	v30 =	vmov v13  }
0x775: {  	v17 =	vmovc v11;
	v35 =	vmovc v7;
	vm11 =	vcmask $0x704;
	vm9 =	vcmask $0xF0C;
	vm15 =	vcmask $0x2724  }
0x776: {  	v18 =	vmovc v12;
	v6 =	vmovc v16;
	vm5 =	vcmask $0x2B28;
	vm3 =	vcmask $0x300;
	vm6 =	vcmask $0x3330  }
0x777: {  	[smem:$0x7AA] =	sst s1;
	v16 =	vmovc v9;
	v8 =	vmovc v33;
	vm4 =	vcmask $0x1F1C;
	vm13 =	vcmask $0x1714;
	vm7 =	vcmask $0x3B38  }
.LBB2_25:
.Ltmp27:
0x778: {  	(pc) =	sbr.rel .LBB2_28-.Ltmp27, $4  }
0x779: {  	s0 =	sld [smem:$0x7AD]  }
0x77a: {  	[smem:$0x7AA] =	sst s30;
	vm11 =	vcmask $0x704;
	vm9 =	vcmask $0xF0C;
	vm15 =	vcmask $0x2724  }
0x77b: {  	[smem:$0x7AB] =	sst s26;
	v35 =	vmovc v15;
	v19 =	vmovc v7;
	vm5 =	vcmask $0x2B28;
	vm3 =	vcmask $0x300;
	vm6 =	vcmask $0x3330  }
0x77c: {  	v20 =	vmovc v12;
	vm4 =	vcmask $0x1F1C;
	vm13 =	vcmask $0x1714;
	vm7 =	vcmask $0x3B38;
	v15 =	vmovc v33;
	[dreg:$0x7] =	wrdreg s0  }
.LBB2_32:
0x77d: {  	_ =	sfence.sel $0x180000  }
0x77e: {  	[bflag:$0x0] =	sbarrier.arrive $0xFFFF  }
0x77f: {  	_ =	strace $0x90000047  }
0x780: {  	[bflag:$0x2] =	sbarrier.arrive $0xFFFF  }
0x781: {  	s0 =	rddreg [dreg:$0x3]  }
0x782: {  	s0 =	sadd.s32 @!p0 $0x100000, s0  }
0x783: {  	[sflag:s0] =	ssyncadd.tile.s32 @!p0 $0x1;
	_ =	shalt  }
.Lfunc_end2:
_tile_overlayer_lowered:
.L_overlay_start_2:
0x784: {  	(tag) =	ssettag $0x2  }
0x785: {  	s0 =	rddreg [dreg:$0x0];
	s2 =	stileid.u32  }
0x786: {  	s1 =	rddreg [dreg:$0x1];
	p0 =	sne.s32 s2, $0x0  }
0x787: {  	s3 =	rddreg [dreg:$0x2];
	[bflag:$0x3] =	sbarrier.arrive $0xFFFF;
	s2 =	simm.s32 @!p0 $0x1C0B  }
0x788: {  	[timem:s3], [sflag:s2] =	dma.local @!p0 [hbm:s0], s1  }
0x789: {  	s0 =	simm.s32 @!p0 $0xB  }
0x78a: {  	_ =	swait.ge @!p0 [sflag:s0], s1  }
0x78b: {  	s1 =	ssub.s32 @!p0 $0x0, s1;
	[sflag:s0] =	ssyncset.done @!p0 $0x0  }
0x78c: {  	[sflag:s0] =	ssyncadd.s32 @!p0 s1  }
0x78d: {  	[bflag:$0x3] =	sbarrier.arrive $0xFFFF  }
0x78e: {  	_ =	shalt  }

</sc_bundles>
